<compile_context>
chip_gen: v7x
topology: tpu7x:2x2x1
jax: 0.10.2.dev20260603
libtpu: 0.0.44.dev20260713+nightly
codegen_flags: <defaults>
</compile_context>

<pallas_src>
import functools

import jax
import jax.numpy as jnp
from jax import lax
from jax.experimental import pallas as pl
from jax.experimental.pallas import tpu as pltpu
from jax.experimental.pallas import tpu_sc as plsc

N = 10000
D = 256
H = 128
E = 160000
NC, NS = 2, 16
CH = 64
EPAD = 163840
CPT = EPAD // (NS * CH)
EPT = EPAD // NS
NCHUNK = EPAD // CH
K1CPT = NCHUNK // (NC * NS)
NPAD = 10240
DPT = NPAD // NS

_mesh = plsc.VectorSubcoreMesh(core_axis_name="c", subcore_axis_name="s")


K1EPT = EPAD // (NC * NS)


@functools.partial(
    pl.kernel,
    out_type=jax.ShapeDtypeStruct((NC, NPAD), jnp.float32),
    mesh=_mesh,
    compiler_params=pltpu.CompilerParams(needs_layout_passes=False),
    scratch_types=[
        pltpu.VMEM((K1EPT,), jnp.int32),
        pltpu.VMEM((NPAD,), jnp.float32),
        pltpu.VMEM((NS, DPT), jnp.float32),
        pltpu.VMEM((DPT,), jnp.float32),
        pltpu.VMEM_SHARED((NS, NPAD), jnp.float32),
    ],
)
def _deg_kernel(dst_hbm, zeros_hbm, out_hbm, idx_v, hist_v, red_v, out_v, sh_s):
    c = lax.axis_index("c")
    s = lax.axis_index("s")
    base = c * (NS * K1EPT) + s * K1EPT
    pltpu.sync_copy(dst_hbm.at[pl.ds(base, K1EPT)], idx_v)
    pltpu.sync_copy(zeros_hbm, hist_v)
    ones = jnp.ones((16,), jnp.float32)

    def body(j, carry):
        eb = j * 128
        for k in range(8):
            idx = idx_v[pl.ds(eb + k * 16, 16)]
            plsc.addupdate_scatter(hist_v, (idx,), ones)
        return carry

    lax.fori_loop(0, K1EPT // 128, body, 0)

    pltpu.sync_copy(hist_v, sh_s.at[s])
    plsc.subcore_barrier()
    for t in range(NS):
        pltpu.sync_copy(sh_s.at[t, pl.ds(s * DPT, DPT)], red_v.at[t])

    def rbody(k, carry):
        lb = k * 16
        tot = red_v[0, pl.ds(lb, 16)]
        for t in range(1, NS):
            tot = tot + red_v[t, pl.ds(lb, 16)]
        out_v[pl.ds(lb, 16)] = tot
        return carry

    lax.fori_loop(0, DPT // 16, rbody, 0)
    pltpu.sync_copy(out_v, out_hbm.at[c, pl.ds(s * DPT, DPT)])


def _mm_body(x_ref, wl_ref, wg_ref, xw_ref):
    h1 = jnp.dot(x_ref[...], wl_ref[...], preferred_element_type=jnp.float32)
    xw = jnp.dot(h1, wg_ref[...], preferred_element_type=jnp.float32)
    xw_ref[0] = xw[:, :H]
    xw_ref[1] = xw[:, H:]


_R2 = 1000


def _mm_call(x, W_lin, W_gcn):
    grid = N // _R2
    return pl.pallas_call(
        _mm_body,
        grid=(grid,),
        in_specs=[
            pl.BlockSpec((_R2, D), lambda i: (i, 0)),
            pl.BlockSpec((D, D), lambda i: (0, 0)),
            pl.BlockSpec((D, D), lambda i: (0, 0)),
        ],
        out_specs=pl.BlockSpec((NC, _R2, H), lambda i: (0, i, 0)),
        out_shape=jax.ShapeDtypeStruct((NC, NPAD, H), jnp.float32),
    )(x, W_lin, W_gcn)


def _scale_body(xw_ref, deg_ref, y_ref):
    dinv = jnp.broadcast_to(lax.rsqrt(deg_ref[...])[:, 0:1], (_R2, H))
    y_ref[0] = xw_ref[0] * dinv
    y_ref[1] = xw_ref[1] * dinv


def _scale_call(xw3, degp):
    grid = N // _R2
    return pl.pallas_call(
        _scale_body,
        grid=(grid,),
        in_specs=[
            pl.BlockSpec((NC, _R2, H), lambda i: (0, i, 0)),
            pl.BlockSpec((_R2, 8), lambda i: (i, 0)),
        ],
        out_specs=pl.BlockSpec((NC, _R2, H), lambda i: (0, i, 0)),
        out_shape=jax.ShapeDtypeStruct((NC, NPAD, H), jnp.float32),
    )(xw3, degp)


@functools.partial(
    pl.kernel,
    out_type=jax.ShapeDtypeStruct((NC, NPAD, H), jnp.float32),
    mesh=_mesh,
    scratch_types=[
        pltpu.VMEM((EPT // 2,), jnp.int32),
        pltpu.VMEM((CPT // 2, CH), jnp.int32),
        pltpu.VMEM((CH, H), jnp.float32),
        pltpu.VMEM((CH, H), jnp.float32),
        pltpu.VMEM((CH, H), jnp.float32),
        pltpu.VMEM((CH, H), jnp.float32),
        pltpu.VMEM_SHARED((NPAD, H), jnp.float32),
        pltpu.SemaphoreType.DMA,
        pltpu.SemaphoreType.DMA,
        pltpu.SemaphoreType.DMA,
        pltpu.SemaphoreType.DMA,
        pltpu.SemaphoreType.DMA,
        pltpu.SemaphoreType.DMA,
        pltpu.SemaphoreType.DMA,
        pltpu.SemaphoreType.DMA,
    ],
)
def _scat_kernel(y_hbm, src_hbm, dst_hbm, out_hbm,
                 src_v, dst_v, buf0, buf1, buf2, buf3, acc_s,
                 gsem0, gsem1, gsem2, gsem3, ssem0, ssem1, ssem2, ssem3):
    c = lax.axis_index("c")
    s = lax.axis_index("s")
    ini = pltpu.async_copy(y_hbm.at[pl.ds(c * NPAD + s * DPT, DPT)],
                           acc_s.at[pl.ds(s * DPT, DPT)], gsem0)

    bufs = (buf0, buf1, buf2, buf3)
    gsems = (gsem0, gsem1, gsem2, gsem3)
    ssems = (ssem0, ssem1, ssem2, ssem3)
    hcpt = CPT // 2
    for hf in range(2):
        pltpu.sync_copy(
            src_hbm.at[pl.ds(c * EPAD + s * EPT + hf * (EPT // 2), EPT // 2)],
            src_v)
        pltpu.sync_copy(dst_hbm.at[pl.ds(s * CPT + hf * hcpt, hcpt)], dst_v)
        if hf == 0:
            ini.wait()
            plsc.subcore_barrier()

        def body(i, carry, hf=hf):
            prev_ss = None
            last_ss = None
            for tr in range(4):
                gs = []
                for b in range(4):
                    l = i * 16 + tr * 4 + b
                    if prev_ss is not None:
                        prev_ss[b].wait()
                    gs.append(pltpu.async_copy(
                        y_hbm.at[src_v.at[pl.ds(l * CH, CH)]],
                        bufs[b], gsems[b]))
                ss = []
                for b in range(4):
                    l = i * 16 + tr * 4 + b
                    gs[b].wait()
                    ss.append(pltpu.async_copy(
                        bufs[b], acc_s.at[dst_v.at[l]], ssems[b], add=True))
                prev_ss = ss
                last_ss = ss
            for b in range(4):
                last_ss[b].wait()
            return carry

        lax.fori_loop(0, hcpt // 16, body, 0)
    plsc.subcore_barrier()
    pltpu.sync_copy(acc_s.at[pl.ds(s * DPT, DPT)],
                    out_hbm.at[c, pl.ds(s * DPT, DPT)])


_R4 = 1000


def _fin_body(acc_ref, deg_ref, b_ref, g_ref, be_ref, o_ref):
    dinv = jnp.broadcast_to(lax.rsqrt(deg_ref[...])[:, 0:1], (_R4, H))
    h = jnp.concatenate([acc_ref[0] * dinv, acc_ref[1] * dinv], axis=-1)
    h = h + b_ref[...]
    mu = jnp.mean(h, axis=-1, keepdims=True)
    xc = h - mu
    var = jnp.mean(xc * xc, axis=-1, keepdims=True)
    hn = xc * lax.rsqrt(var + 1e-5) * g_ref[...] + be_ref[...]
    o_ref[...] = jnp.maximum(hn, 0.0)


def _fin_call(acc, degp, b2, g2, be2):
    grid = N // _R4
    return pl.pallas_call(
        _fin_body,
        grid=(grid,),
        in_specs=[
            pl.BlockSpec((NC, _R4, H), lambda i: (0, i, 0)),
            pl.BlockSpec((_R4, 8), lambda i: (i, 0)),
            pl.BlockSpec((1, D), lambda i: (0, 0)),
            pl.BlockSpec((1, D), lambda i: (0, 0)),
            pl.BlockSpec((1, D), lambda i: (0, 0)),
        ],
        out_specs=pl.BlockSpec((_R4, D), lambda i: (i, 0)),
        out_shape=jax.ShapeDtypeStruct((N, D), jnp.float32),
    )(acc, degp, b2, g2, be2)


def kernel(x, edge_index, W_lin, W_gcn, b_gcn, gamma, beta):
    src = edge_index[0].astype(jnp.int32)
    dst = edge_index[1].astype(jnp.int32)
    npad = EPAD - E
    src_p = jnp.concatenate([src, jnp.full((npad,), N, jnp.int32)])
    dst_p = jnp.concatenate([dst, jnp.full((npad,), N, jnp.int32)])
    src2 = jnp.concatenate([src_p, src_p + NPAD])
    dst2d = dst_p.reshape(NCHUNK, CH)

    zeros = jnp.zeros((NPAD,), jnp.float32)
    degp = _deg_kernel(dst_p, zeros)
    deg8 = jnp.broadcast_to(
        (degp[0, :N] + degp[1, :N] + 1.0)[:, None], (N, 8))

    xw3 = _mm_call(x, W_lin, W_gcn)
    y3 = _scale_call(xw3, deg8)
    y_flat = y3.reshape(2 * NPAD, H)

    acc = _scat_kernel(y_flat, src2, dst2d)

    return _fin_call(acc, deg8, b_gcn[None, :], gamma[None, :], beta[None, :])

# --- scband reference (transcript-rebuilt; emitter-appended) ---
"""Pipeline reference for scband-euc-gclayer-9869834846891 (READ-ONLY COPY).

The authoritative reference and input builder live on the scoring server;
editing this copy changes nothing except your own understanding.
"""

import jax, jax.numpy as jnp
import numpy as np

N_NODES = 10000
N_EDGES = 160000
D = 256

def setup_inputs(seed: int = 0) -> dict:
    key = jax.random.key(seed)
    ks = jax.random.split(key, 8)
    x = jax.random.normal(ks[0], (N_NODES, D), dtype=jnp.float32)
    edge_index = jax.random.randint(ks[1], (2, N_EDGES), 0, N_NODES, dtype=jnp.int64)
    # EucLinear: nn.Linear(in_dim, out_dim, bias=False); (module's bias param is unused in forward)
    W_lin = jax.random.normal(ks[2], (D, D), dtype=jnp.float32) * (1.0 / np.sqrt(D))
    # GCNConv(out_dim, out_dim): weight + bias
    W_gcn = jax.random.normal(ks[3], (D, D), dtype=jnp.float32) * (1.0 / np.sqrt(D))
    b_gcn = jnp.zeros((D,), dtype=jnp.float32)
    # LayerNorm params
    gamma = jnp.ones((D,), dtype=jnp.float32)
    beta = jnp.zeros((D,), dtype=jnp.float32)
    return {"x": x, "edge_index": edge_index, "W_lin": W_lin, "W_gcn": W_gcn,
            "b_gcn": b_gcn, "gamma": gamma, "beta": beta}

def _gcn_conv(x, edge_index, W, b):
    # PyG GCNConv: add self-loops, sym-normalize, x@W, scatter-add messages, + bias
    N = x.shape[0]
    loop = jnp.arange(N, dtype=edge_index.dtype)
    src = jnp.concatenate([edge_index[0], loop])
    dst = jnp.concatenate([edge_index[1], loop])
    deg = jnp.zeros((N,), dtype=x.dtype).at[dst].add(1.0)
    deg_inv_sqrt = jnp.where(deg > 0, jax.lax.rsqrt(deg), 0.0)
    norm = deg_inv_sqrt[src] * deg_inv_sqrt[dst]
    xw = x @ W
    msg = jnp.take(xw, src, axis=0) * norm[:, None]
    out = jnp.zeros_like(xw).at[dst].add(msg)
    return out + b

def _layer_norm(h, gamma, beta, eps=1e-5):
    mu = jnp.mean(h, axis=-1, keepdims=True)
    var = jnp.mean((h - mu) ** 2, axis=-1, keepdims=True)
    return (h - mu) * jax.lax.rsqrt(var + eps) * gamma + beta

def reference(x, edge_index, W_lin, W_gcn, b_gcn, gamma, beta):
    # EucLinear: linear (no bias) * scale(=1.0); dropout is identity in eval
    h = (x @ W_lin) * 1.0
    # GCNConv
    h = _gcn_conv(h, edge_index, W_gcn, b_gcn)
    # EucNorm (LayerNorm)
    h = _layer_norm(h, gamma, beta)
    # EucAct (ReLU)
    h = jax.nn.relu(h)
    return h

if __name__ == "__main__":
    import jax
    _d = setup_inputs()
    print(jax.jit(kernel)(*tuple(_d.values())))

</pallas_src>

<mosaic_0001>
#map = affine_map<(d0, d1) -> (0)>
#map1 = affine_map<(d0, d1) -> (0, 0)>
module attributes {stable_mosaic.version = 14 : i64} {
  func.func @_deg_kernel(%arg0: i32, %arg1: i32, %arg2: memref<163840xi32, #tpu.memory_space<hbm>>, %arg3: memref<10240xf32, #tpu.memory_space<hbm>>, %arg4: memref<2x10240xf32, #tpu.memory_space<hbm>>, %arg5: memref<5120xi32, #tpu.memory_space<vmem>>, %arg6: memref<10240xf32, #tpu.memory_space<vmem>>, %arg7: memref<16x640xf32, #tpu.memory_space<vmem>>, %arg8: memref<640xf32, #tpu.memory_space<vmem>>, %arg9: memref<16x10240xf32, #tpu.memory_space<vmem_shared>>) attributes {dimension_semantics = [#tpu.dimension_semantics<core_parallel>, #tpu.dimension_semantics<subcore_parallel>], iteration_bounds = array<i64: 2, 16>, scalar_prefetch = 0 : i64, scratch_operands = 5 : i64, tpu.core_type = #tpu.core_type<sc_vector_subcore>, window_params = [{transform_indices = #map}, {transform_indices = #map}, {transform_indices = #map1}]} {
    %mul3A = arith.constant 81920 : i32
    %mul3A_0 = arith.muli %arg0, %mul3A : i32
    %mul3A_1 = arith.constant 5120 : i32
    %mul3A_2 = arith.muli %arg1, %mul3A_1 : i32
    %add3A = arith.addi %mul3A_0, %mul3A_2 : i32
    "tpu.region"() ({
      %run_scoped3A_80 = tpu.sem_alloc : memref<!tpu.dma_semaphore, #tpu.memory_space<semaphore_mem>>
      %dma_start3A = tpu.memref_slice %arg2[%add3A] : memref<163840xi32, #tpu.memory_space<hbm>> -> memref<5120xi32, #tpu.memory_space<hbm>>
      %dma_start3A_81 = tpu.memref_slice %arg2[%add3A] : memref<163840xi32, #tpu.memory_space<hbm>> -> memref<5120xi32, #tpu.memory_space<hbm>>
      tpu.enqueue_dma source(%dma_start3A_81 : memref<5120xi32, #tpu.memory_space<hbm>>) target(%arg5 : memref<5120xi32, #tpu.memory_space<vmem>>) target_semaphore(%run_scoped3A_80 : memref<!tpu.dma_semaphore, #tpu.memory_space<semaphore_mem>>)
      %dma_wait3A = tpu.memref_slice %arg2[%add3A] : memref<163840xi32, #tpu.memory_space<hbm>> -> memref<5120xi32, #tpu.memory_space<hbm>>
      %dma_wait3A_82 = tpu.memref_slice %arg2[%add3A] : memref<163840xi32, #tpu.memory_space<hbm>> -> memref<5120xi32, #tpu.memory_space<hbm>>
      tpu.wait_dma2 semaphore(%run_scoped3A_80 : memref<!tpu.dma_semaphore, #tpu.memory_space<semaphore_mem>>) src(%dma_wait3A_82 : memref<5120xi32, #tpu.memory_space<hbm>>) dst(%arg5 : memref<5120xi32, #tpu.memory_space<vmem>>)
      tpu.yield
    }) : () -> ()
    "tpu.region"() ({
      %run_scoped3A_80 = tpu.sem_alloc : memref<!tpu.dma_semaphore, #tpu.memory_space<semaphore_mem>>
      tpu.enqueue_dma source(%arg3 : memref<10240xf32, #tpu.memory_space<hbm>>) target(%arg6 : memref<10240xf32, #tpu.memory_space<vmem>>) target_semaphore(%run_scoped3A_80 : memref<!tpu.dma_semaphore, #tpu.memory_space<semaphore_mem>>)
      tpu.wait_dma2 semaphore(%run_scoped3A_80 : memref<!tpu.dma_semaphore, #tpu.memory_space<semaphore_mem>>) src(%arg3 : memref<10240xf32, #tpu.memory_space<hbm>>) dst(%arg6 : memref<10240xf32, #tpu.memory_space<vmem>>)
      tpu.yield
    }) : () -> ()
    %broadcast_in_dim3A = arith.constant 1.000000e+00 : f32
    %broadcast_in_dim3A_3 = vector.broadcast %broadcast_in_dim3A : f32 to vector<16xf32>
    %scan3A = arith.constant 0 : i32
    %scan3A_4 = arith.constant 0 : i32
    %scan3A_5 = arith.constant 40 : i32
    %scan3A_6 = arith.addi %scan3A_4, %scan3A_5 : i32
    %scan3A_7 = arith.constant 1 : i32
    scf.for %scan3A_80 = %scan3A_4 to %scan3A_6 step %scan3A_7  : i32 {
      %mul3A_81 = arith.constant 128 : i32
      %mul3A_82 = arith.muli %scan3A_80, %mul3A_81 : i32
      %add3A_83 = arith.constant 0 : i32
      %add3A_84 = arith.addi %mul3A_82, %add3A_83 : i32
      %get3A = arith.index_cast %add3A_84 : i32 to index
      %get3A_85 = tpu.vector_load %arg5[%get3A] {strides = array<i32>} : memref<5120xi32, #tpu.memory_space<vmem>>, vector<16xi32>,
      tpu.vector_store_idx %arg6[%get3A_85], %broadcast_in_dim3A_3 {add = true} : memref<10240xf32, #tpu.memory_space<vmem>>[vector<16xi32>], vector<16xf32>,
      %add3A_86 = arith.constant 16 : i32
      %add3A_87 = arith.addi %mul3A_82, %add3A_86 : i32
      %get3A_88 = arith.index_cast %add3A_87 : i32 to index
      %get3A_89 = tpu.vector_load %arg5[%get3A_88] {strides = array<i32>} : memref<5120xi32, #tpu.memory_space<vmem>>, vector<16xi32>,
      tpu.vector_store_idx %arg6[%get3A_89], %broadcast_in_dim3A_3 {add = true} : memref<10240xf32, #tpu.memory_space<vmem>>[vector<16xi32>], vector<16xf32>,
      %add3A_90 = arith.constant 32 : i32
      %add3A_91 = arith.addi %mul3A_82, %add3A_90 : i32
      %get3A_92 = arith.index_cast %add3A_91 : i32 to index
      %get3A_93 = tpu.vector_load %arg5[%get3A_92] {strides = array<i32>} : memref<5120xi32, #tpu.memory_space<vmem>>, vector<16xi32>,
      tpu.vector_store_idx %arg6[%get3A_93], %broadcast_in_dim3A_3 {add = true} : memref<10240xf32, #tpu.memory_space<vmem>>[vector<16xi32>], vector<16xf32>,
      %add3A_94 = arith.constant 48 : i32
      %add3A_95 = arith.addi %mul3A_82, %add3A_94 : i32
      %get3A_96 = arith.index_cast %add3A_95 : i32 to index
      %get3A_97 = tpu.vector_load %arg5[%get3A_96] {strides = array<i32>} : memref<5120xi32, #tpu.memory_space<vmem>>, vector<16xi32>,
      tpu.vector_store_idx %arg6[%get3A_97], %broadcast_in_dim3A_3 {add = true} : memref<10240xf32, #tpu.memory_space<vmem>>[vector<16xi32>], vector<16xf32>,
      %add3A_98 = arith.constant 64 : i32
      %add3A_99 = arith.addi %mul3A_82, %add3A_98 : i32
      %get3A_100 = arith.index_cast %add3A_99 : i32 to index
      %get3A_101 = tpu.vector_load %arg5[%get3A_100] {strides = array<i32>} : memref<5120xi32, #tpu.memory_space<vmem>>, vector<16xi32>,
      tpu.vector_store_idx %arg6[%get3A_101], %broadcast_in_dim3A_3 {add = true} : memref<10240xf32, #tpu.memory_space<vmem>>[vector<16xi32>], vector<16xf32>,
      %add3A_102 = arith.constant 80 : i32
      %add3A_103 = arith.addi %mul3A_82, %add3A_102 : i32
      %get3A_104 = arith.index_cast %add3A_103 : i32 to index
      %get3A_105 = tpu.vector_load %arg5[%get3A_104] {strides = array<i32>} : memref<5120xi32, #tpu.memory_space<vmem>>, vector<16xi32>,
      tpu.vector_store_idx %arg6[%get3A_105], %broadcast_in_dim3A_3 {add = true} : memref<10240xf32, #tpu.memory_space<vmem>>[vector<16xi32>], vector<16xf32>,
      %add3A_106 = arith.constant 96 : i32
      %add3A_107 = arith.addi %mul3A_82, %add3A_106 : i32
      %get3A_108 = arith.index_cast %add3A_107 : i32 to index
      %get3A_109 = tpu.vector_load %arg5[%get3A_108] {strides = array<i32>} : memref<5120xi32, #tpu.memory_space<vmem>>, vector<16xi32>,
      tpu.vector_store_idx %arg6[%get3A_109], %broadcast_in_dim3A_3 {add = true} : memref<10240xf32, #tpu.memory_space<vmem>>[vector<16xi32>], vector<16xf32>,
      %add3A_110 = arith.constant 112 : i32
      %add3A_111 = arith.addi %mul3A_82, %add3A_110 : i32
      %get3A_112 = arith.index_cast %add3A_111 : i32 to index
      %get3A_113 = tpu.vector_load %arg5[%get3A_112] {strides = array<i32>} : memref<5120xi32, #tpu.memory_space<vmem>>, vector<16xi32>,
      tpu.vector_store_idx %arg6[%get3A_113], %broadcast_in_dim3A_3 {add = true} : memref<10240xf32, #tpu.memory_space<vmem>>[vector<16xi32>], vector<16xf32>,
    }
    %scan3A_8 = arith.constant 40 : i32
    "tpu.region"() ({
      %run_scoped3A_80 = tpu.sem_alloc : memref<!tpu.dma_semaphore, #tpu.memory_space<semaphore_mem>>
      %dma_start3A = arith.constant 0 : i32
      %dma_start3A_81 = tpu.memref_slice %arg9[%arg1, %dma_start3A] : memref<16x10240xf32, #tpu.memory_space<vmem_shared>> -> memref<1x10240xf32, #tpu.memory_space<vmem_shared>>
      %dma_start3A_82 = tpu.memref_squeeze %dma_start3A_81 : memref<1x10240xf32, #tpu.memory_space<vmem_shared>> -> memref<10240xf32, #tpu.memory_space<vmem_shared>>
      %dma_start3A_83 = arith.constant 0 : i32
      %dma_start3A_84 = tpu.memref_slice %arg9[%arg1, %dma_start3A_83] : memref<16x10240xf32, #tpu.memory_space<vmem_shared>> -> memref<1x10240xf32, #tpu.memory_space<vmem_shared>>
      %dma_start3A_85 = tpu.memref_squeeze %dma_start3A_84 : memref<1x10240xf32, #tpu.memory_space<vmem_shared>> -> memref<10240xf32, #tpu.memory_space<vmem_shared>>
      tpu.enqueue_dma source(%arg6 : memref<10240xf32, #tpu.memory_space<vmem>>) target(%dma_start3A_85 : memref<10240xf32, #tpu.memory_space<vmem_shared>>) target_semaphore(%run_scoped3A_80 : memref<!tpu.dma_semaphore, #tpu.memory_space<semaphore_mem>>)
      %dma_wait3A = arith.constant 0 : i32
      %dma_wait3A_86 = tpu.memref_slice %arg9[%arg1, %dma_wait3A] : memref<16x10240xf32, #tpu.memory_space<vmem_shared>> -> memref<1x10240xf32, #tpu.memory_space<vmem_shared>>
      %dma_wait3A_87 = tpu.memref_squeeze %dma_wait3A_86 : memref<1x10240xf32, #tpu.memory_space<vmem_shared>> -> memref<10240xf32, #tpu.memory_space<vmem_shared>>
      %dma_wait3A_88 = arith.constant 0 : i32
      %dma_wait3A_89 = tpu.memref_slice %arg9[%arg1, %dma_wait3A_88] : memref<16x10240xf32, #tpu.memory_space<vmem_shared>> -> memref<1x10240xf32, #tpu.memory_space<vmem_shared>>
      %dma_wait3A_90 = tpu.memref_squeeze %dma_wait3A_89 : memref<1x10240xf32, #tpu.memory_space<vmem_shared>> -> memref<10240xf32, #tpu.memory_space<vmem_shared>>
      tpu.wait_dma2 semaphore(%run_scoped3A_80 : memref<!tpu.dma_semaphore, #tpu.memory_space<semaphore_mem>>) src(%arg6 : memref<10240xf32, #tpu.memory_space<vmem>>) dst(%dma_wait3A_90 : memref<10240xf32, #tpu.memory_space<vmem_shared>>)
      tpu.yield
    }) : () -> ()
    %barrier3A = arith.constant 0 : index
    tpu.barrier barrier_id(%barrier3A)
    %mul3A_9 = arith.constant 640 : i32
    %mul3A_10 = arith.muli %arg1, %mul3A_9 : i32
    %run_scoped3A = arith.constant 0 : i32
    %run_scoped3A_11 = arith.constant 0 : i32
    "tpu.region"() ({
      %run_scoped3A_80 = tpu.sem_alloc : memref<!tpu.dma_semaphore, #tpu.memory_space<semaphore_mem>>
      %dma_start3A = arith.constant 0 : i32
      %dma_start3A_81 = tpu.memref_slice %arg7[%run_scoped3A_11, %dma_start3A] : memref<16x640xf32, #tpu.memory_space<vmem>> -> memref<1x640xf32, #tpu.memory_space<vmem>>
      %dma_start3A_82 = tpu.memref_squeeze %dma_start3A_81 : memref<1x640xf32, #tpu.memory_space<vmem>> -> memref<640xf32, #tpu.memory_space<vmem>>
      %dma_start3A_83 = tpu.memref_slice %arg9[%run_scoped3A, %mul3A_10] : memref<16x10240xf32, #tpu.memory_space<vmem_shared>> -> memref<1x640xf32, #tpu.memory_space<vmem_shared>>
      %dma_start3A_84 = tpu.memref_squeeze %dma_start3A_83 : memref<1x640xf32, #tpu.memory_space<vmem_shared>> -> memref<640xf32, #tpu.memory_space<vmem_shared>>
      %dma_start3A_85 = arith.constant 0 : i32
      %dma_start3A_86 = tpu.memref_slice %arg7[%run_scoped3A_11, %dma_start3A_85] : memref<16x640xf32, #tpu.memory_space<vmem>> -> memref<1x640xf32, #tpu.memory_space<vmem>>
      %dma_start3A_87 = tpu.memref_squeeze %dma_start3A_86 : memref<1x640xf32, #tpu.memory_space<vmem>> -> memref<640xf32, #tpu.memory_space<vmem>>
      %dma_start3A_88 = tpu.memref_slice %arg9[%run_scoped3A, %mul3A_10] : memref<16x10240xf32, #tpu.memory_space<vmem_shared>> -> memref<1x640xf32, #tpu.memory_space<vmem_shared>>
      %dma_start3A_89 = tpu.memref_squeeze %dma_start3A_88 : memref<1x640xf32, #tpu.memory_space<vmem_shared>> -> memref<640xf32, #tpu.memory_space<vmem_shared>>
      tpu.enqueue_dma source(%dma_start3A_89 : memref<640xf32, #tpu.memory_space<vmem_shared>>) target(%dma_start3A_87 : memref<640xf32, #tpu.memory_space<vmem>>) target_semaphore(%run_scoped3A_80 : memref<!tpu.dma_semaphore, #tpu.memory_space<semaphore_mem>>)
      %dma_wait3A = arith.constant 0 : i32
      %dma_wait3A_90 = tpu.memref_slice %arg7[%run_scoped3A_11, %dma_wait3A] : memref<16x640xf32, #tpu.memory_space<vmem>> -> memref<1x640xf32, #tpu.memory_space<vmem>>
      %dma_wait3A_91 = tpu.memref_squeeze %dma_wait3A_90 : memref<1x640xf32, #tpu.memory_space<vmem>> -> memref<640xf32, #tpu.memory_space<vmem>>
      %dma_wait3A_92 = tpu.memref_slice %arg9[%run_scoped3A, %mul3A_10] : memref<16x10240xf32, #tpu.memory_space<vmem_shared>> -> memref<1x640xf32, #tpu.memory_space<vmem_shared>>
      %dma_wait3A_93 = tpu.memref_squeeze %dma_wait3A_92 : memref<1x640xf32, #tpu.memory_space<vmem_shared>> -> memref<640xf32, #tpu.memory_space<vmem_shared>>
      %dma_wait3A_94 = arith.constant 0 : i32
      %dma_wait3A_95 = tpu.memref_slice %arg7[%run_scoped3A_11, %dma_wait3A_94] : memref<16x640xf32, #tpu.memory_space<vmem>> -> memref<1x640xf32, #tpu.memory_space<vmem>>
      %dma_wait3A_96 = tpu.memref_squeeze %dma_wait3A_95 : memref<1x640xf32, #tpu.memory_space<vmem>> -> memref<640xf32, #tpu.memory_space<vmem>>
      %dma_wait3A_97 = tpu.memref_slice %arg9[%run_scoped3A, %mul3A_10] : memref<16x10240xf32, #tpu.memory_space<vmem_shared>> -> memref<1x640xf32, #tpu.memory_space<vmem_shared>>
      %dma_wait3A_98 = tpu.memref_squeeze %dma_wait3A_97 : memref<1x640xf32, #tpu.memory_space<vmem_shared>> -> memref<640xf32, #tpu.memory_space<vmem_shared>>
      tpu.wait_dma2 semaphore(%run_scoped3A_80 : memref<!tpu.dma_semaphore, #tpu.memory_space<semaphore_mem>>) src(%dma_wait3A_98 : memref<640xf32, #tpu.memory_space<vmem_shared>>) dst(%dma_wait3A_96 : memref<640xf32, #tpu.memory_space<vmem>>)
      tpu.yield
    }) : () -> ()
    %mul3A_12 = arith.constant 640 : i32
    %mul3A_13 = arith.muli %arg1, %mul3A_12 : i32
    %run_scoped3A_14 = arith.constant 1 : i32
    %run_scoped3A_15 = arith.constant 1 : i32
    "tpu.region"() ({
      %run_scoped3A_80 = tpu.sem_alloc : memref<!tpu.dma_semaphore, #tpu.memory_space<semaphore_mem>>
      %dma_start3A = arith.constant 0 : i32
      %dma_start3A_81 = tpu.memref_slice %arg7[%run_scoped3A_15, %dma_start3A] : memref<16x640xf32, #tpu.memory_space<vmem>> -> memref<1x640xf32, #tpu.memory_space<vmem>>
      %dma_start3A_82 = tpu.memref_squeeze %dma_start3A_81 : memref<1x640xf32, #tpu.memory_space<vmem>> -> memref<640xf32, #tpu.memory_space<vmem>>
      %dma_start3A_83 = tpu.memref_slice %arg9[%run_scoped3A_14, %mul3A_13] : memref<16x10240xf32, #tpu.memory_space<vmem_shared>> -> memref<1x640xf32, #tpu.memory_space<vmem_shared>>
      %dma_start3A_84 = tpu.memref_squeeze %dma_start3A_83 : memref<1x640xf32, #tpu.memory_space<vmem_shared>> -> memref<640xf32, #tpu.memory_space<vmem_shared>>
      %dma_start3A_85 = arith.constant 0 : i32
      %dma_start3A_86 = tpu.memref_slice %arg7[%run_scoped3A_15, %dma_start3A_85] : memref<16x640xf32, #tpu.memory_space<vmem>> -> memref<1x640xf32, #tpu.memory_space<vmem>>
      %dma_start3A_87 = tpu.memref_squeeze %dma_start3A_86 : memref<1x640xf32, #tpu.memory_space<vmem>> -> memref<640xf32, #tpu.memory_space<vmem>>
      %dma_start3A_88 = tpu.memref_slice %arg9[%run_scoped3A_14, %mul3A_13] : memref<16x10240xf32, #tpu.memory_space<vmem_shared>> -> memref<1x640xf32, #tpu.memory_space<vmem_shared>>
      %dma_start3A_89 = tpu.memref_squeeze %dma_start3A_88 : memref<1x640xf32, #tpu.memory_space<vmem_shared>> -> memref<640xf32, #tpu.memory_space<vmem_shared>>
      tpu.enqueue_dma source(%dma_start3A_89 : memref<640xf32, #tpu.memory_space<vmem_shared>>) target(%dma_start3A_87 : memref<640xf32, #tpu.memory_space<vmem>>) target_semaphore(%run_scoped3A_80 : memref<!tpu.dma_semaphore, #tpu.memory_space<semaphore_mem>>)
      %dma_wait3A = arith.constant 0 : i32
      %dma_wait3A_90 = tpu.memref_slice %arg7[%run_scoped3A_15, %dma_wait3A] : memref<16x640xf32, #tpu.memory_space<vmem>> -> memref<1x640xf32, #tpu.memory_space<vmem>>
      %dma_wait3A_91 = tpu.memref_squeeze %dma_wait3A_90 : memref<1x640xf32, #tpu.memory_space<vmem>> -> memref<640xf32, #tpu.memory_space<vmem>>
      %dma_wait3A_92 = tpu.memref_slice %arg9[%run_scoped3A_14, %mul3A_13] : memref<16x10240xf32, #tpu.memory_space<vmem_shared>> -> memref<1x640xf32, #tpu.memory_space<vmem_shared>>
      %dma_wait3A_93 = tpu.memref_squeeze %dma_wait3A_92 : memref<1x640xf32, #tpu.memory_space<vmem_shared>> -> memref<640xf32, #tpu.memory_space<vmem_shared>>
      %dma_wait3A_94 = arith.constant 0 : i32
      %dma_wait3A_95 = tpu.memref_slice %arg7[%run_scoped3A_15, %dma_wait3A_94] : memref<16x640xf32, #tpu.memory_space<vmem>> -> memref<1x640xf32, #tpu.memory_space<vmem>>
      %dma_wait3A_96 = tpu.memref_squeeze %dma_wait3A_95 : memref<1x640xf32, #tpu.memory_space<vmem>> -> memref<640xf32, #tpu.memory_space<vmem>>
      %dma_wait3A_97 = tpu.memref_slice %arg9[%run_scoped3A_14, %mul3A_13] : memref<16x10240xf32, #tpu.memory_space<vmem_shared>> -> memref<1x640xf32, #tpu.memory_space<vmem_shared>>
      %dma_wait3A_98 = tpu.memref_squeeze %dma_wait3A_97 : memref<1x640xf32, #tpu.memory_space<vmem_shared>> -> memref<640xf32, #tpu.memory_space<vmem_shared>>
      tpu.wait_dma2 semaphore(%run_scoped3A_80 : memref<!tpu.dma_semaphore, #tpu.memory_space<semaphore_mem>>) src(%dma_wait3A_98 : memref<640xf32, #tpu.memory_space<vmem_shared>>) dst(%dma_wait3A_96 : memref<640xf32, #tpu.memory_space<vmem>>)
      tpu.yield
    }) : () -> ()
    %mul3A_16 = arith.constant 640 : i32
    %mul3A_17 = arith.muli %arg1, %mul3A_16 : i32
    %run_scoped3A_18 = arith.constant 2 : i32
    %run_scoped3A_19 = arith.constant 2 : i32
    "tpu.region"() ({
      %run_scoped3A_80 = tpu.sem_alloc : memref<!tpu.dma_semaphore, #tpu.memory_space<semaphore_mem>>
      %dma_start3A = arith.constant 0 : i32
      %dma_start3A_81 = tpu.memref_slice %arg7[%run_scoped3A_19, %dma_start3A] : memref<16x640xf32, #tpu.memory_space<vmem>> -> memref<1x640xf32, #tpu.memory_space<vmem>>
      %dma_start3A_82 = tpu.memref_squeeze %dma_start3A_81 : memref<1x640xf32, #tpu.memory_space<vmem>> -> memref<640xf32, #tpu.memory_space<vmem>>
      %dma_start3A_83 = tpu.memref_slice %arg9[%run_scoped3A_18, %mul3A_17] : memref<16x10240xf32, #tpu.memory_space<vmem_shared>> -> memref<1x640xf32, #tpu.memory_space<vmem_shared>>
      %dma_start3A_84 = tpu.memref_squeeze %dma_start3A_83 : memref<1x640xf32, #tpu.memory_space<vmem_shared>> -> memref<640xf32, #tpu.memory_space<vmem_shared>>
      %dma_start3A_85 = arith.constant 0 : i32
      %dma_start3A_86 = tpu.memref_slice %arg7[%run_scoped3A_19, %dma_start3A_85] : memref<16x640xf32, #tpu.memory_space<vmem>> -> memref<1x640xf32, #tpu.memory_space<vmem>>
      %dma_start3A_87 = tpu.memref_squeeze %dma_start3A_86 : memref<1x640xf32, #tpu.memory_space<vmem>> -> memref<640xf32, #tpu.memory_space<vmem>>
      %dma_start3A_88 = tpu.memref_slice %arg9[%run_scoped3A_18, %mul3A_17] : memref<16x10240xf32, #tpu.memory_space<vmem_shared>> -> memref<1x640xf32, #tpu.memory_space<vmem_shared>>
      %dma_start3A_89 = tpu.memref_squeeze %dma_start3A_88 : memref<1x640xf32, #tpu.memory_space<vmem_shared>> -> memref<640xf32, #tpu.memory_space<vmem_shared>>
      tpu.enqueue_dma source(%dma_start3A_89 : memref<640xf32, #tpu.memory_space<vmem_shared>>) target(%dma_start3A_87 : memref<640xf32, #tpu.memory_space<vmem>>) target_semaphore(%run_scoped3A_80 : memref<!tpu.dma_semaphore, #tpu.memory_space<semaphore_mem>>)
      %dma_wait3A = arith.constant 0 : i32
      %dma_wait3A_90 = tpu.memref_slice %arg7[%run_scoped3A_19, %dma_wait3A] : memref<16x640xf32, #tpu.memory_space<vmem>> -> memref<1x640xf32, #tpu.memory_space<vmem>>
      %dma_wait3A_91 = tpu.memref_squeeze %dma_wait3A_90 : memref<1x640xf32, #tpu.memory_space<vmem>> -> memref<640xf32, #tpu.memory_space<vmem>>
      %dma_wait3A_92 = tpu.memref_slice %arg9[%run_scoped3A_18, %mul3A_17] : memref<16x10240xf32, #tpu.memory_space<vmem_shared>> -> memref<1x640xf32, #tpu.memory_space<vmem_shared>>
      %dma_wait3A_93 = tpu.memref_squeeze %dma_wait3A_92 : memref<1x640xf32, #tpu.memory_space<vmem_shared>> -> memref<640xf32, #tpu.memory_space<vmem_shared>>
      %dma_wait3A_94 = arith.constant 0 : i32
      %dma_wait3A_95 = tpu.memref_slice %arg7[%run_scoped3A_19, %dma_wait3A_94] : memref<16x640xf32, #tpu.memory_space<vmem>> -> memref<1x640xf32, #tpu.memory_space<vmem>>
      %dma_wait3A_96 = tpu.memref_squeeze %dma_wait3A_95 : memref<1x640xf32, #tpu.memory_space<vmem>> -> memref<640xf32, #tpu.memory_space<vmem>>
      %dma_wait3A_97 = tpu.memref_slice %arg9[%run_scoped3A_18, %mul3A_17] : memref<16x10240xf32, #tpu.memory_space<vmem_shared>> -> memref<1x640xf32, #tpu.memory_space<vmem_shared>>
      %dma_wait3A_98 = tpu.memref_squeeze %dma_wait3A_97 : memref<1x640xf32, #tpu.memory_space<vmem_shared>> -> memref<640xf32, #tpu.memory_space<vmem_shared>>
      tpu.wait_dma2 semaphore(%run_scoped3A_80 : memref<!tpu.dma_semaphore, #tpu.memory_space<semaphore_mem>>) src(%dma_wait3A_98 : memref<640xf32, #tpu.memory_space<vmem_shared>>) dst(%dma_wait3A_96 : memref<640xf32, #tpu.memory_space<vmem>>)
      tpu.yield
    }) : () -> ()
    %mul3A_20 = arith.constant 640 : i32
    %mul3A_21 = arith.muli %arg1, %mul3A_20 : i32
    %run_scoped3A_22 = arith.constant 3 : i32
    %run_scoped3A_23 = arith.constant 3 : i32
    "tpu.region"() ({
      %run_scoped3A_80 = tpu.sem_alloc : memref<!tpu.dma_semaphore, #tpu.memory_space<semaphore_mem>>
      %dma_start3A = arith.constant 0 : i32
      %dma_start3A_81 = tpu.memref_slice %arg7[%run_scoped3A_23, %dma_start3A] : memref<16x640xf32, #tpu.memory_space<vmem>> -> memref<1x640xf32, #tpu.memory_space<vmem>>
      %dma_start3A_82 = tpu.memref_squeeze %dma_start3A_81 : memref<1x640xf32, #tpu.memory_space<vmem>> -> memref<640xf32, #tpu.memory_space<vmem>>
      %dma_start3A_83 = tpu.memref_slice %arg9[%run_scoped3A_22, %mul3A_21] : memref<16x10240xf32, #tpu.memory_space<vmem_shared>> -> memref<1x640xf32, #tpu.memory_space<vmem_shared>>
      %dma_start3A_84 = tpu.memref_squeeze %dma_start3A_83 : memref<1x640xf32, #tpu.memory_space<vmem_shared>> -> memref<640xf32, #tpu.memory_space<vmem_shared>>
      %dma_start3A_85 = arith.constant 0 : i32
      %dma_start3A_86 = tpu.memref_slice %arg7[%run_scoped3A_23, %dma_start3A_85] : memref<16x640xf32, #tpu.memory_space<vmem>> -> memref<1x640xf32, #tpu.memory_space<vmem>>
      %dma_start3A_87 = tpu.memref_squeeze %dma_start3A_86 : memref<1x640xf32, #tpu.memory_space<vmem>> -> memref<640xf32, #tpu.memory_space<vmem>>
      %dma_start3A_88 = tpu.memref_slice %arg9[%run_scoped3A_22, %mul3A_21] : memref<16x10240xf32, #tpu.memory_space<vmem_shared>> -> memref<1x640xf32, #tpu.memory_space<vmem_shared>>
      %dma_start3A_89 = tpu.memref_squeeze %dma_start3A_88 : memref<1x640xf32, #tpu.memory_space<vmem_shared>> -> memref<640xf32, #tpu.memory_space<vmem_shared>>
      tpu.enqueue_dma source(%dma_start3A_89 : memref<640xf32, #tpu.memory_space<vmem_shared>>) target(%dma_start3A_87 : memref<640xf32, #tpu.memory_space<vmem>>) target_semaphore(%run_scoped3A_80 : memref<!tpu.dma_semaphore, #tpu.memory_space<semaphore_mem>>)
      %dma_wait3A = arith.constant 0 : i32
      %dma_wait3A_90 = tpu.memref_slice %arg7[%run_scoped3A_23, %dma_wait3A] : memref<16x640xf32, #tpu.memory_space<vmem>> -> memref<1x640xf32, #tpu.memory_space<vmem>>
      %dma_wait3A_91 = tpu.memref_squeeze %dma_wait3A_90 : memref<1x640xf32, #tpu.memory_space<vmem>> -> memref<640xf32, #tpu.memory_space<vmem>>
      %dma_wait3A_92 = tpu.memref_slice %arg9[%run_scoped3A_22, %mul3A_21] : memref<16x10240xf32, #tpu.memory_space<vmem_shared>> -> memref<1x640xf32, #tpu.memory_space<vmem_shared>>
      %dma_wait3A_93 = tpu.memref_squeeze %dma_wait3A_92 : memref<1x640xf32, #tpu.memory_space<vmem_shared>> -> memref<640xf32, #tpu.memory_space<vmem_shared>>
      %dma_wait3A_94 = arith.constant 0 : i32
      %dma_wait3A_95 = tpu.memref_slice %arg7[%run_scoped3A_23, %dma_wait3A_94] : memref<16x640xf32, #tpu.memory_space<vmem>> -> memref<1x640xf32, #tpu.memory_space<vmem>>
      %dma_wait3A_96 = tpu.memref_squeeze %dma_wait3A_95 : memref<1x640xf32, #tpu.memory_space<vmem>> -> memref<640xf32, #tpu.memory_space<vmem>>
      %dma_wait3A_97 = tpu.memref_slice %arg9[%run_scoped3A_22, %mul3A_21] : memref<16x10240xf32, #tpu.memory_space<vmem_shared>> -> memref<1x640xf32, #tpu.memory_space<vmem_shared>>
      %dma_wait3A_98 = tpu.memref_squeeze %dma_wait3A_97 : memref<1x640xf32, #tpu.memory_space<vmem_shared>> -> memref<640xf32, #tpu.memory_space<vmem_shared>>
      tpu.wait_dma2 semaphore(%run_scoped3A_80 : memref<!tpu.dma_semaphore, #tpu.memory_space<semaphore_mem>>) src(%dma_wait3A_98 : memref<640xf32, #tpu.memory_space<vmem_shared>>) dst(%dma_wait3A_96 : memref<640xf32, #tpu.memory_space<vmem>>)
      tpu.yield
    }) : () -> ()
    %mul3A_24 = arith.constant 640 : i32
    %mul3A_25 = arith.muli %arg1, %mul3A_24 : i32
    %run_scoped3A_26 = arith.constant 4 : i32
    %run_scoped3A_27 = arith.constant 4 : i32
    "tpu.region"() ({
      %run_scoped3A_80 = tpu.sem_alloc : memref<!tpu.dma_semaphore, #tpu.memory_space<semaphore_mem>>
      %dma_start3A = arith.constant 0 : i32
      %dma_start3A_81 = tpu.memref_slice %arg7[%run_scoped3A_27, %dma_start3A] : memref<16x640xf32, #tpu.memory_space<vmem>> -> memref<1x640xf32, #tpu.memory_space<vmem>>
      %dma_start3A_82 = tpu.memref_squeeze %dma_start3A_81 : memref<1x640xf32, #tpu.memory_space<vmem>> -> memref<640xf32, #tpu.memory_space<vmem>>
      %dma_start3A_83 = tpu.memref_slice %arg9[%run_scoped3A_26, %mul3A_25] : memref<16x10240xf32, #tpu.memory_space<vmem_shared>> -> memref<1x640xf32, #tpu.memory_space<vmem_shared>>
      %dma_start3A_84 = tpu.memref_squeeze %dma_start3A_83 : memref<1x640xf32, #tpu.memory_space<vmem_shared>> -> memref<640xf32, #tpu.memory_space<vmem_shared>>
      %dma_start3A_85 = arith.constant 0 : i32
      %dma_start3A_86 = tpu.memref_slice %arg7[%run_scoped3A_27, %dma_start3A_85] : memref<16x640xf32, #tpu.memory_space<vmem>> -> memref<1x640xf32, #tpu.memory_space<vmem>>
      %dma_start3A_87 = tpu.memref_squeeze %dma_start3A_86 : memref<1x640xf32, #tpu.memory_space<vmem>> -> memref<640xf32, #tpu.memory_space<vmem>>
      %dma_start3A_88 = tpu.memref_slice %arg9[%run_scoped3A_26, %mul3A_25] : memref<16x10240xf32, #tpu.memory_space<vmem_shared>> -> memref<1x640xf32, #tpu.memory_space<vmem_shared>>
      %dma_start3A_89 = tpu.memref_squeeze %dma_start3A_88 : memref<1x640xf32, #tpu.memory_space<vmem_shared>> -> memref<640xf32, #tpu.memory_space<vmem_shared>>
      tpu.enqueue_dma source(%dma_start3A_89 : memref<640xf32, #tpu.memory_space<vmem_shared>>) target(%dma_start3A_87 : memref<640xf32, #tpu.memory_space<vmem>>) target_semaphore(%run_scoped3A_80 : memref<!tpu.dma_semaphore, #tpu.memory_space<semaphore_mem>>)
      %dma_wait3A = arith.constant 0 : i32
      %dma_wait3A_90 = tpu.memref_slice %arg7[%run_scoped3A_27, %dma_wait3A] : memref<16x640xf32, #tpu.memory_space<vmem>> -> memref<1x640xf32, #tpu.memory_space<vmem>>
      %dma_wait3A_91 = tpu.memref_squeeze %dma_wait3A_90 : memref<1x640xf32, #tpu.memory_space<vmem>> -> memref<640xf32, #tpu.memory_space<vmem>>
      %dma_wait3A_92 = tpu.memref_slice %arg9[%run_scoped3A_26, %mul3A_25] : memref<16x10240xf32, #tpu.memory_space<vmem_shared>> -> memref<1x640xf32, #tpu.memory_space<vmem_shared>>
      %dma_wait3A_93 = tpu.memref_squeeze %dma_wait3A_92 : memref<1x640xf32, #tpu.memory_space<vmem_shared>> -> memref<640xf32, #tpu.memory_space<vmem_shared>>
      %dma_wait3A_94 = arith.constant 0 : i32
      %dma_wait3A_95 = tpu.memref_slice %arg7[%run_scoped3A_27, %dma_wait3A_94] : memref<16x640xf32, #tpu.memory_space<vmem>> -> memref<1x640xf32, #tpu.memory_space<vmem>>
      %dma_wait3A_96 = tpu.memref_squeeze %dma_wait3A_95 : memref<1x640xf32, #tpu.memory_space<vmem>> -> memref<640xf32, #tpu.memory_space<vmem>>
      %dma_wait3A_97 = tpu.memref_slice %arg9[%run_scoped3A_26, %mul3A_25] : memref<16x10240xf32, #tpu.memory_space<vmem_shared>> -> memref<1x640xf32, #tpu.memory_space<vmem_shared>>
      %dma_wait3A_98 = tpu.memref_squeeze %dma_wait3A_97 : memref<1x640xf32, #tpu.memory_space<vmem_shared>> -> memref<640xf32, #tpu.memory_space<vmem_shared>>
      tpu.wait_dma2 semaphore(%run_scoped3A_80 : memref<!tpu.dma_semaphore, #tpu.memory_space<semaphore_mem>>) src(%dma_wait3A_98 : memref<640xf32, #tpu.memory_space<vmem_shared>>) dst(%dma_wait3A_96 : memref<640xf32, #tpu.memory_space<vmem>>)
      tpu.yield
    }) : () -> ()
    %mul3A_28 = arith.constant 640 : i32
    %mul3A_29 = arith.muli %arg1, %mul3A_28 : i32
    %run_scoped3A_30 = arith.constant 5 : i32
    %run_scoped3A_31 = arith.constant 5 : i32
    "tpu.region"() ({
      %run_scoped3A_80 = tpu.sem_alloc : memref<!tpu.dma_semaphore, #tpu.memory_space<semaphore_mem>>
      %dma_start3A = arith.constant 0 : i32
      %dma_start3A_81 = tpu.memref_slice %arg7[%run_scoped3A_31, %dma_start3A] : memref<16x640xf32, #tpu.memory_space<vmem>> -> memref<1x640xf32, #tpu.memory_space<vmem>>
      %dma_start3A_82 = tpu.memref_squeeze %dma_start3A_81 : memref<1x640xf32, #tpu.memory_space<vmem>> -> memref<640xf32, #tpu.memory_space<vmem>>
      %dma_start3A_83 = tpu.memref_slice %arg9[%run_scoped3A_30, %mul3A_29] : memref<16x10240xf32, #tpu.memory_space<vmem_shared>> -> memref<1x640xf32, #tpu.memory_space<vmem_shared>>
      %dma_start3A_84 = tpu.memref_squeeze %dma_start3A_83 : memref<1x640xf32, #tpu.memory_space<vmem_shared>> -> memref<640xf32, #tpu.memory_space<vmem_shared>>
      %dma_start3A_85 = arith.constant 0 : i32
      %dma_start3A_86 = tpu.memref_slice %arg7[%run_scoped3A_31, %dma_start3A_85] : memref<16x640xf32, #tpu.memory_space<vmem>> -> memref<1x640xf32, #tpu.memory_space<vmem>>
      %dma_start3A_87 = tpu.memref_squeeze %dma_start3A_86 : memref<1x640xf32, #tpu.memory_space<vmem>> -> memref<640xf32, #tpu.memory_space<vmem>>
      %dma_start3A_88 = tpu.memref_slice %arg9[%run_scoped3A_30, %mul3A_29] : memref<16x10240xf32, #tpu.memory_space<vmem_shared>> -> memref<1x640xf32, #tpu.memory_space<vmem_shared>>
      %dma_start3A_89 = tpu.memref_squeeze %dma_start3A_88 : memref<1x640xf32, #tpu.memory_space<vmem_shared>> -> memref<640xf32, #tpu.memory_space<vmem_shared>>
      tpu.enqueue_dma source(%dma_start3A_89 : memref<640xf32, #tpu.memory_space<vmem_shared>>) target(%dma_start3A_87 : memref<640xf32, #tpu.memory_space<vmem>>) target_semaphore(%run_scoped3A_80 : memref<!tpu.dma_semaphore, #tpu.memory_space<semaphore_mem>>)
      %dma_wait3A = arith.constant 0 : i32
      %dma_wait3A_90 = tpu.memref_slice %arg7[%run_scoped3A_31, %dma_wait3A] : memref<16x640xf32, #tpu.memory_space<vmem>> -> memref<1x640xf32, #tpu.memory_space<vmem>>
      %dma_wait3A_91 = tpu.memref_squeeze %dma_wait3A_90 : memref<1x640xf32, #tpu.memory_space<vmem>> -> memref<640xf32, #tpu.memory_space<vmem>>
      %dma_wait3A_92 = tpu.memref_slice %arg9[%run_scoped3A_30, %mul3A_29] : memref<16x10240xf32, #tpu.memory_space<vmem_shared>> -> memref<1x640xf32, #tpu.memory_space<vmem_shared>>
      %dma_wait3A_93 = tpu.memref_squeeze %dma_wait3A_92 : memref<1x640xf32, #tpu.memory_space<vmem_shared>> -> memref<640xf32, #tpu.memory_space<vmem_shared>>
      %dma_wait3A_94 = arith.constant 0 : i32
      %dma_wait3A_95 = tpu.memref_slice %arg7[%run_scoped3A_31, %dma_wait3A_94] : memref<16x640xf32, #tpu.memory_space<vmem>> -> memref<1x640xf32, #tpu.memory_space<vmem>>
      %dma_wait3A_96 = tpu.memref_squeeze %dma_wait3A_95 : memref<1x640xf32, #tpu.memory_space<vmem>> -> memref<640xf32, #tpu.memory_space<vmem>>
      %dma_wait3A_97 = tpu.memref_slice %arg9[%run_scoped3A_30, %mul3A_29] : memref<16x10240xf32, #tpu.memory_space<vmem_shared>> -> memref<1x640xf32, #tpu.memory_space<vmem_shared>>
      %dma_wait3A_98 = tpu.memref_squeeze %dma_wait3A_97 : memref<1x640xf32, #tpu.memory_space<vmem_shared>> -> memref<640xf32, #tpu.memory_space<vmem_shared>>
      tpu.wait_dma2 semaphore(%run_scoped3A_80 : memref<!tpu.dma_semaphore, #tpu.memory_space<semaphore_mem>>) src(%dma_wait3A_98 : memref<640xf32, #tpu.memory_space<vmem_shared>>) dst(%dma_wait3A_96 : memref<640xf32, #tpu.memory_space<vmem>>)
      tpu.yield
    }) : () -> ()
    %mul3A_32 = arith.constant 640 : i32
    %mul3A_33 = arith.muli %arg1, %mul3A_32 : i32
    %run_scoped3A_34 = arith.constant 6 : i32
    %run_scoped3A_35 = arith.constant 6 : i32
    "tpu.region"() ({
      %run_scoped3A_80 = tpu.sem_alloc : memref<!tpu.dma_semaphore, #tpu.memory_space<semaphore_mem>>
      %dma_start3A = arith.constant 0 : i32
      %dma_start3A_81 = tpu.memref_slice %arg7[%run_scoped3A_35, %dma_start3A] : memref<16x640xf32, #tpu.memory_space<vmem>> -> memref<1x640xf32, #tpu.memory_space<vmem>>
      %dma_start3A_82 = tpu.memref_squeeze %dma_start3A_81 : memref<1x640xf32, #tpu.memory_space<vmem>> -> memref<640xf32, #tpu.memory_space<vmem>>
      %dma_start3A_83 = tpu.memref_slice %arg9[%run_scoped3A_34, %mul3A_33] : memref<16x10240xf32, #tpu.memory_space<vmem_shared>> -> memref<1x640xf32, #tpu.memory_space<vmem_shared>>
      %dma_start3A_84 = tpu.memref_squeeze %dma_start3A_83 : memref<1x640xf32, #tpu.memory_space<vmem_shared>> -> memref<640xf32, #tpu.memory_space<vmem_shared>>
      %dma_start3A_85 = arith.constant 0 : i32
      %dma_start3A_86 = tpu.memref_slice %arg7[%run_scoped3A_35, %dma_start3A_85] : memref<16x640xf32, #tpu.memory_space<vmem>> -> memref<1x640xf32, #tpu.memory_space<vmem>>
      %dma_start3A_87 = tpu.memref_squeeze %dma_start3A_86 : memref<1x640xf32, #tpu.memory_space<vmem>> -> memref<640xf32, #tpu.memory_space<vmem>>
      %dma_start3A_88 = tpu.memref_slice %arg9[%run_scoped3A_34, %mul3A_33] : memref<16x10240xf32, #tpu.memory_space<vmem_shared>> -> memref<1x640xf32, #tpu.memory_space<vmem_shared>>
      %dma_start3A_89 = tpu.memref_squeeze %dma_start3A_88 : memref<1x640xf32, #tpu.memory_space<vmem_shared>> -> memref<640xf32, #tpu.memory_space<vmem_shared>>
      tpu.enqueue_dma source(%dma_start3A_89 : memref<640xf32, #tpu.memory_space<vmem_shared>>) target(%dma_start3A_87 : memref<640xf32, #tpu.memory_space<vmem>>) target_semaphore(%run_scoped3A_80 : memref<!tpu.dma_semaphore, #tpu.memory_space<semaphore_mem>>)
      %dma_wait3A = arith.constant 0 : i32
      %dma_wait3A_90 = tpu.memref_slice %arg7[%run_scoped3A_35, %dma_wait3A] : memref<16x640xf32, #tpu.memory_space<vmem>> -> memref<1x640xf32, #tpu.memory_space<vmem>>
      %dma_wait3A_91 = tpu.memref_squeeze %dma_wait3A_90 : memref<1x640xf32, #tpu.memory_space<vmem>> -> memref<640xf32, #tpu.memory_space<vmem>>
      %dma_wait3A_92 = tpu.memref_slice %arg9[%run_scoped3A_34, %mul3A_33] : memref<16x10240xf32, #tpu.memory_space<vmem_shared>> -> memref<1x640xf32, #tpu.memory_space<vmem_shared>>
      %dma_wait3A_93 = tpu.memref_squeeze %dma_wait3A_92 : memref<1x640xf32, #tpu.memory_space<vmem_shared>> -> memref<640xf32, #tpu.memory_space<vmem_shared>>
      %dma_wait3A_94 = arith.constant 0 : i32
      %dma_wait3A_95 = tpu.memref_slice %arg7[%run_scoped3A_35, %dma_wait3A_94] : memref<16x640xf32, #tpu.memory_space<vmem>> -> memref<1x640xf32, #tpu.memory_space<vmem>>
      %dma_wait3A_96 = tpu.memref_squeeze %dma_wait3A_95 : memref<1x640xf32, #tpu.memory_space<vmem>> -> memref<640xf32, #tpu.memory_space<vmem>>
      %dma_wait3A_97 = tpu.memref_slice %arg9[%run_scoped3A_34, %mul3A_33] : memref<16x10240xf32, #tpu.memory_space<vmem_shared>> -> memref<1x640xf32, #tpu.memory_space<vmem_shared>>
      %dma_wait3A_98 = tpu.memref_squeeze %dma_wait3A_97 : memref<1x640xf32, #tpu.memory_space<vmem_shared>> -> memref<640xf32, #tpu.memory_space<vmem_shared>>
      tpu.wait_dma2 semaphore(%run_scoped3A_80 : memref<!tpu.dma_semaphore, #tpu.memory_space<semaphore_mem>>) src(%dma_wait3A_98 : memref<640xf32, #tpu.memory_space<vmem_shared>>) dst(%dma_wait3A_96 : memref<640xf32, #tpu.memory_space<vmem>>)
      tpu.yield
    }) : () -> ()
    %mul3A_36 = arith.constant 640 : i32
    %mul3A_37 = arith.muli %arg1, %mul3A_36 : i32
    %run_scoped3A_38 = arith.constant 7 : i32
    %run_scoped3A_39 = arith.constant 7 : i32
    "tpu.region"() ({
      %run_scoped3A_80 = tpu.sem_alloc : memref<!tpu.dma_semaphore, #tpu.memory_space<semaphore_mem>>
      %dma_start3A = arith.constant 0 : i32
      %dma_start3A_81 = tpu.memref_slice %arg7[%run_scoped3A_39, %dma_start3A] : memref<16x640xf32, #tpu.memory_space<vmem>> -> memref<1x640xf32, #tpu.memory_space<vmem>>
      %dma_start3A_82 = tpu.memref_squeeze %dma_start3A_81 : memref<1x640xf32, #tpu.memory_space<vmem>> -> memref<640xf32, #tpu.memory_space<vmem>>
      %dma_start3A_83 = tpu.memref_slice %arg9[%run_scoped3A_38, %mul3A_37] : memref<16x10240xf32, #tpu.memory_space<vmem_shared>> -> memref<1x640xf32, #tpu.memory_space<vmem_shared>>
      %dma_start3A_84 = tpu.memref_squeeze %dma_start3A_83 : memref<1x640xf32, #tpu.memory_space<vmem_shared>> -> memref<640xf32, #tpu.memory_space<vmem_shared>>
      %dma_start3A_85 = arith.constant 0 : i32
      %dma_start3A_86 = tpu.memref_slice %arg7[%run_scoped3A_39, %dma_start3A_85] : memref<16x640xf32, #tpu.memory_space<vmem>> -> memref<1x640xf32, #tpu.memory_space<vmem>>
      %dma_start3A_87 = tpu.memref_squeeze %dma_start3A_86 : memref<1x640xf32, #tpu.memory_space<vmem>> -> memref<640xf32, #tpu.memory_space<vmem>>
      %dma_start3A_88 = tpu.memref_slice %arg9[%run_scoped3A_38, %mul3A_37] : memref<16x10240xf32, #tpu.memory_space<vmem_shared>> -> memref<1x640xf32, #tpu.memory_space<vmem_shared>>
      %dma_start3A_89 = tpu.memref_squeeze %dma_start3A_88 : memref<1x640xf32, #tpu.memory_space<vmem_shared>> -> memref<640xf32, #tpu.memory_space<vmem_shared>>
      tpu.enqueue_dma source(%dma_start3A_89 : memref<640xf32, #tpu.memory_space<vmem_shared>>) target(%dma_start3A_87 : memref<640xf32, #tpu.memory_space<vmem>>) target_semaphore(%run_scoped3A_80 : memref<!tpu.dma_semaphore, #tpu.memory_space<semaphore_mem>>)
      %dma_wait3A = arith.constant 0 : i32
      %dma_wait3A_90 = tpu.memref_slice %arg7[%run_scoped3A_39, %dma_wait3A] : memref<16x640xf32, #tpu.memory_space<vmem>> -> memref<1x640xf32, #tpu.memory_space<vmem>>
      %dma_wait3A_91 = tpu.memref_squeeze %dma_wait3A_90 : memref<1x640xf32, #tpu.memory_space<vmem>> -> memref<640xf32, #tpu.memory_space<vmem>>
      %dma_wait3A_92 = tpu.memref_slice %arg9[%run_scoped3A_38, %mul3A_37] : memref<16x10240xf32, #tpu.memory_space<vmem_shared>> -> memref<1x640xf32, #tpu.memory_space<vmem_shared>>
      %dma_wait3A_93 = tpu.memref_squeeze %dma_wait3A_92 : memref<1x640xf32, #tpu.memory_space<vmem_shared>> -> memref<640xf32, #tpu.memory_space<vmem_shared>>
      %dma_wait3A_94 = arith.constant 0 : i32
      %dma_wait3A_95 = tpu.memref_slice %arg7[%run_scoped3A_39, %dma_wait3A_94] : memref<16x640xf32, #tpu.memory_space<vmem>> -> memref<1x640xf32, #tpu.memory_space<vmem>>
      %dma_wait3A_96 = tpu.memref_squeeze %dma_wait3A_95 : memref<1x640xf32, #tpu.memory_space<vmem>> -> memref<640xf32, #tpu.memory_space<vmem>>
      %dma_wait3A_97 = tpu.memref_slice %arg9[%run_scoped3A_38, %mul3A_37] : memref<16x10240xf32, #tpu.memory_space<vmem_shared>> -> memref<1x640xf32, #tpu.memory_space<vmem_shared>>
      %dma_wait3A_98 = tpu.memref_squeeze %dma_wait3A_97 : memref<1x640xf32, #tpu.memory_space<vmem_shared>> -> memref<640xf32, #tpu.memory_space<vmem_shared>>
      tpu.wait_dma2 semaphore(%run_scoped3A_80 : memref<!tpu.dma_semaphore, #tpu.memory_space<semaphore_mem>>) src(%dma_wait3A_98 : memref<640xf32, #tpu.memory_space<vmem_shared>>) dst(%dma_wait3A_96 : memref<640xf32, #tpu.memory_space<vmem>>)
      tpu.yield
    }) : () -> ()
    %mul3A_40 = arith.constant 640 : i32
    %mul3A_41 = arith.muli %arg1, %mul3A_40 : i32
    %run_scoped3A_42 = arith.constant 8 : i32
    %run_scoped3A_43 = arith.constant 8 : i32
    "tpu.region"() ({
      %run_scoped3A_80 = tpu.sem_alloc : memref<!tpu.dma_semaphore, #tpu.memory_space<semaphore_mem>>
      %dma_start3A = arith.constant 0 : i32
      %dma_start3A_81 = tpu.memref_slice %arg7[%run_scoped3A_43, %dma_start3A] : memref<16x640xf32, #tpu.memory_space<vmem>> -> memref<1x640xf32, #tpu.memory_space<vmem>>
      %dma_start3A_82 = tpu.memref_squeeze %dma_start3A_81 : memref<1x640xf32, #tpu.memory_space<vmem>> -> memref<640xf32, #tpu.memory_space<vmem>>
      %dma_start3A_83 = tpu.memref_slice %arg9[%run_scoped3A_42, %mul3A_41] : memref<16x10240xf32, #tpu.memory_space<vmem_shared>> -> memref<1x640xf32, #tpu.memory_space<vmem_shared>>
      %dma_start3A_84 = tpu.memref_squeeze %dma_start3A_83 : memref<1x640xf32, #tpu.memory_space<vmem_shared>> -> memref<640xf32, #tpu.memory_space<vmem_shared>>
      %dma_start3A_85 = arith.constant 0 : i32
      %dma_start3A_86 = tpu.memref_slice %arg7[%run_scoped3A_43, %dma_start3A_85] : memref<16x640xf32, #tpu.memory_space<vmem>> -> memref<1x640xf32, #tpu.memory_space<vmem>>
      %dma_start3A_87 = tpu.memref_squeeze %dma_start3A_86 : memref<1x640xf32, #tpu.memory_space<vmem>> -> memref<640xf32, #tpu.memory_space<vmem>>
      %dma_start3A_88 = tpu.memref_slice %arg9[%run_scoped3A_42, %mul3A_41] : memref<16x10240xf32, #tpu.memory_space<vmem_shared>> -> memref<1x640xf32, #tpu.memory_space<vmem_shared>>
      %dma_start3A_89 = tpu.memref_squeeze %dma_start3A_88 : memref<1x640xf32, #tpu.memory_space<vmem_shared>> -> memref<640xf32, #tpu.memory_space<vmem_shared>>
      tpu.enqueue_dma source(%dma_start3A_89 : memref<640xf32, #tpu.memory_space<vmem_shared>>) target(%dma_start3A_87 : memref<640xf32, #tpu.memory_space<vmem>>) target_semaphore(%run_scoped3A_80 : memref<!tpu.dma_semaphore, #tpu.memory_space<semaphore_mem>>)
      %dma_wait3A = arith.constant 0 : i32
      %dma_wait3A_90 = tpu.memref_slice %arg7[%run_scoped3A_43, %dma_wait3A] : memref<16x640xf32, #tpu.memory_space<vmem>> -> memref<1x640xf32, #tpu.memory_space<vmem>>
      %dma_wait3A_91 = tpu.memref_squeeze %dma_wait3A_90 : memref<1x640xf32, #tpu.memory_space<vmem>> -> memref<640xf32, #tpu.memory_space<vmem>>
      %dma_wait3A_92 = tpu.memref_slice %arg9[%run_scoped3A_42, %mul3A_41] : memref<16x10240xf32, #tpu.memory_space<vmem_shared>> -> memref<1x640xf32, #tpu.memory_space<vmem_shared>>
      %dma_wait3A_93 = tpu.memref_squeeze %dma_wait3A_92 : memref<1x640xf32, #tpu.memory_space<vmem_shared>> -> memref<640xf32, #tpu.memory_space<vmem_shared>>
      %dma_wait3A_94 = arith.constant 0 : i32
      %dma_wait3A_95 = tpu.memref_slice %arg7[%run_scoped3A_43, %dma_wait3A_94] : memref<16x640xf32, #tpu.memory_space<vmem>> -> memref<1x640xf32, #tpu.memory_space<vmem>>
      %dma_wait3A_96 = tpu.memref_squeeze %dma_wait3A_95 : memref<1x640xf32, #tpu.memory_space<vmem>> -> memref<640xf32, #tpu.memory_space<vmem>>
      %dma_wait3A_97 = tpu.memref_slice %arg9[%run_scoped3A_42, %mul3A_41] : memref<16x10240xf32, #tpu.memory_space<vmem_shared>> -> memref<1x640xf32, #tpu.memory_space<vmem_shared>>
      %dma_wait3A_98 = tpu.memref_squeeze %dma_wait3A_97 : memref<1x640xf32, #tpu.memory_space<vmem_shared>> -> memref<640xf32, #tpu.memory_space<vmem_shared>>
      tpu.wait_dma2 semaphore(%run_scoped3A_80 : memref<!tpu.dma_semaphore, #tpu.memory_space<semaphore_mem>>) src(%dma_wait3A_98 : memref<640xf32, #tpu.memory_space<vmem_shared>>) dst(%dma_wait3A_96 : memref<640xf32, #tpu.memory_space<vmem>>)
      tpu.yield
    }) : () -> ()
    %mul3A_44 = arith.constant 640 : i32
    %mul3A_45 = arith.muli %arg1, %mul3A_44 : i32
    %run_scoped3A_46 = arith.constant 9 : i32
    %run_scoped3A_47 = arith.constant 9 : i32
    "tpu.region"() ({
      %run_scoped3A_80 = tpu.sem_alloc : memref<!tpu.dma_semaphore, #tpu.memory_space<semaphore_mem>>
      %dma_start3A = arith.constant 0 : i32
      %dma_start3A_81 = tpu.memref_slice %arg7[%run_scoped3A_47, %dma_start3A] : memref<16x640xf32, #tpu.memory_space<vmem>> -> memref<1x640xf32, #tpu.memory_space<vmem>>
      %dma_start3A_82 = tpu.memref_squeeze %dma_start3A_81 : memref<1x640xf32, #tpu.memory_space<vmem>> -> memref<640xf32, #tpu.memory_space<vmem>>
      %dma_start3A_83 = tpu.memref_slice %arg9[%run_scoped3A_46, %mul3A_45] : memref<16x10240xf32, #tpu.memory_space<vmem_shared>> -> memref<1x640xf32, #tpu.memory_space<vmem_shared>>
      %dma_start3A_84 = tpu.memref_squeeze %dma_start3A_83 : memref<1x640xf32, #tpu.memory_space<vmem_shared>> -> memref<640xf32, #tpu.memory_space<vmem_shared>>
      %dma_start3A_85 = arith.constant 0 : i32
      %dma_start3A_86 = tpu.memref_slice %arg7[%run_scoped3A_47, %dma_start3A_85] : memref<16x640xf32, #tpu.memory_space<vmem>> -> memref<1x640xf32, #tpu.memory_space<vmem>>
      %dma_start3A_87 = tpu.memref_squeeze %dma_start3A_86 : memref<1x640xf32, #tpu.memory_space<vmem>> -> memref<640xf32, #tpu.memory_space<vmem>>
      %dma_start3A_88 = tpu.memref_slice %arg9[%run_scoped3A_46, %mul3A_45] : memref<16x10240xf32, #tpu.memory_space<vmem_shared>> -> memref<1x640xf32, #tpu.memory_space<vmem_shared>>
      %dma_start3A_89 = tpu.memref_squeeze %dma_start3A_88 : memref<1x640xf32, #tpu.memory_space<vmem_shared>> -> memref<640xf32, #tpu.memory_space<vmem_shared>>
      tpu.enqueue_dma source(%dma_start3A_89 : memref<640xf32, #tpu.memory_space<vmem_shared>>) target(%dma_start3A_87 : memref<640xf32, #tpu.memory_space<vmem>>) target_semaphore(%run_scoped3A_80 : memref<!tpu.dma_semaphore, #tpu.memory_space<semaphore_mem>>)
      %dma_wait3A = arith.constant 0 : i32
      %dma_wait3A_90 = tpu.memref_slice %arg7[%run_scoped3A_47, %dma_wait3A] : memref<16x640xf32, #tpu.memory_space<vmem>> -> memref<1x640xf32, #tpu.memory_space<vmem>>
      %dma_wait3A_91 = tpu.memref_squeeze %dma_wait3A_90 : memref<1x640xf32, #tpu.memory_space<vmem>> -> memref<640xf32, #tpu.memory_space<vmem>>
      %dma_wait3A_92 = tpu.memref_slice %arg9[%run_scoped3A_46, %mul3A_45] : memref<16x10240xf32, #tpu.memory_space<vmem_shared>> -> memref<1x640xf32, #tpu.memory_space<vmem_shared>>
      %dma_wait3A_93 = tpu.memref_squeeze %dma_wait3A_92 : memref<1x640xf32, #tpu.memory_space<vmem_shared>> -> memref<640xf32, #tpu.memory_space<vmem_shared>>
      %dma_wait3A_94 = arith.constant 0 : i32
      %dma_wait3A_95 = tpu.memref_slice %arg7[%run_scoped3A_47, %dma_wait3A_94] : memref<16x640xf32, #tpu.memory_space<vmem>> -> memref<1x640xf32, #tpu.memory_space<vmem>>
      %dma_wait3A_96 = tpu.memref_squeeze %dma_wait3A_95 : memref<1x640xf32, #tpu.memory_space<vmem>> -> memref<640xf32, #tpu.memory_space<vmem>>
      %dma_wait3A_97 = tpu.memref_slice %arg9[%run_scoped3A_46, %mul3A_45] : memref<16x10240xf32, #tpu.memory_space<vmem_shared>> -> memref<1x640xf32, #tpu.memory_space<vmem_shared>>
      %dma_wait3A_98 = tpu.memref_squeeze %dma_wait3A_97 : memref<1x640xf32, #tpu.memory_space<vmem_shared>> -> memref<640xf32, #tpu.memory_space<vmem_shared>>
      tpu.wait_dma2 semaphore(%run_scoped3A_80 : memref<!tpu.dma_semaphore, #tpu.memory_space<semaphore_mem>>) src(%dma_wait3A_98 : memref<640xf32, #tpu.memory_space<vmem_shared>>) dst(%dma_wait3A_96 : memref<640xf32, #tpu.memory_space<vmem>>)
      tpu.yield
    }) : () -> ()
    %mul3A_48 = arith.constant 640 : i32
    %mul3A_49 = arith.muli %arg1, %mul3A_48 : i32
    %run_scoped3A_50 = arith.constant 10 : i32
    %run_scoped3A_51 = arith.constant 10 : i32
    "tpu.region"() ({
      %run_scoped3A_80 = tpu.sem_alloc : memref<!tpu.dma_semaphore, #tpu.memory_space<semaphore_mem>>
      %dma_start3A = arith.constant 0 : i32
      %dma_start3A_81 = tpu.memref_slice %arg7[%run_scoped3A_51, %dma_start3A] : memref<16x640xf32, #tpu.memory_space<vmem>> -> memref<1x640xf32, #tpu.memory_space<vmem>>
      %dma_start3A_82 = tpu.memref_squeeze %dma_start3A_81 : memref<1x640xf32, #tpu.memory_space<vmem>> -> memref<640xf32, #tpu.memory_space<vmem>>
      %dma_start3A_83 = tpu.memref_slice %arg9[%run_scoped3A_50, %mul3A_49] : memref<16x10240xf32, #tpu.memory_space<vmem_shared>> -> memref<1x640xf32, #tpu.memory_space<vmem_shared>>
      %dma_start3A_84 = tpu.memref_squeeze %dma_start3A_83 : memref<1x640xf32, #tpu.memory_space<vmem_shared>> -> memref<640xf32, #tpu.memory_space<vmem_shared>>
      %dma_start3A_85 = arith.constant 0 : i32
      %dma_start3A_86 = tpu.memref_slice %arg7[%run_scoped3A_51, %dma_start3A_85] : memref<16x640xf32, #tpu.memory_space<vmem>> -> memref<1x640xf32, #tpu.memory_space<vmem>>
      %dma_start3A_87 = tpu.memref_squeeze %dma_start3A_86 : memref<1x640xf32, #tpu.memory_space<vmem>> -> memref<640xf32, #tpu.memory_space<vmem>>
      %dma_start3A_88 = tpu.memref_slice %arg9[%run_scoped3A_50, %mul3A_49] : memref<16x10240xf32, #tpu.memory_space<vmem_shared>> -> memref<1x640xf32, #tpu.memory_space<vmem_shared>>
      %dma_start3A_89 = tpu.memref_squeeze %dma_start3A_88 : memref<1x640xf32, #tpu.memory_space<vmem_shared>> -> memref<640xf32, #tpu.memory_space<vmem_shared>>
      tpu.enqueue_dma source(%dma_start3A_89 : memref<640xf32, #tpu.memory_space<vmem_shared>>) target(%dma_start3A_87 : memref<640xf32, #tpu.memory_space<vmem>>) target_semaphore(%run_scoped3A_80 : memref<!tpu.dma_semaphore, #tpu.memory_space<semaphore_mem>>)
      %dma_wait3A = arith.constant 0 : i32
      %dma_wait3A_90 = tpu.memref_slice %arg7[%run_scoped3A_51, %dma_wait3A] : memref<16x640xf32, #tpu.memory_space<vmem>> -> memref<1x640xf32, #tpu.memory_space<vmem>>
      %dma_wait3A_91 = tpu.memref_squeeze %dma_wait3A_90 : memref<1x640xf32, #tpu.memory_space<vmem>> -> memref<640xf32, #tpu.memory_space<vmem>>
      %dma_wait3A_92 = tpu.memref_slice %arg9[%run_scoped3A_50, %mul3A_49] : memref<16x10240xf32, #tpu.memory_space<vmem_shared>> -> memref<1x640xf32, #tpu.memory_space<vmem_shared>>
      %dma_wait3A_93 = tpu.memref_squeeze %dma_wait3A_92 : memref<1x640xf32, #tpu.memory_space<vmem_shared>> -> memref<640xf32, #tpu.memory_space<vmem_shared>>
      %dma_wait3A_94 = arith.constant 0 : i32
      %dma_wait3A_95 = tpu.memref_slice %arg7[%run_scoped3A_51, %dma_wait3A_94] : memref<16x640xf32, #tpu.memory_space<vmem>> -> memref<1x640xf32, #tpu.memory_space<vmem>>
      %dma_wait3A_96 = tpu.memref_squeeze %dma_wait3A_95 : memref<1x640xf32, #tpu.memory_space<vmem>> -> memref<640xf32, #tpu.memory_space<vmem>>
      %dma_wait3A_97 = tpu.memref_slice %arg9[%run_scoped3A_50, %mul3A_49] : memref<16x10240xf32, #tpu.memory_space<vmem_shared>> -> memref<1x640xf32, #tpu.memory_space<vmem_shared>>
      %dma_wait3A_98 = tpu.memref_squeeze %dma_wait3A_97 : memref<1x640xf32, #tpu.memory_space<vmem_shared>> -> memref<640xf32, #tpu.memory_space<vmem_shared>>
      tpu.wait_dma2 semaphore(%run_scoped3A_80 : memref<!tpu.dma_semaphore, #tpu.memory_space<semaphore_mem>>) src(%dma_wait3A_98 : memref<640xf32, #tpu.memory_space<vmem_shared>>) dst(%dma_wait3A_96 : memref<640xf32, #tpu.memory_space<vmem>>)
      tpu.yield
    }) : () -> ()
    %mul3A_52 = arith.constant 640 : i32
    %mul3A_53 = arith.muli %arg1, %mul3A_52 : i32
    %run_scoped3A_54 = arith.constant 11 : i32
    %run_scoped3A_55 = arith.constant 11 : i32
    "tpu.region"() ({
      %run_scoped3A_80 = tpu.sem_alloc : memref<!tpu.dma_semaphore, #tpu.memory_space<semaphore_mem>>
      %dma_start3A = arith.constant 0 : i32
      %dma_start3A_81 = tpu.memref_slice %arg7[%run_scoped3A_55, %dma_start3A] : memref<16x640xf32, #tpu.memory_space<vmem>> -> memref<1x640xf32, #tpu.memory_space<vmem>>
      %dma_start3A_82 = tpu.memref_squeeze %dma_start3A_81 : memref<1x640xf32, #tpu.memory_space<vmem>> -> memref<640xf32, #tpu.memory_space<vmem>>
      %dma_start3A_83 = tpu.memref_slice %arg9[%run_scoped3A_54, %mul3A_53] : memref<16x10240xf32, #tpu.memory_space<vmem_shared>> -> memref<1x640xf32, #tpu.memory_space<vmem_shared>>
      %dma_start3A_84 = tpu.memref_squeeze %dma_start3A_83 : memref<1x640xf32, #tpu.memory_space<vmem_shared>> -> memref<640xf32, #tpu.memory_space<vmem_shared>>
      %dma_start3A_85 = arith.constant 0 : i32
      %dma_start3A_86 = tpu.memref_slice %arg7[%run_scoped3A_55, %dma_start3A_85] : memref<16x640xf32, #tpu.memory_space<vmem>> -> memref<1x640xf32, #tpu.memory_space<vmem>>
      %dma_start3A_87 = tpu.memref_squeeze %dma_start3A_86 : memref<1x640xf32, #tpu.memory_space<vmem>> -> memref<640xf32, #tpu.memory_space<vmem>>
      %dma_start3A_88 = tpu.memref_slice %arg9[%run_scoped3A_54, %mul3A_53] : memref<16x10240xf32, #tpu.memory_space<vmem_shared>> -> memref<1x640xf32, #tpu.memory_space<vmem_shared>>
      %dma_start3A_89 = tpu.memref_squeeze %dma_start3A_88 : memref<1x640xf32, #tpu.memory_space<vmem_shared>> -> memref<640xf32, #tpu.memory_space<vmem_shared>>
      tpu.enqueue_dma source(%dma_start3A_89 : memref<640xf32, #tpu.memory_space<vmem_shared>>) target(%dma_start3A_87 : memref<640xf32, #tpu.memory_space<vmem>>) target_semaphore(%run_scoped3A_80 : memref<!tpu.dma_semaphore, #tpu.memory_space<semaphore_mem>>)
      %dma_wait3A = arith.constant 0 : i32
      %dma_wait3A_90 = tpu.memref_slice %arg7[%run_scoped3A_55, %dma_wait3A] : memref<16x640xf32, #tpu.memory_space<vmem>> -> memref<1x640xf32, #tpu.memory_space<vmem>>
      %dma_wait3A_91 = tpu.memref_squeeze %dma_wait3A_90 : memref<1x640xf32, #tpu.memory_space<vmem>> -> memref<640xf32, #tpu.memory_space<vmem>>
      %dma_wait3A_92 = tpu.memref_slice %arg9[%run_scoped3A_54, %mul3A_53] : memref<16x10240xf32, #tpu.memory_space<vmem_shared>> -> memref<1x640xf32, #tpu.memory_space<vmem_shared>>
      %dma_wait3A_93 = tpu.memref_squeeze %dma_wait3A_92 : memref<1x640xf32, #tpu.memory_space<vmem_shared>> -> memref<640xf32, #tpu.memory_space<vmem_shared>>
      %dma_wait3A_94 = arith.constant 0 : i32
      %dma_wait3A_95 = tpu.memref_slice %arg7[%run_scoped3A_55, %dma_wait3A_94] : memref<16x640xf32, #tpu.memory_space<vmem>> -> memref<1x640xf32, #tpu.memory_space<vmem>>
      %dma_wait3A_96 = tpu.memref_squeeze %dma_wait3A_95 : memref<1x640xf32, #tpu.memory_space<vmem>> -> memref<640xf32, #tpu.memory_space<vmem>>
      %dma_wait3A_97 = tpu.memref_slice %arg9[%run_scoped3A_54, %mul3A_53] : memref<16x10240xf32, #tpu.memory_space<vmem_shared>> -> memref<1x640xf32, #tpu.memory_space<vmem_shared>>
      %dma_wait3A_98 = tpu.memref_squeeze %dma_wait3A_97 : memref<1x640xf32, #tpu.memory_space<vmem_shared>> -> memref<640xf32, #tpu.memory_space<vmem_shared>>
      tpu.wait_dma2 semaphore(%run_scoped3A_80 : memref<!tpu.dma_semaphore, #tpu.memory_space<semaphore_mem>>) src(%dma_wait3A_98 : memref<640xf32, #tpu.memory_space<vmem_shared>>) dst(%dma_wait3A_96 : memref<640xf32, #tpu.memory_space<vmem>>)
      tpu.yield
    }) : () -> ()
    %mul3A_56 = arith.constant 640 : i32
    %mul3A_57 = arith.muli %arg1, %mul3A_56 : i32
    %run_scoped3A_58 = arith.constant 12 : i32
    %run_scoped3A_59 = arith.constant 12 : i32
    "tpu.region"() ({
      %run_scoped3A_80 = tpu.sem_alloc : memref<!tpu.dma_semaphore, #tpu.memory_space<semaphore_mem>>
      %dma_start3A = arith.constant 0 : i32
      %dma_start3A_81 = tpu.memref_slice %arg7[%run_scoped3A_59, %dma_start3A] : memref<16x640xf32, #tpu.memory_space<vmem>> -> memref<1x640xf32, #tpu.memory_space<vmem>>
      %dma_start3A_82 = tpu.memref_squeeze %dma_start3A_81 : memref<1x640xf32, #tpu.memory_space<vmem>> -> memref<640xf32, #tpu.memory_space<vmem>>
      %dma_start3A_83 = tpu.memref_slice %arg9[%run_scoped3A_58, %mul3A_57] : memref<16x10240xf32, #tpu.memory_space<vmem_shared>> -> memref<1x640xf32, #tpu.memory_space<vmem_shared>>
      %dma_start3A_84 = tpu.memref_squeeze %dma_start3A_83 : memref<1x640xf32, #tpu.memory_space<vmem_shared>> -> memref<640xf32, #tpu.memory_space<vmem_shared>>
      %dma_start3A_85 = arith.constant 0 : i32
      %dma_start3A_86 = tpu.memref_slice %arg7[%run_scoped3A_59, %dma_start3A_85] : memref<16x640xf32, #tpu.memory_space<vmem>> -> memref<1x640xf32, #tpu.memory_space<vmem>>
      %dma_start3A_87 = tpu.memref_squeeze %dma_start3A_86 : memref<1x640xf32, #tpu.memory_space<vmem>> -> memref<640xf32, #tpu.memory_space<vmem>>
      %dma_start3A_88 = tpu.memref_slice %arg9[%run_scoped3A_58, %mul3A_57] : memref<16x10240xf32, #tpu.memory_space<vmem_shared>> -> memref<1x640xf32, #tpu.memory_space<vmem_shared>>
      %dma_start3A_89 = tpu.memref_squeeze %dma_start3A_88 : memref<1x640xf32, #tpu.memory_space<vmem_shared>> -> memref<640xf32, #tpu.memory_space<vmem_shared>>
      tpu.enqueue_dma source(%dma_start3A_89 : memref<640xf32, #tpu.memory_space<vmem_shared>>) target(%dma_start3A_87 : memref<640xf32, #tpu.memory_space<vmem>>) target_semaphore(%run_scoped3A_80 : memref<!tpu.dma_semaphore, #tpu.memory_space<semaphore_mem>>)
      %dma_wait3A = arith.constant 0 : i32
      %dma_wait3A_90 = tpu.memref_slice %arg7[%run_scoped3A_59, %dma_wait3A] : memref<16x640xf32, #tpu.memory_space<vmem>> -> memref<1x640xf32, #tpu.memory_space<vmem>>
      %dma_wait3A_91 = tpu.memref_squeeze %dma_wait3A_90 : memref<1x640xf32, #tpu.memory_space<vmem>> -> memref<640xf32, #tpu.memory_space<vmem>>
      %dma_wait3A_92 = tpu.memref_slice %arg9[%run_scoped3A_58, %mul3A_57] : memref<16x10240xf32, #tpu.memory_space<vmem_shared>> -> memref<1x640xf32, #tpu.memory_space<vmem_shared>>
      %dma_wait3A_93 = tpu.memref_squeeze %dma_wait3A_92 : memref<1x640xf32, #tpu.memory_space<vmem_shared>> -> memref<640xf32, #tpu.memory_space<vmem_shared>>
      %dma_wait3A_94 = arith.constant 0 : i32
      %dma_wait3A_95 = tpu.memref_slice %arg7[%run_scoped3A_59, %dma_wait3A_94] : memref<16x640xf32, #tpu.memory_space<vmem>> -> memref<1x640xf32, #tpu.memory_space<vmem>>
      %dma_wait3A_96 = tpu.memref_squeeze %dma_wait3A_95 : memref<1x640xf32, #tpu.memory_space<vmem>> -> memref<640xf32, #tpu.memory_space<vmem>>
      %dma_wait3A_97 = tpu.memref_slice %arg9[%run_scoped3A_58, %mul3A_57] : memref<16x10240xf32, #tpu.memory_space<vmem_shared>> -> memref<1x640xf32, #tpu.memory_space<vmem_shared>>
      %dma_wait3A_98 = tpu.memref_squeeze %dma_wait3A_97 : memref<1x640xf32, #tpu.memory_space<vmem_shared>> -> memref<640xf32, #tpu.memory_space<vmem_shared>>
      tpu.wait_dma2 semaphore(%run_scoped3A_80 : memref<!tpu.dma_semaphore, #tpu.memory_space<semaphore_mem>>) src(%dma_wait3A_98 : memref<640xf32, #tpu.memory_space<vmem_shared>>) dst(%dma_wait3A_96 : memref<640xf32, #tpu.memory_space<vmem>>)
      tpu.yield
    }) : () -> ()
    %mul3A_60 = arith.constant 640 : i32
    %mul3A_61 = arith.muli %arg1, %mul3A_60 : i32
    %run_scoped3A_62 = arith.constant 13 : i32
    %run_scoped3A_63 = arith.constant 13 : i32
    "tpu.region"() ({
      %run_scoped3A_80 = tpu.sem_alloc : memref<!tpu.dma_semaphore, #tpu.memory_space<semaphore_mem>>
      %dma_start3A = arith.constant 0 : i32
      %dma_start3A_81 = tpu.memref_slice %arg7[%run_scoped3A_63, %dma_start3A] : memref<16x640xf32, #tpu.memory_space<vmem>> -> memref<1x640xf32, #tpu.memory_space<vmem>>
      %dma_start3A_82 = tpu.memref_squeeze %dma_start3A_81 : memref<1x640xf32, #tpu.memory_space<vmem>> -> memref<640xf32, #tpu.memory_space<vmem>>
      %dma_start3A_83 = tpu.memref_slice %arg9[%run_scoped3A_62, %mul3A_61] : memref<16x10240xf32, #tpu.memory_space<vmem_shared>> -> memref<1x640xf32, #tpu.memory_space<vmem_shared>>
      %dma_start3A_84 = tpu.memref_squeeze %dma_start3A_83 : memref<1x640xf32, #tpu.memory_space<vmem_shared>> -> memref<640xf32, #tpu.memory_space<vmem_shared>>
      %dma_start3A_85 = arith.constant 0 : i32
      %dma_start3A_86 = tpu.memref_slice %arg7[%run_scoped3A_63, %dma_start3A_85] : memref<16x640xf32, #tpu.memory_space<vmem>> -> memref<1x640xf32, #tpu.memory_space<vmem>>
      %dma_start3A_87 = tpu.memref_squeeze %dma_start3A_86 : memref<1x640xf32, #tpu.memory_space<vmem>> -> memref<640xf32, #tpu.memory_space<vmem>>
      %dma_start3A_88 = tpu.memref_slice %arg9[%run_scoped3A_62, %mul3A_61] : memref<16x10240xf32, #tpu.memory_space<vmem_shared>> -> memref<1x640xf32, #tpu.memory_space<vmem_shared>>
      %dma_start3A_89 = tpu.memref_squeeze %dma_start3A_88 : memref<1x640xf32, #tpu.memory_space<vmem_shared>> -> memref<640xf32, #tpu.memory_space<vmem_shared>>
      tpu.enqueue_dma source(%dma_start3A_89 : memref<640xf32, #tpu.memory_space<vmem_shared>>) target(%dma_start3A_87 : memref<640xf32, #tpu.memory_space<vmem>>) target_semaphore(%run_scoped3A_80 : memref<!tpu.dma_semaphore, #tpu.memory_space<semaphore_mem>>)
      %dma_wait3A = arith.constant 0 : i32
      %dma_wait3A_90 = tpu.memref_slice %arg7[%run_scoped3A_63, %dma_wait3A] : memref<16x640xf32, #tpu.memory_space<vmem>> -> memref<1x640xf32, #tpu.memory_space<vmem>>
      %dma_wait3A_91 = tpu.memref_squeeze %dma_wait3A_90 : memref<1x640xf32, #tpu.memory_space<vmem>> -> memref<640xf32, #tpu.memory_space<vmem>>
      %dma_wait3A_92 = tpu.memref_slice %arg9[%run_scoped3A_62, %mul3A_61] : memref<16x10240xf32, #tpu.memory_space<vmem_shared>> -> memref<1x640xf32, #tpu.memory_space<vmem_shared>>
      %dma_wait3A_93 = tpu.memref_squeeze %dma_wait3A_92 : memref<1x640xf32, #tpu.memory_space<vmem_shared>> -> memref<640xf32, #tpu.memory_space<vmem_shared>>
      %dma_wait3A_94 = arith.constant 0 : i32
      %dma_wait3A_95 = tpu.memref_slice %arg7[%run_scoped3A_63, %dma_wait3A_94] : memref<16x640xf32, #tpu.memory_space<vmem>> -> memref<1x640xf32, #tpu.memory_space<vmem>>
      %dma_wait3A_96 = tpu.memref_squeeze %dma_wait3A_95 : memref<1x640xf32, #tpu.memory_space<vmem>> -> memref<640xf32, #tpu.memory_space<vmem>>
      %dma_wait3A_97 = tpu.memref_slice %arg9[%run_scoped3A_62, %mul3A_61] : memref<16x10240xf32, #tpu.memory_space<vmem_shared>> -> memref<1x640xf32, #tpu.memory_space<vmem_shared>>
      %dma_wait3A_98 = tpu.memref_squeeze %dma_wait3A_97 : memref<1x640xf32, #tpu.memory_space<vmem_shared>> -> memref<640xf32, #tpu.memory_space<vmem_shared>>
      tpu.wait_dma2 semaphore(%run_scoped3A_80 : memref<!tpu.dma_semaphore, #tpu.memory_space<semaphore_mem>>) src(%dma_wait3A_98 : memref<640xf32, #tpu.memory_space<vmem_shared>>) dst(%dma_wait3A_96 : memref<640xf32, #tpu.memory_space<vmem>>)
      tpu.yield
    }) : () -> ()
    %mul3A_64 = arith.constant 640 : i32
    %mul3A_65 = arith.muli %arg1, %mul3A_64 : i32
    %run_scoped3A_66 = arith.constant 14 : i32
    %run_scoped3A_67 = arith.constant 14 : i32
    "tpu.region"() ({
      %run_scoped3A_80 = tpu.sem_alloc : memref<!tpu.dma_semaphore, #tpu.memory_space<semaphore_mem>>
      %dma_start3A = arith.constant 0 : i32
      %dma_start3A_81 = tpu.memref_slice %arg7[%run_scoped3A_67, %dma_start3A] : memref<16x640xf32, #tpu.memory_space<vmem>> -> memref<1x640xf32, #tpu.memory_space<vmem>>
      %dma_start3A_82 = tpu.memref_squeeze %dma_start3A_81 : memref<1x640xf32, #tpu.memory_space<vmem>> -> memref<640xf32, #tpu.memory_space<vmem>>
      %dma_start3A_83 = tpu.memref_slice %arg9[%run_scoped3A_66, %mul3A_65] : memref<16x10240xf32, #tpu.memory_space<vmem_shared>> -> memref<1x640xf32, #tpu.memory_space<vmem_shared>>
      %dma_start3A_84 = tpu.memref_squeeze %dma_start3A_83 : memref<1x640xf32, #tpu.memory_space<vmem_shared>> -> memref<640xf32, #tpu.memory_space<vmem_shared>>
      %dma_start3A_85 = arith.constant 0 : i32
      %dma_start3A_86 = tpu.memref_slice %arg7[%run_scoped3A_67, %dma_start3A_85] : memref<16x640xf32, #tpu.memory_space<vmem>> -> memref<1x640xf32, #tpu.memory_space<vmem>>
      %dma_start3A_87 = tpu.memref_squeeze %dma_start3A_86 : memref<1x640xf32, #tpu.memory_space<vmem>> -> memref<640xf32, #tpu.memory_space<vmem>>
      %dma_start3A_88 = tpu.memref_slice %arg9[%run_scoped3A_66, %mul3A_65] : memref<16x10240xf32, #tpu.memory_space<vmem_shared>> -> memref<1x640xf32, #tpu.memory_space<vmem_shared>>
      %dma_start3A_89 = tpu.memref_squeeze %dma_start3A_88 : memref<1x640xf32, #tpu.memory_space<vmem_shared>> -> memref<640xf32, #tpu.memory_space<vmem_shared>>
      tpu.enqueue_dma source(%dma_start3A_89 : memref<640xf32, #tpu.memory_space<vmem_shared>>) target(%dma_start3A_87 : memref<640xf32, #tpu.memory_space<vmem>>) target_semaphore(%run_scoped3A_80 : memref<!tpu.dma_semaphore, #tpu.memory_space<semaphore_mem>>)
      %dma_wait3A = arith.constant 0 : i32
      %dma_wait3A_90 = tpu.memref_slice %arg7[%run_scoped3A_67, %dma_wait3A] : memref<16x640xf32, #tpu.memory_space<vmem>> -> memref<1x640xf32, #tpu.memory_space<vmem>>
      %dma_wait3A_91 = tpu.memref_squeeze %dma_wait3A_90 : memref<1x640xf32, #tpu.memory_space<vmem>> -> memref<640xf32, #tpu.memory_space<vmem>>
      %dma_wait3A_92 = tpu.memref_slice %arg9[%run_scoped3A_66, %mul3A_65] : memref<16x10240xf32, #tpu.memory_space<vmem_shared>> -> memref<1x640xf32, #tpu.memory_space<vmem_shared>>
      %dma_wait3A_93 = tpu.memref_squeeze %dma_wait3A_92 : memref<1x640xf32, #tpu.memory_space<vmem_shared>> -> memref<640xf32, #tpu.memory_space<vmem_shared>>
      %dma_wait3A_94 = arith.constant 0 : i32
      %dma_wait3A_95 = tpu.memref_slice %arg7[%run_scoped3A_67, %dma_wait3A_94] : memref<16x640xf32, #tpu.memory_space<vmem>> -> memref<1x640xf32, #tpu.memory_space<vmem>>
      %dma_wait3A_96 = tpu.memref_squeeze %dma_wait3A_95 : memref<1x640xf32, #tpu.memory_space<vmem>> -> memref<640xf32, #tpu.memory_space<vmem>>
      %dma_wait3A_97 = tpu.memref_slice %arg9[%run_scoped3A_66, %mul3A_65] : memref<16x10240xf32, #tpu.memory_space<vmem_shared>> -> memref<1x640xf32, #tpu.memory_space<vmem_shared>>
      %dma_wait3A_98 = tpu.memref_squeeze %dma_wait3A_97 : memref<1x640xf32, #tpu.memory_space<vmem_shared>> -> memref<640xf32, #tpu.memory_space<vmem_shared>>
      tpu.wait_dma2 semaphore(%run_scoped3A_80 : memref<!tpu.dma_semaphore, #tpu.memory_space<semaphore_mem>>) src(%dma_wait3A_98 : memref<640xf32, #tpu.memory_space<vmem_shared>>) dst(%dma_wait3A_96 : memref<640xf32, #tpu.memory_space<vmem>>)
      tpu.yield
    }) : () -> ()
    %mul3A_68 = arith.constant 640 : i32
    %mul3A_69 = arith.muli %arg1, %mul3A_68 : i32
    %run_scoped3A_70 = arith.constant 15 : i32
    %run_scoped3A_71 = arith.constant 15 : i32
    "tpu.region"() ({
      %run_scoped3A_80 = tpu.sem_alloc : memref<!tpu.dma_semaphore, #tpu.memory_space<semaphore_mem>>
      %dma_start3A = arith.constant 0 : i32
      %dma_start3A_81 = tpu.memref_slice %arg7[%run_scoped3A_71, %dma_start3A] : memref<16x640xf32, #tpu.memory_space<vmem>> -> memref<1x640xf32, #tpu.memory_space<vmem>>
      %dma_start3A_82 = tpu.memref_squeeze %dma_start3A_81 : memref<1x640xf32, #tpu.memory_space<vmem>> -> memref<640xf32, #tpu.memory_space<vmem>>
      %dma_start3A_83 = tpu.memref_slice %arg9[%run_scoped3A_70, %mul3A_69] : memref<16x10240xf32, #tpu.memory_space<vmem_shared>> -> memref<1x640xf32, #tpu.memory_space<vmem_shared>>
      %dma_start3A_84 = tpu.memref_squeeze %dma_start3A_83 : memref<1x640xf32, #tpu.memory_space<vmem_shared>> -> memref<640xf32, #tpu.memory_space<vmem_shared>>
      %dma_start3A_85 = arith.constant 0 : i32
      %dma_start3A_86 = tpu.memref_slice %arg7[%run_scoped3A_71, %dma_start3A_85] : memref<16x640xf32, #tpu.memory_space<vmem>> -> memref<1x640xf32, #tpu.memory_space<vmem>>
      %dma_start3A_87 = tpu.memref_squeeze %dma_start3A_86 : memref<1x640xf32, #tpu.memory_space<vmem>> -> memref<640xf32, #tpu.memory_space<vmem>>
      %dma_start3A_88 = tpu.memref_slice %arg9[%run_scoped3A_70, %mul3A_69] : memref<16x10240xf32, #tpu.memory_space<vmem_shared>> -> memref<1x640xf32, #tpu.memory_space<vmem_shared>>
      %dma_start3A_89 = tpu.memref_squeeze %dma_start3A_88 : memref<1x640xf32, #tpu.memory_space<vmem_shared>> -> memref<640xf32, #tpu.memory_space<vmem_shared>>
      tpu.enqueue_dma source(%dma_start3A_89 : memref<640xf32, #tpu.memory_space<vmem_shared>>) target(%dma_start3A_87 : memref<640xf32, #tpu.memory_space<vmem>>) target_semaphore(%run_scoped3A_80 : memref<!tpu.dma_semaphore, #tpu.memory_space<semaphore_mem>>)
      %dma_wait3A = arith.constant 0 : i32
      %dma_wait3A_90 = tpu.memref_slice %arg7[%run_scoped3A_71, %dma_wait3A] : memref<16x640xf32, #tpu.memory_space<vmem>> -> memref<1x640xf32, #tpu.memory_space<vmem>>
      %dma_wait3A_91 = tpu.memref_squeeze %dma_wait3A_90 : memref<1x640xf32, #tpu.memory_space<vmem>> -> memref<640xf32, #tpu.memory_space<vmem>>
      %dma_wait3A_92 = tpu.memref_slice %arg9[%run_scoped3A_70, %mul3A_69] : memref<16x10240xf32, #tpu.memory_space<vmem_shared>> -> memref<1x640xf32, #tpu.memory_space<vmem_shared>>
      %dma_wait3A_93 = tpu.memref_squeeze %dma_wait3A_92 : memref<1x640xf32, #tpu.memory_space<vmem_shared>> -> memref<640xf32, #tpu.memory_space<vmem_shared>>
      %dma_wait3A_94 = arith.constant 0 : i32
      %dma_wait3A_95 = tpu.memref_slice %arg7[%run_scoped3A_71, %dma_wait3A_94] : memref<16x640xf32, #tpu.memory_space<vmem>> -> memref<1x640xf32, #tpu.memory_space<vmem>>
      %dma_wait3A_96 = tpu.memref_squeeze %dma_wait3A_95 : memref<1x640xf32, #tpu.memory_space<vmem>> -> memref<640xf32, #tpu.memory_space<vmem>>
      %dma_wait3A_97 = tpu.memref_slice %arg9[%run_scoped3A_70, %mul3A_69] : memref<16x10240xf32, #tpu.memory_space<vmem_shared>> -> memref<1x640xf32, #tpu.memory_space<vmem_shared>>
      %dma_wait3A_98 = tpu.memref_squeeze %dma_wait3A_97 : memref<1x640xf32, #tpu.memory_space<vmem_shared>> -> memref<640xf32, #tpu.memory_space<vmem_shared>>
      tpu.wait_dma2 semaphore(%run_scoped3A_80 : memref<!tpu.dma_semaphore, #tpu.memory_space<semaphore_mem>>) src(%dma_wait3A_98 : memref<640xf32, #tpu.memory_space<vmem_shared>>) dst(%dma_wait3A_96 : memref<640xf32, #tpu.memory_space<vmem>>)
      tpu.yield
    }) : () -> ()
    %scan3A_72 = arith.constant 0 : i32
    %scan3A_73 = arith.constant 0 : i32
    %scan3A_74 = arith.constant 40 : i32
    %scan3A_75 = arith.addi %scan3A_73, %scan3A_74 : i32
    %scan3A_76 = arith.constant 1 : i32
    scf.for %scan3A_80 = %scan3A_73 to %scan3A_75 step %scan3A_76  : i32 {
      %mul3A_81 = arith.constant 16 : i32
      %mul3A_82 = arith.muli %scan3A_80, %mul3A_81 : i32
      %get3A = arith.constant 0 : i32
      %get3A_83 = arith.index_cast %get3A : i32 to index
      %get3A_84 = arith.index_cast %mul3A_82 : i32 to index
      %get3A_85 = tpu.vector_load %arg7[%get3A_83, %get3A_84] {strides = array<i32>} : memref<16x640xf32, #tpu.memory_space<vmem>>, vector<16xf32>,
      %get3A_86 = arith.constant 1 : i32
      %get3A_87 = arith.index_cast %get3A_86 : i32 to index
      %get3A_88 = arith.index_cast %mul3A_82 : i32 to index
      %get3A_89 = tpu.vector_load %arg7[%get3A_87, %get3A_88] {strides = array<i32>} : memref<16x640xf32, #tpu.memory_space<vmem>>, vector<16xf32>,
      %add3A_90 = arith.addf %get3A_85, %get3A_89 : vector<16xf32>
      %get3A_91 = arith.constant 2 : i32
      %get3A_92 = arith.index_cast %get3A_91 : i32 to index
      %get3A_93 = arith.index_cast %mul3A_82 : i32 to index
      %get3A_94 = tpu.vector_load %arg7[%get3A_92, %get3A_93] {strides = array<i32>} : memref<16x640xf32, #tpu.memory_space<vmem>>, vector<16xf32>,
      %add3A_95 = arith.addf %add3A_90, %get3A_94 : vector<16xf32>
      %get3A_96 = arith.constant 3 : i32
      %get3A_97 = arith.index_cast %get3A_96 : i32 to index
      %get3A_98 = arith.index_cast %mul3A_82 : i32 to index
      %get3A_99 = tpu.vector_load %arg7[%get3A_97, %get3A_98] {strides = array<i32>} : memref<16x640xf32, #tpu.memory_space<vmem>>, vector<16xf32>,
      %add3A_100 = arith.addf %add3A_95, %get3A_99 : vector<16xf32>
      %get3A_101 = arith.constant 4 : i32
      %get3A_102 = arith.index_cast %get3A_101 : i32 to index
      %get3A_103 = arith.index_cast %mul3A_82 : i32 to index
      %get3A_104 = tpu.vector_load %arg7[%get3A_102, %get3A_103] {strides = array<i32>} : memref<16x640xf32, #tpu.memory_space<vmem>>, vector<16xf32>,
      %add3A_105 = arith.addf %add3A_100, %get3A_104 : vector<16xf32>
      %get3A_106 = arith.constant 5 : i32
      %get3A_107 = arith.index_cast %get3A_106 : i32 to index
      %get3A_108 = arith.index_cast %mul3A_82 : i32 to index
      %get3A_109 = tpu.vector_load %arg7[%get3A_107, %get3A_108] {strides = array<i32>} : memref<16x640xf32, #tpu.memory_space<vmem>>, vector<16xf32>,
      %add3A_110 = arith.addf %add3A_105, %get3A_109 : vector<16xf32>
      %get3A_111 = arith.constant 6 : i32
      %get3A_112 = arith.index_cast %get3A_111 : i32 to index
      %get3A_113 = arith.index_cast %mul3A_82 : i32 to index
      %get3A_114 = tpu.vector_load %arg7[%get3A_112, %get3A_113] {strides = array<i32>} : memref<16x640xf32, #tpu.memory_space<vmem>>, vector<16xf32>,
      %add3A_115 = arith.addf %add3A_110, %get3A_114 : vector<16xf32>
      %get3A_116 = arith.constant 7 : i32
      %get3A_117 = arith.index_cast %get3A_116 : i32 to index
      %get3A_118 = arith.index_cast %mul3A_82 : i32 to index
      %get3A_119 = tpu.vector_load %arg7[%get3A_117, %get3A_118] {strides = array<i32>} : memref<16x640xf32, #tpu.memory_space<vmem>>, vector<16xf32>,
      %add3A_120 = arith.addf %add3A_115, %get3A_119 : vector<16xf32>
      %get3A_121 = arith.constant 8 : i32
      %get3A_122 = arith.index_cast %get3A_121 : i32 to index
      %get3A_123 = arith.index_cast %mul3A_82 : i32 to index
      %get3A_124 = tpu.vector_load %arg7[%get3A_122, %get3A_123] {strides = array<i32>} : memref<16x640xf32, #tpu.memory_space<vmem>>, vector<16xf32>,
      %add3A_125 = arith.addf %add3A_120, %get3A_124 : vector<16xf32>
      %get3A_126 = arith.constant 9 : i32
      %get3A_127 = arith.index_cast %get3A_126 : i32 to index
      %get3A_128 = arith.index_cast %mul3A_82 : i32 to index
      %get3A_129 = tpu.vector_load %arg7[%get3A_127, %get3A_128] {strides = array<i32>} : memref<16x640xf32, #tpu.memory_space<vmem>>, vector<16xf32>,
      %add3A_130 = arith.addf %add3A_125, %get3A_129 : vector<16xf32>
      %get3A_131 = arith.constant 10 : i32
      %get3A_132 = arith.index_cast %get3A_131 : i32 to index
      %get3A_133 = arith.index_cast %mul3A_82 : i32 to index
      %get3A_134 = tpu.vector_load %arg7[%get3A_132, %get3A_133] {strides = array<i32>} : memref<16x640xf32, #tpu.memory_space<vmem>>, vector<16xf32>,
      %add3A_135 = arith.addf %add3A_130, %get3A_134 : vector<16xf32>
      %get3A_136 = arith.constant 11 : i32
      %get3A_137 = arith.index_cast %get3A_136 : i32 to index
      %get3A_138 = arith.index_cast %mul3A_82 : i32 to index
      %get3A_139 = tpu.vector_load %arg7[%get3A_137, %get3A_138] {strides = array<i32>} : memref<16x640xf32, #tpu.memory_space<vmem>>, vector<16xf32>,
      %add3A_140 = arith.addf %add3A_135, %get3A_139 : vector<16xf32>
      %get3A_141 = arith.constant 12 : i32
      %get3A_142 = arith.index_cast %get3A_141 : i32 to index
      %get3A_143 = arith.index_cast %mul3A_82 : i32 to index
      %get3A_144 = tpu.vector_load %arg7[%get3A_142, %get3A_143] {strides = array<i32>} : memref<16x640xf32, #tpu.memory_space<vmem>>, vector<16xf32>,
      %add3A_145 = arith.addf %add3A_140, %get3A_144 : vector<16xf32>
      %get3A_146 = arith.constant 13 : i32
      %get3A_147 = arith.index_cast %get3A_146 : i32 to index
      %get3A_148 = arith.index_cast %mul3A_82 : i32 to index
      %get3A_149 = tpu.vector_load %arg7[%get3A_147, %get3A_148] {strides = array<i32>} : memref<16x640xf32, #tpu.memory_space<vmem>>, vector<16xf32>,
      %add3A_150 = arith.addf %add3A_145, %get3A_149 : vector<16xf32>
      %get3A_151 = arith.constant 14 : i32
      %get3A_152 = arith.index_cast %get3A_151 : i32 to index
      %get3A_153 = arith.index_cast %mul3A_82 : i32 to index
      %get3A_154 = tpu.vector_load %arg7[%get3A_152, %get3A_153] {strides = array<i32>} : memref<16x640xf32, #tpu.memory_space<vmem>>, vector<16xf32>,
      %add3A_155 = arith.addf %add3A_150, %get3A_154 : vector<16xf32>
      %get3A_156 = arith.constant 15 : i32
      %get3A_157 = arith.index_cast %get3A_156 : i32 to index
      %get3A_158 = arith.index_cast %mul3A_82 : i32 to index
      %get3A_159 = tpu.vector_load %arg7[%get3A_157, %get3A_158] {strides = array<i32>} : memref<16x640xf32, #tpu.memory_space<vmem>>, vector<16xf32>,
      %add3A_160 = arith.addf %add3A_155, %get3A_159 : vector<16xf32>
      %swap3A = arith.index_cast %mul3A_82 : i32 to index
      %swap3A_161 = tpu.vector_load %arg8[%swap3A] {strides = array<i32>} : memref<640xf32, #tpu.memory_space<vmem>>, vector<16xf32>,
      tpu.vector_store %arg8[%swap3A], %add3A_160 {strides = array<i32>} : memref<640xf32, #tpu.memory_space<vmem>>, vector<16xf32>,
    }
    %scan3A_77 = arith.constant 40 : i32
    %mul3A_78 = arith.constant 640 : i32
    %mul3A_79 = arith.muli %arg1, %mul3A_78 : i32
    "tpu.region"() ({
      %run_scoped3A_80 = tpu.sem_alloc : memref<!tpu.dma_semaphore, #tpu.memory_space<semaphore_mem>>
      %dma_start3A = tpu.memref_slice %arg4[%arg0, %mul3A_79] : memref<2x10240xf32, #tpu.memory_space<hbm>> -> memref<1x640xf32, #tpu.memory_space<hbm>>
      %dma_start3A_81 = tpu.memref_squeeze %dma_start3A : memref<1x640xf32, #tpu.memory_space<hbm>> -> memref<640xf32, #tpu.memory_space<hbm>>
      %dma_start3A_82 = tpu.memref_slice %arg4[%arg0, %mul3A_79] : memref<2x10240xf32, #tpu.memory_space<hbm>> -> memref<1x640xf32, #tpu.memory_space<hbm>>
      %dma_start3A_83 = tpu.memref_squeeze %dma_start3A_82 : memref<1x640xf32, #tpu.memory_space<hbm>> -> memref<640xf32, #tpu.memory_space<hbm>>
      tpu.enqueue_dma source(%arg8 : memref<640xf32, #tpu.memory_space<vmem>>) target(%dma_start3A_83 : memref<640xf32, #tpu.memory_space<hbm>>) target_semaphore(%run_scoped3A_80 : memref<!tpu.dma_semaphore, #tpu.memory_space<semaphore_mem>>)
      %dma_wait3A = tpu.memref_slice %arg4[%arg0, %mul3A_79] : memref<2x10240xf32, #tpu.memory_space<hbm>> -> memref<1x640xf32, #tpu.memory_space<hbm>>
      %dma_wait3A_84 = tpu.memref_squeeze %dma_wait3A : memref<1x640xf32, #tpu.memory_space<hbm>> -> memref<640xf32, #tpu.memory_space<hbm>>
      %dma_wait3A_85 = tpu.memref_slice %arg4[%arg0, %mul3A_79] : memref<2x10240xf32, #tpu.memory_space<hbm>> -> memref<1x640xf32, #tpu.memory_space<hbm>>
      %dma_wait3A_86 = tpu.memref_squeeze %dma_wait3A_85 : memref<1x640xf32, #tpu.memory_space<hbm>> -> memref<640xf32, #tpu.memory_space<hbm>>
      tpu.wait_dma2 semaphore(%run_scoped3A_80 : memref<!tpu.dma_semaphore, #tpu.memory_space<semaphore_mem>>) src(%arg8 : memref<640xf32, #tpu.memory_space<vmem>>) dst(%dma_wait3A_86 : memref<640xf32, #tpu.memory_space<hbm>>)
      tpu.yield
    }) : () -> ()
    return
  }
}

#map = affine_map<(d0, d1) -> (0, 0)>
#map1 = affine_map<(d0, d1) -> (0)>
#map2 = affine_map<(d0, d1) -> (0, 0, 0)>
module attributes {stable_mosaic.version = 14 : i64} {
  func.func @_scat_kernel(%arg0: i32, %arg1: i32, %arg2: memref<20480x128xf32, #tpu.memory_space<hbm>>, %arg3: memref<327680xi32, #tpu.memory_space<hbm>>, %arg4: memref<2560x64xi32, #tpu.memory_space<hbm>>, %arg5: memref<2x10240x128xf32, #tpu.memory_space<hbm>>, %arg6: memref<5120xi32, #tpu.memory_space<vmem>>, %arg7: memref<80x64xi32, #tpu.memory_space<vmem>>, %arg8: memref<64x128xf32, #tpu.memory_space<vmem>>, %arg9: memref<64x128xf32, #tpu.memory_space<vmem>>, %arg10: memref<64x128xf32, #tpu.memory_space<vmem>>, %arg11: memref<64x128xf32, #tpu.memory_space<vmem>>, %arg12: memref<10240x128xf32, #tpu.memory_space<vmem_shared>>, %arg13: memref<!tpu.dma_semaphore, #tpu.memory_space<semaphore_mem>>, %arg14: memref<!tpu.dma_semaphore, #tpu.memory_space<semaphore_mem>>, %arg15: memref<!tpu.dma_semaphore, #tpu.memory_space<semaphore_mem>>, %arg16: memref<!tpu.dma_semaphore, #tpu.memory_space<semaphore_mem>>, %arg17: memref<!tpu.dma_semaphore, #tpu.memory_space<semaphore_mem>>, %arg18: memref<!tpu.dma_semaphore, #tpu.memory_space<semaphore_mem>>, %arg19: memref<!tpu.dma_semaphore, #tpu.memory_space<semaphore_mem>>, %arg20: memref<!tpu.dma_semaphore, #tpu.memory_space<semaphore_mem>>) attributes {dimension_semantics = [#tpu.dimension_semantics<core_parallel>, #tpu.dimension_semantics<subcore_parallel>], iteration_bounds = array<i64: 2, 16>, scalar_prefetch = 0 : i64, scratch_operands = 15 : i64, tpu.core_type = #tpu.core_type<sc_vector_subcore>, window_params = [{transform_indices = #map}, {transform_indices = #map1}, {transform_indices = #map}, {transform_indices = #map2}]} {
    %mul3A = arith.constant 10240 : i32
    %mul3A_0 = arith.muli %arg0, %mul3A : i32
    %mul3A_1 = arith.constant 640 : i32
    %mul3A_2 = arith.muli %arg1, %mul3A_1 : i32
    %add3A = arith.addi %mul3A_0, %mul3A_2 : i32
    %mul3A_3 = arith.constant 640 : i32
    %mul3A_4 = arith.muli %arg1, %mul3A_3 : i32
    %dma_start3A = arith.constant 0 : i32
    %dma_start3A_5 = tpu.memref_slice %arg12[%mul3A_4, %dma_start3A] : memref<10240x128xf32, #tpu.memory_space<vmem_shared>> -> memref<640x128xf32, #tpu.memory_space<vmem_shared>>
    %dma_start3A_6 = arith.constant 0 : i32
    %dma_start3A_7 = tpu.memref_slice %arg2[%add3A, %dma_start3A_6] : memref<20480x128xf32, #tpu.memory_space<hbm>> -> memref<640x128xf32, #tpu.memory_space<hbm>>
    tpu.enqueue_dma source(%dma_start3A_7 : memref<640x128xf32, #tpu.memory_space<hbm>>) target(%dma_start3A_5 : memref<640x128xf32, #tpu.memory_space<vmem_shared>>) target_semaphore(%arg13 : memref<!tpu.dma_semaphore, #tpu.memory_space<semaphore_mem>>)
    %mul3A_8 = arith.constant 163840 : i32
    %mul3A_9 = arith.muli %arg0, %mul3A_8 : i32
    %mul3A_10 = arith.constant 10240 : i32
    %mul3A_11 = arith.muli %arg1, %mul3A_10 : i32
    %add3A_12 = arith.addi %mul3A_9, %mul3A_11 : i32
    %add3A_13 = arith.constant 0 : i32
    %add3A_14 = arith.addi %add3A_12, %add3A_13 : i32
    "tpu.region"() ({
      %run_scoped3A = tpu.sem_alloc : memref<!tpu.dma_semaphore, #tpu.memory_space<semaphore_mem>>
      %dma_start3A_49 = tpu.memref_slice %arg3[%add3A_14] : memref<327680xi32, #tpu.memory_space<hbm>> -> memref<5120xi32, #tpu.memory_space<hbm>>
      %dma_start3A_50 = tpu.memref_slice %arg3[%add3A_14] : memref<327680xi32, #tpu.memory_space<hbm>> -> memref<5120xi32, #tpu.memory_space<hbm>>
      tpu.enqueue_dma source(%dma_start3A_50 : memref<5120xi32, #tpu.memory_space<hbm>>) target(%arg6 : memref<5120xi32, #tpu.memory_space<vmem>>) target_semaphore(%run_scoped3A : memref<!tpu.dma_semaphore, #tpu.memory_space<semaphore_mem>>)
      %dma_wait3A_51 = tpu.memref_slice %arg3[%add3A_14] : memref<327680xi32, #tpu.memory_space<hbm>> -> memref<5120xi32, #tpu.memory_space<hbm>>
      %dma_wait3A_52 = tpu.memref_slice %arg3[%add3A_14] : memref<327680xi32, #tpu.memory_space<hbm>> -> memref<5120xi32, #tpu.memory_space<hbm>>
      tpu.wait_dma2 semaphore(%run_scoped3A : memref<!tpu.dma_semaphore, #tpu.memory_space<semaphore_mem>>) src(%dma_wait3A_52 : memref<5120xi32, #tpu.memory_space<hbm>>) dst(%arg6 : memref<5120xi32, #tpu.memory_space<vmem>>)
      tpu.yield
    }) : () -> ()
    %mul3A_15 = arith.constant 160 : i32
    %mul3A_16 = arith.muli %arg1, %mul3A_15 : i32
    %add3A_17 = arith.constant 0 : i32
    %add3A_18 = arith.addi %mul3A_16, %add3A_17 : i32
    "tpu.region"() ({
      %run_scoped3A = tpu.sem_alloc : memref<!tpu.dma_semaphore, #tpu.memory_space<semaphore_mem>>
      %dma_start3A_49 = arith.constant 0 : i32
      %dma_start3A_50 = tpu.memref_slice %arg4[%add3A_18, %dma_start3A_49] : memref<2560x64xi32, #tpu.memory_space<hbm>> -> memref<80x64xi32, #tpu.memory_space<hbm>>
      %dma_start3A_51 = arith.constant 0 : i32
      %dma_start3A_52 = tpu.memref_slice %arg4[%add3A_18, %dma_start3A_51] : memref<2560x64xi32, #tpu.memory_space<hbm>> -> memref<80x64xi32, #tpu.memory_space<hbm>>
      tpu.enqueue_dma source(%dma_start3A_52 : memref<80x64xi32, #tpu.memory_space<hbm>>) target(%arg7 : memref<80x64xi32, #tpu.memory_space<vmem>>) target_semaphore(%run_scoped3A : memref<!tpu.dma_semaphore, #tpu.memory_space<semaphore_mem>>)
      %dma_wait3A_53 = arith.constant 0 : i32
      %dma_wait3A_54 = tpu.memref_slice %arg4[%add3A_18, %dma_wait3A_53] : memref<2560x64xi32, #tpu.memory_space<hbm>> -> memref<80x64xi32, #tpu.memory_space<hbm>>
      %dma_wait3A_55 = arith.constant 0 : i32
      %dma_wait3A_56 = tpu.memref_slice %arg4[%add3A_18, %dma_wait3A_55] : memref<2560x64xi32, #tpu.memory_space<hbm>> -> memref<80x64xi32, #tpu.memory_space<hbm>>
      tpu.wait_dma2 semaphore(%run_scoped3A : memref<!tpu.dma_semaphore, #tpu.memory_space<semaphore_mem>>) src(%dma_wait3A_56 : memref<80x64xi32, #tpu.memory_space<hbm>>) dst(%arg7 : memref<80x64xi32, #tpu.memory_space<vmem>>)
      tpu.yield
    }) : () -> ()
    %dma_wait3A = arith.constant 0 : i32
    %dma_wait3A_19 = tpu.memref_slice %arg12[%mul3A_4, %dma_wait3A] : memref<10240x128xf32, #tpu.memory_space<vmem_shared>> -> memref<640x128xf32, #tpu.memory_space<vmem_shared>>
    %dma_wait3A_20 = arith.constant 0 : i32
    %dma_wait3A_21 = tpu.memref_slice %arg2[%add3A, %dma_wait3A_20] : memref<20480x128xf32, #tpu.memory_space<hbm>> -> memref<640x128xf32, #tpu.memory_space<hbm>>
    tpu.wait_dma2 semaphore(%arg13 : memref<!tpu.dma_semaphore, #tpu.memory_space<semaphore_mem>>) src(%dma_wait3A_21 : memref<640x128xf32, #tpu.memory_space<hbm>>) dst(%dma_wait3A_19 : memref<640x128xf32, #tpu.memory_space<vmem_shared>>)
    %barrier3A = arith.constant 0 : index
    tpu.barrier barrier_id(%barrier3A)
    %scan3A = arith.constant 0 : i32
    %scan3A_22 = arith.constant 0 : i32
    %scan3A_23 = arith.constant 5 : i32
    %scan3A_24 = arith.addi %scan3A_22, %scan3A_23 : i32
    %scan3A_25 = arith.constant 1 : i32
    scf.for %scan3A_49 = %scan3A_22 to %scan3A_24 step %scan3A_25  : i32 {
      %mul3A_50 = arith.constant 16 : i32
      %mul3A_51 = arith.muli %scan3A_49, %mul3A_50 : i32
      %add3A_52 = arith.constant 0 : i32
      %add3A_53 = arith.addi %mul3A_51, %add3A_52 : i32
      %add3A_54 = arith.constant 0 : i32
      %add3A_55 = arith.addi %add3A_53, %add3A_54 : i32
      %mul3A_56 = arith.constant 64 : i32
      %mul3A_57 = arith.muli %add3A_55, %mul3A_56 : i32
      %dma_start3A_58 = tpu.memref_slice %arg6[%mul3A_57] : memref<5120xi32, #tpu.memory_space<vmem>> -> memref<64xi32, #tpu.memory_space<vmem>>
      %dma_start3A_59 = arith.constant 0 : i32
      %dma_start3A_60 = arith.constant 0 : i32
      %dma_start3A_61 = tpu.memref_slice %arg2[%dma_start3A_59, %dma_start3A_60] : memref<20480x128xf32, #tpu.memory_space<hbm>> -> memref<20480x128xf32, #tpu.memory_space<hbm>>
      tpu.enqueue_indirect_dma source(%dma_start3A_61 : memref<20480x128xf32, #tpu.memory_space<hbm>>) target(%arg8 : memref<64x128xf32, #tpu.memory_space<vmem>>) offsets(%dma_start3A_58 : memref<64xi32, #tpu.memory_space<vmem>>) semaphore(%arg13 : memref<!tpu.dma_semaphore, #tpu.memory_space<semaphore_mem>>)
      %mul3A_62 = arith.constant 16 : i32
      %mul3A_63 = arith.muli %scan3A_49, %mul3A_62 : i32
      %add3A_64 = arith.constant 0 : i32
      %add3A_65 = arith.addi %mul3A_63, %add3A_64 : i32
      %add3A_66 = arith.constant 1 : i32
      %add3A_67 = arith.addi %add3A_65, %add3A_66 : i32
      %mul3A_68 = arith.constant 64 : i32
      %mul3A_69 = arith.muli %add3A_67, %mul3A_68 : i32
      %dma_start3A_70 = tpu.memref_slice %arg6[%mul3A_69] : memref<5120xi32, #tpu.memory_space<vmem>> -> memref<64xi32, #tpu.memory_space<vmem>>
      %dma_start3A_71 = arith.constant 0 : i32
      %dma_start3A_72 = arith.constant 0 : i32
      %dma_start3A_73 = tpu.memref_slice %arg2[%dma_start3A_71, %dma_start3A_72] : memref<20480x128xf32, #tpu.memory_space<hbm>> -> memref<20480x128xf32, #tpu.memory_space<hbm>>
      tpu.enqueue_indirect_dma source(%dma_start3A_73 : memref<20480x128xf32, #tpu.memory_space<hbm>>) target(%arg9 : memref<64x128xf32, #tpu.memory_space<vmem>>) offsets(%dma_start3A_70 : memref<64xi32, #tpu.memory_space<vmem>>) semaphore(%arg14 : memref<!tpu.dma_semaphore, #tpu.memory_space<semaphore_mem>>)
      %mul3A_74 = arith.constant 16 : i32
      %mul3A_75 = arith.muli %scan3A_49, %mul3A_74 : i32
      %add3A_76 = arith.constant 0 : i32
      %add3A_77 = arith.addi %mul3A_75, %add3A_76 : i32
      %add3A_78 = arith.constant 2 : i32
      %add3A_79 = arith.addi %add3A_77, %add3A_78 : i32
      %mul3A_80 = arith.constant 64 : i32
      %mul3A_81 = arith.muli %add3A_79, %mul3A_80 : i32
      %dma_start3A_82 = tpu.memref_slice %arg6[%mul3A_81] : memref<5120xi32, #tpu.memory_space<vmem>> -> memref<64xi32, #tpu.memory_space<vmem>>
      %dma_start3A_83 = arith.constant 0 : i32
      %dma_start3A_84 = arith.constant 0 : i32
      %dma_start3A_85 = tpu.memref_slice %arg2[%dma_start3A_83, %dma_start3A_84] : memref<20480x128xf32, #tpu.memory_space<hbm>> -> memref<20480x128xf32, #tpu.memory_space<hbm>>
      tpu.enqueue_indirect_dma source(%dma_start3A_85 : memref<20480x128xf32, #tpu.memory_space<hbm>>) target(%arg10 : memref<64x128xf32, #tpu.memory_space<vmem>>) offsets(%dma_start3A_82 : memref<64xi32, #tpu.memory_space<vmem>>) semaphore(%arg15 : memref<!tpu.dma_semaphore, #tpu.memory_space<semaphore_mem>>)
      %mul3A_86 = arith.constant 16 : i32
      %mul3A_87 = arith.muli %scan3A_49, %mul3A_86 : i32
      %add3A_88 = arith.constant 0 : i32
      %add3A_89 = arith.addi %mul3A_87, %add3A_88 : i32
      %add3A_90 = arith.constant 3 : i32
      %add3A_91 = arith.addi %add3A_89, %add3A_90 : i32
      %mul3A_92 = arith.constant 64 : i32
      %mul3A_93 = arith.muli %add3A_91, %mul3A_92 : i32
      %dma_start3A_94 = tpu.memref_slice %arg6[%mul3A_93] : memref<5120xi32, #tpu.memory_space<vmem>> -> memref<64xi32, #tpu.memory_space<vmem>>
      %dma_start3A_95 = arith.constant 0 : i32
      %dma_start3A_96 = arith.constant 0 : i32
      %dma_start3A_97 = tpu.memref_slice %arg2[%dma_start3A_95, %dma_start3A_96] : memref<20480x128xf32, #tpu.memory_space<hbm>> -> memref<20480x128xf32, #tpu.memory_space<hbm>>
      tpu.enqueue_indirect_dma source(%dma_start3A_97 : memref<20480x128xf32, #tpu.memory_space<hbm>>) target(%arg11 : memref<64x128xf32, #tpu.memory_space<vmem>>) offsets(%dma_start3A_94 : memref<64xi32, #tpu.memory_space<vmem>>) semaphore(%arg16 : memref<!tpu.dma_semaphore, #tpu.memory_space<semaphore_mem>>)
      %mul3A_98 = arith.constant 16 : i32
      %mul3A_99 = arith.muli %scan3A_49, %mul3A_98 : i32
      %add3A_100 = arith.constant 0 : i32
      %add3A_101 = arith.addi %mul3A_99, %add3A_100 : i32
      %add3A_102 = arith.constant 0 : i32
      %add3A_103 = arith.addi %add3A_101, %add3A_102 : i32
      %dma_wait3A_104 = tpu.memref_slice %arg6[%mul3A_57] : memref<5120xi32, #tpu.memory_space<vmem>> -> memref<64xi32, #tpu.memory_space<vmem>>
      %dma_wait3A_105 = arith.constant 0 : i32
      %dma_wait3A_106 = arith.constant 0 : i32
      %dma_wait3A_107 = tpu.memref_slice %arg2[%dma_wait3A_105, %dma_wait3A_106] : memref<20480x128xf32, #tpu.memory_space<hbm>> -> memref<20480x128xf32, #tpu.memory_space<hbm>>
      tpu.wait_indirect_dma semaphore(%arg13 : memref<!tpu.dma_semaphore, #tpu.memory_space<semaphore_mem>>) src(%dma_wait3A_107 : memref<20480x128xf32, #tpu.memory_space<hbm>>) dst(%arg8 : memref<64x128xf32, #tpu.memory_space<vmem>>)
      %dma_start3A_108 = arith.constant 0 : i32
      %dma_start3A_109 = tpu.memref_slice %arg7[%add3A_103, %dma_start3A_108] : memref<80x64xi32, #tpu.memory_space<vmem>> -> memref<1x64xi32, #tpu.memory_space<vmem>>
      %dma_start3A_110 = tpu.memref_squeeze %dma_start3A_109 : memref<1x64xi32, #tpu.memory_space<vmem>> -> memref<64xi32, #tpu.memory_space<vmem>>
      %dma_start3A_111 = arith.constant 0 : i32
      %dma_start3A_112 = arith.constant 0 : i32
      %dma_start3A_113 = tpu.memref_slice %arg12[%dma_start3A_111, %dma_start3A_112] : memref<10240x128xf32, #tpu.memory_space<vmem_shared>> -> memref<10240x128xf32, #tpu.memory_space<vmem_shared>>
      tpu.enqueue_indirect_dma source(%arg8 : memref<64x128xf32, #tpu.memory_space<vmem>>) target(%dma_start3A_113 : memref<10240x128xf32, #tpu.memory_space<vmem_shared>>) offsets(%dma_start3A_110 : memref<64xi32, #tpu.memory_space<vmem>>) semaphore(%arg17 : memref<!tpu.dma_semaphore, #tpu.memory_space<semaphore_mem>>) {add = true}
      %mul3A_114 = arith.constant 16 : i32
      %mul3A_115 = arith.muli %scan3A_49, %mul3A_114 : i32
      %add3A_116 = arith.constant 0 : i32
      %add3A_117 = arith.addi %mul3A_115, %add3A_116 : i32
      %add3A_118 = arith.constant 1 : i32
      %add3A_119 = arith.addi %add3A_117, %add3A_118 : i32
      %dma_wait3A_120 = tpu.memref_slice %arg6[%mul3A_69] : memref<5120xi32, #tpu.memory_space<vmem>> -> memref<64xi32, #tpu.memory_space<vmem>>
      %dma_wait3A_121 = arith.constant 0 : i32
      %dma_wait3A_122 = arith.constant 0 : i32
      %dma_wait3A_123 = tpu.memref_slice %arg2[%dma_wait3A_121, %dma_wait3A_122] : memref<20480x128xf32, #tpu.memory_space<hbm>> -> memref<20480x128xf32, #tpu.memory_space<hbm>>
      tpu.wait_indirect_dma semaphore(%arg14 : memref<!tpu.dma_semaphore, #tpu.memory_space<semaphore_mem>>) src(%dma_wait3A_123 : memref<20480x128xf32, #tpu.memory_space<hbm>>) dst(%arg9 : memref<64x128xf32, #tpu.memory_space<vmem>>)
      %dma_start3A_124 = arith.constant 0 : i32
      %dma_start3A_125 = tpu.memref_slice %arg7[%add3A_119, %dma_start3A_124] : memref<80x64xi32, #tpu.memory_space<vmem>> -> memref<1x64xi32, #tpu.memory_space<vmem>>
      %dma_start3A_126 = tpu.memref_squeeze %dma_start3A_125 : memref<1x64xi32, #tpu.memory_space<vmem>> -> memref<64xi32, #tpu.memory_space<vmem>>
      %dma_start3A_127 = arith.constant 0 : i32
      %dma_start3A_128 = arith.constant 0 : i32
      %dma_start3A_129 = tpu.memref_slice %arg12[%dma_start3A_127, %dma_start3A_128] : memref<10240x128xf32, #tpu.memory_space<vmem_shared>> -> memref<10240x128xf32, #tpu.memory_space<vmem_shared>>
      tpu.enqueue_indirect_dma source(%arg9 : memref<64x128xf32, #tpu.memory_space<vmem>>) target(%dma_start3A_129 : memref<10240x128xf32, #tpu.memory_space<vmem_shared>>) offsets(%dma_start3A_126 : memref<64xi32, #tpu.memory_space<vmem>>) semaphore(%arg18 : memref<!tpu.dma_semaphore, #tpu.memory_space<semaphore_mem>>) {add = true}
      %mul3A_130 = arith.constant 16 : i32
      %mul3A_131 = arith.muli %scan3A_49, %mul3A_130 : i32
      %add3A_132 = arith.constant 0 : i32
      %add3A_133 = arith.addi %mul3A_131, %add3A_132 : i32
      %add3A_134 = arith.constant 2 : i32
      %add3A_135 = arith.addi %add3A_133, %add3A_134 : i32
      %dma_wait3A_136 = tpu.memref_slice %arg6[%mul3A_81] : memref<5120xi32, #tpu.memory_space<vmem>> -> memref<64xi32, #tpu.memory_space<vmem>>
      %dma_wait3A_137 = arith.constant 0 : i32
      %dma_wait3A_138 = arith.constant 0 : i32
      %dma_wait3A_139 = tpu.memref_slice %arg2[%dma_wait3A_137, %dma_wait3A_138] : memref<20480x128xf32, #tpu.memory_space<hbm>> -> memref<20480x128xf32, #tpu.memory_space<hbm>>
      tpu.wait_indirect_dma semaphore(%arg15 : memref<!tpu.dma_semaphore, #tpu.memory_space<semaphore_mem>>) src(%dma_wait3A_139 : memref<20480x128xf32, #tpu.memory_space<hbm>>) dst(%arg10 : memref<64x128xf32, #tpu.memory_space<vmem>>)
      %dma_start3A_140 = arith.constant 0 : i32
      %dma_start3A_141 = tpu.memref_slice %arg7[%add3A_135, %dma_start3A_140] : memref<80x64xi32, #tpu.memory_space<vmem>> -> memref<1x64xi32, #tpu.memory_space<vmem>>
      %dma_start3A_142 = tpu.memref_squeeze %dma_start3A_141 : memref<1x64xi32, #tpu.memory_space<vmem>> -> memref<64xi32, #tpu.memory_space<vmem>>
      %dma_start3A_143 = arith.constant 0 : i32
      %dma_start3A_144 = arith.constant 0 : i32
      %dma_start3A_145 = tpu.memref_slice %arg12[%dma_start3A_143, %dma_start3A_144] : memref<10240x128xf32, #tpu.memory_space<vmem_shared>> -> memref<10240x128xf32, #tpu.memory_space<vmem_shared>>
      tpu.enqueue_indirect_dma source(%arg10 : memref<64x128xf32, #tpu.memory_space<vmem>>) target(%dma_start3A_145 : memref<10240x128xf32, #tpu.memory_space<vmem_shared>>) offsets(%dma_start3A_142 : memref<64xi32, #tpu.memory_space<vmem>>) semaphore(%arg19 : memref<!tpu.dma_semaphore, #tpu.memory_space<semaphore_mem>>) {add = true}
      %mul3A_146 = arith.constant 16 : i32
      %mul3A_147 = arith.muli %scan3A_49, %mul3A_146 : i32
      %add3A_148 = arith.constant 0 : i32
      %add3A_149 = arith.addi %mul3A_147, %add3A_148 : i32
      %add3A_150 = arith.constant 3 : i32
      %add3A_151 = arith.addi %add3A_149, %add3A_150 : i32
      %dma_wait3A_152 = tpu.memref_slice %arg6[%mul3A_93] : memref<5120xi32, #tpu.memory_space<vmem>> -> memref<64xi32, #tpu.memory_space<vmem>>
      %dma_wait3A_153 = arith.constant 0 : i32
      %dma_wait3A_154 = arith.constant 0 : i32
      %dma_wait3A_155 = tpu.memref_slice %arg2[%dma_wait3A_153, %dma_wait3A_154] : memref<20480x128xf32, #tpu.memory_space<hbm>> -> memref<20480x128xf32, #tpu.memory_space<hbm>>
      tpu.wait_indirect_dma semaphore(%arg16 : memref<!tpu.dma_semaphore, #tpu.memory_space<semaphore_mem>>) src(%dma_wait3A_155 : memref<20480x128xf32, #tpu.memory_space<hbm>>) dst(%arg11 : memref<64x128xf32, #tpu.memory_space<vmem>>)
      %dma_start3A_156 = arith.constant 0 : i32
      %dma_start3A_157 = tpu.memref_slice %arg7[%add3A_151, %dma_start3A_156] : memref<80x64xi32, #tpu.memory_space<vmem>> -> memref<1x64xi32, #tpu.memory_space<vmem>>
      %dma_start3A_158 = tpu.memref_squeeze %dma_start3A_157 : memref<1x64xi32, #tpu.memory_space<vmem>> -> memref<64xi32, #tpu.memory_space<vmem>>
      %dma_start3A_159 = arith.constant 0 : i32
      %dma_start3A_160 = arith.constant 0 : i32
      %dma_start3A_161 = tpu.memref_slice %arg12[%dma_start3A_159, %dma_start3A_160] : memref<10240x128xf32, #tpu.memory_space<vmem_shared>> -> memref<10240x128xf32, #tpu.memory_space<vmem_shared>>
      tpu.enqueue_indirect_dma source(%arg11 : memref<64x128xf32, #tpu.memory_space<vmem>>) target(%dma_start3A_161 : memref<10240x128xf32, #tpu.memory_space<vmem_shared>>) offsets(%dma_start3A_158 : memref<64xi32, #tpu.memory_space<vmem>>) semaphore(%arg20 : memref<!tpu.dma_semaphore, #tpu.memory_space<semaphore_mem>>) {add = true}
      %mul3A_162 = arith.constant 16 : i32
      %mul3A_163 = arith.muli %scan3A_49, %mul3A_162 : i32
      %add3A_164 = arith.constant 4 : i32
      %add3A_165 = arith.addi %mul3A_163, %add3A_164 : i32
      %add3A_166 = arith.constant 0 : i32
      %add3A_167 = arith.addi %add3A_165, %add3A_166 : i32
      %dma_wait3A_168 = arith.constant 0 : i32
      %dma_wait3A_169 = tpu.memref_slice %arg7[%add3A_103, %dma_wait3A_168] : memref<80x64xi32, #tpu.memory_space<vmem>> -> memref<1x64xi32, #tpu.memory_space<vmem>>
      %dma_wait3A_170 = tpu.memref_squeeze %dma_wait3A_169 : memref<1x64xi32, #tpu.memory_space<vmem>> -> memref<64xi32, #tpu.memory_space<vmem>>
      %dma_wait3A_171 = arith.constant 0 : i32
      %dma_wait3A_172 = arith.constant 0 : i32
      %dma_wait3A_173 = tpu.memref_slice %arg12[%dma_wait3A_171, %dma_wait3A_172] : memref<10240x128xf32, #tpu.memory_space<vmem_shared>> -> memref<10240x128xf32, #tpu.memory_space<vmem_shared>>
      tpu.wait_indirect_dma semaphore(%arg17 : memref<!tpu.dma_semaphore, #tpu.memory_space<semaphore_mem>>) src(%arg8 : memref<64x128xf32, #tpu.memory_space<vmem>>) dst(%dma_wait3A_173 : memref<10240x128xf32, #tpu.memory_space<vmem_shared>>)
      %mul3A_174 = arith.constant 64 : i32
      %mul3A_175 = arith.muli %add3A_167, %mul3A_174 : i32
      %dma_start3A_176 = tpu.memref_slice %arg6[%mul3A_175] : memref<5120xi32, #tpu.memory_space<vmem>> -> memref<64xi32, #tpu.memory_space<vmem>>
      %dma_start3A_177 = arith.constant 0 : i32
      %dma_start3A_178 = arith.constant 0 : i32
      %dma_start3A_179 = tpu.memref_slice %arg2[%dma_start3A_177, %dma_start3A_178] : memref<20480x128xf32, #tpu.memory_space<hbm>> -> memref<20480x128xf32, #tpu.memory_space<hbm>>
      tpu.enqueue_indirect_dma source(%dma_start3A_179 : memref<20480x128xf32, #tpu.memory_space<hbm>>) target(%arg8 : memref<64x128xf32, #tpu.memory_space<vmem>>) offsets(%dma_start3A_176 : memref<64xi32, #tpu.memory_space<vmem>>) semaphore(%arg13 : memref<!tpu.dma_semaphore, #tpu.memory_space<semaphore_mem>>)
      %mul3A_180 = arith.constant 16 : i32
      %mul3A_181 = arith.muli %scan3A_49, %mul3A_180 : i32
      %add3A_182 = arith.constant 4 : i32
      %add3A_183 = arith.addi %mul3A_181, %add3A_182 : i32
      %add3A_184 = arith.constant 1 : i32
      %add3A_185 = arith.addi %add3A_183, %add3A_184 : i32
      %dma_wait3A_186 = arith.constant 0 : i32
      %dma_wait3A_187 = tpu.memref_slice %arg7[%add3A_119, %dma_wait3A_186] : memref<80x64xi32, #tpu.memory_space<vmem>> -> memref<1x64xi32, #tpu.memory_space<vmem>>
      %dma_wait3A_188 = tpu.memref_squeeze %dma_wait3A_187 : memref<1x64xi32, #tpu.memory_space<vmem>> -> memref<64xi32, #tpu.memory_space<vmem>>
      %dma_wait3A_189 = arith.constant 0 : i32
      %dma_wait3A_190 = arith.constant 0 : i32
      %dma_wait3A_191 = tpu.memref_slice %arg12[%dma_wait3A_189, %dma_wait3A_190] : memref<10240x128xf32, #tpu.memory_space<vmem_shared>> -> memref<10240x128xf32, #tpu.memory_space<vmem_shared>>
      tpu.wait_indirect_dma semaphore(%arg18 : memref<!tpu.dma_semaphore, #tpu.memory_space<semaphore_mem>>) src(%arg9 : memref<64x128xf32, #tpu.memory_space<vmem>>) dst(%dma_wait3A_191 : memref<10240x128xf32, #tpu.memory_space<vmem_shared>>)
      %mul3A_192 = arith.constant 64 : i32
      %mul3A_193 = arith.muli %add3A_185, %mul3A_192 : i32
      %dma_start3A_194 = tpu.memref_slice %arg6[%mul3A_193] : memref<5120xi32, #tpu.memory_space<vmem>> -> memref<64xi32, #tpu.memory_space<vmem>>
      %dma_start3A_195 = arith.constant 0 : i32
      %dma_start3A_196 = arith.constant 0 : i32
      %dma_start3A_197 = tpu.memref_slice %arg2[%dma_start3A_195, %dma_start3A_196] : memref<20480x128xf32, #tpu.memory_space<hbm>> -> memref<20480x128xf32, #tpu.memory_space<hbm>>
      tpu.enqueue_indirect_dma source(%dma_start3A_197 : memref<20480x128xf32, #tpu.memory_space<hbm>>) target(%arg9 : memref<64x128xf32, #tpu.memory_space<vmem>>) offsets(%dma_start3A_194 : memref<64xi32, #tpu.memory_space<vmem>>) semaphore(%arg14 : memref<!tpu.dma_semaphore, #tpu.memory_space<semaphore_mem>>)
      %mul3A_198 = arith.constant 16 : i32
      %mul3A_199 = arith.muli %scan3A_49, %mul3A_198 : i32
      %add3A_200 = arith.constant 4 : i32
      %add3A_201 = arith.addi %mul3A_199, %add3A_200 : i32
      %add3A_202 = arith.constant 2 : i32
      %add3A_203 = arith.addi %add3A_201, %add3A_202 : i32
      %dma_wait3A_204 = arith.constant 0 : i32
      %dma_wait3A_205 = tpu.memref_slice %arg7[%add3A_135, %dma_wait3A_204] : memref<80x64xi32, #tpu.memory_space<vmem>> -> memref<1x64xi32, #tpu.memory_space<vmem>>
      %dma_wait3A_206 = tpu.memref_squeeze %dma_wait3A_205 : memref<1x64xi32, #tpu.memory_space<vmem>> -> memref<64xi32, #tpu.memory_space<vmem>>
      %dma_wait3A_207 = arith.constant 0 : i32
      %dma_wait3A_208 = arith.constant 0 : i32
      %dma_wait3A_209 = tpu.memref_slice %arg12[%dma_wait3A_207, %dma_wait3A_208] : memref<10240x128xf32, #tpu.memory_space<vmem_shared>> -> memref<10240x128xf32, #tpu.memory_space<vmem_shared>>
      tpu.wait_indirect_dma semaphore(%arg19 : memref<!tpu.dma_semaphore, #tpu.memory_space<semaphore_mem>>) src(%arg10 : memref<64x128xf32, #tpu.memory_space<vmem>>) dst(%dma_wait3A_209 : memref<10240x128xf32, #tpu.memory_space<vmem_shared>>)
      %mul3A_210 = arith.constant 64 : i32
      %mul3A_211 = arith.muli %add3A_203, %mul3A_210 : i32
      %dma_start3A_212 = tpu.memref_slice %arg6[%mul3A_211] : memref<5120xi32, #tpu.memory_space<vmem>> -> memref<64xi32, #tpu.memory_space<vmem>>
      %dma_start3A_213 = arith.constant 0 : i32
      %dma_start3A_214 = arith.constant 0 : i32
      %dma_start3A_215 = tpu.memref_slice %arg2[%dma_start3A_213, %dma_start3A_214] : memref<20480x128xf32, #tpu.memory_space<hbm>> -> memref<20480x128xf32, #tpu.memory_space<hbm>>
      tpu.enqueue_indirect_dma source(%dma_start3A_215 : memref<20480x128xf32, #tpu.memory_space<hbm>>) target(%arg10 : memref<64x128xf32, #tpu.memory_space<vmem>>) offsets(%dma_start3A_212 : memref<64xi32, #tpu.memory_space<vmem>>) semaphore(%arg15 : memref<!tpu.dma_semaphore, #tpu.memory_space<semaphore_mem>>)
      %mul3A_216 = arith.constant 16 : i32
      %mul3A_217 = arith.muli %scan3A_49, %mul3A_216 : i32
      %add3A_218 = arith.constant 4 : i32
      %add3A_219 = arith.addi %mul3A_217, %add3A_218 : i32
      %add3A_220 = arith.constant 3 : i32
      %add3A_221 = arith.addi %add3A_219, %add3A_220 : i32
      %dma_wait3A_222 = arith.constant 0 : i32
      %dma_wait3A_223 = tpu.memref_slice %arg7[%add3A_151, %dma_wait3A_222] : memref<80x64xi32, #tpu.memory_space<vmem>> -> memref<1x64xi32, #tpu.memory_space<vmem>>
      %dma_wait3A_224 = tpu.memref_squeeze %dma_wait3A_223 : memref<1x64xi32, #tpu.memory_space<vmem>> -> memref<64xi32, #tpu.memory_space<vmem>>
      %dma_wait3A_225 = arith.constant 0 : i32
      %dma_wait3A_226 = arith.constant 0 : i32
      %dma_wait3A_227 = tpu.memref_slice %arg12[%dma_wait3A_225, %dma_wait3A_226] : memref<10240x128xf32, #tpu.memory_space<vmem_shared>> -> memref<10240x128xf32, #tpu.memory_space<vmem_shared>>
      tpu.wait_indirect_dma semaphore(%arg20 : memref<!tpu.dma_semaphore, #tpu.memory_space<semaphore_mem>>) src(%arg11 : memref<64x128xf32, #tpu.memory_space<vmem>>) dst(%dma_wait3A_227 : memref<10240x128xf32, #tpu.memory_space<vmem_shared>>)
      %mul3A_228 = arith.constant 64 : i32
      %mul3A_229 = arith.muli %add3A_221, %mul3A_228 : i32
      %dma_start3A_230 = tpu.memref_slice %arg6[%mul3A_229] : memref<5120xi32, #tpu.memory_space<vmem>> -> memref<64xi32, #tpu.memory_space<vmem>>
      %dma_start3A_231 = arith.constant 0 : i32
      %dma_start3A_232 = arith.constant 0 : i32
      %dma_start3A_233 = tpu.memref_slice %arg2[%dma_start3A_231, %dma_start3A_232] : memref<20480x128xf32, #tpu.memory_space<hbm>> -> memref<20480x128xf32, #tpu.memory_space<hbm>>
      tpu.enqueue_indirect_dma source(%dma_start3A_233 : memref<20480x128xf32, #tpu.memory_space<hbm>>) target(%arg11 : memref<64x128xf32, #tpu.memory_space<vmem>>) offsets(%dma_start3A_230 : memref<64xi32, #tpu.memory_space<vmem>>) semaphore(%arg16 : memref<!tpu.dma_semaphore, #tpu.memory_space<semaphore_mem>>)
      %mul3A_234 = arith.constant 16 : i32
      %mul3A_235 = arith.muli %scan3A_49, %mul3A_234 : i32
      %add3A_236 = arith.constant 4 : i32
      %add3A_237 = arith.addi %mul3A_235, %add3A_236 : i32
      %add3A_238 = arith.constant 0 : i32
      %add3A_239 = arith.addi %add3A_237, %add3A_238 : i32
      %dma_wait3A_240 = tpu.memref_slice %arg6[%mul3A_175] : memref<5120xi32, #tpu.memory_space<vmem>> -> memref<64xi32, #tpu.memory_space<vmem>>
      %dma_wait3A_241 = arith.constant 0 : i32
      %dma_wait3A_242 = arith.constant 0 : i32
      %dma_wait3A_243 = tpu.memref_slice %arg2[%dma_wait3A_241, %dma_wait3A_242] : memref<20480x128xf32, #tpu.memory_space<hbm>> -> memref<20480x128xf32, #tpu.memory_space<hbm>>
      tpu.wait_indirect_dma semaphore(%arg13 : memref<!tpu.dma_semaphore, #tpu.memory_space<semaphore_mem>>) src(%dma_wait3A_243 : memref<20480x128xf32, #tpu.memory_space<hbm>>) dst(%arg8 : memref<64x128xf32, #tpu.memory_space<vmem>>)
      %dma_start3A_244 = arith.constant 0 : i32
      %dma_start3A_245 = tpu.memref_slice %arg7[%add3A_239, %dma_start3A_244] : memref<80x64xi32, #tpu.memory_space<vmem>> -> memref<1x64xi32, #tpu.memory_space<vmem>>
      %dma_start3A_246 = tpu.memref_squeeze %dma_start3A_245 : memref<1x64xi32, #tpu.memory_space<vmem>> -> memref<64xi32, #tpu.memory_space<vmem>>
      %dma_start3A_247 = arith.constant 0 : i32
      %dma_start3A_248 = arith.constant 0 : i32
      %dma_start3A_249 = tpu.memref_slice %arg12[%dma_start3A_247, %dma_start3A_248] : memref<10240x128xf32, #tpu.memory_space<vmem_shared>> -> memref<10240x128xf32, #tpu.memory_space<vmem_shared>>
      tpu.enqueue_indirect_dma source(%arg8 : memref<64x128xf32, #tpu.memory_space<vmem>>) target(%dma_start3A_249 : memref<10240x128xf32, #tpu.memory_space<vmem_shared>>) offsets(%dma_start3A_246 : memref<64xi32, #tpu.memory_space<vmem>>) semaphore(%arg17 : memref<!tpu.dma_semaphore, #tpu.memory_space<semaphore_mem>>) {add = true}
      %mul3A_250 = arith.constant 16 : i32
      %mul3A_251 = arith.muli %scan3A_49, %mul3A_250 : i32
      %add3A_252 = arith.constant 4 : i32
      %add3A_253 = arith.addi %mul3A_251, %add3A_252 : i32
      %add3A_254 = arith.constant 1 : i32
      %add3A_255 = arith.addi %add3A_253, %add3A_254 : i32
      %dma_wait3A_256 = tpu.memref_slice %arg6[%mul3A_193] : memref<5120xi32, #tpu.memory_space<vmem>> -> memref<64xi32, #tpu.memory_space<vmem>>
      %dma_wait3A_257 = arith.constant 0 : i32
      %dma_wait3A_258 = arith.constant 0 : i32
      %dma_wait3A_259 = tpu.memref_slice %arg2[%dma_wait3A_257, %dma_wait3A_258] : memref<20480x128xf32, #tpu.memory_space<hbm>> -> memref<20480x128xf32, #tpu.memory_space<hbm>>
      tpu.wait_indirect_dma semaphore(%arg14 : memref<!tpu.dma_semaphore, #tpu.memory_space<semaphore_mem>>) src(%dma_wait3A_259 : memref<20480x128xf32, #tpu.memory_space<hbm>>) dst(%arg9 : memref<64x128xf32, #tpu.memory_space<vmem>>)
      %dma_start3A_260 = arith.constant 0 : i32
      %dma_start3A_261 = tpu.memref_slice %arg7[%add3A_255, %dma_start3A_260] : memref<80x64xi32, #tpu.memory_space<vmem>> -> memref<1x64xi32, #tpu.memory_space<vmem>>
      %dma_start3A_262 = tpu.memref_squeeze %dma_start3A_261 : memref<1x64xi32, #tpu.memory_space<vmem>> -> memref<64xi32, #tpu.memory_space<vmem>>
      %dma_start3A_263 = arith.constant 0 : i32
      %dma_start3A_264 = arith.constant 0 : i32
      %dma_start3A_265 = tpu.memref_slice %arg12[%dma_start3A_263, %dma_start3A_264] : memref<10240x128xf32, #tpu.memory_space<vmem_shared>> -> memref<10240x128xf32, #tpu.memory_space<vmem_shared>>
      tpu.enqueue_indirect_dma source(%arg9 : memref<64x128xf32, #tpu.memory_space<vmem>>) target(%dma_start3A_265 : memref<10240x128xf32, #tpu.memory_space<vmem_shared>>) offsets(%dma_start3A_262 : memref<64xi32, #tpu.memory_space<vmem>>) semaphore(%arg18 : memref<!tpu.dma_semaphore, #tpu.memory_space<semaphore_mem>>) {add = true}
      %mul3A_266 = arith.constant 16 : i32
      %mul3A_267 = arith.muli %scan3A_49, %mul3A_266 : i32
      %add3A_268 = arith.constant 4 : i32
      %add3A_269 = arith.addi %mul3A_267, %add3A_268 : i32
      %add3A_270 = arith.constant 2 : i32
      %add3A_271 = arith.addi %add3A_269, %add3A_270 : i32
      %dma_wait3A_272 = tpu.memref_slice %arg6[%mul3A_211] : memref<5120xi32, #tpu.memory_space<vmem>> -> memref<64xi32, #tpu.memory_space<vmem>>
      %dma_wait3A_273 = arith.constant 0 : i32
      %dma_wait3A_274 = arith.constant 0 : i32
      %dma_wait3A_275 = tpu.memref_slice %arg2[%dma_wait3A_273, %dma_wait3A_274] : memref<20480x128xf32, #tpu.memory_space<hbm>> -> memref<20480x128xf32, #tpu.memory_space<hbm>>
      tpu.wait_indirect_dma semaphore(%arg15 : memref<!tpu.dma_semaphore, #tpu.memory_space<semaphore_mem>>) src(%dma_wait3A_275 : memref<20480x128xf32, #tpu.memory_space<hbm>>) dst(%arg10 : memref<64x128xf32, #tpu.memory_space<vmem>>)
      %dma_start3A_276 = arith.constant 0 : i32
      %dma_start3A_277 = tpu.memref_slice %arg7[%add3A_271, %dma_start3A_276] : memref<80x64xi32, #tpu.memory_space<vmem>> -> memref<1x64xi32, #tpu.memory_space<vmem>>
      %dma_start3A_278 = tpu.memref_squeeze %dma_start3A_277 : memref<1x64xi32, #tpu.memory_space<vmem>> -> memref<64xi32, #tpu.memory_space<vmem>>
      %dma_start3A_279 = arith.constant 0 : i32
      %dma_start3A_280 = arith.constant 0 : i32
      %dma_start3A_281 = tpu.memref_slice %arg12[%dma_start3A_279, %dma_start3A_280] : memref<10240x128xf32, #tpu.memory_space<vmem_shared>> -> memref<10240x128xf32, #tpu.memory_space<vmem_shared>>
      tpu.enqueue_indirect_dma source(%arg10 : memref<64x128xf32, #tpu.memory_space<vmem>>) target(%dma_start3A_281 : memref<10240x128xf32, #tpu.memory_space<vmem_shared>>) offsets(%dma_start3A_278 : memref<64xi32, #tpu.memory_space<vmem>>) semaphore(%arg19 : memref<!tpu.dma_semaphore, #tpu.memory_space<semaphore_mem>>) {add = true}
      %mul3A_282 = arith.constant 16 : i32
      %mul3A_283 = arith.muli %scan3A_49, %mul3A_282 : i32
      %add3A_284 = arith.constant 4 : i32
      %add3A_285 = arith.addi %mul3A_283, %add3A_284 : i32
      %add3A_286 = arith.constant 3 : i32
      %add3A_287 = arith.addi %add3A_285, %add3A_286 : i32
      %dma_wait3A_288 = tpu.memref_slice %arg6[%mul3A_229] : memref<5120xi32, #tpu.memory_space<vmem>> -> memref<64xi32, #tpu.memory_space<vmem>>
      %dma_wait3A_289 = arith.constant 0 : i32
      %dma_wait3A_290 = arith.constant 0 : i32
      %dma_wait3A_291 = tpu.memref_slice %arg2[%dma_wait3A_289, %dma_wait3A_290] : memref<20480x128xf32, #tpu.memory_space<hbm>> -> memref<20480x128xf32, #tpu.memory_space<hbm>>
      tpu.wait_indirect_dma semaphore(%arg16 : memref<!tpu.dma_semaphore, #tpu.memory_space<semaphore_mem>>) src(%dma_wait3A_291 : memref<20480x128xf32, #tpu.memory_space<hbm>>) dst(%arg11 : memref<64x128xf32, #tpu.memory_space<vmem>>)
      %dma_start3A_292 = arith.constant 0 : i32
      %dma_start3A_293 = tpu.memref_slice %arg7[%add3A_287, %dma_start3A_292] : memref<80x64xi32, #tpu.memory_space<vmem>> -> memref<1x64xi32, #tpu.memory_space<vmem>>
      %dma_start3A_294 = tpu.memref_squeeze %dma_start3A_293 : memref<1x64xi32, #tpu.memory_space<vmem>> -> memref<64xi32, #tpu.memory_space<vmem>>
      %dma_start3A_295 = arith.constant 0 : i32
      %dma_start3A_296 = arith.constant 0 : i32
      %dma_start3A_297 = tpu.memref_slice %arg12[%dma_start3A_295, %dma_start3A_296] : memref<10240x128xf32, #tpu.memory_space<vmem_shared>> -> memref<10240x128xf32, #tpu.memory_space<vmem_shared>>
      tpu.enqueue_indirect_dma source(%arg11 : memref<64x128xf32, #tpu.memory_space<vmem>>) target(%dma_start3A_297 : memref<10240x128xf32, #tpu.memory_space<vmem_shared>>) offsets(%dma_start3A_294 : memref<64xi32, #tpu.memory_space<vmem>>) semaphore(%arg20 : memref<!tpu.dma_semaphore, #tpu.memory_space<semaphore_mem>>) {add = true}
      %mul3A_298 = arith.constant 16 : i32
      %mul3A_299 = arith.muli %scan3A_49, %mul3A_298 : i32
      %add3A_300 = arith.constant 8 : i32
      %add3A_301 = arith.addi %mul3A_299, %add3A_300 : i32
      %add3A_302 = arith.constant 0 : i32
      %add3A_303 = arith.addi %add3A_301, %add3A_302 : i32
      %dma_wait3A_304 = arith.constant 0 : i32
      %dma_wait3A_305 = tpu.memref_slice %arg7[%add3A_239, %dma_wait3A_304] : memref<80x64xi32, #tpu.memory_space<vmem>> -> memref<1x64xi32, #tpu.memory_space<vmem>>
      %dma_wait3A_306 = tpu.memref_squeeze %dma_wait3A_305 : memref<1x64xi32, #tpu.memory_space<vmem>> -> memref<64xi32, #tpu.memory_space<vmem>>
      %dma_wait3A_307 = arith.constant 0 : i32
      %dma_wait3A_308 = arith.constant 0 : i32
      %dma_wait3A_309 = tpu.memref_slice %arg12[%dma_wait3A_307, %dma_wait3A_308] : memref<10240x128xf32, #tpu.memory_space<vmem_shared>> -> memref<10240x128xf32, #tpu.memory_space<vmem_shared>>
      tpu.wait_indirect_dma semaphore(%arg17 : memref<!tpu.dma_semaphore, #tpu.memory_space<semaphore_mem>>) src(%arg8 : memref<64x128xf32, #tpu.memory_space<vmem>>) dst(%dma_wait3A_309 : memref<10240x128xf32, #tpu.memory_space<vmem_shared>>)
      %mul3A_310 = arith.constant 64 : i32
      %mul3A_311 = arith.muli %add3A_303, %mul3A_310 : i32
      %dma_start3A_312 = tpu.memref_slice %arg6[%mul3A_311] : memref<5120xi32, #tpu.memory_space<vmem>> -> memref<64xi32, #tpu.memory_space<vmem>>
      %dma_start3A_313 = arith.constant 0 : i32
      %dma_start3A_314 = arith.constant 0 : i32
      %dma_start3A_315 = tpu.memref_slice %arg2[%dma_start3A_313, %dma_start3A_314] : memref<20480x128xf32, #tpu.memory_space<hbm>> -> memref<20480x128xf32, #tpu.memory_space<hbm>>
      tpu.enqueue_indirect_dma source(%dma_start3A_315 : memref<20480x128xf32, #tpu.memory_space<hbm>>) target(%arg8 : memref<64x128xf32, #tpu.memory_space<vmem>>) offsets(%dma_start3A_312 : memref<64xi32, #tpu.memory_space<vmem>>) semaphore(%arg13 : memref<!tpu.dma_semaphore, #tpu.memory_space<semaphore_mem>>)
      %mul3A_316 = arith.constant 16 : i32
      %mul3A_317 = arith.muli %scan3A_49, %mul3A_316 : i32
      %add3A_318 = arith.constant 8 : i32
      %add3A_319 = arith.addi %mul3A_317, %add3A_318 : i32
      %add3A_320 = arith.constant 1 : i32
      %add3A_321 = arith.addi %add3A_319, %add3A_320 : i32
      %dma_wait3A_322 = arith.constant 0 : i32
      %dma_wait3A_323 = tpu.memref_slice %arg7[%add3A_255, %dma_wait3A_322] : memref<80x64xi32, #tpu.memory_space<vmem>> -> memref<1x64xi32, #tpu.memory_space<vmem>>
      %dma_wait3A_324 = tpu.memref_squeeze %dma_wait3A_323 : memref<1x64xi32, #tpu.memory_space<vmem>> -> memref<64xi32, #tpu.memory_space<vmem>>
      %dma_wait3A_325 = arith.constant 0 : i32
      %dma_wait3A_326 = arith.constant 0 : i32
      %dma_wait3A_327 = tpu.memref_slice %arg12[%dma_wait3A_325, %dma_wait3A_326] : memref<10240x128xf32, #tpu.memory_space<vmem_shared>> -> memref<10240x128xf32, #tpu.memory_space<vmem_shared>>
      tpu.wait_indirect_dma semaphore(%arg18 : memref<!tpu.dma_semaphore, #tpu.memory_space<semaphore_mem>>) src(%arg9 : memref<64x128xf32, #tpu.memory_space<vmem>>) dst(%dma_wait3A_327 : memref<10240x128xf32, #tpu.memory_space<vmem_shared>>)
      %mul3A_328 = arith.constant 64 : i32
      %mul3A_329 = arith.muli %add3A_321, %mul3A_328 : i32
      %dma_start3A_330 = tpu.memref_slice %arg6[%mul3A_329] : memref<5120xi32, #tpu.memory_space<vmem>> -> memref<64xi32, #tpu.memory_space<vmem>>
      %dma_start3A_331 = arith.constant 0 : i32
      %dma_start3A_332 = arith.constant 0 : i32
      %dma_start3A_333 = tpu.memref_slice %arg2[%dma_start3A_331, %dma_start3A_332] : memref<20480x128xf32, #tpu.memory_space<hbm>> -> memref<20480x128xf32, #tpu.memory_space<hbm>>
      tpu.enqueue_indirect_dma source(%dma_start3A_333 : memref<20480x128xf32, #tpu.memory_space<hbm>>) target(%arg9 : memref<64x128xf32, #tpu.memory_space<vmem>>) offsets(%dma_start3A_330 : memref<64xi32, #tpu.memory_space<vmem>>) semaphore(%arg14 : memref<!tpu.dma_semaphore, #tpu.memory_space<semaphore_mem>>)
      %mul3A_334 = arith.constant 16 : i32
      %mul3A_335 = arith.muli %scan3A_49, %mul3A_334 : i32
      %add3A_336 = arith.constant 8 : i32
      %add3A_337 = arith.addi %mul3A_335, %add3A_336 : i32
      %add3A_338 = arith.constant 2 : i32
      %add3A_339 = arith.addi %add3A_337, %add3A_338 : i32
      %dma_wait3A_340 = arith.constant 0 : i32
      %dma_wait3A_341 = tpu.memref_slice %arg7[%add3A_271, %dma_wait3A_340] : memref<80x64xi32, #tpu.memory_space<vmem>> -> memref<1x64xi32, #tpu.memory_space<vmem>>
      %dma_wait3A_342 = tpu.memref_squeeze %dma_wait3A_341 : memref<1x64xi32, #tpu.memory_space<vmem>> -> memref<64xi32, #tpu.memory_space<vmem>>
      %dma_wait3A_343 = arith.constant 0 : i32
      %dma_wait3A_344 = arith.constant 0 : i32
      %dma_wait3A_345 = tpu.memref_slice %arg12[%dma_wait3A_343, %dma_wait3A_344] : memref<10240x128xf32, #tpu.memory_space<vmem_shared>> -> memref<10240x128xf32, #tpu.memory_space<vmem_shared>>
      tpu.wait_indirect_dma semaphore(%arg19 : memref<!tpu.dma_semaphore, #tpu.memory_space<semaphore_mem>>) src(%arg10 : memref<64x128xf32, #tpu.memory_space<vmem>>) dst(%dma_wait3A_345 : memref<10240x128xf32, #tpu.memory_space<vmem_shared>>)
      %mul3A_346 = arith.constant 64 : i32
      %mul3A_347 = arith.muli %add3A_339, %mul3A_346 : i32
      %dma_start3A_348 = tpu.memref_slice %arg6[%mul3A_347] : memref<5120xi32, #tpu.memory_space<vmem>> -> memref<64xi32, #tpu.memory_space<vmem>>
      %dma_start3A_349 = arith.constant 0 : i32
      %dma_start3A_350 = arith.constant 0 : i32
      %dma_start3A_351 = tpu.memref_slice %arg2[%dma_start3A_349, %dma_start3A_350] : memref<20480x128xf32, #tpu.memory_space<hbm>> -> memref<20480x128xf32, #tpu.memory_space<hbm>>
      tpu.enqueue_indirect_dma source(%dma_start3A_351 : memref<20480x128xf32, #tpu.memory_space<hbm>>) target(%arg10 : memref<64x128xf32, #tpu.memory_space<vmem>>) offsets(%dma_start3A_348 : memref<64xi32, #tpu.memory_space<vmem>>) semaphore(%arg15 : memref<!tpu.dma_semaphore, #tpu.memory_space<semaphore_mem>>)
      %mul3A_352 = arith.constant 16 : i32
      %mul3A_353 = arith.muli %scan3A_49, %mul3A_352 : i32
      %add3A_354 = arith.constant 8 : i32
      %add3A_355 = arith.addi %mul3A_353, %add3A_354 : i32
      %add3A_356 = arith.constant 3 : i32
      %add3A_357 = arith.addi %add3A_355, %add3A_356 : i32
      %dma_wait3A_358 = arith.constant 0 : i32
      %dma_wait3A_359 = tpu.memref_slice %arg7[%add3A_287, %dma_wait3A_358] : memref<80x64xi32, #tpu.memory_space<vmem>> -> memref<1x64xi32, #tpu.memory_space<vmem>>
      %dma_wait3A_360 = tpu.memref_squeeze %dma_wait3A_359 : memref<1x64xi32, #tpu.memory_space<vmem>> -> memref<64xi32, #tpu.memory_space<vmem>>
      %dma_wait3A_361 = arith.constant 0 : i32
      %dma_wait3A_362 = arith.constant 0 : i32
      %dma_wait3A_363 = tpu.memref_slice %arg12[%dma_wait3A_361, %dma_wait3A_362] : memref<10240x128xf32, #tpu.memory_space<vmem_shared>> -> memref<10240x128xf32, #tpu.memory_space<vmem_shared>>
      tpu.wait_indirect_dma semaphore(%arg20 : memref<!tpu.dma_semaphore, #tpu.memory_space<semaphore_mem>>) src(%arg11 : memref<64x128xf32, #tpu.memory_space<vmem>>) dst(%dma_wait3A_363 : memref<10240x128xf32, #tpu.memory_space<vmem_shared>>)
      %mul3A_364 = arith.constant 64 : i32
      %mul3A_365 = arith.muli %add3A_357, %mul3A_364 : i32
      %dma_start3A_366 = tpu.memref_slice %arg6[%mul3A_365] : memref<5120xi32, #tpu.memory_space<vmem>> -> memref<64xi32, #tpu.memory_space<vmem>>
      %dma_start3A_367 = arith.constant 0 : i32
      %dma_start3A_368 = arith.constant 0 : i32
      %dma_start3A_369 = tpu.memref_slice %arg2[%dma_start3A_367, %dma_start3A_368] : memref<20480x128xf32, #tpu.memory_space<hbm>> -> memref<20480x128xf32, #tpu.memory_space<hbm>>
      tpu.enqueue_indirect_dma source(%dma_start3A_369 : memref<20480x128xf32, #tpu.memory_space<hbm>>) target(%arg11 : memref<64x128xf32, #tpu.memory_space<vmem>>) offsets(%dma_start3A_366 : memref<64xi32, #tpu.memory_space<vmem>>) semaphore(%arg16 : memref<!tpu.dma_semaphore, #tpu.memory_space<semaphore_mem>>)
      %mul3A_370 = arith.constant 16 : i32
      %mul3A_371 = arith.muli %scan3A_49, %mul3A_370 : i32
      %add3A_372 = arith.constant 8 : i32
      %add3A_373 = arith.addi %mul3A_371, %add3A_372 : i32
      %add3A_374 = arith.constant 0 : i32
      %add3A_375 = arith.addi %add3A_373, %add3A_374 : i32
      %dma_wait3A_376 = tpu.memref_slice %arg6[%mul3A_311] : memref<5120xi32, #tpu.memory_space<vmem>> -> memref<64xi32, #tpu.memory_space<vmem>>
      %dma_wait3A_377 = arith.constant 0 : i32
      %dma_wait3A_378 = arith.constant 0 : i32
      %dma_wait3A_379 = tpu.memref_slice %arg2[%dma_wait3A_377, %dma_wait3A_378] : memref<20480x128xf32, #tpu.memory_space<hbm>> -> memref<20480x128xf32, #tpu.memory_space<hbm>>
      tpu.wait_indirect_dma semaphore(%arg13 : memref<!tpu.dma_semaphore, #tpu.memory_space<semaphore_mem>>) src(%dma_wait3A_379 : memref<20480x128xf32, #tpu.memory_space<hbm>>) dst(%arg8 : memref<64x128xf32, #tpu.memory_space<vmem>>)
      %dma_start3A_380 = arith.constant 0 : i32
      %dma_start3A_381 = tpu.memref_slice %arg7[%add3A_375, %dma_start3A_380] : memref<80x64xi32, #tpu.memory_space<vmem>> -> memref<1x64xi32, #tpu.memory_space<vmem>>
      %dma_start3A_382 = tpu.memref_squeeze %dma_start3A_381 : memref<1x64xi32, #tpu.memory_space<vmem>> -> memref<64xi32, #tpu.memory_space<vmem>>
      %dma_start3A_383 = arith.constant 0 : i32
      %dma_start3A_384 = arith.constant 0 : i32
      %dma_start3A_385 = tpu.memref_slice %arg12[%dma_start3A_383, %dma_start3A_384] : memref<10240x128xf32, #tpu.memory_space<vmem_shared>> -> memref<10240x128xf32, #tpu.memory_space<vmem_shared>>
      tpu.enqueue_indirect_dma source(%arg8 : memref<64x128xf32, #tpu.memory_space<vmem>>) target(%dma_start3A_385 : memref<10240x128xf32, #tpu.memory_space<vmem_shared>>) offsets(%dma_start3A_382 : memref<64xi32, #tpu.memory_space<vmem>>) semaphore(%arg17 : memref<!tpu.dma_semaphore, #tpu.memory_space<semaphore_mem>>) {add = true}
      %mul3A_386 = arith.constant 16 : i32
      %mul3A_387 = arith.muli %scan3A_49, %mul3A_386 : i32
      %add3A_388 = arith.constant 8 : i32
      %add3A_389 = arith.addi %mul3A_387, %add3A_388 : i32
      %add3A_390 = arith.constant 1 : i32
      %add3A_391 = arith.addi %add3A_389, %add3A_390 : i32
      %dma_wait3A_392 = tpu.memref_slice %arg6[%mul3A_329] : memref<5120xi32, #tpu.memory_space<vmem>> -> memref<64xi32, #tpu.memory_space<vmem>>
      %dma_wait3A_393 = arith.constant 0 : i32
      %dma_wait3A_394 = arith.constant 0 : i32
      %dma_wait3A_395 = tpu.memref_slice %arg2[%dma_wait3A_393, %dma_wait3A_394] : memref<20480x128xf32, #tpu.memory_space<hbm>> -> memref<20480x128xf32, #tpu.memory_space<hbm>>
      tpu.wait_indirect_dma semaphore(%arg14 : memref<!tpu.dma_semaphore, #tpu.memory_space<semaphore_mem>>) src(%dma_wait3A_395 : memref<20480x128xf32, #tpu.memory_space<hbm>>) dst(%arg9 : memref<64x128xf32, #tpu.memory_space<vmem>>)
      %dma_start3A_396 = arith.constant 0 : i32
      %dma_start3A_397 = tpu.memref_slice %arg7[%add3A_391, %dma_start3A_396] : memref<80x64xi32, #tpu.memory_space<vmem>> -> memref<1x64xi32, #tpu.memory_space<vmem>>
      %dma_start3A_398 = tpu.memref_squeeze %dma_start3A_397 : memref<1x64xi32, #tpu.memory_space<vmem>> -> memref<64xi32, #tpu.memory_space<vmem>>
      %dma_start3A_399 = arith.constant 0 : i32
      %dma_start3A_400 = arith.constant 0 : i32
      %dma_start3A_401 = tpu.memref_slice %arg12[%dma_start3A_399, %dma_start3A_400] : memref<10240x128xf32, #tpu.memory_space<vmem_shared>> -> memref<10240x128xf32, #tpu.memory_space<vmem_shared>>
      tpu.enqueue_indirect_dma source(%arg9 : memref<64x128xf32, #tpu.memory_space<vmem>>) target(%dma_start3A_401 : memref<10240x128xf32, #tpu.memory_space<vmem_shared>>) offsets(%dma_start3A_398 : memref<64xi32, #tpu.memory_space<vmem>>) semaphore(%arg18 : memref<!tpu.dma_semaphore, #tpu.memory_space<semaphore_mem>>) {add = true}
      %mul3A_402 = arith.constant 16 : i32
      %mul3A_403 = arith.muli %scan3A_49, %mul3A_402 : i32
      %add3A_404 = arith.constant 8 : i32
      %add3A_405 = arith.addi %mul3A_403, %add3A_404 : i32
      %add3A_406 = arith.constant 2 : i32
      %add3A_407 = arith.addi %add3A_405, %add3A_406 : i32
      %dma_wait3A_408 = tpu.memref_slice %arg6[%mul3A_347] : memref<5120xi32, #tpu.memory_space<vmem>> -> memref<64xi32, #tpu.memory_space<vmem>>
      %dma_wait3A_409 = arith.constant 0 : i32
      %dma_wait3A_410 = arith.constant 0 : i32
      %dma_wait3A_411 = tpu.memref_slice %arg2[%dma_wait3A_409, %dma_wait3A_410] : memref<20480x128xf32, #tpu.memory_space<hbm>> -> memref<20480x128xf32, #tpu.memory_space<hbm>>
      tpu.wait_indirect_dma semaphore(%arg15 : memref<!tpu.dma_semaphore, #tpu.memory_space<semaphore_mem>>) src(%dma_wait3A_411 : memref<20480x128xf32, #tpu.memory_space<hbm>>) dst(%arg10 : memref<64x128xf32, #tpu.memory_space<vmem>>)
      %dma_start3A_412 = arith.constant 0 : i32
      %dma_start3A_413 = tpu.memref_slice %arg7[%add3A_407, %dma_start3A_412] : memref<80x64xi32, #tpu.memory_space<vmem>> -> memref<1x64xi32, #tpu.memory_space<vmem>>
      %dma_start3A_414 = tpu.memref_squeeze %dma_start3A_413 : memref<1x64xi32, #tpu.memory_space<vmem>> -> memref<64xi32, #tpu.memory_space<vmem>>
      %dma_start3A_415 = arith.constant 0 : i32
      %dma_start3A_416 = arith.constant 0 : i32
      %dma_start3A_417 = tpu.memref_slice %arg12[%dma_start3A_415, %dma_start3A_416] : memref<10240x128xf32, #tpu.memory_space<vmem_shared>> -> memref<10240x128xf32, #tpu.memory_space<vmem_shared>>
      tpu.enqueue_indirect_dma source(%arg10 : memref<64x128xf32, #tpu.memory_space<vmem>>) target(%dma_start3A_417 : memref<10240x128xf32, #tpu.memory_space<vmem_shared>>) offsets(%dma_start3A_414 : memref<64xi32, #tpu.memory_space<vmem>>) semaphore(%arg19 : memref<!tpu.dma_semaphore, #tpu.memory_space<semaphore_mem>>) {add = true}
      %mul3A_418 = arith.constant 16 : i32
      %mul3A_419 = arith.muli %scan3A_49, %mul3A_418 : i32
      %add3A_420 = arith.constant 8 : i32
      %add3A_421 = arith.addi %mul3A_419, %add3A_420 : i32
      %add3A_422 = arith.constant 3 : i32
      %add3A_423 = arith.addi %add3A_421, %add3A_422 : i32
      %dma_wait3A_424 = tpu.memref_slice %arg6[%mul3A_365] : memref<5120xi32, #tpu.memory_space<vmem>> -> memref<64xi32, #tpu.memory_space<vmem>>
      %dma_wait3A_425 = arith.constant 0 : i32
      %dma_wait3A_426 = arith.constant 0 : i32
      %dma_wait3A_427 = tpu.memref_slice %arg2[%dma_wait3A_425, %dma_wait3A_426] : memref<20480x128xf32, #tpu.memory_space<hbm>> -> memref<20480x128xf32, #tpu.memory_space<hbm>>
      tpu.wait_indirect_dma semaphore(%arg16 : memref<!tpu.dma_semaphore, #tpu.memory_space<semaphore_mem>>) src(%dma_wait3A_427 : memref<20480x128xf32, #tpu.memory_space<hbm>>) dst(%arg11 : memref<64x128xf32, #tpu.memory_space<vmem>>)
      %dma_start3A_428 = arith.constant 0 : i32
      %dma_start3A_429 = tpu.memref_slice %arg7[%add3A_423, %dma_start3A_428] : memref<80x64xi32, #tpu.memory_space<vmem>> -> memref<1x64xi32, #tpu.memory_space<vmem>>
      %dma_start3A_430 = tpu.memref_squeeze %dma_start3A_429 : memref<1x64xi32, #tpu.memory_space<vmem>> -> memref<64xi32, #tpu.memory_space<vmem>>
      %dma_start3A_431 = arith.constant 0 : i32
      %dma_start3A_432 = arith.constant 0 : i32
      %dma_start3A_433 = tpu.memref_slice %arg12[%dma_start3A_431, %dma_start3A_432] : memref<10240x128xf32, #tpu.memory_space<vmem_shared>> -> memref<10240x128xf32, #tpu.memory_space<vmem_shared>>
      tpu.enqueue_indirect_dma source(%arg11 : memref<64x128xf32, #tpu.memory_space<vmem>>) target(%dma_start3A_433 : memref<10240x128xf32, #tpu.memory_space<vmem_shared>>) offsets(%dma_start3A_430 : memref<64xi32, #tpu.memory_space<vmem>>) semaphore(%arg20 : memref<!tpu.dma_semaphore, #tpu.memory_space<semaphore_mem>>) {add = true}
      %mul3A_434 = arith.constant 16 : i32
      %mul3A_435 = arith.muli %scan3A_49, %mul3A_434 : i32
      %add3A_436 = arith.constant 12 : i32
      %add3A_437 = arith.addi %mul3A_435, %add3A_436 : i32
      %add3A_438 = arith.constant 0 : i32
      %add3A_439 = arith.addi %add3A_437, %add3A_438 : i32
      %dma_wait3A_440 = arith.constant 0 : i32
      %dma_wait3A_441 = tpu.memref_slice %arg7[%add3A_375, %dma_wait3A_440] : memref<80x64xi32, #tpu.memory_space<vmem>> -> memref<1x64xi32, #tpu.memory_space<vmem>>
      %dma_wait3A_442 = tpu.memref_squeeze %dma_wait3A_441 : memref<1x64xi32, #tpu.memory_space<vmem>> -> memref<64xi32, #tpu.memory_space<vmem>>
      %dma_wait3A_443 = arith.constant 0 : i32
      %dma_wait3A_444 = arith.constant 0 : i32
      %dma_wait3A_445 = tpu.memref_slice %arg12[%dma_wait3A_443, %dma_wait3A_444] : memref<10240x128xf32, #tpu.memory_space<vmem_shared>> -> memref<10240x128xf32, #tpu.memory_space<vmem_shared>>
      tpu.wait_indirect_dma semaphore(%arg17 : memref<!tpu.dma_semaphore, #tpu.memory_space<semaphore_mem>>) src(%arg8 : memref<64x128xf32, #tpu.memory_space<vmem>>) dst(%dma_wait3A_445 : memref<10240x128xf32, #tpu.memory_space<vmem_shared>>)
      %mul3A_446 = arith.constant 64 : i32
      %mul3A_447 = arith.muli %add3A_439, %mul3A_446 : i32
      %dma_start3A_448 = tpu.memref_slice %arg6[%mul3A_447] : memref<5120xi32, #tpu.memory_space<vmem>> -> memref<64xi32, #tpu.memory_space<vmem>>
      %dma_start3A_449 = arith.constant 0 : i32
      %dma_start3A_450 = arith.constant 0 : i32
      %dma_start3A_451 = tpu.memref_slice %arg2[%dma_start3A_449, %dma_start3A_450] : memref<20480x128xf32, #tpu.memory_space<hbm>> -> memref<20480x128xf32, #tpu.memory_space<hbm>>
      tpu.enqueue_indirect_dma source(%dma_start3A_451 : memref<20480x128xf32, #tpu.memory_space<hbm>>) target(%arg8 : memref<64x128xf32, #tpu.memory_space<vmem>>) offsets(%dma_start3A_448 : memref<64xi32, #tpu.memory_space<vmem>>) semaphore(%arg13 : memref<!tpu.dma_semaphore, #tpu.memory_space<semaphore_mem>>)
      %mul3A_452 = arith.constant 16 : i32
      %mul3A_453 = arith.muli %scan3A_49, %mul3A_452 : i32
      %add3A_454 = arith.constant 12 : i32
      %add3A_455 = arith.addi %mul3A_453, %add3A_454 : i32
      %add3A_456 = arith.constant 1 : i32
      %add3A_457 = arith.addi %add3A_455, %add3A_456 : i32
      %dma_wait3A_458 = arith.constant 0 : i32
      %dma_wait3A_459 = tpu.memref_slice %arg7[%add3A_391, %dma_wait3A_458] : memref<80x64xi32, #tpu.memory_space<vmem>> -> memref<1x64xi32, #tpu.memory_space<vmem>>
      %dma_wait3A_460 = tpu.memref_squeeze %dma_wait3A_459 : memref<1x64xi32, #tpu.memory_space<vmem>> -> memref<64xi32, #tpu.memory_space<vmem>>
      %dma_wait3A_461 = arith.constant 0 : i32
      %dma_wait3A_462 = arith.constant 0 : i32
      %dma_wait3A_463 = tpu.memref_slice %arg12[%dma_wait3A_461, %dma_wait3A_462] : memref<10240x128xf32, #tpu.memory_space<vmem_shared>> -> memref<10240x128xf32, #tpu.memory_space<vmem_shared>>
      tpu.wait_indirect_dma semaphore(%arg18 : memref<!tpu.dma_semaphore, #tpu.memory_space<semaphore_mem>>) src(%arg9 : memref<64x128xf32, #tpu.memory_space<vmem>>) dst(%dma_wait3A_463 : memref<10240x128xf32, #tpu.memory_space<vmem_shared>>)
      %mul3A_464 = arith.constant 64 : i32
      %mul3A_465 = arith.muli %add3A_457, %mul3A_464 : i32
      %dma_start3A_466 = tpu.memref_slice %arg6[%mul3A_465] : memref<5120xi32, #tpu.memory_space<vmem>> -> memref<64xi32, #tpu.memory_space<vmem>>
      %dma_start3A_467 = arith.constant 0 : i32
      %dma_start3A_468 = arith.constant 0 : i32
      %dma_start3A_469 = tpu.memref_slice %arg2[%dma_start3A_467, %dma_start3A_468] : memref<20480x128xf32, #tpu.memory_space<hbm>> -> memref<20480x128xf32, #tpu.memory_space<hbm>>
      tpu.enqueue_indirect_dma source(%dma_start3A_469 : memref<20480x128xf32, #tpu.memory_space<hbm>>) target(%arg9 : memref<64x128xf32, #tpu.memory_space<vmem>>) offsets(%dma_start3A_466 : memref<64xi32, #tpu.memory_space<vmem>>) semaphore(%arg14 : memref<!tpu.dma_semaphore, #tpu.memory_space<semaphore_mem>>)
      %mul3A_470 = arith.constant 16 : i32
      %mul3A_471 = arith.muli %scan3A_49, %mul3A_470 : i32
      %add3A_472 = arith.constant 12 : i32
      %add3A_473 = arith.addi %mul3A_471, %add3A_472 : i32
      %add3A_474 = arith.constant 2 : i32
      %add3A_475 = arith.addi %add3A_473, %add3A_474 : i32
      %dma_wait3A_476 = arith.constant 0 : i32
      %dma_wait3A_477 = tpu.memref_slice %arg7[%add3A_407, %dma_wait3A_476] : memref<80x64xi32, #tpu.memory_space<vmem>> -> memref<1x64xi32, #tpu.memory_space<vmem>>
      %dma_wait3A_478 = tpu.memref_squeeze %dma_wait3A_477 : memref<1x64xi32, #tpu.memory_space<vmem>> -> memref<64xi32, #tpu.memory_space<vmem>>
      %dma_wait3A_479 = arith.constant 0 : i32
      %dma_wait3A_480 = arith.constant 0 : i32
      %dma_wait3A_481 = tpu.memref_slice %arg12[%dma_wait3A_479, %dma_wait3A_480] : memref<10240x128xf32, #tpu.memory_space<vmem_shared>> -> memref<10240x128xf32, #tpu.memory_space<vmem_shared>>
      tpu.wait_indirect_dma semaphore(%arg19 : memref<!tpu.dma_semaphore, #tpu.memory_space<semaphore_mem>>) src(%arg10 : memref<64x128xf32, #tpu.memory_space<vmem>>) dst(%dma_wait3A_481 : memref<10240x128xf32, #tpu.memory_space<vmem_shared>>)
      %mul3A_482 = arith.constant 64 : i32
      %mul3A_483 = arith.muli %add3A_475, %mul3A_482 : i32
      %dma_start3A_484 = tpu.memref_slice %arg6[%mul3A_483] : memref<5120xi32, #tpu.memory_space<vmem>> -> memref<64xi32, #tpu.memory_space<vmem>>
      %dma_start3A_485 = arith.constant 0 : i32
      %dma_start3A_486 = arith.constant 0 : i32
      %dma_start3A_487 = tpu.memref_slice %arg2[%dma_start3A_485, %dma_start3A_486] : memref<20480x128xf32, #tpu.memory_space<hbm>> -> memref<20480x128xf32, #tpu.memory_space<hbm>>
      tpu.enqueue_indirect_dma source(%dma_start3A_487 : memref<20480x128xf32, #tpu.memory_space<hbm>>) target(%arg10 : memref<64x128xf32, #tpu.memory_space<vmem>>) offsets(%dma_start3A_484 : memref<64xi32, #tpu.memory_space<vmem>>) semaphore(%arg15 : memref<!tpu.dma_semaphore, #tpu.memory_space<semaphore_mem>>)
      %mul3A_488 = arith.constant 16 : i32
      %mul3A_489 = arith.muli %scan3A_49, %mul3A_488 : i32
      %add3A_490 = arith.constant 12 : i32
      %add3A_491 = arith.addi %mul3A_489, %add3A_490 : i32
      %add3A_492 = arith.constant 3 : i32
      %add3A_493 = arith.addi %add3A_491, %add3A_492 : i32
      %dma_wait3A_494 = arith.constant 0 : i32
      %dma_wait3A_495 = tpu.memref_slice %arg7[%add3A_423, %dma_wait3A_494] : memref<80x64xi32, #tpu.memory_space<vmem>> -> memref<1x64xi32, #tpu.memory_space<vmem>>
      %dma_wait3A_496 = tpu.memref_squeeze %dma_wait3A_495 : memref<1x64xi32, #tpu.memory_space<vmem>> -> memref<64xi32, #tpu.memory_space<vmem>>
      %dma_wait3A_497 = arith.constant 0 : i32
      %dma_wait3A_498 = arith.constant 0 : i32
      %dma_wait3A_499 = tpu.memref_slice %arg12[%dma_wait3A_497, %dma_wait3A_498] : memref<10240x128xf32, #tpu.memory_space<vmem_shared>> -> memref<10240x128xf32, #tpu.memory_space<vmem_shared>>
      tpu.wait_indirect_dma semaphore(%arg20 : memref<!tpu.dma_semaphore, #tpu.memory_space<semaphore_mem>>) src(%arg11 : memref<64x128xf32, #tpu.memory_space<vmem>>) dst(%dma_wait3A_499 : memref<10240x128xf32, #tpu.memory_space<vmem_shared>>)
      %mul3A_500 = arith.constant 64 : i32
      %mul3A_501 = arith.muli %add3A_493, %mul3A_500 : i32
      %dma_start3A_502 = tpu.memref_slice %arg6[%mul3A_501] : memref<5120xi32, #tpu.memory_space<vmem>> -> memref<64xi32, #tpu.memory_space<vmem>>
      %dma_start3A_503 = arith.constant 0 : i32
      %dma_start3A_504 = arith.constant 0 : i32
      %dma_start3A_505 = tpu.memref_slice %arg2[%dma_start3A_503, %dma_start3A_504] : memref<20480x128xf32, #tpu.memory_space<hbm>> -> memref<20480x128xf32, #tpu.memory_space<hbm>>
      tpu.enqueue_indirect_dma source(%dma_start3A_505 : memref<20480x128xf32, #tpu.memory_space<hbm>>) target(%arg11 : memref<64x128xf32, #tpu.memory_space<vmem>>) offsets(%dma_start3A_502 : memref<64xi32, #tpu.memory_space<vmem>>) semaphore(%arg16 : memref<!tpu.dma_semaphore, #tpu.memory_space<semaphore_mem>>)
      %mul3A_506 = arith.constant 16 : i32
      %mul3A_507 = arith.muli %scan3A_49, %mul3A_506 : i32
      %add3A_508 = arith.constant 12 : i32
      %add3A_509 = arith.addi %mul3A_507, %add3A_508 : i32
      %add3A_510 = arith.constant 0 : i32
      %add3A_511 = arith.addi %add3A_509, %add3A_510 : i32
      %dma_wait3A_512 = tpu.memref_slice %arg6[%mul3A_447] : memref<5120xi32, #tpu.memory_space<vmem>> -> memref<64xi32, #tpu.memory_space<vmem>>
      %dma_wait3A_513 = arith.constant 0 : i32
      %dma_wait3A_514 = arith.constant 0 : i32
      %dma_wait3A_515 = tpu.memref_slice %arg2[%dma_wait3A_513, %dma_wait3A_514] : memref<20480x128xf32, #tpu.memory_space<hbm>> -> memref<20480x128xf32, #tpu.memory_space<hbm>>
      tpu.wait_indirect_dma semaphore(%arg13 : memref<!tpu.dma_semaphore, #tpu.memory_space<semaphore_mem>>) src(%dma_wait3A_515 : memref<20480x128xf32, #tpu.memory_space<hbm>>) dst(%arg8 : memref<64x128xf32, #tpu.memory_space<vmem>>)
      %dma_start3A_516 = arith.constant 0 : i32
      %dma_start3A_517 = tpu.memref_slice %arg7[%add3A_511, %dma_start3A_516] : memref<80x64xi32, #tpu.memory_space<vmem>> -> memref<1x64xi32, #tpu.memory_space<vmem>>
      %dma_start3A_518 = tpu.memref_squeeze %dma_start3A_517 : memref<1x64xi32, #tpu.memory_space<vmem>> -> memref<64xi32, #tpu.memory_space<vmem>>
      %dma_start3A_519 = arith.constant 0 : i32
      %dma_start3A_520 = arith.constant 0 : i32
      %dma_start3A_521 = tpu.memref_slice %arg12[%dma_start3A_519, %dma_start3A_520] : memref<10240x128xf32, #tpu.memory_space<vmem_shared>> -> memref<10240x128xf32, #tpu.memory_space<vmem_shared>>
      tpu.enqueue_indirect_dma source(%arg8 : memref<64x128xf32, #tpu.memory_space<vmem>>) target(%dma_start3A_521 : memref<10240x128xf32, #tpu.memory_space<vmem_shared>>) offsets(%dma_start3A_518 : memref<64xi32, #tpu.memory_space<vmem>>) semaphore(%arg17 : memref<!tpu.dma_semaphore, #tpu.memory_space<semaphore_mem>>) {add = true}
      %mul3A_522 = arith.constant 16 : i32
      %mul3A_523 = arith.muli %scan3A_49, %mul3A_522 : i32
      %add3A_524 = arith.constant 12 : i32
      %add3A_525 = arith.addi %mul3A_523, %add3A_524 : i32
      %add3A_526 = arith.constant 1 : i32
      %add3A_527 = arith.addi %add3A_525, %add3A_526 : i32
      %dma_wait3A_528 = tpu.memref_slice %arg6[%mul3A_465] : memref<5120xi32, #tpu.memory_space<vmem>> -> memref<64xi32, #tpu.memory_space<vmem>>
      %dma_wait3A_529 = arith.constant 0 : i32
      %dma_wait3A_530 = arith.constant 0 : i32
      %dma_wait3A_531 = tpu.memref_slice %arg2[%dma_wait3A_529, %dma_wait3A_530] : memref<20480x128xf32, #tpu.memory_space<hbm>> -> memref<20480x128xf32, #tpu.memory_space<hbm>>
      tpu.wait_indirect_dma semaphore(%arg14 : memref<!tpu.dma_semaphore, #tpu.memory_space<semaphore_mem>>) src(%dma_wait3A_531 : memref<20480x128xf32, #tpu.memory_space<hbm>>) dst(%arg9 : memref<64x128xf32, #tpu.memory_space<vmem>>)
      %dma_start3A_532 = arith.constant 0 : i32
      %dma_start3A_533 = tpu.memref_slice %arg7[%add3A_527, %dma_start3A_532] : memref<80x64xi32, #tpu.memory_space<vmem>> -> memref<1x64xi32, #tpu.memory_space<vmem>>
      %dma_start3A_534 = tpu.memref_squeeze %dma_start3A_533 : memref<1x64xi32, #tpu.memory_space<vmem>> -> memref<64xi32, #tpu.memory_space<vmem>>
      %dma_start3A_535 = arith.constant 0 : i32
      %dma_start3A_536 = arith.constant 0 : i32
      %dma_start3A_537 = tpu.memref_slice %arg12[%dma_start3A_535, %dma_start3A_536] : memref<10240x128xf32, #tpu.memory_space<vmem_shared>> -> memref<10240x128xf32, #tpu.memory_space<vmem_shared>>
      tpu.enqueue_indirect_dma source(%arg9 : memref<64x128xf32, #tpu.memory_space<vmem>>) target(%dma_start3A_537 : memref<10240x128xf32, #tpu.memory_space<vmem_shared>>) offsets(%dma_start3A_534 : memref<64xi32, #tpu.memory_space<vmem>>) semaphore(%arg18 : memref<!tpu.dma_semaphore, #tpu.memory_space<semaphore_mem>>) {add = true}
      %mul3A_538 = arith.constant 16 : i32
      %mul3A_539 = arith.muli %scan3A_49, %mul3A_538 : i32
      %add3A_540 = arith.constant 12 : i32
      %add3A_541 = arith.addi %mul3A_539, %add3A_540 : i32
      %add3A_542 = arith.constant 2 : i32
      %add3A_543 = arith.addi %add3A_541, %add3A_542 : i32
      %dma_wait3A_544 = tpu.memref_slice %arg6[%mul3A_483] : memref<5120xi32, #tpu.memory_space<vmem>> -> memref<64xi32, #tpu.memory_space<vmem>>
      %dma_wait3A_545 = arith.constant 0 : i32
      %dma_wait3A_546 = arith.constant 0 : i32
      %dma_wait3A_547 = tpu.memref_slice %arg2[%dma_wait3A_545, %dma_wait3A_546] : memref<20480x128xf32, #tpu.memory_space<hbm>> -> memref<20480x128xf32, #tpu.memory_space<hbm>>
      tpu.wait_indirect_dma semaphore(%arg15 : memref<!tpu.dma_semaphore, #tpu.memory_space<semaphore_mem>>) src(%dma_wait3A_547 : memref<20480x128xf32, #tpu.memory_space<hbm>>) dst(%arg10 : memref<64x128xf32, #tpu.memory_space<vmem>>)
      %dma_start3A_548 = arith.constant 0 : i32
      %dma_start3A_549 = tpu.memref_slice %arg7[%add3A_543, %dma_start3A_548] : memref<80x64xi32, #tpu.memory_space<vmem>> -> memref<1x64xi32, #tpu.memory_space<vmem>>
      %dma_start3A_550 = tpu.memref_squeeze %dma_start3A_549 : memref<1x64xi32, #tpu.memory_space<vmem>> -> memref<64xi32, #tpu.memory_space<vmem>>
      %dma_start3A_551 = arith.constant 0 : i32
      %dma_start3A_552 = arith.constant 0 : i32
      %dma_start3A_553 = tpu.memref_slice %arg12[%dma_start3A_551, %dma_start3A_552] : memref<10240x128xf32, #tpu.memory_space<vmem_shared>> -> memref<10240x128xf32, #tpu.memory_space<vmem_shared>>
      tpu.enqueue_indirect_dma source(%arg10 : memref<64x128xf32, #tpu.memory_space<vmem>>) target(%dma_start3A_553 : memref<10240x128xf32, #tpu.memory_space<vmem_shared>>) offsets(%dma_start3A_550 : memref<64xi32, #tpu.memory_space<vmem>>) semaphore(%arg19 : memref<!tpu.dma_semaphore, #tpu.memory_space<semaphore_mem>>) {add = true}
      %mul3A_554 = arith.constant 16 : i32
      %mul3A_555 = arith.muli %scan3A_49, %mul3A_554 : i32
      %add3A_556 = arith.constant 12 : i32
      %add3A_557 = arith.addi %mul3A_555, %add3A_556 : i32
      %add3A_558 = arith.constant 3 : i32
      %add3A_559 = arith.addi %add3A_557, %add3A_558 : i32
      %dma_wait3A_560 = tpu.memref_slice %arg6[%mul3A_501] : memref<5120xi32, #tpu.memory_space<vmem>> -> memref<64xi32, #tpu.memory_space<vmem>>
      %dma_wait3A_561 = arith.constant 0 : i32
      %dma_wait3A_562 = arith.constant 0 : i32
      %dma_wait3A_563 = tpu.memref_slice %arg2[%dma_wait3A_561, %dma_wait3A_562] : memref<20480x128xf32, #tpu.memory_space<hbm>> -> memref<20480x128xf32, #tpu.memory_space<hbm>>
      tpu.wait_indirect_dma semaphore(%arg16 : memref<!tpu.dma_semaphore, #tpu.memory_space<semaphore_mem>>) src(%dma_wait3A_563 : memref<20480x128xf32, #tpu.memory_space<hbm>>) dst(%arg11 : memref<64x128xf32, #tpu.memory_space<vmem>>)
      %dma_start3A_564 = arith.constant 0 : i32
      %dma_start3A_565 = tpu.memref_slice %arg7[%add3A_559, %dma_start3A_564] : memref<80x64xi32, #tpu.memory_space<vmem>> -> memref<1x64xi32, #tpu.memory_space<vmem>>
      %dma_start3A_566 = tpu.memref_squeeze %dma_start3A_565 : memref<1x64xi32, #tpu.memory_space<vmem>> -> memref<64xi32, #tpu.memory_space<vmem>>
      %dma_start3A_567 = arith.constant 0 : i32
      %dma_start3A_568 = arith.constant 0 : i32
      %dma_start3A_569 = tpu.memref_slice %arg12[%dma_start3A_567, %dma_start3A_568] : memref<10240x128xf32, #tpu.memory_space<vmem_shared>> -> memref<10240x128xf32, #tpu.memory_space<vmem_shared>>
      tpu.enqueue_indirect_dma source(%arg11 : memref<64x128xf32, #tpu.memory_space<vmem>>) target(%dma_start3A_569 : memref<10240x128xf32, #tpu.memory_space<vmem_shared>>) offsets(%dma_start3A_566 : memref<64xi32, #tpu.memory_space<vmem>>) semaphore(%arg20 : memref<!tpu.dma_semaphore, #tpu.memory_space<semaphore_mem>>) {add = true}
      %dma_wait3A_570 = arith.constant 0 : i32
      %dma_wait3A_571 = tpu.memref_slice %arg7[%add3A_511, %dma_wait3A_570] : memref<80x64xi32, #tpu.memory_space<vmem>> -> memref<1x64xi32, #tpu.memory_space<vmem>>
      %dma_wait3A_572 = tpu.memref_squeeze %dma_wait3A_571 : memref<1x64xi32, #tpu.memory_space<vmem>> -> memref<64xi32, #tpu.memory_space<vmem>>
      %dma_wait3A_573 = arith.constant 0 : i32
      %dma_wait3A_574 = arith.constant 0 : i32
      %dma_wait3A_575 = tpu.memref_slice %arg12[%dma_wait3A_573, %dma_wait3A_574] : memref<10240x128xf32, #tpu.memory_space<vmem_shared>> -> memref<10240x128xf32, #tpu.memory_space<vmem_shared>>
      tpu.wait_indirect_dma semaphore(%arg17 : memref<!tpu.dma_semaphore, #tpu.memory_space<semaphore_mem>>) src(%arg8 : memref<64x128xf32, #tpu.memory_space<vmem>>) dst(%dma_wait3A_575 : memref<10240x128xf32, #tpu.memory_space<vmem_shared>>)
      %dma_wait3A_576 = arith.constant 0 : i32
      %dma_wait3A_577 = tpu.memref_slice %arg7[%add3A_527, %dma_wait3A_576] : memref<80x64xi32, #tpu.memory_space<vmem>> -> memref<1x64xi32, #tpu.memory_space<vmem>>
      %dma_wait3A_578 = tpu.memref_squeeze %dma_wait3A_577 : memref<1x64xi32, #tpu.memory_space<vmem>> -> memref<64xi32, #tpu.memory_space<vmem>>
      %dma_wait3A_579 = arith.constant 0 : i32
      %dma_wait3A_580 = arith.constant 0 : i32
      %dma_wait3A_581 = tpu.memref_slice %arg12[%dma_wait3A_579, %dma_wait3A_580] : memref<10240x128xf32, #tpu.memory_space<vmem_shared>> -> memref<10240x128xf32, #tpu.memory_space<vmem_shared>>
      tpu.wait_indirect_dma semaphore(%arg18 : memref<!tpu.dma_semaphore, #tpu.memory_space<semaphore_mem>>) src(%arg9 : memref<64x128xf32, #tpu.memory_space<vmem>>) dst(%dma_wait3A_581 : memref<10240x128xf32, #tpu.memory_space<vmem_shared>>)
      %dma_wait3A_582 = arith.constant 0 : i32
      %dma_wait3A_583 = tpu.memref_slice %arg7[%add3A_543, %dma_wait3A_582] : memref<80x64xi32, #tpu.memory_space<vmem>> -> memref<1x64xi32, #tpu.memory_space<vmem>>
      %dma_wait3A_584 = tpu.memref_squeeze %dma_wait3A_583 : memref<1x64xi32, #tpu.memory_space<vmem>> -> memref<64xi32, #tpu.memory_space<vmem>>
      %dma_wait3A_585 = arith.constant 0 : i32
      %dma_wait3A_586 = arith.constant 0 : i32
      %dma_wait3A_587 = tpu.memref_slice %arg12[%dma_wait3A_585, %dma_wait3A_586] : memref<10240x128xf32, #tpu.memory_space<vmem_shared>> -> memref<10240x128xf32, #tpu.memory_space<vmem_shared>>
      tpu.wait_indirect_dma semaphore(%arg19 : memref<!tpu.dma_semaphore, #tpu.memory_space<semaphore_mem>>) src(%arg10 : memref<64x128xf32, #tpu.memory_space<vmem>>) dst(%dma_wait3A_587 : memref<10240x128xf32, #tpu.memory_space<vmem_shared>>)
      %dma_wait3A_588 = arith.constant 0 : i32
      %dma_wait3A_589 = tpu.memref_slice %arg7[%add3A_559, %dma_wait3A_588] : memref<80x64xi32, #tpu.memory_space<vmem>> -> memref<1x64xi32, #tpu.memory_space<vmem>>
      %dma_wait3A_590 = tpu.memref_squeeze %dma_wait3A_589 : memref<1x64xi32, #tpu.memory_space<vmem>> -> memref<64xi32, #tpu.memory_space<vmem>>
      %dma_wait3A_591 = arith.constant 0 : i32
      %dma_wait3A_592 = arith.constant 0 : i32
      %dma_wait3A_593 = tpu.memref_slice %arg12[%dma_wait3A_591, %dma_wait3A_592] : memref<10240x128xf32, #tpu.memory_space<vmem_shared>> -> memref<10240x128xf32, #tpu.memory_space<vmem_shared>>
      tpu.wait_indirect_dma semaphore(%arg20 : memref<!tpu.dma_semaphore, #tpu.memory_space<semaphore_mem>>) src(%arg11 : memref<64x128xf32, #tpu.memory_space<vmem>>) dst(%dma_wait3A_593 : memref<10240x128xf32, #tpu.memory_space<vmem_shared>>)
    }
    %scan3A_26 = arith.constant 5 : i32
    %mul3A_27 = arith.constant 163840 : i32
    %mul3A_28 = arith.muli %arg0, %mul3A_27 : i32
    %mul3A_29 = arith.constant 10240 : i32
    %mul3A_30 = arith.muli %arg1, %mul3A_29 : i32
    %add3A_31 = arith.addi %mul3A_28, %mul3A_30 : i32
    %add3A_32 = arith.constant 5120 : i32
    %add3A_33 = arith.addi %add3A_31, %add3A_32 : i32
    "tpu.region"() ({
      %run_scoped3A = tpu.sem_alloc : memref<!tpu.dma_semaphore, #tpu.memory_space<semaphore_mem>>
      %dma_start3A_49 = tpu.memref_slice %arg3[%add3A_33] : memref<327680xi32, #tpu.memory_space<hbm>> -> memref<5120xi32, #tpu.memory_space<hbm>>
      %dma_start3A_50 = tpu.memref_slice %arg3[%add3A_33] : memref<327680xi32, #tpu.memory_space<hbm>> -> memref<5120xi32, #tpu.memory_space<hbm>>
      tpu.enqueue_dma source(%dma_start3A_50 : memref<5120xi32, #tpu.memory_space<hbm>>) target(%arg6 : memref<5120xi32, #tpu.memory_space<vmem>>) target_semaphore(%run_scoped3A : memref<!tpu.dma_semaphore, #tpu.memory_space<semaphore_mem>>)
      %dma_wait3A_51 = tpu.memref_slice %arg3[%add3A_33] : memref<327680xi32, #tpu.memory_space<hbm>> -> memref<5120xi32, #tpu.memory_space<hbm>>
      %dma_wait3A_52 = tpu.memref_slice %arg3[%add3A_33] : memref<327680xi32, #tpu.memory_space<hbm>> -> memref<5120xi32, #tpu.memory_space<hbm>>
      tpu.wait_dma2 semaphore(%run_scoped3A : memref<!tpu.dma_semaphore, #tpu.memory_space<semaphore_mem>>) src(%dma_wait3A_52 : memref<5120xi32, #tpu.memory_space<hbm>>) dst(%arg6 : memref<5120xi32, #tpu.memory_space<vmem>>)
      tpu.yield
    }) : () -> ()
    %mul3A_34 = arith.constant 160 : i32
    %mul3A_35 = arith.muli %arg1, %mul3A_34 : i32
    %add3A_36 = arith.constant 80 : i32
    %add3A_37 = arith.addi %mul3A_35, %add3A_36 : i32
    "tpu.region"() ({
      %run_scoped3A = tpu.sem_alloc : memref<!tpu.dma_semaphore, #tpu.memory_space<semaphore_mem>>
      %dma_start3A_49 = arith.constant 0 : i32
      %dma_start3A_50 = tpu.memref_slice %arg4[%add3A_37, %dma_start3A_49] : memref<2560x64xi32, #tpu.memory_space<hbm>> -> memref<80x64xi32, #tpu.memory_space<hbm>>
      %dma_start3A_51 = arith.constant 0 : i32
      %dma_start3A_52 = tpu.memref_slice %arg4[%add3A_37, %dma_start3A_51] : memref<2560x64xi32, #tpu.memory_space<hbm>> -> memref<80x64xi32, #tpu.memory_space<hbm>>
      tpu.enqueue_dma source(%dma_start3A_52 : memref<80x64xi32, #tpu.memory_space<hbm>>) target(%arg7 : memref<80x64xi32, #tpu.memory_space<vmem>>) target_semaphore(%run_scoped3A : memref<!tpu.dma_semaphore, #tpu.memory_space<semaphore_mem>>)
      %dma_wait3A_53 = arith.constant 0 : i32
      %dma_wait3A_54 = tpu.memref_slice %arg4[%add3A_37, %dma_wait3A_53] : memref<2560x64xi32, #tpu.memory_space<hbm>> -> memref<80x64xi32, #tpu.memory_space<hbm>>
      %dma_wait3A_55 = arith.constant 0 : i32
      %dma_wait3A_56 = tpu.memref_slice %arg4[%add3A_37, %dma_wait3A_55] : memref<2560x64xi32, #tpu.memory_space<hbm>> -> memref<80x64xi32, #tpu.memory_space<hbm>>
      tpu.wait_dma2 semaphore(%run_scoped3A : memref<!tpu.dma_semaphore, #tpu.memory_space<semaphore_mem>>) src(%dma_wait3A_56 : memref<80x64xi32, #tpu.memory_space<hbm>>) dst(%arg7 : memref<80x64xi32, #tpu.memory_space<vmem>>)
      tpu.yield
    }) : () -> ()
    %scan3A_38 = arith.constant 0 : i32
    %scan3A_39 = arith.constant 0 : i32
    %scan3A_40 = arith.constant 5 : i32
    %scan3A_41 = arith.addi %scan3A_39, %scan3A_40 : i32
    %scan3A_42 = arith.constant 1 : i32
    scf.for %scan3A_49 = %scan3A_39 to %scan3A_41 step %scan3A_42  : i32 {
      %mul3A_50 = arith.constant 16 : i32
      %mul3A_51 = arith.muli %scan3A_49, %mul3A_50 : i32
      %add3A_52 = arith.constant 0 : i32
      %add3A_53 = arith.addi %mul3A_51, %add3A_52 : i32
      %add3A_54 = arith.constant 0 : i32
      %add3A_55 = arith.addi %add3A_53, %add3A_54 : i32
      %mul3A_56 = arith.constant 64 : i32
      %mul3A_57 = arith.muli %add3A_55, %mul3A_56 : i32
      %dma_start3A_58 = tpu.memref_slice %arg6[%mul3A_57] : memref<5120xi32, #tpu.memory_space<vmem>> -> memref<64xi32, #tpu.memory_space<vmem>>
      %dma_start3A_59 = arith.constant 0 : i32
      %dma_start3A_60 = arith.constant 0 : i32
      %dma_start3A_61 = tpu.memref_slice %arg2[%dma_start3A_59, %dma_start3A_60] : memref<20480x128xf32, #tpu.memory_space<hbm>> -> memref<20480x128xf32, #tpu.memory_space<hbm>>
      tpu.enqueue_indirect_dma source(%dma_start3A_61 : memref<20480x128xf32, #tpu.memory_space<hbm>>) target(%arg8 : memref<64x128xf32, #tpu.memory_space<vmem>>) offsets(%dma_start3A_58 : memref<64xi32, #tpu.memory_space<vmem>>) semaphore(%arg13 : memref<!tpu.dma_semaphore, #tpu.memory_space<semaphore_mem>>)
      %mul3A_62 = arith.constant 16 : i32
      %mul3A_63 = arith.muli %scan3A_49, %mul3A_62 : i32
      %add3A_64 = arith.constant 0 : i32
      %add3A_65 = arith.addi %mul3A_63, %add3A_64 : i32
      %add3A_66 = arith.constant 1 : i32
      %add3A_67 = arith.addi %add3A_65, %add3A_66 : i32
      %mul3A_68 = arith.constant 64 : i32
      %mul3A_69 = arith.muli %add3A_67, %mul3A_68 : i32
      %dma_start3A_70 = tpu.memref_slice %arg6[%mul3A_69] : memref<5120xi32, #tpu.memory_space<vmem>> -> memref<64xi32, #tpu.memory_space<vmem>>
      %dma_start3A_71 = arith.constant 0 : i32
      %dma_start3A_72 = arith.constant 0 : i32
      %dma_start3A_73 = tpu.memref_slice %arg2[%dma_start3A_71, %dma_start3A_72] : memref<20480x128xf32, #tpu.memory_space<hbm>> -> memref<20480x128xf32, #tpu.memory_space<hbm>>
      tpu.enqueue_indirect_dma source(%dma_start3A_73 : memref<20480x128xf32, #tpu.memory_space<hbm>>) target(%arg9 : memref<64x128xf32, #tpu.memory_space<vmem>>) offsets(%dma_start3A_70 : memref<64xi32, #tpu.memory_space<vmem>>) semaphore(%arg14 : memref<!tpu.dma_semaphore, #tpu.memory_space<semaphore_mem>>)
      %mul3A_74 = arith.constant 16 : i32
      %mul3A_75 = arith.muli %scan3A_49, %mul3A_74 : i32
      %add3A_76 = arith.constant 0 : i32
      %add3A_77 = arith.addi %mul3A_75, %add3A_76 : i32
      %add3A_78 = arith.constant 2 : i32
      %add3A_79 = arith.addi %add3A_77, %add3A_78 : i32
      %mul3A_80 = arith.constant 64 : i32
      %mul3A_81 = arith.muli %add3A_79, %mul3A_80 : i32
      %dma_start3A_82 = tpu.memref_slice %arg6[%mul3A_81] : memref<5120xi32, #tpu.memory_space<vmem>> -> memref<64xi32, #tpu.memory_space<vmem>>
      %dma_start3A_83 = arith.constant 0 : i32
      %dma_start3A_84 = arith.constant 0 : i32
      %dma_start3A_85 = tpu.memref_slice %arg2[%dma_start3A_83, %dma_start3A_84] : memref<20480x128xf32, #tpu.memory_space<hbm>> -> memref<20480x128xf32, #tpu.memory_space<hbm>>
      tpu.enqueue_indirect_dma source(%dma_start3A_85 : memref<20480x128xf32, #tpu.memory_space<hbm>>) target(%arg10 : memref<64x128xf32, #tpu.memory_space<vmem>>) offsets(%dma_start3A_82 : memref<64xi32, #tpu.memory_space<vmem>>) semaphore(%arg15 : memref<!tpu.dma_semaphore, #tpu.memory_space<semaphore_mem>>)
      %mul3A_86 = arith.constant 16 : i32
      %mul3A_87 = arith.muli %scan3A_49, %mul3A_86 : i32
      %add3A_88 = arith.constant 0 : i32
      %add3A_89 = arith.addi %mul3A_87, %add3A_88 : i32
      %add3A_90 = arith.constant 3 : i32
      %add3A_91 = arith.addi %add3A_89, %add3A_90 : i32
      %mul3A_92 = arith.constant 64 : i32
      %mul3A_93 = arith.muli %add3A_91, %mul3A_92 : i32
      %dma_start3A_94 = tpu.memref_slice %arg6[%mul3A_93] : memref<5120xi32, #tpu.memory_space<vmem>> -> memref<64xi32, #tpu.memory_space<vmem>>
      %dma_start3A_95 = arith.constant 0 : i32
      %dma_start3A_96 = arith.constant 0 : i32
      %dma_start3A_97 = tpu.memref_slice %arg2[%dma_start3A_95, %dma_start3A_96] : memref<20480x128xf32, #tpu.memory_space<hbm>> -> memref<20480x128xf32, #tpu.memory_space<hbm>>
      tpu.enqueue_indirect_dma source(%dma_start3A_97 : memref<20480x128xf32, #tpu.memory_space<hbm>>) target(%arg11 : memref<64x128xf32, #tpu.memory_space<vmem>>) offsets(%dma_start3A_94 : memref<64xi32, #tpu.memory_space<vmem>>) semaphore(%arg16 : memref<!tpu.dma_semaphore, #tpu.memory_space<semaphore_mem>>)
      %mul3A_98 = arith.constant 16 : i32
      %mul3A_99 = arith.muli %scan3A_49, %mul3A_98 : i32
      %add3A_100 = arith.constant 0 : i32
      %add3A_101 = arith.addi %mul3A_99, %add3A_100 : i32
      %add3A_102 = arith.constant 0 : i32
      %add3A_103 = arith.addi %add3A_101, %add3A_102 : i32
      %dma_wait3A_104 = tpu.memref_slice %arg6[%mul3A_57] : memref<5120xi32, #tpu.memory_space<vmem>> -> memref<64xi32, #tpu.memory_space<vmem>>
      %dma_wait3A_105 = arith.constant 0 : i32
      %dma_wait3A_106 = arith.constant 0 : i32
      %dma_wait3A_107 = tpu.memref_slice %arg2[%dma_wait3A_105, %dma_wait3A_106] : memref<20480x128xf32, #tpu.memory_space<hbm>> -> memref<20480x128xf32, #tpu.memory_space<hbm>>
      tpu.wait_indirect_dma semaphore(%arg13 : memref<!tpu.dma_semaphore, #tpu.memory_space<semaphore_mem>>) src(%dma_wait3A_107 : memref<20480x128xf32, #tpu.memory_space<hbm>>) dst(%arg8 : memref<64x128xf32, #tpu.memory_space<vmem>>)
      %dma_start3A_108 = arith.constant 0 : i32
      %dma_start3A_109 = tpu.memref_slice %arg7[%add3A_103, %dma_start3A_108] : memref<80x64xi32, #tpu.memory_space<vmem>> -> memref<1x64xi32, #tpu.memory_space<vmem>>
      %dma_start3A_110 = tpu.memref_squeeze %dma_start3A_109 : memref<1x64xi32, #tpu.memory_space<vmem>> -> memref<64xi32, #tpu.memory_space<vmem>>
      %dma_start3A_111 = arith.constant 0 : i32
      %dma_start3A_112 = arith.constant 0 : i32
      %dma_start3A_113 = tpu.memref_slice %arg12[%dma_start3A_111, %dma_start3A_112] : memref<10240x128xf32, #tpu.memory_space<vmem_shared>> -> memref<10240x128xf32, #tpu.memory_space<vmem_shared>>
      tpu.enqueue_indirect_dma source(%arg8 : memref<64x128xf32, #tpu.memory_space<vmem>>) target(%dma_start3A_113 : memref<10240x128xf32, #tpu.memory_space<vmem_shared>>) offsets(%dma_start3A_110 : memref<64xi32, #tpu.memory_space<vmem>>) semaphore(%arg17 : memref<!tpu.dma_semaphore, #tpu.memory_space<semaphore_mem>>) {add = true}
      %mul3A_114 = arith.constant 16 : i32
      %mul3A_115 = arith.muli %scan3A_49, %mul3A_114 : i32
      %add3A_116 = arith.constant 0 : i32
      %add3A_117 = arith.addi %mul3A_115, %add3A_116 : i32
      %add3A_118 = arith.constant 1 : i32
      %add3A_119 = arith.addi %add3A_117, %add3A_118 : i32
      %dma_wait3A_120 = tpu.memref_slice %arg6[%mul3A_69] : memref<5120xi32, #tpu.memory_space<vmem>> -> memref<64xi32, #tpu.memory_space<vmem>>
      %dma_wait3A_121 = arith.constant 0 : i32
      %dma_wait3A_122 = arith.constant 0 : i32
      %dma_wait3A_123 = tpu.memref_slice %arg2[%dma_wait3A_121, %dma_wait3A_122] : memref<20480x128xf32, #tpu.memory_space<hbm>> -> memref<20480x128xf32, #tpu.memory_space<hbm>>
      tpu.wait_indirect_dma semaphore(%arg14 : memref<!tpu.dma_semaphore, #tpu.memory_space<semaphore_mem>>) src(%dma_wait3A_123 : memref<20480x128xf32, #tpu.memory_space<hbm>>) dst(%arg9 : memref<64x128xf32, #tpu.memory_space<vmem>>)
      %dma_start3A_124 = arith.constant 0 : i32
      %dma_start3A_125 = tpu.memref_slice %arg7[%add3A_119, %dma_start3A_124] : memref<80x64xi32, #tpu.memory_space<vmem>> -> memref<1x64xi32, #tpu.memory_space<vmem>>
      %dma_start3A_126 = tpu.memref_squeeze %dma_start3A_125 : memref<1x64xi32, #tpu.memory_space<vmem>> -> memref<64xi32, #tpu.memory_space<vmem>>
      %dma_start3A_127 = arith.constant 0 : i32
      %dma_start3A_128 = arith.constant 0 : i32
      %dma_start3A_129 = tpu.memref_slice %arg12[%dma_start3A_127, %dma_start3A_128] : memref<10240x128xf32, #tpu.memory_space<vmem_shared>> -> memref<10240x128xf32, #tpu.memory_space<vmem_shared>>
      tpu.enqueue_indirect_dma source(%arg9 : memref<64x128xf32, #tpu.memory_space<vmem>>) target(%dma_start3A_129 : memref<10240x128xf32, #tpu.memory_space<vmem_shared>>) offsets(%dma_start3A_126 : memref<64xi32, #tpu.memory_space<vmem>>) semaphore(%arg18 : memref<!tpu.dma_semaphore, #tpu.memory_space<semaphore_mem>>) {add = true}
      %mul3A_130 = arith.constant 16 : i32
      %mul3A_131 = arith.muli %scan3A_49, %mul3A_130 : i32
      %add3A_132 = arith.constant 0 : i32
      %add3A_133 = arith.addi %mul3A_131, %add3A_132 : i32
      %add3A_134 = arith.constant 2 : i32
      %add3A_135 = arith.addi %add3A_133, %add3A_134 : i32
      %dma_wait3A_136 = tpu.memref_slice %arg6[%mul3A_81] : memref<5120xi32, #tpu.memory_space<vmem>> -> memref<64xi32, #tpu.memory_space<vmem>>
      %dma_wait3A_137 = arith.constant 0 : i32
      %dma_wait3A_138 = arith.constant 0 : i32
      %dma_wait3A_139 = tpu.memref_slice %arg2[%dma_wait3A_137, %dma_wait3A_138] : memref<20480x128xf32, #tpu.memory_space<hbm>> -> memref<20480x128xf32, #tpu.memory_space<hbm>>
      tpu.wait_indirect_dma semaphore(%arg15 : memref<!tpu.dma_semaphore, #tpu.memory_space<semaphore_mem>>) src(%dma_wait3A_139 : memref<20480x128xf32, #tpu.memory_space<hbm>>) dst(%arg10 : memref<64x128xf32, #tpu.memory_space<vmem>>)
      %dma_start3A_140 = arith.constant 0 : i32
      %dma_start3A_141 = tpu.memref_slice %arg7[%add3A_135, %dma_start3A_140] : memref<80x64xi32, #tpu.memory_space<vmem>> -> memref<1x64xi32, #tpu.memory_space<vmem>>
      %dma_start3A_142 = tpu.memref_squeeze %dma_start3A_141 : memref<1x64xi32, #tpu.memory_space<vmem>> -> memref<64xi32, #tpu.memory_space<vmem>>
      %dma_start3A_143 = arith.constant 0 : i32
      %dma_start3A_144 = arith.constant 0 : i32
      %dma_start3A_145 = tpu.memref_slice %arg12[%dma_start3A_143, %dma_start3A_144] : memref<10240x128xf32, #tpu.memory_space<vmem_shared>> -> memref<10240x128xf32, #tpu.memory_space<vmem_shared>>
      tpu.enqueue_indirect_dma source(%arg10 : memref<64x128xf32, #tpu.memory_space<vmem>>) target(%dma_start3A_145 : memref<10240x128xf32, #tpu.memory_space<vmem_shared>>) offsets(%dma_start3A_142 : memref<64xi32, #tpu.memory_space<vmem>>) semaphore(%arg19 : memref<!tpu.dma_semaphore, #tpu.memory_space<semaphore_mem>>) {add = true}
      %mul3A_146 = arith.constant 16 : i32
      %mul3A_147 = arith.muli %scan3A_49, %mul3A_146 : i32
      %add3A_148 = arith.constant 0 : i32
      %add3A_149 = arith.addi %mul3A_147, %add3A_148 : i32
      %add3A_150 = arith.constant 3 : i32
      %add3A_151 = arith.addi %add3A_149, %add3A_150 : i32
      %dma_wait3A_152 = tpu.memref_slice %arg6[%mul3A_93] : memref<5120xi32, #tpu.memory_space<vmem>> -> memref<64xi32, #tpu.memory_space<vmem>>
      %dma_wait3A_153 = arith.constant 0 : i32
      %dma_wait3A_154 = arith.constant 0 : i32
      %dma_wait3A_155 = tpu.memref_slice %arg2[%dma_wait3A_153, %dma_wait3A_154] : memref<20480x128xf32, #tpu.memory_space<hbm>> -> memref<20480x128xf32, #tpu.memory_space<hbm>>
      tpu.wait_indirect_dma semaphore(%arg16 : memref<!tpu.dma_semaphore, #tpu.memory_space<semaphore_mem>>) src(%dma_wait3A_155 : memref<20480x128xf32, #tpu.memory_space<hbm>>) dst(%arg11 : memref<64x128xf32, #tpu.memory_space<vmem>>)
      %dma_start3A_156 = arith.constant 0 : i32
      %dma_start3A_157 = tpu.memref_slice %arg7[%add3A_151, %dma_start3A_156] : memref<80x64xi32, #tpu.memory_space<vmem>> -> memref<1x64xi32, #tpu.memory_space<vmem>>
      %dma_start3A_158 = tpu.memref_squeeze %dma_start3A_157 : memref<1x64xi32, #tpu.memory_space<vmem>> -> memref<64xi32, #tpu.memory_space<vmem>>
      %dma_start3A_159 = arith.constant 0 : i32
      %dma_start3A_160 = arith.constant 0 : i32
      %dma_start3A_161 = tpu.memref_slice %arg12[%dma_start3A_159, %dma_start3A_160] : memref<10240x128xf32, #tpu.memory_space<vmem_shared>> -> memref<10240x128xf32, #tpu.memory_space<vmem_shared>>
      tpu.enqueue_indirect_dma source(%arg11 : memref<64x128xf32, #tpu.memory_space<vmem>>) target(%dma_start3A_161 : memref<10240x128xf32, #tpu.memory_space<vmem_shared>>) offsets(%dma_start3A_158 : memref<64xi32, #tpu.memory_space<vmem>>) semaphore(%arg20 : memref<!tpu.dma_semaphore, #tpu.memory_space<semaphore_mem>>) {add = true}
      %mul3A_162 = arith.constant 16 : i32
      %mul3A_163 = arith.muli %scan3A_49, %mul3A_162 : i32
      %add3A_164 = arith.constant 4 : i32
      %add3A_165 = arith.addi %mul3A_163, %add3A_164 : i32
      %add3A_166 = arith.constant 0 : i32
      %add3A_167 = arith.addi %add3A_165, %add3A_166 : i32
      %dma_wait3A_168 = arith.constant 0 : i32
      %dma_wait3A_169 = tpu.memref_slice %arg7[%add3A_103, %dma_wait3A_168] : memref<80x64xi32, #tpu.memory_space<vmem>> -> memref<1x64xi32, #tpu.memory_space<vmem>>
      %dma_wait3A_170 = tpu.memref_squeeze %dma_wait3A_169 : memref<1x64xi32, #tpu.memory_space<vmem>> -> memref<64xi32, #tpu.memory_space<vmem>>
      %dma_wait3A_171 = arith.constant 0 : i32
      %dma_wait3A_172 = arith.constant 0 : i32
      %dma_wait3A_173 = tpu.memref_slice %arg12[%dma_wait3A_171, %dma_wait3A_172] : memref<10240x128xf32, #tpu.memory_space<vmem_shared>> -> memref<10240x128xf32, #tpu.memory_space<vmem_shared>>
      tpu.wait_indirect_dma semaphore(%arg17 : memref<!tpu.dma_semaphore, #tpu.memory_space<semaphore_mem>>) src(%arg8 : memref<64x128xf32, #tpu.memory_space<vmem>>) dst(%dma_wait3A_173 : memref<10240x128xf32, #tpu.memory_space<vmem_shared>>)
      %mul3A_174 = arith.constant 64 : i32
      %mul3A_175 = arith.muli %add3A_167, %mul3A_174 : i32
      %dma_start3A_176 = tpu.memref_slice %arg6[%mul3A_175] : memref<5120xi32, #tpu.memory_space<vmem>> -> memref<64xi32, #tpu.memory_space<vmem>>
      %dma_start3A_177 = arith.constant 0 : i32
      %dma_start3A_178 = arith.constant 0 : i32
      %dma_start3A_179 = tpu.memref_slice %arg2[%dma_start3A_177, %dma_start3A_178] : memref<20480x128xf32, #tpu.memory_space<hbm>> -> memref<20480x128xf32, #tpu.memory_space<hbm>>
      tpu.enqueue_indirect_dma source(%dma_start3A_179 : memref<20480x128xf32, #tpu.memory_space<hbm>>) target(%arg8 : memref<64x128xf32, #tpu.memory_space<vmem>>) offsets(%dma_start3A_176 : memref<64xi32, #tpu.memory_space<vmem>>) semaphore(%arg13 : memref<!tpu.dma_semaphore, #tpu.memory_space<semaphore_mem>>)
      %mul3A_180 = arith.constant 16 : i32
      %mul3A_181 = arith.muli %scan3A_49, %mul3A_180 : i32
      %add3A_182 = arith.constant 4 : i32
      %add3A_183 = arith.addi %mul3A_181, %add3A_182 : i32
      %add3A_184 = arith.constant 1 : i32
      %add3A_185 = arith.addi %add3A_183, %add3A_184 : i32
      %dma_wait3A_186 = arith.constant 0 : i32
      %dma_wait3A_187 = tpu.memref_slice %arg7[%add3A_119, %dma_wait3A_186] : memref<80x64xi32, #tpu.memory_space<vmem>> -> memref<1x64xi32, #tpu.memory_space<vmem>>
      %dma_wait3A_188 = tpu.memref_squeeze %dma_wait3A_187 : memref<1x64xi32, #tpu.memory_space<vmem>> -> memref<64xi32, #tpu.memory_space<vmem>>
      %dma_wait3A_189 = arith.constant 0 : i32
      %dma_wait3A_190 = arith.constant 0 : i32
      %dma_wait3A_191 = tpu.memref_slice %arg12[%dma_wait3A_189, %dma_wait3A_190] : memref<10240x128xf32, #tpu.memory_space<vmem_shared>> -> memref<10240x128xf32, #tpu.memory_space<vmem_shared>>
      tpu.wait_indirect_dma semaphore(%arg18 : memref<!tpu.dma_semaphore, #tpu.memory_space<semaphore_mem>>) src(%arg9 : memref<64x128xf32, #tpu.memory_space<vmem>>) dst(%dma_wait3A_191 : memref<10240x128xf32, #tpu.memory_space<vmem_shared>>)
      %mul3A_192 = arith.constant 64 : i32
      %mul3A_193 = arith.muli %add3A_185, %mul3A_192 : i32
      %dma_start3A_194 = tpu.memref_slice %arg6[%mul3A_193] : memref<5120xi32, #tpu.memory_space<vmem>> -> memref<64xi32, #tpu.memory_space<vmem>>
      %dma_start3A_195 = arith.constant 0 : i32
      %dma_start3A_196 = arith.constant 0 : i32
      %dma_start3A_197 = tpu.memref_slice %arg2[%dma_start3A_195, %dma_start3A_196] : memref<20480x128xf32, #tpu.memory_space<hbm>> -> memref<20480x128xf32, #tpu.memory_space<hbm>>
      tpu.enqueue_indirect_dma source(%dma_start3A_197 : memref<20480x128xf32, #tpu.memory_space<hbm>>) target(%arg9 : memref<64x128xf32, #tpu.memory_space<vmem>>) offsets(%dma_start3A_194 : memref<64xi32, #tpu.memory_space<vmem>>) semaphore(%arg14 : memref<!tpu.dma_semaphore, #tpu.memory_space<semaphore_mem>>)
      %mul3A_198 = arith.constant 16 : i32
      %mul3A_199 = arith.muli %scan3A_49, %mul3A_198 : i32
      %add3A_200 = arith.constant 4 : i32
      %add3A_201 = arith.addi %mul3A_199, %add3A_200 : i32
      %add3A_202 = arith.constant 2 : i32
      %add3A_203 = arith.addi %add3A_201, %add3A_202 : i32
      %dma_wait3A_204 = arith.constant 0 : i32
      %dma_wait3A_205 = tpu.memref_slice %arg7[%add3A_135, %dma_wait3A_204] : memref<80x64xi32, #tpu.memory_space<vmem>> -> memref<1x64xi32, #tpu.memory_space<vmem>>
      %dma_wait3A_206 = tpu.memref_squeeze %dma_wait3A_205 : memref<1x64xi32, #tpu.memory_space<vmem>> -> memref<64xi32, #tpu.memory_space<vmem>>
      %dma_wait3A_207 = arith.constant 0 : i32
      %dma_wait3A_208 = arith.constant 0 : i32
      %dma_wait3A_209 = tpu.memref_slice %arg12[%dma_wait3A_207, %dma_wait3A_208] : memref<10240x128xf32, #tpu.memory_space<vmem_shared>> -> memref<10240x128xf32, #tpu.memory_space<vmem_shared>>
      tpu.wait_indirect_dma semaphore(%arg19 : memref<!tpu.dma_semaphore, #tpu.memory_space<semaphore_mem>>) src(%arg10 : memref<64x128xf32, #tpu.memory_space<vmem>>) dst(%dma_wait3A_209 : memref<10240x128xf32, #tpu.memory_space<vmem_shared>>)
      %mul3A_210 = arith.constant 64 : i32
      %mul3A_211 = arith.muli %add3A_203, %mul3A_210 : i32
      %dma_start3A_212 = tpu.memref_slice %arg6[%mul3A_211] : memref<5120xi32, #tpu.memory_space<vmem>> -> memref<64xi32, #tpu.memory_space<vmem>>
      %dma_start3A_213 = arith.constant 0 : i32
      %dma_start3A_214 = arith.constant 0 : i32
      %dma_start3A_215 = tpu.memref_slice %arg2[%dma_start3A_213, %dma_start3A_214] : memref<20480x128xf32, #tpu.memory_space<hbm>> -> memref<20480x128xf32, #tpu.memory_space<hbm>>
      tpu.enqueue_indirect_dma source(%dma_start3A_215 : memref<20480x128xf32, #tpu.memory_space<hbm>>) target(%arg10 : memref<64x128xf32, #tpu.memory_space<vmem>>) offsets(%dma_start3A_212 : memref<64xi32, #tpu.memory_space<vmem>>) semaphore(%arg15 : memref<!tpu.dma_semaphore, #tpu.memory_space<semaphore_mem>>)
      %mul3A_216 = arith.constant 16 : i32
      %mul3A_217 = arith.muli %scan3A_49, %mul3A_216 : i32
      %add3A_218 = arith.constant 4 : i32
      %add3A_219 = arith.addi %mul3A_217, %add3A_218 : i32
      %add3A_220 = arith.constant 3 : i32
      %add3A_221 = arith.addi %add3A_219, %add3A_220 : i32
      %dma_wait3A_222 = arith.constant 0 : i32
      %dma_wait3A_223 = tpu.memref_slice %arg7[%add3A_151, %dma_wait3A_222] : memref<80x64xi32, #tpu.memory_space<vmem>> -> memref<1x64xi32, #tpu.memory_space<vmem>>
      %dma_wait3A_224 = tpu.memref_squeeze %dma_wait3A_223 : memref<1x64xi32, #tpu.memory_space<vmem>> -> memref<64xi32, #tpu.memory_space<vmem>>
      %dma_wait3A_225 = arith.constant 0 : i32
      %dma_wait3A_226 = arith.constant 0 : i32
      %dma_wait3A_227 = tpu.memref_slice %arg12[%dma_wait3A_225, %dma_wait3A_226] : memref<10240x128xf32, #tpu.memory_space<vmem_shared>> -> memref<10240x128xf32, #tpu.memory_space<vmem_shared>>
      tpu.wait_indirect_dma semaphore(%arg20 : memref<!tpu.dma_semaphore, #tpu.memory_space<semaphore_mem>>) src(%arg11 : memref<64x128xf32, #tpu.memory_space<vmem>>) dst(%dma_wait3A_227 : memref<10240x128xf32, #tpu.memory_space<vmem_shared>>)
      %mul3A_228 = arith.constant 64 : i32
      %mul3A_229 = arith.muli %add3A_221, %mul3A_228 : i32
      %dma_start3A_230 = tpu.memref_slice %arg6[%mul3A_229] : memref<5120xi32, #tpu.memory_space<vmem>> -> memref<64xi32, #tpu.memory_space<vmem>>
      %dma_start3A_231 = arith.constant 0 : i32
      %dma_start3A_232 = arith.constant 0 : i32
      %dma_start3A_233 = tpu.memref_slice %arg2[%dma_start3A_231, %dma_start3A_232] : memref<20480x128xf32, #tpu.memory_space<hbm>> -> memref<20480x128xf32, #tpu.memory_space<hbm>>
      tpu.enqueue_indirect_dma source(%dma_start3A_233 : memref<20480x128xf32, #tpu.memory_space<hbm>>) target(%arg11 : memref<64x128xf32, #tpu.memory_space<vmem>>) offsets(%dma_start3A_230 : memref<64xi32, #tpu.memory_space<vmem>>) semaphore(%arg16 : memref<!tpu.dma_semaphore, #tpu.memory_space<semaphore_mem>>)
      %mul3A_234 = arith.constant 16 : i32
      %mul3A_235 = arith.muli %scan3A_49, %mul3A_234 : i32
      %add3A_236 = arith.constant 4 : i32
      %add3A_237 = arith.addi %mul3A_235, %add3A_236 : i32
      %add3A_238 = arith.constant 0 : i32
      %add3A_239 = arith.addi %add3A_237, %add3A_238 : i32
      %dma_wait3A_240 = tpu.memref_slice %arg6[%mul3A_175] : memref<5120xi32, #tpu.memory_space<vmem>> -> memref<64xi32, #tpu.memory_space<vmem>>
      %dma_wait3A_241 = arith.constant 0 : i32
      %dma_wait3A_242 = arith.constant 0 : i32
      %dma_wait3A_243 = tpu.memref_slice %arg2[%dma_wait3A_241, %dma_wait3A_242] : memref<20480x128xf32, #tpu.memory_space<hbm>> -> memref<20480x128xf32, #tpu.memory_space<hbm>>
      tpu.wait_indirect_dma semaphore(%arg13 : memref<!tpu.dma_semaphore, #tpu.memory_space<semaphore_mem>>) src(%dma_wait3A_243 : memref<20480x128xf32, #tpu.memory_space<hbm>>) dst(%arg8 : memref<64x128xf32, #tpu.memory_space<vmem>>)
      %dma_start3A_244 = arith.constant 0 : i32
      %dma_start3A_245 = tpu.memref_slice %arg7[%add3A_239, %dma_start3A_244] : memref<80x64xi32, #tpu.memory_space<vmem>> -> memref<1x64xi32, #tpu.memory_space<vmem>>
      %dma_start3A_246 = tpu.memref_squeeze %dma_start3A_245 : memref<1x64xi32, #tpu.memory_space<vmem>> -> memref<64xi32, #tpu.memory_space<vmem>>
      %dma_start3A_247 = arith.constant 0 : i32
      %dma_start3A_248 = arith.constant 0 : i32
      %dma_start3A_249 = tpu.memref_slice %arg12[%dma_start3A_247, %dma_start3A_248] : memref<10240x128xf32, #tpu.memory_space<vmem_shared>> -> memref<10240x128xf32, #tpu.memory_space<vmem_shared>>
      tpu.enqueue_indirect_dma source(%arg8 : memref<64x128xf32, #tpu.memory_space<vmem>>) target(%dma_start3A_249 : memref<10240x128xf32, #tpu.memory_space<vmem_shared>>) offsets(%dma_start3A_246 : memref<64xi32, #tpu.memory_space<vmem>>) semaphore(%arg17 : memref<!tpu.dma_semaphore, #tpu.memory_space<semaphore_mem>>) {add = true}
      %mul3A_250 = arith.constant 16 : i32
      %mul3A_251 = arith.muli %scan3A_49, %mul3A_250 : i32
      %add3A_252 = arith.constant 4 : i32
      %add3A_253 = arith.addi %mul3A_251, %add3A_252 : i32
      %add3A_254 = arith.constant 1 : i32
      %add3A_255 = arith.addi %add3A_253, %add3A_254 : i32
      %dma_wait3A_256 = tpu.memref_slice %arg6[%mul3A_193] : memref<5120xi32, #tpu.memory_space<vmem>> -> memref<64xi32, #tpu.memory_space<vmem>>
      %dma_wait3A_257 = arith.constant 0 : i32
      %dma_wait3A_258 = arith.constant 0 : i32
      %dma_wait3A_259 = tpu.memref_slice %arg2[%dma_wait3A_257, %dma_wait3A_258] : memref<20480x128xf32, #tpu.memory_space<hbm>> -> memref<20480x128xf32, #tpu.memory_space<hbm>>
      tpu.wait_indirect_dma semaphore(%arg14 : memref<!tpu.dma_semaphore, #tpu.memory_space<semaphore_mem>>) src(%dma_wait3A_259 : memref<20480x128xf32, #tpu.memory_space<hbm>>) dst(%arg9 : memref<64x128xf32, #tpu.memory_space<vmem>>)
      %dma_start3A_260 = arith.constant 0 : i32
      %dma_start3A_261 = tpu.memref_slice %arg7[%add3A_255, %dma_start3A_260] : memref<80x64xi32, #tpu.memory_space<vmem>> -> memref<1x64xi32, #tpu.memory_space<vmem>>
      %dma_start3A_262 = tpu.memref_squeeze %dma_start3A_261 : memref<1x64xi32, #tpu.memory_space<vmem>> -> memref<64xi32, #tpu.memory_space<vmem>>
      %dma_start3A_263 = arith.constant 0 : i32
      %dma_start3A_264 = arith.constant 0 : i32
      %dma_start3A_265 = tpu.memref_slice %arg12[%dma_start3A_263, %dma_start3A_264] : memref<10240x128xf32, #tpu.memory_space<vmem_shared>> -> memref<10240x128xf32, #tpu.memory_space<vmem_shared>>
      tpu.enqueue_indirect_dma source(%arg9 : memref<64x128xf32, #tpu.memory_space<vmem>>) target(%dma_start3A_265 : memref<10240x128xf32, #tpu.memory_space<vmem_shared>>) offsets(%dma_start3A_262 : memref<64xi32, #tpu.memory_space<vmem>>) semaphore(%arg18 : memref<!tpu.dma_semaphore, #tpu.memory_space<semaphore_mem>>) {add = true}
      %mul3A_266 = arith.constant 16 : i32
      %mul3A_267 = arith.muli %scan3A_49, %mul3A_266 : i32
      %add3A_268 = arith.constant 4 : i32
      %add3A_269 = arith.addi %mul3A_267, %add3A_268 : i32
      %add3A_270 = arith.constant 2 : i32
      %add3A_271 = arith.addi %add3A_269, %add3A_270 : i32
      %dma_wait3A_272 = tpu.memref_slice %arg6[%mul3A_211] : memref<5120xi32, #tpu.memory_space<vmem>> -> memref<64xi32, #tpu.memory_space<vmem>>
      %dma_wait3A_273 = arith.constant 0 : i32
      %dma_wait3A_274 = arith.constant 0 : i32
      %dma_wait3A_275 = tpu.memref_slice %arg2[%dma_wait3A_273, %dma_wait3A_274] : memref<20480x128xf32, #tpu.memory_space<hbm>> -> memref<20480x128xf32, #tpu.memory_space<hbm>>
      tpu.wait_indirect_dma semaphore(%arg15 : memref<!tpu.dma_semaphore, #tpu.memory_space<semaphore_mem>>) src(%dma_wait3A_275 : memref<20480x128xf32, #tpu.memory_space<hbm>>) dst(%arg10 : memref<64x128xf32, #tpu.memory_space<vmem>>)
      %dma_start3A_276 = arith.constant 0 : i32
      %dma_start3A_277 = tpu.memref_slice %arg7[%add3A_271, %dma_start3A_276] : memref<80x64xi32, #tpu.memory_space<vmem>> -> memref<1x64xi32, #tpu.memory_space<vmem>>
      %dma_start3A_278 = tpu.memref_squeeze %dma_start3A_277 : memref<1x64xi32, #tpu.memory_space<vmem>> -> memref<64xi32, #tpu.memory_space<vmem>>
      %dma_start3A_279 = arith.constant 0 : i32
      %dma_start3A_280 = arith.constant 0 : i32
      %dma_start3A_281 = tpu.memref_slice %arg12[%dma_start3A_279, %dma_start3A_280] : memref<10240x128xf32, #tpu.memory_space<vmem_shared>> -> memref<10240x128xf32, #tpu.memory_space<vmem_shared>>
      tpu.enqueue_indirect_dma source(%arg10 : memref<64x128xf32, #tpu.memory_space<vmem>>) target(%dma_start3A_281 : memref<10240x128xf32, #tpu.memory_space<vmem_shared>>) offsets(%dma_start3A_278 : memref<64xi32, #tpu.memory_space<vmem>>) semaphore(%arg19 : memref<!tpu.dma_semaphore, #tpu.memory_space<semaphore_mem>>) {add = true}
      %mul3A_282 = arith.constant 16 : i32
      %mul3A_283 = arith.muli %scan3A_49, %mul3A_282 : i32
      %add3A_284 = arith.constant 4 : i32
      %add3A_285 = arith.addi %mul3A_283, %add3A_284 : i32
      %add3A_286 = arith.constant 3 : i32
      %add3A_287 = arith.addi %add3A_285, %add3A_286 : i32
      %dma_wait3A_288 = tpu.memref_slice %arg6[%mul3A_229] : memref<5120xi32, #tpu.memory_space<vmem>> -> memref<64xi32, #tpu.memory_space<vmem>>
      %dma_wait3A_289 = arith.constant 0 : i32
      %dma_wait3A_290 = arith.constant 0 : i32
      %dma_wait3A_291 = tpu.memref_slice %arg2[%dma_wait3A_289, %dma_wait3A_290] : memref<20480x128xf32, #tpu.memory_space<hbm>> -> memref<20480x128xf32, #tpu.memory_space<hbm>>
      tpu.wait_indirect_dma semaphore(%arg16 : memref<!tpu.dma_semaphore, #tpu.memory_space<semaphore_mem>>) src(%dma_wait3A_291 : memref<20480x128xf32, #tpu.memory_space<hbm>>) dst(%arg11 : memref<64x128xf32, #tpu.memory_space<vmem>>)
      %dma_start3A_292 = arith.constant 0 : i32
      %dma_start3A_293 = tpu.memref_slice %arg7[%add3A_287, %dma_start3A_292] : memref<80x64xi32, #tpu.memory_space<vmem>> -> memref<1x64xi32, #tpu.memory_space<vmem>>
      %dma_start3A_294 = tpu.memref_squeeze %dma_start3A_293 : memref<1x64xi32, #tpu.memory_space<vmem>> -> memref<64xi32, #tpu.memory_space<vmem>>
      %dma_start3A_295 = arith.constant 0 : i32
      %dma_start3A_296 = arith.constant 0 : i32
      %dma_start3A_297 = tpu.memref_slice %arg12[%dma_start3A_295, %dma_start3A_296] : memref<10240x128xf32, #tpu.memory_space<vmem_shared>> -> memref<10240x128xf32, #tpu.memory_space<vmem_shared>>
      tpu.enqueue_indirect_dma source(%arg11 : memref<64x128xf32, #tpu.memory_space<vmem>>) target(%dma_start3A_297 : memref<10240x128xf32, #tpu.memory_space<vmem_shared>>) offsets(%dma_start3A_294 : memref<64xi32, #tpu.memory_space<vmem>>) semaphore(%arg20 : memref<!tpu.dma_semaphore, #tpu.memory_space<semaphore_mem>>) {add = true}
      %mul3A_298 = arith.constant 16 : i32
      %mul3A_299 = arith.muli %scan3A_49, %mul3A_298 : i32
      %add3A_300 = arith.constant 8 : i32
      %add3A_301 = arith.addi %mul3A_299, %add3A_300 : i32
      %add3A_302 = arith.constant 0 : i32
      %add3A_303 = arith.addi %add3A_301, %add3A_302 : i32
      %dma_wait3A_304 = arith.constant 0 : i32
      %dma_wait3A_305 = tpu.memref_slice %arg7[%add3A_239, %dma_wait3A_304] : memref<80x64xi32, #tpu.memory_space<vmem>> -> memref<1x64xi32, #tpu.memory_space<vmem>>
      %dma_wait3A_306 = tpu.memref_squeeze %dma_wait3A_305 : memref<1x64xi32, #tpu.memory_space<vmem>> -> memref<64xi32, #tpu.memory_space<vmem>>
      %dma_wait3A_307 = arith.constant 0 : i32
      %dma_wait3A_308 = arith.constant 0 : i32
      %dma_wait3A_309 = tpu.memref_slice %arg12[%dma_wait3A_307, %dma_wait3A_308] : memref<10240x128xf32, #tpu.memory_space<vmem_shared>> -> memref<10240x128xf32, #tpu.memory_space<vmem_shared>>
      tpu.wait_indirect_dma semaphore(%arg17 : memref<!tpu.dma_semaphore, #tpu.memory_space<semaphore_mem>>) src(%arg8 : memref<64x128xf32, #tpu.memory_space<vmem>>) dst(%dma_wait3A_309 : memref<10240x128xf32, #tpu.memory_space<vmem_shared>>)
      %mul3A_310 = arith.constant 64 : i32
      %mul3A_311 = arith.muli %add3A_303, %mul3A_310 : i32
      %dma_start3A_312 = tpu.memref_slice %arg6[%mul3A_311] : memref<5120xi32, #tpu.memory_space<vmem>> -> memref<64xi32, #tpu.memory_space<vmem>>
      %dma_start3A_313 = arith.constant 0 : i32
      %dma_start3A_314 = arith.constant 0 : i32
      %dma_start3A_315 = tpu.memref_slice %arg2[%dma_start3A_313, %dma_start3A_314] : memref<20480x128xf32, #tpu.memory_space<hbm>> -> memref<20480x128xf32, #tpu.memory_space<hbm>>
      tpu.enqueue_indirect_dma source(%dma_start3A_315 : memref<20480x128xf32, #tpu.memory_space<hbm>>) target(%arg8 : memref<64x128xf32, #tpu.memory_space<vmem>>) offsets(%dma_start3A_312 : memref<64xi32, #tpu.memory_space<vmem>>) semaphore(%arg13 : memref<!tpu.dma_semaphore, #tpu.memory_space<semaphore_mem>>)
      %mul3A_316 = arith.constant 16 : i32
      %mul3A_317 = arith.muli %scan3A_49, %mul3A_316 : i32
      %add3A_318 = arith.constant 8 : i32
      %add3A_319 = arith.addi %mul3A_317, %add3A_318 : i32
      %add3A_320 = arith.constant 1 : i32
      %add3A_321 = arith.addi %add3A_319, %add3A_320 : i32
      %dma_wait3A_322 = arith.constant 0 : i32
      %dma_wait3A_323 = tpu.memref_slice %arg7[%add3A_255, %dma_wait3A_322] : memref<80x64xi32, #tpu.memory_space<vmem>> -> memref<1x64xi32, #tpu.memory_space<vmem>>
      %dma_wait3A_324 = tpu.memref_squeeze %dma_wait3A_323 : memref<1x64xi32, #tpu.memory_space<vmem>> -> memref<64xi32, #tpu.memory_space<vmem>>
      %dma_wait3A_325 = arith.constant 0 : i32
      %dma_wait3A_326 = arith.constant 0 : i32
      %dma_wait3A_327 = tpu.memref_slice %arg12[%dma_wait3A_325, %dma_wait3A_326] : memref<10240x128xf32, #tpu.memory_space<vmem_shared>> -> memref<10240x128xf32, #tpu.memory_space<vmem_shared>>
      tpu.wait_indirect_dma semaphore(%arg18 : memref<!tpu.dma_semaphore, #tpu.memory_space<semaphore_mem>>) src(%arg9 : memref<64x128xf32, #tpu.memory_space<vmem>>) dst(%dma_wait3A_327 : memref<10240x128xf32, #tpu.memory_space<vmem_shared>>)
      %mul3A_328 = arith.constant 64 : i32
      %mul3A_329 = arith.muli %add3A_321, %mul3A_328 : i32
      %dma_start3A_330 = tpu.memref_slice %arg6[%mul3A_329] : memref<5120xi32, #tpu.memory_space<vmem>> -> memref<64xi32, #tpu.memory_space<vmem>>
      %dma_start3A_331 = arith.constant 0 : i32
      %dma_start3A_332 = arith.constant 0 : i32
      %dma_start3A_333 = tpu.memref_slice %arg2[%dma_start3A_331, %dma_start3A_332] : memref<20480x128xf32, #tpu.memory_space<hbm>> -> memref<20480x128xf32, #tpu.memory_space<hbm>>
      tpu.enqueue_indirect_dma source(%dma_start3A_333 : memref<20480x128xf32, #tpu.memory_space<hbm>>) target(%arg9 : memref<64x128xf32, #tpu.memory_space<vmem>>) offsets(%dma_start3A_330 : memref<64xi32, #tpu.memory_space<vmem>>) semaphore(%arg14 : memref<!tpu.dma_semaphore, #tpu.memory_space<semaphore_mem>>)
      %mul3A_334 = arith.constant 16 : i32
      %mul3A_335 = arith.muli %scan3A_49, %mul3A_334 : i32
      %add3A_336 = arith.constant 8 : i32
      %add3A_337 = arith.addi %mul3A_335, %add3A_336 : i32
      %add3A_338 = arith.constant 2 : i32
      %add3A_339 = arith.addi %add3A_337, %add3A_338 : i32
      %dma_wait3A_340 = arith.constant 0 : i32
      %dma_wait3A_341 = tpu.memref_slice %arg7[%add3A_271, %dma_wait3A_340] : memref<80x64xi32, #tpu.memory_space<vmem>> -> memref<1x64xi32, #tpu.memory_space<vmem>>
      %dma_wait3A_342 = tpu.memref_squeeze %dma_wait3A_341 : memref<1x64xi32, #tpu.memory_space<vmem>> -> memref<64xi32, #tpu.memory_space<vmem>>
      %dma_wait3A_343 = arith.constant 0 : i32
      %dma_wait3A_344 = arith.constant 0 : i32
      %dma_wait3A_345 = tpu.memref_slice %arg12[%dma_wait3A_343, %dma_wait3A_344] : memref<10240x128xf32, #tpu.memory_space<vmem_shared>> -> memref<10240x128xf32, #tpu.memory_space<vmem_shared>>
      tpu.wait_indirect_dma semaphore(%arg19 : memref<!tpu.dma_semaphore, #tpu.memory_space<semaphore_mem>>) src(%arg10 : memref<64x128xf32, #tpu.memory_space<vmem>>) dst(%dma_wait3A_345 : memref<10240x128xf32, #tpu.memory_space<vmem_shared>>)
      %mul3A_346 = arith.constant 64 : i32
      %mul3A_347 = arith.muli %add3A_339, %mul3A_346 : i32
      %dma_start3A_348 = tpu.memref_slice %arg6[%mul3A_347] : memref<5120xi32, #tpu.memory_space<vmem>> -> memref<64xi32, #tpu.memory_space<vmem>>
      %dma_start3A_349 = arith.constant 0 : i32
      %dma_start3A_350 = arith.constant 0 : i32
      %dma_start3A_351 = tpu.memref_slice %arg2[%dma_start3A_349, %dma_start3A_350] : memref<20480x128xf32, #tpu.memory_space<hbm>> -> memref<20480x128xf32, #tpu.memory_space<hbm>>
      tpu.enqueue_indirect_dma source(%dma_start3A_351 : memref<20480x128xf32, #tpu.memory_space<hbm>>) target(%arg10 : memref<64x128xf32, #tpu.memory_space<vmem>>) offsets(%dma_start3A_348 : memref<64xi32, #tpu.memory_space<vmem>>) semaphore(%arg15 : memref<!tpu.dma_semaphore, #tpu.memory_space<semaphore_mem>>)
      %mul3A_352 = arith.constant 16 : i32
      %mul3A_353 = arith.muli %scan3A_49, %mul3A_352 : i32
      %add3A_354 = arith.constant 8 : i32
      %add3A_355 = arith.addi %mul3A_353, %add3A_354 : i32
      %add3A_356 = arith.constant 3 : i32
      %add3A_357 = arith.addi %add3A_355, %add3A_356 : i32
      %dma_wait3A_358 = arith.constant 0 : i32
      %dma_wait3A_359 = tpu.memref_slice %arg7[%add3A_287, %dma_wait3A_358] : memref<80x64xi32, #tpu.memory_space<vmem>> -> memref<1x64xi32, #tpu.memory_space<vmem>>
      %dma_wait3A_360 = tpu.memref_squeeze %dma_wait3A_359 : memref<1x64xi32, #tpu.memory_space<vmem>> -> memref<64xi32, #tpu.memory_space<vmem>>
      %dma_wait3A_361 = arith.constant 0 : i32
      %dma_wait3A_362 = arith.constant 0 : i32
      %dma_wait3A_363 = tpu.memref_slice %arg12[%dma_wait3A_361, %dma_wait3A_362] : memref<10240x128xf32, #tpu.memory_space<vmem_shared>> -> memref<10240x128xf32, #tpu.memory_space<vmem_shared>>
      tpu.wait_indirect_dma semaphore(%arg20 : memref<!tpu.dma_semaphore, #tpu.memory_space<semaphore_mem>>) src(%arg11 : memref<64x128xf32, #tpu.memory_space<vmem>>) dst(%dma_wait3A_363 : memref<10240x128xf32, #tpu.memory_space<vmem_shared>>)
      %mul3A_364 = arith.constant 64 : i32
      %mul3A_365 = arith.muli %add3A_357, %mul3A_364 : i32
      %dma_start3A_366 = tpu.memref_slice %arg6[%mul3A_365] : memref<5120xi32, #tpu.memory_space<vmem>> -> memref<64xi32, #tpu.memory_space<vmem>>
      %dma_start3A_367 = arith.constant 0 : i32
      %dma_start3A_368 = arith.constant 0 : i32
      %dma_start3A_369 = tpu.memref_slice %arg2[%dma_start3A_367, %dma_start3A_368] : memref<20480x128xf32, #tpu.memory_space<hbm>> -> memref<20480x128xf32, #tpu.memory_space<hbm>>
      tpu.enqueue_indirect_dma source(%dma_start3A_369 : memref<20480x128xf32, #tpu.memory_space<hbm>>) target(%arg11 : memref<64x128xf32, #tpu.memory_space<vmem>>) offsets(%dma_start3A_366 : memref<64xi32, #tpu.memory_space<vmem>>) semaphore(%arg16 : memref<!tpu.dma_semaphore, #tpu.memory_space<semaphore_mem>>)
      %mul3A_370 = arith.constant 16 : i32
      %mul3A_371 = arith.muli %scan3A_49, %mul3A_370 : i32
      %add3A_372 = arith.constant 8 : i32
      %add3A_373 = arith.addi %mul3A_371, %add3A_372 : i32
      %add3A_374 = arith.constant 0 : i32
      %add3A_375 = arith.addi %add3A_373, %add3A_374 : i32
      %dma_wait3A_376 = tpu.memref_slice %arg6[%mul3A_311] : memref<5120xi32, #tpu.memory_space<vmem>> -> memref<64xi32, #tpu.memory_space<vmem>>
      %dma_wait3A_377 = arith.constant 0 : i32
      %dma_wait3A_378 = arith.constant 0 : i32
      %dma_wait3A_379 = tpu.memref_slice %arg2[%dma_wait3A_377, %dma_wait3A_378] : memref<20480x128xf32, #tpu.memory_space<hbm>> -> memref<20480x128xf32, #tpu.memory_space<hbm>>
      tpu.wait_indirect_dma semaphore(%arg13 : memref<!tpu.dma_semaphore, #tpu.memory_space<semaphore_mem>>) src(%dma_wait3A_379 : memref<20480x128xf32, #tpu.memory_space<hbm>>) dst(%arg8 : memref<64x128xf32, #tpu.memory_space<vmem>>)
      %dma_start3A_380 = arith.constant 0 : i32
      %dma_start3A_381 = tpu.memref_slice %arg7[%add3A_375, %dma_start3A_380] : memref<80x64xi32, #tpu.memory_space<vmem>> -> memref<1x64xi32, #tpu.memory_space<vmem>>
      %dma_start3A_382 = tpu.memref_squeeze %dma_start3A_381 : memref<1x64xi32, #tpu.memory_space<vmem>> -> memref<64xi32, #tpu.memory_space<vmem>>
      %dma_start3A_383 = arith.constant 0 : i32
      %dma_start3A_384 = arith.constant 0 : i32
      %dma_start3A_385 = tpu.memref_slice %arg12[%dma_start3A_383, %dma_start3A_384] : memref<10240x128xf32, #tpu.memory_space<vmem_shared>> -> memref<10240x128xf32, #tpu.memory_space<vmem_shared>>
      tpu.enqueue_indirect_dma source(%arg8 : memref<64x128xf32, #tpu.memory_space<vmem>>) target(%dma_start3A_385 : memref<10240x128xf32, #tpu.memory_space<vmem_shared>>) offsets(%dma_start3A_382 : memref<64xi32, #tpu.memory_space<vmem>>) semaphore(%arg17 : memref<!tpu.dma_semaphore, #tpu.memory_space<semaphore_mem>>) {add = true}
      %mul3A_386 = arith.constant 16 : i32
      %mul3A_387 = arith.muli %scan3A_49, %mul3A_386 : i32
      %add3A_388 = arith.constant 8 : i32
      %add3A_389 = arith.addi %mul3A_387, %add3A_388 : i32
      %add3A_390 = arith.constant 1 : i32
      %add3A_391 = arith.addi %add3A_389, %add3A_390 : i32
      %dma_wait3A_392 = tpu.memref_slice %arg6[%mul3A_329] : memref<5120xi32, #tpu.memory_space<vmem>> -> memref<64xi32, #tpu.memory_space<vmem>>
      %dma_wait3A_393 = arith.constant 0 : i32
      %dma_wait3A_394 = arith.constant 0 : i32
      %dma_wait3A_395 = tpu.memref_slice %arg2[%dma_wait3A_393, %dma_wait3A_394] : memref<20480x128xf32, #tpu.memory_space<hbm>> -> memref<20480x128xf32, #tpu.memory_space<hbm>>
      tpu.wait_indirect_dma semaphore(%arg14 : memref<!tpu.dma_semaphore, #tpu.memory_space<semaphore_mem>>) src(%dma_wait3A_395 : memref<20480x128xf32, #tpu.memory_space<hbm>>) dst(%arg9 : memref<64x128xf32, #tpu.memory_space<vmem>>)
      %dma_start3A_396 = arith.constant 0 : i32
      %dma_start3A_397 = tpu.memref_slice %arg7[%add3A_391, %dma_start3A_396] : memref<80x64xi32, #tpu.memory_space<vmem>> -> memref<1x64xi32, #tpu.memory_space<vmem>>
      %dma_start3A_398 = tpu.memref_squeeze %dma_start3A_397 : memref<1x64xi32, #tpu.memory_space<vmem>> -> memref<64xi32, #tpu.memory_space<vmem>>
      %dma_start3A_399 = arith.constant 0 : i32
      %dma_start3A_400 = arith.constant 0 : i32
      %dma_start3A_401 = tpu.memref_slice %arg12[%dma_start3A_399, %dma_start3A_400] : memref<10240x128xf32, #tpu.memory_space<vmem_shared>> -> memref<10240x128xf32, #tpu.memory_space<vmem_shared>>
      tpu.enqueue_indirect_dma source(%arg9 : memref<64x128xf32, #tpu.memory_space<vmem>>) target(%dma_start3A_401 : memref<10240x128xf32, #tpu.memory_space<vmem_shared>>) offsets(%dma_start3A_398 : memref<64xi32, #tpu.memory_space<vmem>>) semaphore(%arg18 : memref<!tpu.dma_semaphore, #tpu.memory_space<semaphore_mem>>) {add = true}
      %mul3A_402 = arith.constant 16 : i32
      %mul3A_403 = arith.muli %scan3A_49, %mul3A_402 : i32
      %add3A_404 = arith.constant 8 : i32
      %add3A_405 = arith.addi %mul3A_403, %add3A_404 : i32
      %add3A_406 = arith.constant 2 : i32
      %add3A_407 = arith.addi %add3A_405, %add3A_406 : i32
      %dma_wait3A_408 = tpu.memref_slice %arg6[%mul3A_347] : memref<5120xi32, #tpu.memory_space<vmem>> -> memref<64xi32, #tpu.memory_space<vmem>>
      %dma_wait3A_409 = arith.constant 0 : i32
      %dma_wait3A_410 = arith.constant 0 : i32
      %dma_wait3A_411 = tpu.memref_slice %arg2[%dma_wait3A_409, %dma_wait3A_410] : memref<20480x128xf32, #tpu.memory_space<hbm>> -> memref<20480x128xf32, #tpu.memory_space<hbm>>
      tpu.wait_indirect_dma semaphore(%arg15 : memref<!tpu.dma_semaphore, #tpu.memory_space<semaphore_mem>>) src(%dma_wait3A_411 : memref<20480x128xf32, #tpu.memory_space<hbm>>) dst(%arg10 : memref<64x128xf32, #tpu.memory_space<vmem>>)
      %dma_start3A_412 = arith.constant 0 : i32
      %dma_start3A_413 = tpu.memref_slice %arg7[%add3A_407, %dma_start3A_412] : memref<80x64xi32, #tpu.memory_space<vmem>> -> memref<1x64xi32, #tpu.memory_space<vmem>>
      %dma_start3A_414 = tpu.memref_squeeze %dma_start3A_413 : memref<1x64xi32, #tpu.memory_space<vmem>> -> memref<64xi32, #tpu.memory_space<vmem>>
      %dma_start3A_415 = arith.constant 0 : i32
      %dma_start3A_416 = arith.constant 0 : i32
      %dma_start3A_417 = tpu.memref_slice %arg12[%dma_start3A_415, %dma_start3A_416] : memref<10240x128xf32, #tpu.memory_space<vmem_shared>> -> memref<10240x128xf32, #tpu.memory_space<vmem_shared>>
      tpu.enqueue_indirect_dma source(%arg10 : memref<64x128xf32, #tpu.memory_space<vmem>>) target(%dma_start3A_417 : memref<10240x128xf32, #tpu.memory_space<vmem_shared>>) offsets(%dma_start3A_414 : memref<64xi32, #tpu.memory_space<vmem>>) semaphore(%arg19 : memref<!tpu.dma_semaphore, #tpu.memory_space<semaphore_mem>>) {add = true}
      %mul3A_418 = arith.constant 16 : i32
      %mul3A_419 = arith.muli %scan3A_49, %mul3A_418 : i32
      %add3A_420 = arith.constant 8 : i32
      %add3A_421 = arith.addi %mul3A_419, %add3A_420 : i32
      %add3A_422 = arith.constant 3 : i32
      %add3A_423 = arith.addi %add3A_421, %add3A_422 : i32
      %dma_wait3A_424 = tpu.memref_slice %arg6[%mul3A_365] : memref<5120xi32, #tpu.memory_space<vmem>> -> memref<64xi32, #tpu.memory_space<vmem>>
      %dma_wait3A_425 = arith.constant 0 : i32
      %dma_wait3A_426 = arith.constant 0 : i32
      %dma_wait3A_427 = tpu.memref_slice %arg2[%dma_wait3A_425, %dma_wait3A_426] : memref<20480x128xf32, #tpu.memory_space<hbm>> -> memref<20480x128xf32, #tpu.memory_space<hbm>>
      tpu.wait_indirect_dma semaphore(%arg16 : memref<!tpu.dma_semaphore, #tpu.memory_space<semaphore_mem>>) src(%dma_wait3A_427 : memref<20480x128xf32, #tpu.memory_space<hbm>>) dst(%arg11 : memref<64x128xf32, #tpu.memory_space<vmem>>)
      %dma_start3A_428 = arith.constant 0 : i32
      %dma_start3A_429 = tpu.memref_slice %arg7[%add3A_423, %dma_start3A_428] : memref<80x64xi32, #tpu.memory_space<vmem>> -> memref<1x64xi32, #tpu.memory_space<vmem>>
      %dma_start3A_430 = tpu.memref_squeeze %dma_start3A_429 : memref<1x64xi32, #tpu.memory_space<vmem>> -> memref<64xi32, #tpu.memory_space<vmem>>
      %dma_start3A_431 = arith.constant 0 : i32
      %dma_start3A_432 = arith.constant 0 : i32
      %dma_start3A_433 = tpu.memref_slice %arg12[%dma_start3A_431, %dma_start3A_432] : memref<10240x128xf32, #tpu.memory_space<vmem_shared>> -> memref<10240x128xf32, #tpu.memory_space<vmem_shared>>
      tpu.enqueue_indirect_dma source(%arg11 : memref<64x128xf32, #tpu.memory_space<vmem>>) target(%dma_start3A_433 : memref<10240x128xf32, #tpu.memory_space<vmem_shared>>) offsets(%dma_start3A_430 : memref<64xi32, #tpu.memory_space<vmem>>) semaphore(%arg20 : memref<!tpu.dma_semaphore, #tpu.memory_space<semaphore_mem>>) {add = true}
      %mul3A_434 = arith.constant 16 : i32
      %mul3A_435 = arith.muli %scan3A_49, %mul3A_434 : i32
      %add3A_436 = arith.constant 12 : i32
      %add3A_437 = arith.addi %mul3A_435, %add3A_436 : i32
      %add3A_438 = arith.constant 0 : i32
      %add3A_439 = arith.addi %add3A_437, %add3A_438 : i32
      %dma_wait3A_440 = arith.constant 0 : i32
      %dma_wait3A_441 = tpu.memref_slice %arg7[%add3A_375, %dma_wait3A_440] : memref<80x64xi32, #tpu.memory_space<vmem>> -> memref<1x64xi32, #tpu.memory_space<vmem>>
      %dma_wait3A_442 = tpu.memref_squeeze %dma_wait3A_441 : memref<1x64xi32, #tpu.memory_space<vmem>> -> memref<64xi32, #tpu.memory_space<vmem>>
      %dma_wait3A_443 = arith.constant 0 : i32
      %dma_wait3A_444 = arith.constant 0 : i32
      %dma_wait3A_445 = tpu.memref_slice %arg12[%dma_wait3A_443, %dma_wait3A_444] : memref<10240x128xf32, #tpu.memory_space<vmem_shared>> -> memref<10240x128xf32, #tpu.memory_space<vmem_shared>>
      tpu.wait_indirect_dma semaphore(%arg17 : memref<!tpu.dma_semaphore, #tpu.memory_space<semaphore_mem>>) src(%arg8 : memref<64x128xf32, #tpu.memory_space<vmem>>) dst(%dma_wait3A_445 : memref<10240x128xf32, #tpu.memory_space<vmem_shared>>)
      %mul3A_446 = arith.constant 64 : i32
      %mul3A_447 = arith.muli %add3A_439, %mul3A_446 : i32
      %dma_start3A_448 = tpu.memref_slice %arg6[%mul3A_447] : memref<5120xi32, #tpu.memory_space<vmem>> -> memref<64xi32, #tpu.memory_space<vmem>>
      %dma_start3A_449 = arith.constant 0 : i32
      %dma_start3A_450 = arith.constant 0 : i32
      %dma_start3A_451 = tpu.memref_slice %arg2[%dma_start3A_449, %dma_start3A_450] : memref<20480x128xf32, #tpu.memory_space<hbm>> -> memref<20480x128xf32, #tpu.memory_space<hbm>>
      tpu.enqueue_indirect_dma source(%dma_start3A_451 : memref<20480x128xf32, #tpu.memory_space<hbm>>) target(%arg8 : memref<64x128xf32, #tpu.memory_space<vmem>>) offsets(%dma_start3A_448 : memref<64xi32, #tpu.memory_space<vmem>>) semaphore(%arg13 : memref<!tpu.dma_semaphore, #tpu.memory_space<semaphore_mem>>)
      %mul3A_452 = arith.constant 16 : i32
      %mul3A_453 = arith.muli %scan3A_49, %mul3A_452 : i32
      %add3A_454 = arith.constant 12 : i32
      %add3A_455 = arith.addi %mul3A_453, %add3A_454 : i32
      %add3A_456 = arith.constant 1 : i32
      %add3A_457 = arith.addi %add3A_455, %add3A_456 : i32
      %dma_wait3A_458 = arith.constant 0 : i32
      %dma_wait3A_459 = tpu.memref_slice %arg7[%add3A_391, %dma_wait3A_458] : memref<80x64xi32, #tpu.memory_space<vmem>> -> memref<1x64xi32, #tpu.memory_space<vmem>>
      %dma_wait3A_460 = tpu.memref_squeeze %dma_wait3A_459 : memref<1x64xi32, #tpu.memory_space<vmem>> -> memref<64xi32, #tpu.memory_space<vmem>>
      %dma_wait3A_461 = arith.constant 0 : i32
      %dma_wait3A_462 = arith.constant 0 : i32
      %dma_wait3A_463 = tpu.memref_slice %arg12[%dma_wait3A_461, %dma_wait3A_462] : memref<10240x128xf32, #tpu.memory_space<vmem_shared>> -> memref<10240x128xf32, #tpu.memory_space<vmem_shared>>
      tpu.wait_indirect_dma semaphore(%arg18 : memref<!tpu.dma_semaphore, #tpu.memory_space<semaphore_mem>>) src(%arg9 : memref<64x128xf32, #tpu.memory_space<vmem>>) dst(%dma_wait3A_463 : memref<10240x128xf32, #tpu.memory_space<vmem_shared>>)
      %mul3A_464 = arith.constant 64 : i32
      %mul3A_465 = arith.muli %add3A_457, %mul3A_464 : i32
      %dma_start3A_466 = tpu.memref_slice %arg6[%mul3A_465] : memref<5120xi32, #tpu.memory_space<vmem>> -> memref<64xi32, #tpu.memory_space<vmem>>
      %dma_start3A_467 = arith.constant 0 : i32
      %dma_start3A_468 = arith.constant 0 : i32
      %dma_start3A_469 = tpu.memref_slice %arg2[%dma_start3A_467, %dma_start3A_468] : memref<20480x128xf32, #tpu.memory_space<hbm>> -> memref<20480x128xf32, #tpu.memory_space<hbm>>
      tpu.enqueue_indirect_dma source(%dma_start3A_469 : memref<20480x128xf32, #tpu.memory_space<hbm>>) target(%arg9 : memref<64x128xf32, #tpu.memory_space<vmem>>) offsets(%dma_start3A_466 : memref<64xi32, #tpu.memory_space<vmem>>) semaphore(%arg14 : memref<!tpu.dma_semaphore, #tpu.memory_space<semaphore_mem>>)
      %mul3A_470 = arith.constant 16 : i32
      %mul3A_471 = arith.muli %scan3A_49, %mul3A_470 : i32
      %add3A_472 = arith.constant 12 : i32
      %add3A_473 = arith.addi %mul3A_471, %add3A_472 : i32
      %add3A_474 = arith.constant 2 : i32
      %add3A_475 = arith.addi %add3A_473, %add3A_474 : i32
      %dma_wait3A_476 = arith.constant 0 : i32
      %dma_wait3A_477 = tpu.memref_slice %arg7[%add3A_407, %dma_wait3A_476] : memref<80x64xi32, #tpu.memory_space<vmem>> -> memref<1x64xi32, #tpu.memory_space<vmem>>
      %dma_wait3A_478 = tpu.memref_squeeze %dma_wait3A_477 : memref<1x64xi32, #tpu.memory_space<vmem>> -> memref<64xi32, #tpu.memory_space<vmem>>
      %dma_wait3A_479 = arith.constant 0 : i32
      %dma_wait3A_480 = arith.constant 0 : i32
      %dma_wait3A_481 = tpu.memref_slice %arg12[%dma_wait3A_479, %dma_wait3A_480] : memref<10240x128xf32, #tpu.memory_space<vmem_shared>> -> memref<10240x128xf32, #tpu.memory_space<vmem_shared>>
      tpu.wait_indirect_dma semaphore(%arg19 : memref<!tpu.dma_semaphore, #tpu.memory_space<semaphore_mem>>) src(%arg10 : memref<64x128xf32, #tpu.memory_space<vmem>>) dst(%dma_wait3A_481 : memref<10240x128xf32, #tpu.memory_space<vmem_shared>>)
      %mul3A_482 = arith.constant 64 : i32
      %mul3A_483 = arith.muli %add3A_475, %mul3A_482 : i32
      %dma_start3A_484 = tpu.memref_slice %arg6[%mul3A_483] : memref<5120xi32, #tpu.memory_space<vmem>> -> memref<64xi32, #tpu.memory_space<vmem>>
      %dma_start3A_485 = arith.constant 0 : i32
      %dma_start3A_486 = arith.constant 0 : i32
      %dma_start3A_487 = tpu.memref_slice %arg2[%dma_start3A_485, %dma_start3A_486] : memref<20480x128xf32, #tpu.memory_space<hbm>> -> memref<20480x128xf32, #tpu.memory_space<hbm>>
      tpu.enqueue_indirect_dma source(%dma_start3A_487 : memref<20480x128xf32, #tpu.memory_space<hbm>>) target(%arg10 : memref<64x128xf32, #tpu.memory_space<vmem>>) offsets(%dma_start3A_484 : memref<64xi32, #tpu.memory_space<vmem>>) semaphore(%arg15 : memref<!tpu.dma_semaphore, #tpu.memory_space<semaphore_mem>>)
      %mul3A_488 = arith.constant 16 : i32
      %mul3A_489 = arith.muli %scan3A_49, %mul3A_488 : i32
      %add3A_490 = arith.constant 12 : i32
      %add3A_491 = arith.addi %mul3A_489, %add3A_490 : i32
      %add3A_492 = arith.constant 3 : i32
      %add3A_493 = arith.addi %add3A_491, %add3A_492 : i32
      %dma_wait3A_494 = arith.constant 0 : i32
      %dma_wait3A_495 = tpu.memref_slice %arg7[%add3A_423, %dma_wait3A_494] : memref<80x64xi32, #tpu.memory_space<vmem>> -> memref<1x64xi32, #tpu.memory_space<vmem>>
      %dma_wait3A_496 = tpu.memref_squeeze %dma_wait3A_495 : memref<1x64xi32, #tpu.memory_space<vmem>> -> memref<64xi32, #tpu.memory_space<vmem>>
      %dma_wait3A_497 = arith.constant 0 : i32
      %dma_wait3A_498 = arith.constant 0 : i32
      %dma_wait3A_499 = tpu.memref_slice %arg12[%dma_wait3A_497, %dma_wait3A_498] : memref<10240x128xf32, #tpu.memory_space<vmem_shared>> -> memref<10240x128xf32, #tpu.memory_space<vmem_shared>>
      tpu.wait_indirect_dma semaphore(%arg20 : memref<!tpu.dma_semaphore, #tpu.memory_space<semaphore_mem>>) src(%arg11 : memref<64x128xf32, #tpu.memory_space<vmem>>) dst(%dma_wait3A_499 : memref<10240x128xf32, #tpu.memory_space<vmem_shared>>)
      %mul3A_500 = arith.constant 64 : i32
      %mul3A_501 = arith.muli %add3A_493, %mul3A_500 : i32
      %dma_start3A_502 = tpu.memref_slice %arg6[%mul3A_501] : memref<5120xi32, #tpu.memory_space<vmem>> -> memref<64xi32, #tpu.memory_space<vmem>>
      %dma_start3A_503 = arith.constant 0 : i32
      %dma_start3A_504 = arith.constant 0 : i32
      %dma_start3A_505 = tpu.memref_slice %arg2[%dma_start3A_503, %dma_start3A_504] : memref<20480x128xf32, #tpu.memory_space<hbm>> -> memref<20480x128xf32, #tpu.memory_space<hbm>>
      tpu.enqueue_indirect_dma source(%dma_start3A_505 : memref<20480x128xf32, #tpu.memory_space<hbm>>) target(%arg11 : memref<64x128xf32, #tpu.memory_space<vmem>>) offsets(%dma_start3A_502 : memref<64xi32, #tpu.memory_space<vmem>>) semaphore(%arg16 : memref<!tpu.dma_semaphore, #tpu.memory_space<semaphore_mem>>)
      %mul3A_506 = arith.constant 16 : i32
      %mul3A_507 = arith.muli %scan3A_49, %mul3A_506 : i32
      %add3A_508 = arith.constant 12 : i32
      %add3A_509 = arith.addi %mul3A_507, %add3A_508 : i32
      %add3A_510 = arith.constant 0 : i32
      %add3A_511 = arith.addi %add3A_509, %add3A_510 : i32
      %dma_wait3A_512 = tpu.memref_slice %arg6[%mul3A_447] : memref<5120xi32, #tpu.memory_space<vmem>> -> memref<64xi32, #tpu.memory_space<vmem>>
      %dma_wait3A_513 = arith.constant 0 : i32
      %dma_wait3A_514 = arith.constant 0 : i32
      %dma_wait3A_515 = tpu.memref_slice %arg2[%dma_wait3A_513, %dma_wait3A_514] : memref<20480x128xf32, #tpu.memory_space<hbm>> -> memref<20480x128xf32, #tpu.memory_space<hbm>>
      tpu.wait_indirect_dma semaphore(%arg13 : memref<!tpu.dma_semaphore, #tpu.memory_space<semaphore_mem>>) src(%dma_wait3A_515 : memref<20480x128xf32, #tpu.memory_space<hbm>>) dst(%arg8 : memref<64x128xf32, #tpu.memory_space<vmem>>)
      %dma_start3A_516 = arith.constant 0 : i32
      %dma_start3A_517 = tpu.memref_slice %arg7[%add3A_511, %dma_start3A_516] : memref<80x64xi32, #tpu.memory_space<vmem>> -> memref<1x64xi32, #tpu.memory_space<vmem>>
      %dma_start3A_518 = tpu.memref_squeeze %dma_start3A_517 : memref<1x64xi32, #tpu.memory_space<vmem>> -> memref<64xi32, #tpu.memory_space<vmem>>
      %dma_start3A_519 = arith.constant 0 : i32
      %dma_start3A_520 = arith.constant 0 : i32
      %dma_start3A_521 = tpu.memref_slice %arg12[%dma_start3A_519, %dma_start3A_520] : memref<10240x128xf32, #tpu.memory_space<vmem_shared>> -> memref<10240x128xf32, #tpu.memory_space<vmem_shared>>
      tpu.enqueue_indirect_dma source(%arg8 : memref<64x128xf32, #tpu.memory_space<vmem>>) target(%dma_start3A_521 : memref<10240x128xf32, #tpu.memory_space<vmem_shared>>) offsets(%dma_start3A_518 : memref<64xi32, #tpu.memory_space<vmem>>) semaphore(%arg17 : memref<!tpu.dma_semaphore, #tpu.memory_space<semaphore_mem>>) {add = true}
      %mul3A_522 = arith.constant 16 : i32
      %mul3A_523 = arith.muli %scan3A_49, %mul3A_522 : i32
      %add3A_524 = arith.constant 12 : i32
      %add3A_525 = arith.addi %mul3A_523, %add3A_524 : i32
      %add3A_526 = arith.constant 1 : i32
      %add3A_527 = arith.addi %add3A_525, %add3A_526 : i32
      %dma_wait3A_528 = tpu.memref_slice %arg6[%mul3A_465] : memref<5120xi32, #tpu.memory_space<vmem>> -> memref<64xi32, #tpu.memory_space<vmem>>
      %dma_wait3A_529 = arith.constant 0 : i32
      %dma_wait3A_530 = arith.constant 0 : i32
      %dma_wait3A_531 = tpu.memref_slice %arg2[%dma_wait3A_529, %dma_wait3A_530] : memref<20480x128xf32, #tpu.memory_space<hbm>> -> memref<20480x128xf32, #tpu.memory_space<hbm>>
      tpu.wait_indirect_dma semaphore(%arg14 : memref<!tpu.dma_semaphore, #tpu.memory_space<semaphore_mem>>) src(%dma_wait3A_531 : memref<20480x128xf32, #tpu.memory_space<hbm>>) dst(%arg9 : memref<64x128xf32, #tpu.memory_space<vmem>>)
      %dma_start3A_532 = arith.constant 0 : i32
      %dma_start3A_533 = tpu.memref_slice %arg7[%add3A_527, %dma_start3A_532] : memref<80x64xi32, #tpu.memory_space<vmem>> -> memref<1x64xi32, #tpu.memory_space<vmem>>
      %dma_start3A_534 = tpu.memref_squeeze %dma_start3A_533 : memref<1x64xi32, #tpu.memory_space<vmem>> -> memref<64xi32, #tpu.memory_space<vmem>>
      %dma_start3A_535 = arith.constant 0 : i32
      %dma_start3A_536 = arith.constant 0 : i32
      %dma_start3A_537 = tpu.memref_slice %arg12[%dma_start3A_535, %dma_start3A_536] : memref<10240x128xf32, #tpu.memory_space<vmem_shared>> -> memref<10240x128xf32, #tpu.memory_space<vmem_shared>>
      tpu.enqueue_indirect_dma source(%arg9 : memref<64x128xf32, #tpu.memory_space<vmem>>) target(%dma_start3A_537 : memref<10240x128xf32, #tpu.memory_space<vmem_shared>>) offsets(%dma_start3A_534 : memref<64xi32, #tpu.memory_space<vmem>>) semaphore(%arg18 : memref<!tpu.dma_semaphore, #tpu.memory_space<semaphore_mem>>) {add = true}
      %mul3A_538 = arith.constant 16 : i32
      %mul3A_539 = arith.muli %scan3A_49, %mul3A_538 : i32
      %add3A_540 = arith.constant 12 : i32
      %add3A_541 = arith.addi %mul3A_539, %add3A_540 : i32
      %add3A_542 = arith.constant 2 : i32
      %add3A_543 = arith.addi %add3A_541, %add3A_542 : i32
      %dma_wait3A_544 = tpu.memref_slice %arg6[%mul3A_483] : memref<5120xi32, #tpu.memory_space<vmem>> -> memref<64xi32, #tpu.memory_space<vmem>>
      %dma_wait3A_545 = arith.constant 0 : i32
      %dma_wait3A_546 = arith.constant 0 : i32
      %dma_wait3A_547 = tpu.memref_slice %arg2[%dma_wait3A_545, %dma_wait3A_546] : memref<20480x128xf32, #tpu.memory_space<hbm>> -> memref<20480x128xf32, #tpu.memory_space<hbm>>
      tpu.wait_indirect_dma semaphore(%arg15 : memref<!tpu.dma_semaphore, #tpu.memory_space<semaphore_mem>>) src(%dma_wait3A_547 : memref<20480x128xf32, #tpu.memory_space<hbm>>) dst(%arg10 : memref<64x128xf32, #tpu.memory_space<vmem>>)
      %dma_start3A_548 = arith.constant 0 : i32
      %dma_start3A_549 = tpu.memref_slice %arg7[%add3A_543, %dma_start3A_548] : memref<80x64xi32, #tpu.memory_space<vmem>> -> memref<1x64xi32, #tpu.memory_space<vmem>>
      %dma_start3A_550 = tpu.memref_squeeze %dma_start3A_549 : memref<1x64xi32, #tpu.memory_space<vmem>> -> memref<64xi32, #tpu.memory_space<vmem>>
      %dma_start3A_551 = arith.constant 0 : i32
      %dma_start3A_552 = arith.constant 0 : i32
      %dma_start3A_553 = tpu.memref_slice %arg12[%dma_start3A_551, %dma_start3A_552] : memref<10240x128xf32, #tpu.memory_space<vmem_shared>> -> memref<10240x128xf32, #tpu.memory_space<vmem_shared>>
      tpu.enqueue_indirect_dma source(%arg10 : memref<64x128xf32, #tpu.memory_space<vmem>>) target(%dma_start3A_553 : memref<10240x128xf32, #tpu.memory_space<vmem_shared>>) offsets(%dma_start3A_550 : memref<64xi32, #tpu.memory_space<vmem>>) semaphore(%arg19 : memref<!tpu.dma_semaphore, #tpu.memory_space<semaphore_mem>>) {add = true}
      %mul3A_554 = arith.constant 16 : i32
      %mul3A_555 = arith.muli %scan3A_49, %mul3A_554 : i32
      %add3A_556 = arith.constant 12 : i32
      %add3A_557 = arith.addi %mul3A_555, %add3A_556 : i32
      %add3A_558 = arith.constant 3 : i32
      %add3A_559 = arith.addi %add3A_557, %add3A_558 : i32
      %dma_wait3A_560 = tpu.memref_slice %arg6[%mul3A_501] : memref<5120xi32, #tpu.memory_space<vmem>> -> memref<64xi32, #tpu.memory_space<vmem>>
      %dma_wait3A_561 = arith.constant 0 : i32
      %dma_wait3A_562 = arith.constant 0 : i32
      %dma_wait3A_563 = tpu.memref_slice %arg2[%dma_wait3A_561, %dma_wait3A_562] : memref<20480x128xf32, #tpu.memory_space<hbm>> -> memref<20480x128xf32, #tpu.memory_space<hbm>>
      tpu.wait_indirect_dma semaphore(%arg16 : memref<!tpu.dma_semaphore, #tpu.memory_space<semaphore_mem>>) src(%dma_wait3A_563 : memref<20480x128xf32, #tpu.memory_space<hbm>>) dst(%arg11 : memref<64x128xf32, #tpu.memory_space<vmem>>)
      %dma_start3A_564 = arith.constant 0 : i32
      %dma_start3A_565 = tpu.memref_slice %arg7[%add3A_559, %dma_start3A_564] : memref<80x64xi32, #tpu.memory_space<vmem>> -> memref<1x64xi32, #tpu.memory_space<vmem>>
      %dma_start3A_566 = tpu.memref_squeeze %dma_start3A_565 : memref<1x64xi32, #tpu.memory_space<vmem>> -> memref<64xi32, #tpu.memory_space<vmem>>
      %dma_start3A_567 = arith.constant 0 : i32
      %dma_start3A_568 = arith.constant 0 : i32
      %dma_start3A_569 = tpu.memref_slice %arg12[%dma_start3A_567, %dma_start3A_568] : memref<10240x128xf32, #tpu.memory_space<vmem_shared>> -> memref<10240x128xf32, #tpu.memory_space<vmem_shared>>
      tpu.enqueue_indirect_dma source(%arg11 : memref<64x128xf32, #tpu.memory_space<vmem>>) target(%dma_start3A_569 : memref<10240x128xf32, #tpu.memory_space<vmem_shared>>) offsets(%dma_start3A_566 : memref<64xi32, #tpu.memory_space<vmem>>) semaphore(%arg20 : memref<!tpu.dma_semaphore, #tpu.memory_space<semaphore_mem>>) {add = true}
      %dma_wait3A_570 = arith.constant 0 : i32
      %dma_wait3A_571 = tpu.memref_slice %arg7[%add3A_511, %dma_wait3A_570] : memref<80x64xi32, #tpu.memory_space<vmem>> -> memref<1x64xi32, #tpu.memory_space<vmem>>
      %dma_wait3A_572 = tpu.memref_squeeze %dma_wait3A_571 : memref<1x64xi32, #tpu.memory_space<vmem>> -> memref<64xi32, #tpu.memory_space<vmem>>
      %dma_wait3A_573 = arith.constant 0 : i32
      %dma_wait3A_574 = arith.constant 0 : i32
      %dma_wait3A_575 = tpu.memref_slice %arg12[%dma_wait3A_573, %dma_wait3A_574] : memref<10240x128xf32, #tpu.memory_space<vmem_shared>> -> memref<10240x128xf32, #tpu.memory_space<vmem_shared>>
      tpu.wait_indirect_dma semaphore(%arg17 : memref<!tpu.dma_semaphore, #tpu.memory_space<semaphore_mem>>) src(%arg8 : memref<64x128xf32, #tpu.memory_space<vmem>>) dst(%dma_wait3A_575 : memref<10240x128xf32, #tpu.memory_space<vmem_shared>>)
      %dma_wait3A_576 = arith.constant 0 : i32
      %dma_wait3A_577 = tpu.memref_slice %arg7[%add3A_527, %dma_wait3A_576] : memref<80x64xi32, #tpu.memory_space<vmem>> -> memref<1x64xi32, #tpu.memory_space<vmem>>
      %dma_wait3A_578 = tpu.memref_squeeze %dma_wait3A_577 : memref<1x64xi32, #tpu.memory_space<vmem>> -> memref<64xi32, #tpu.memory_space<vmem>>
      %dma_wait3A_579 = arith.constant 0 : i32
      %dma_wait3A_580 = arith.constant 0 : i32
      %dma_wait3A_581 = tpu.memref_slice %arg12[%dma_wait3A_579, %dma_wait3A_580] : memref<10240x128xf32, #tpu.memory_space<vmem_shared>> -> memref<10240x128xf32, #tpu.memory_space<vmem_shared>>
      tpu.wait_indirect_dma semaphore(%arg18 : memref<!tpu.dma_semaphore, #tpu.memory_space<semaphore_mem>>) src(%arg9 : memref<64x128xf32, #tpu.memory_space<vmem>>) dst(%dma_wait3A_581 : memref<10240x128xf32, #tpu.memory_space<vmem_shared>>)
      %dma_wait3A_582 = arith.constant 0 : i32
      %dma_wait3A_583 = tpu.memref_slice %arg7[%add3A_543, %dma_wait3A_582] : memref<80x64xi32, #tpu.memory_space<vmem>> -> memref<1x64xi32, #tpu.memory_space<vmem>>
      %dma_wait3A_584 = tpu.memref_squeeze %dma_wait3A_583 : memref<1x64xi32, #tpu.memory_space<vmem>> -> memref<64xi32, #tpu.memory_space<vmem>>
      %dma_wait3A_585 = arith.constant 0 : i32
      %dma_wait3A_586 = arith.constant 0 : i32
      %dma_wait3A_587 = tpu.memref_slice %arg12[%dma_wait3A_585, %dma_wait3A_586] : memref<10240x128xf32, #tpu.memory_space<vmem_shared>> -> memref<10240x128xf32, #tpu.memory_space<vmem_shared>>
      tpu.wait_indirect_dma semaphore(%arg19 : memref<!tpu.dma_semaphore, #tpu.memory_space<semaphore_mem>>) src(%arg10 : memref<64x128xf32, #tpu.memory_space<vmem>>) dst(%dma_wait3A_587 : memref<10240x128xf32, #tpu.memory_space<vmem_shared>>)
      %dma_wait3A_588 = arith.constant 0 : i32
      %dma_wait3A_589 = tpu.memref_slice %arg7[%add3A_559, %dma_wait3A_588] : memref<80x64xi32, #tpu.memory_space<vmem>> -> memref<1x64xi32, #tpu.memory_space<vmem>>
      %dma_wait3A_590 = tpu.memref_squeeze %dma_wait3A_589 : memref<1x64xi32, #tpu.memory_space<vmem>> -> memref<64xi32, #tpu.memory_space<vmem>>
      %dma_wait3A_591 = arith.constant 0 : i32
      %dma_wait3A_592 = arith.constant 0 : i32
      %dma_wait3A_593 = tpu.memref_slice %arg12[%dma_wait3A_591, %dma_wait3A_592] : memref<10240x128xf32, #tpu.memory_space<vmem_shared>> -> memref<10240x128xf32, #tpu.memory_space<vmem_shared>>
      tpu.wait_indirect_dma semaphore(%arg20 : memref<!tpu.dma_semaphore, #tpu.memory_space<semaphore_mem>>) src(%arg11 : memref<64x128xf32, #tpu.memory_space<vmem>>) dst(%dma_wait3A_593 : memref<10240x128xf32, #tpu.memory_space<vmem_shared>>)
    }
    %scan3A_43 = arith.constant 5 : i32
    %barrier3A_44 = arith.constant 0 : index
    tpu.barrier barrier_id(%barrier3A_44)
    %mul3A_45 = arith.constant 640 : i32
    %mul3A_46 = arith.muli %arg1, %mul3A_45 : i32
    %mul3A_47 = arith.constant 640 : i32
    %mul3A_48 = arith.muli %arg1, %mul3A_47 : i32
    "tpu.region"() ({
      %run_scoped3A = tpu.sem_alloc : memref<!tpu.dma_semaphore, #tpu.memory_space<semaphore_mem>>
      %dma_start3A_49 = arith.constant 0 : i32
      %dma_start3A_50 = tpu.memref_slice %arg5[%arg0, %mul3A_48, %dma_start3A_49] : memref<2x10240x128xf32, #tpu.memory_space<hbm>> -> memref<1x640x128xf32, #tpu.memory_space<hbm>>
      %dma_start3A_51 = tpu.memref_squeeze %dma_start3A_50 : memref<1x640x128xf32, #tpu.memory_space<hbm>> -> memref<640x128xf32, #tpu.memory_space<hbm>>
      %dma_start3A_52 = arith.constant 0 : i32
      %dma_start3A_53 = tpu.memref_slice %arg12[%mul3A_46, %dma_start3A_52] : memref<10240x128xf32, #tpu.memory_space<vmem_shared>> -> memref<640x128xf32, #tpu.memory_space<vmem_shared>>
      tpu.enqueue_dma source(%dma_start3A_53 : memref<640x128xf32, #tpu.memory_space<vmem_shared>>) target(%dma_start3A_51 : memref<640x128xf32, #tpu.memory_space<hbm>>) target_semaphore(%run_scoped3A : memref<!tpu.dma_semaphore, #tpu.memory_space<semaphore_mem>>)
      %dma_wait3A_54 = arith.constant 0 : i32
      %dma_wait3A_55 = tpu.memref_slice %arg5[%arg0, %mul3A_48, %dma_wait3A_54] : memref<2x10240x128xf32, #tpu.memory_space<hbm>> -> memref<1x640x128xf32, #tpu.memory_space<hbm>>
      %dma_wait3A_56 = tpu.memref_squeeze %dma_wait3A_55 : memref<1x640x128xf32, #tpu.memory_space<hbm>> -> memref<640x128xf32, #tpu.memory_space<hbm>>
      %dma_wait3A_57 = arith.constant 0 : i32
      %dma_wait3A_58 = tpu.memref_slice %arg12[%mul3A_46, %dma_wait3A_57] : memref<10240x128xf32, #tpu.memory_space<vmem_shared>> -> memref<640x128xf32, #tpu.memory_space<vmem_shared>>
      tpu.wait_dma2 semaphore(%run_scoped3A : memref<!tpu.dma_semaphore, #tpu.memory_space<semaphore_mem>>) src(%dma_wait3A_58 : memref<640x128xf32, #tpu.memory_space<vmem_shared>>) dst(%dma_wait3A_56 : memref<640x128xf32, #tpu.memory_space<hbm>>)
      tpu.yield
    }) : () -> ()
    return
  }
}

module attributes {stable_mosaic.version = 14 : i64} {
  func.func @_mm_body(%arg0: i32, %arg1: memref<1000x256xf32, #tpu.memory_space<vmem>>, %arg2: memref<256x256xf32, #tpu.memory_space<vmem>>, %arg3: memref<256x256xf32, #tpu.memory_space<vmem>>, %arg4: memref<2x1000x128xf32, #tpu.memory_space<vmem>>) attributes {dimension_semantics = [#tpu.dimension_semantics<arbitrary>], iteration_bounds = array<i64: 10>, scalar_prefetch = 0 : i64, scratch_operands = 0 : i64, tpu.core_type = #tpu.core_type<tc>, window_params = [{transform_indices = @transform_0, window_bounds = array<i64: 1000, 256>}, {pipeline_mode = #tpu.pipeline_mode<synchronous>, transform_indices = @transform_1, window_bounds = array<i64: 256, 256>}, {pipeline_mode = #tpu.pipeline_mode<synchronous>, transform_indices = @transform_2, window_bounds = array<i64: 256, 256>}, {transform_indices = @transform_3, window_bounds = array<i64: 2, 1000, 128>}]} {
    %get3A = arith.constant 0 : index
    %get3A_0 = arith.constant 0 : index
    %get3A_1 = vector.load %arg1[%get3A, %get3A_0] : memref<1000x256xf32, #tpu.memory_space<vmem>>, vector<1000x256xf32>
    %get3A_2 = arith.constant 0 : index
    %get3A_3 = arith.constant 0 : index
    %get3A_4 = vector.load %arg2[%get3A_2, %get3A_3] : memref<256x256xf32, #tpu.memory_space<vmem>>, vector<256x256xf32>
    %dot_general3A = arith.constant dense<0.000000e+00> : vector<1000x256xf32>
    %dot_general3A_5 = tpu.matmul %get3A_1, %get3A_4, %dot_general3A {dimension_numbers = #tpu.dot_dimension_numbers<[1], [0], [0], [1], [0, 0, 1, 1], [], []>, transpose_lhs_hint = false} : vector<1000x256xf32>, vector<256x256xf32>, vector<1000x256xf32> -> vector<1000x256xf32>
    %get3A_6 = arith.constant 0 : index
    %get3A_7 = arith.constant 0 : index
    %get3A_8 = vector.load %arg3[%get3A_6, %get3A_7] : memref<256x256xf32, #tpu.memory_space<vmem>>, vector<256x256xf32>
    %dot_general3A_9 = arith.constant dense<0.000000e+00> : vector<1000x256xf32>
    %dot_general3A_10 = tpu.matmul %dot_general3A_5, %get3A_8, %dot_general3A_9 {dimension_numbers = #tpu.dot_dimension_numbers<[1], [0], [0], [1], [0, 0, 1, 1], [], []>, transpose_lhs_hint = false} : vector<1000x256xf32>, vector<256x256xf32>, vector<1000x256xf32> -> vector<1000x256xf32>
    %slice3A = vector.extract_strided_slice %dot_general3A_10 {offsets = [0, 0], sizes = [1000, 128], strides = [1, 1]} : vector<1000x256xf32> to vector<1000x128xf32>
    %swap3A = arith.constant 0 : index
    %swap3A_11 = arith.constant 0 : index
    %swap3A_12 = arith.constant 0 : index
    %swap3A_13 = vector.load %arg4[%swap3A, %swap3A_11, %swap3A_12] : memref<2x1000x128xf32, #tpu.memory_space<vmem>>, vector<1x1000x128xf32>
    %swap3A_14 = vector.shape_cast %swap3A_13 : vector<1x1000x128xf32> to vector<1000x128xf32>
    %swap3A_15 = vector.shape_cast %slice3A : vector<1000x128xf32> to vector<1x1000x128xf32>
    tpu.vector_store %arg4[%swap3A, %swap3A_11, %swap3A_12], %swap3A_15 {strides = array<i32>} : memref<2x1000x128xf32, #tpu.memory_space<vmem>>, vector<1x1000x128xf32>,
    %slice3A_16 = vector.extract_strided_slice %dot_general3A_10 {offsets = [0, 128], sizes = [1000, 128], strides = [1, 1]} : vector<1000x256xf32> to vector<1000x128xf32>
    %swap3A_17 = arith.constant 1 : index
    %swap3A_18 = arith.constant 0 : index
    %swap3A_19 = arith.constant 0 : index
    %swap3A_20 = vector.load %arg4[%swap3A_17, %swap3A_18, %swap3A_19] : memref<2x1000x128xf32, #tpu.memory_space<vmem>>, vector<1x1000x128xf32>
    %swap3A_21 = vector.shape_cast %swap3A_20 : vector<1x1000x128xf32> to vector<1000x128xf32>
    %swap3A_22 = vector.shape_cast %slice3A_16 : vector<1000x128xf32> to vector<1x1000x128xf32>
    tpu.vector_store %arg4[%swap3A_17, %swap3A_18, %swap3A_19], %swap3A_22 {strides = array<i32>} : memref<2x1000x128xf32, #tpu.memory_space<vmem>>, vector<1x1000x128xf32>,
    return
  }
  func.func @transform_0(%arg0: i32) -> (i32, i32) {
    %c0_i32 = arith.constant 0 : i32
    %c0_i32_0 = arith.constant 0 : i32
    return %arg0, %c0_i32 : i32, i32
  }
  func.func @transform_1(%arg0: i32) -> (i32, i32) {
    %c0_i32 = arith.constant 0 : i32
    %c0_i32_0 = arith.constant 0 : i32
    %c0_i32_1 = arith.constant 0 : i32
    return %c0_i32, %c0_i32_0 : i32, i32
  }
  func.func @transform_2(%arg0: i32) -> (i32, i32) {
    %c0_i32 = arith.constant 0 : i32
    %c0_i32_0 = arith.constant 0 : i32
    %c0_i32_1 = arith.constant 0 : i32
    return %c0_i32, %c0_i32_0 : i32, i32
  }
  func.func @transform_3(%arg0: i32) -> (i32, i32, i32) {
    %c0_i32 = arith.constant 0 : i32
    %c0_i32_0 = arith.constant 0 : i32
    %c0_i32_1 = arith.constant 0 : i32
    return %c0_i32, %arg0, %c0_i32_0 : i32, i32, i32
  }
}

module attributes {stable_mosaic.version = 14 : i64} {
  func.func @_scale_body(%arg0: i32, %arg1: memref<2x1000x128xf32, #tpu.memory_space<vmem>>, %arg2: memref<1000x8xf32, #tpu.memory_space<vmem>>, %arg3: memref<2x1000x128xf32, #tpu.memory_space<vmem>>) attributes {dimension_semantics = [#tpu.dimension_semantics<arbitrary>], iteration_bounds = array<i64: 10>, scalar_prefetch = 0 : i64, scratch_operands = 0 : i64, tpu.core_type = #tpu.core_type<tc>, window_params = [{transform_indices = @transform_0, window_bounds = array<i64: 2, 1000, 128>}, {transform_indices = @transform_1, window_bounds = array<i64: 1000, 8>}, {transform_indices = @transform_2, window_bounds = array<i64: 2, 1000, 128>}]} {
    %get3A = arith.constant 0 : index
    %get3A_0 = arith.constant 0 : index
    %get3A_1 = vector.load %arg2[%get3A, %get3A_0] : memref<1000x8xf32, #tpu.memory_space<vmem>>, vector<1000x8xf32>
    %rsqrt3A = math.rsqrt %get3A_1 : vector<1000x8xf32>
    %slice3A = vector.extract_strided_slice %rsqrt3A {offsets = [0, 0], sizes = [1000, 1], strides = [1, 1]} : vector<1000x8xf32> to vector<1000x1xf32>
    %broadcast_in_dim3A = vector.shape_cast %slice3A : vector<1000x1xf32> to vector<1000x1xf32>
    %broadcast_in_dim3A_2 = vector.broadcast %broadcast_in_dim3A : vector<1000x1xf32> to vector<1000x128xf32>
    %get3A_3 = arith.constant 0 : index
    %get3A_4 = arith.constant 0 : index
    %get3A_5 = arith.constant 0 : index
    %get3A_6 = vector.load %arg1[%get3A_3, %get3A_4, %get3A_5] : memref<2x1000x128xf32, #tpu.memory_space<vmem>>, vector<1x1000x128xf32>
    %get3A_7 = vector.shape_cast %get3A_6 : vector<1x1000x128xf32> to vector<1000x128xf32>
    %mul3A = arith.mulf %get3A_7, %broadcast_in_dim3A_2 : vector<1000x128xf32>
    %swap3A = arith.constant 0 : index
    %swap3A_8 = arith.constant 0 : index
    %swap3A_9 = arith.constant 0 : index
    %swap3A_10 = vector.load %arg3[%swap3A, %swap3A_8, %swap3A_9] : memref<2x1000x128xf32, #tpu.memory_space<vmem>>, vector<1x1000x128xf32>
    %swap3A_11 = vector.shape_cast %swap3A_10 : vector<1x1000x128xf32> to vector<1000x128xf32>
    %swap3A_12 = vector.shape_cast %mul3A : vector<1000x128xf32> to vector<1x1000x128xf32>
    tpu.vector_store %arg3[%swap3A, %swap3A_8, %swap3A_9], %swap3A_12 {strides = array<i32>} : memref<2x1000x128xf32, #tpu.memory_space<vmem>>, vector<1x1000x128xf32>,
    %get3A_13 = arith.constant 1 : index
    %get3A_14 = arith.constant 0 : index
    %get3A_15 = arith.constant 0 : index
    %get3A_16 = vector.load %arg1[%get3A_13, %get3A_14, %get3A_15] : memref<2x1000x128xf32, #tpu.memory_space<vmem>>, vector<1x1000x128xf32>
    %get3A_17 = vector.shape_cast %get3A_16 : vector<1x1000x128xf32> to vector<1000x128xf32>
    %mul3A_18 = arith.mulf %get3A_17, %broadcast_in_dim3A_2 : vector<1000x128xf32>
    %swap3A_19 = arith.constant 1 : index
    %swap3A_20 = arith.constant 0 : index
    %swap3A_21 = arith.constant 0 : index
    %swap3A_22 = vector.load %arg3[%swap3A_19, %swap3A_20, %swap3A_21] : memref<2x1000x128xf32, #tpu.memory_space<vmem>>, vector<1x1000x128xf32>
    %swap3A_23 = vector.shape_cast %swap3A_22 : vector<1x1000x128xf32> to vector<1000x128xf32>
    %swap3A_24 = vector.shape_cast %mul3A_18 : vector<1000x128xf32> to vector<1x1000x128xf32>
    tpu.vector_store %arg3[%swap3A_19, %swap3A_20, %swap3A_21], %swap3A_24 {strides = array<i32>} : memref<2x1000x128xf32, #tpu.memory_space<vmem>>, vector<1x1000x128xf32>,
    return
  }
  func.func @transform_0(%arg0: i32) -> (i32, i32, i32) {
    %c0_i32 = arith.constant 0 : i32
    %c0_i32_0 = arith.constant 0 : i32
    %c0_i32_1 = arith.constant 0 : i32
    return %c0_i32, %arg0, %c0_i32_0 : i32, i32, i32
  }
  func.func @transform_1(%arg0: i32) -> (i32, i32) {
    %c0_i32 = arith.constant 0 : i32
    %c0_i32_0 = arith.constant 0 : i32
    return %arg0, %c0_i32 : i32, i32
  }
  func.func @transform_2(%arg0: i32) -> (i32, i32, i32) {
    %c0_i32 = arith.constant 0 : i32
    %c0_i32_0 = arith.constant 0 : i32
    %c0_i32_1 = arith.constant 0 : i32
    return %c0_i32, %arg0, %c0_i32_0 : i32, i32, i32
  }
}

module attributes {stable_mosaic.version = 14 : i64} {
  func.func @_fin_body(%arg0: i32, %arg1: memref<2x1000x128xf32, #tpu.memory_space<vmem>>, %arg2: memref<1000x8xf32, #tpu.memory_space<vmem>>, %arg3: memref<1x256xf32, #tpu.memory_space<vmem>>, %arg4: memref<1x256xf32, #tpu.memory_space<vmem>>, %arg5: memref<1x256xf32, #tpu.memory_space<vmem>>, %arg6: memref<1000x256xf32, #tpu.memory_space<vmem>>) attributes {dimension_semantics = [#tpu.dimension_semantics<arbitrary>], iteration_bounds = array<i64: 10>, scalar_prefetch = 0 : i64, scratch_operands = 0 : i64, tpu.core_type = #tpu.core_type<tc>, window_params = [{transform_indices = @transform_0, window_bounds = array<i64: 2, 1000, 128>}, {transform_indices = @transform_1, window_bounds = array<i64: 1000, 8>}, {pipeline_mode = #tpu.pipeline_mode<synchronous>, transform_indices = @transform_2, window_bounds = array<i64: 1, 256>}, {pipeline_mode = #tpu.pipeline_mode<synchronous>, transform_indices = @transform_3, window_bounds = array<i64: 1, 256>}, {pipeline_mode = #tpu.pipeline_mode<synchronous>, transform_indices = @transform_4, window_bounds = array<i64: 1, 256>}, {transform_indices = @transform_5, window_bounds = array<i64: 1000, 256>}]} {
    %get3A = arith.constant 0 : index
    %get3A_0 = arith.constant 0 : index
    %get3A_1 = vector.load %arg2[%get3A, %get3A_0] : memref<1000x8xf32, #tpu.memory_space<vmem>>, vector<1000x8xf32>
    %rsqrt3A = math.rsqrt %get3A_1 : vector<1000x8xf32>
    %slice3A = vector.extract_strided_slice %rsqrt3A {offsets = [0, 0], sizes = [1000, 1], strides = [1, 1]} : vector<1000x8xf32> to vector<1000x1xf32>
    %broadcast_in_dim3A = vector.shape_cast %slice3A : vector<1000x1xf32> to vector<1000x1xf32>
    %broadcast_in_dim3A_2 = vector.broadcast %broadcast_in_dim3A : vector<1000x1xf32> to vector<1000x128xf32>
    %get3A_3 = arith.constant 0 : index
    %get3A_4 = arith.constant 0 : index
    %get3A_5 = arith.constant 0 : index
    %get3A_6 = vector.load %arg1[%get3A_3, %get3A_4, %get3A_5] : memref<2x1000x128xf32, #tpu.memory_space<vmem>>, vector<1x1000x128xf32>
    %get3A_7 = vector.shape_cast %get3A_6 : vector<1x1000x128xf32> to vector<1000x128xf32>
    %mul3A = arith.mulf %get3A_7, %broadcast_in_dim3A_2 : vector<1000x128xf32>
    %get3A_8 = arith.constant 1 : index
    %get3A_9 = arith.constant 0 : index
    %get3A_10 = arith.constant 0 : index
    %get3A_11 = vector.load %arg1[%get3A_8, %get3A_9, %get3A_10] : memref<2x1000x128xf32, #tpu.memory_space<vmem>>, vector<1x1000x128xf32>
    %get3A_12 = vector.shape_cast %get3A_11 : vector<1x1000x128xf32> to vector<1000x128xf32>
    %mul3A_13 = arith.mulf %get3A_12, %broadcast_in_dim3A_2 : vector<1000x128xf32>
    %concatenate3A = tpu.concatenate %mul3A, %mul3A_13 in 1 : vector<1000x128xf32>, vector<1000x128xf32> -> vector<1000x256xf32>
    %get3A_14 = arith.constant 0 : index
    %get3A_15 = arith.constant 0 : index
    %get3A_16 = vector.load %arg3[%get3A_14, %get3A_15] : memref<1x256xf32, #tpu.memory_space<vmem>>, vector<1x256xf32>
    %add3A = vector.broadcast %get3A_16 : vector<1x256xf32> to vector<1000x256xf32>
    %add3A_17 = arith.addf %concatenate3A, %add3A : vector<1000x256xf32>
    %reduce_sum3A = arith.constant dense<0.000000e+00> : vector<1000xf32>
    %reduce_sum3A_18 = vector.multi_reduction <add>, %add3A_17, %reduce_sum3A [1] : vector<1000x256xf32> to vector<1000xf32>
    %broadcast_in_dim3A_19 = vector.shape_cast %reduce_sum3A_18 : vector<1000xf32> to vector<1000x1xf32>
    %div3A = arith.constant 2.560000e+02 : f32
    %div3A_20 = vector.broadcast %div3A : f32 to vector<1000x1xf32>
    %div3A_21 = arith.divf %broadcast_in_dim3A_19, %div3A_20 : vector<1000x1xf32>
    %sub3A = vector.broadcast %div3A_21 : vector<1000x1xf32> to vector<1000x256xf32>
    %sub3A_22 = arith.subf %add3A_17, %sub3A : vector<1000x256xf32>
    %mul3A_23 = arith.mulf %sub3A_22, %sub3A_22 : vector<1000x256xf32>
    %reduce_sum3A_24 = arith.constant dense<0.000000e+00> : vector<1000xf32>
    %reduce_sum3A_25 = vector.multi_reduction <add>, %mul3A_23, %reduce_sum3A_24 [1] : vector<1000x256xf32> to vector<1000xf32>
    %broadcast_in_dim3A_26 = vector.shape_cast %reduce_sum3A_25 : vector<1000xf32> to vector<1000x1xf32>
    %div3A_27 = arith.constant 2.560000e+02 : f32
    %div3A_28 = vector.broadcast %div3A_27 : f32 to vector<1000x1xf32>
    %div3A_29 = arith.divf %broadcast_in_dim3A_26, %div3A_28 : vector<1000x1xf32>
    %add3A_30 = arith.constant 9.99999974E-6 : f32
    %add3A_31 = vector.broadcast %add3A_30 : f32 to vector<1000x1xf32>
    %add3A_32 = arith.addf %div3A_29, %add3A_31 : vector<1000x1xf32>
    %rsqrt3A_33 = math.rsqrt %add3A_32 : vector<1000x1xf32>
    %mul3A_34 = vector.broadcast %rsqrt3A_33 : vector<1000x1xf32> to vector<1000x256xf32>
    %mul3A_35 = arith.mulf %sub3A_22, %mul3A_34 : vector<1000x256xf32>
    %get3A_36 = arith.constant 0 : index
    %get3A_37 = arith.constant 0 : index
    %get3A_38 = vector.load %arg4[%get3A_36, %get3A_37] : memref<1x256xf32, #tpu.memory_space<vmem>>, vector<1x256xf32>
    %mul3A_39 = vector.broadcast %get3A_38 : vector<1x256xf32> to vector<1000x256xf32>
    %mul3A_40 = arith.mulf %mul3A_35, %mul3A_39 : vector<1000x256xf32>
    %get3A_41 = arith.constant 0 : index
    %get3A_42 = arith.constant 0 : index
    %get3A_43 = vector.load %arg5[%get3A_41, %get3A_42] : memref<1x256xf32, #tpu.memory_space<vmem>>, vector<1x256xf32>
    %add3A_44 = vector.broadcast %get3A_43 : vector<1x256xf32> to vector<1000x256xf32>
    %add3A_45 = arith.addf %mul3A_40, %add3A_44 : vector<1000x256xf32>
    %max3A = arith.constant 0.000000e+00 : f32
    %max3A_46 = vector.broadcast %max3A : f32 to vector<1000x256xf32>
    %max3A_47 = arith.maximumf %add3A_45, %max3A_46 : vector<1000x256xf32>
    %swap3A = arith.constant 0 : index
    %swap3A_48 = arith.constant 0 : index
    %swap3A_49 = vector.load %arg6[%swap3A, %swap3A_48] : memref<1000x256xf32, #tpu.memory_space<vmem>>, vector<1000x256xf32>
    tpu.vector_store %arg6[%swap3A, %swap3A_48], %max3A_47 {strides = array<i32>} : memref<1000x256xf32, #tpu.memory_space<vmem>>, vector<1000x256xf32>,
    return
  }
  func.func @transform_0(%arg0: i32) -> (i32, i32, i32) {
    %c0_i32 = arith.constant 0 : i32
    %c0_i32_0 = arith.constant 0 : i32
    %c0_i32_1 = arith.constant 0 : i32
    return %c0_i32, %arg0, %c0_i32_0 : i32, i32, i32
  }
  func.func @transform_1(%arg0: i32) -> (i32, i32) {
    %c0_i32 = arith.constant 0 : i32
    %c0_i32_0 = arith.constant 0 : i32
    return %arg0, %c0_i32 : i32, i32
  }
  func.func @transform_2(%arg0: i32) -> (i32, i32) {
    %c0_i32 = arith.constant 0 : i32
    %c0_i32_0 = arith.constant 0 : i32
    %c0_i32_1 = arith.constant 0 : i32
    return %c0_i32, %c0_i32_0 : i32, i32
  }
  func.func @transform_3(%arg0: i32) -> (i32, i32) {
    %c0_i32 = arith.constant 0 : i32
    %c0_i32_0 = arith.constant 0 : i32
    %c0_i32_1 = arith.constant 0 : i32
    return %c0_i32, %c0_i32_0 : i32, i32
  }
  func.func @transform_4(%arg0: i32) -> (i32, i32) {
    %c0_i32 = arith.constant 0 : i32
    %c0_i32_0 = arith.constant 0 : i32
    %c0_i32_1 = arith.constant 0 : i32
    return %c0_i32, %c0_i32_0 : i32, i32
  }
  func.func @transform_5(%arg0: i32) -> (i32, i32) {
    %c0_i32 = arith.constant 0 : i32
    %c0_i32_0 = arith.constant 0 : i32
    return %arg0, %c0_i32 : i32, i32
  }
}

</mosaic_0001>

<sc_bundles>
// kernel: kernel.10.cloned.1.call-start
scs
__scs_entry_jumppad:
0x0: {  	(pc) =	sbr.rel $0x88, $3  }
0x1: {  	(tag) =	ssettag $0x0;
	lr =	simm.s32 $0x1  }
0x2: {  	[smem:$0x3F9A] =	sst lr;
	_ =	strace $0xD0000000  }
0x3: {  	_ = 	snop  }
0x4: {  	_ = 	snop  }
0x5: {  	_ = 	snop  }
0x6: {  	_ = 	snop  }
0x7: {  	_ = 	snop  }
__scs_overlays_trampoline_lowered:
0x8: {  	[smem:$0x3FA9] =	sst s0  }
0x9: {  	[smem:$0x3FAA] =	sst s1  }
0xa: {  	[smem:$0x3FAB] =	sst s2  }
0xb: {  	[smem:$0x3FAC] =	sst s3  }
0xc: {  	[smem:$0x3FAD] =	sst s4  }
0xd: {  	[smem:$0x3FAE] =	sst s5  }
0xe: {  	[smem:$0x3FAF] =	sst s6  }
0xf: {  	[smem:$0x3FB0] =	sst s7  }
0x10: {  	[smem:$0x3FB1] =	sst s8  }
0x11: {  	[smem:$0x3FB2] =	sst s9;
	s0 =	simm.s32 @!p0 $0x0  }
0x12: {  	s1 =	sld [smem:$0x3F98];
	s0 =	simm.s32 @p0 $0x1  }
0x13: {  	[smem:$0x3FB3] =	sst s0;
	s0 =	simm.s32 @!p1 $0x0  }
0x14: {  	s2 =	sld [smem:$0x3F97];
	s0 =	simm.s32 @p1 $0x1  }
0x15: {  	[smem:$0x3FB4] =	sst s0;
	s0 =	simm.s32 @!p2 $0x0  }
0x16: {  	s3 =	sld [smem:$0x3FDB];
	s0 =	simm.s32 @p2 $0x1  }
0x17: {  	s4 =	simm.s32 $0x1BF5;
	[smem:$0x3FB6] =	sst s0  }
0x18: {  	s0 =	sld [smem:$0x3F99];
	_ =	swait.ge [sflag:s4], $0x0  }
0x19: {  	s7 =	sld [smem:$0x3F9A]  }
0x1a: {  	s8 =	sadd.s32 $0xFFFFE003, lr  }
0x1b: {  	s9 =	sadd.s32 $0xFFFFFEF7, lr;
	s5 =	simm.s32 $0xFFFFFFFF;
	p2 =	slt.u32 s8, $0xFFFFF086  }
0x1c: {  	p1 =	slt.u32 s9, $0xF7A;
	s5 =	simm.s32 @!p2 $0x0  }
0x1d: {  	s5 =	simm.s32 @p1 $0x1;
	p0 =	seq.s32 s7, s2  }
0x1e: {  	s7 =	smul.u32 @!p0 $0xF7A, s2;
	p2 =	seq.s32 @!p0 s5, $0x0  }
0x1f: {  	s9 =	smul.u32 $0xF7A, s1;
	s8 =	simm.s32 @!p0 $0x1BF5;
	p2 =	por !p2, p0  }
0x20: {  	[sflag:s8] =	ssyncset.s32 @!p0 $0xFFFFF086;
	s6 =	sadd.s32 @!p0 s3, s7;
	s7 =	simm.s32 @!p0 $0x108  }
0x21: {  	s3 =	sadd.s32 s3, s9;
	s6 =	sadd.s32 @!p0 $0x88, s6;
	s7 =	simm.s32 @p2 $0x1082  }
0x22: {  	[simem:s7], [sflag:s8] =	dma.local @!p0 [hbm:s6], $0xF7A  }
0x23: {  	s9 =	sor.u32 $0xD0000000, s2;
	s6 =	simm.s32 $0x108;
	_ =	swait.ge @!p0 [sflag:s8], $0x0  }
0x24: {  	s3 =	sadd.s32 $0x88, s3;
	s6 =	simm.s32 @!p1 $0x1082;
	[sflag:s4] =	ssyncset.s32 $0xFFFFF086  }
0x25: {  	[simem:s6], [sflag:s4] =	dma.local [hbm:s3], $0xF7A  }
0x26: {  	[smem:$0x3F9A] =	sst s1;
	(tag) =	ssettag s2;
	_ =	strace s9  }
0x27: {  	s1 =	sld [smem:$0x3FAA]  }
0x28: {  	s2 =	sld [smem:$0x3FAB]  }
0x29: {  	s4 =	sld [smem:$0x3FAD]  }
0x2a: {  	p0 =	seq.s32 s5, $0x0;
	s5 =	sld [smem:$0x3FAE]  }
0x2b: {  	s6 =	sld [smem:$0x3FAF]  }
0x2c: {  	s7 =	sld [smem:$0x3FB0]  }
0x2d: {  	s3 =	simm.s32 $0x108;
	s8 =	sld [smem:$0x3FB1]  }
0x2e: {  	s3 =	simm.s32 @!p0 $0x1082;
	s9 =	sld [smem:$0x3FB2]  }
0x2f: {  	lr =	sadd.s32 s0, s3;
	s0 =	sld [smem:$0x3FA9]  }
0x30: {  	s3 =	sld [smem:$0x3FAC]  }
0x31: {  	[smem:$0x3FB5] =	sst s10  }
0x32: {  	s10 =	sld [smem:$0x3FB3];
	_ =	sdelay $0x3  }
0x33: {  	p0 =	seq.s32 s10, $0x1;
	s10 =	sld [smem:$0x3FB5];
	_ =	sdelay $0x3  }
0x34: {  	[smem:$0x3FB5] =	sst s10  }
0x35: {  	s10 =	sld [smem:$0x3FB4];
	_ =	sdelay $0x3  }
0x36: {  	p1 =	seq.s32 s10, $0x1;
	s10 =	sld [smem:$0x3FB5];
	_ =	sdelay $0x3  }
0x37: {  	[smem:$0x3FB5] =	sst s10  }
0x38: {  	s10 =	sld [smem:$0x3FB6]  }
0x39: {  	_ = 	snop;
	(pc) =	sbr.ind lr, $3  }
0x3a: {  	_ = 	snop  }
0x3b: {  	_ = 	snop  }
0x3c: {  	p2 =	seq.s32 s10, $0x1;
	s10 =	sld [smem:$0x3FB5]  }
0x3d: {  	_ =	shalt  }
0x3e: {  	_ =	shalt  }
0x3f: {  	_ =	shalt  }
0x40: {  	_ =	shalt  }
0x41: {  	_ =	shalt  }
0x42: {  	_ =	shalt  }
0x43: {  	_ =	shalt  }
0x44: {  	_ =	shalt  }
0x45: {  	_ =	shalt  }
0x46: {  	_ =	shalt  }
0x47: {  	_ =	shalt  }
0x48: {  	_ =	shalt  }
0x49: {  	_ =	shalt  }
0x4a: {  	_ =	shalt  }
0x4b: {  	_ =	shalt  }
0x4c: {  	_ =	shalt  }
0x4d: {  	_ =	shalt  }
0x4e: {  	_ =	shalt  }
0x4f: {  	_ =	shalt  }
0x50: {  	_ =	shalt  }
0x51: {  	_ =	shalt  }
0x52: {  	_ =	shalt  }
0x53: {  	_ =	shalt  }
0x54: {  	_ =	shalt  }
0x55: {  	_ =	shalt  }
0x56: {  	_ =	shalt  }
0x57: {  	_ =	shalt  }
0x58: {  	_ =	shalt  }
0x59: {  	_ =	shalt  }
0x5a: {  	_ =	shalt  }
0x5b: {  	_ =	shalt  }
0x5c: {  	_ =	shalt  }
0x5d: {  	_ =	shalt  }
0x5e: {  	_ =	shalt  }
0x5f: {  	_ =	shalt  }
0x60: {  	_ =	shalt  }
0x61: {  	_ =	shalt  }
0x62: {  	_ =	shalt  }
0x63: {  	_ =	shalt  }
0x64: {  	_ =	shalt  }
0x65: {  	_ =	shalt  }
0x66: {  	_ =	shalt  }
0x67: {  	_ =	shalt  }
0x68: {  	_ =	shalt  }
0x69: {  	_ =	shalt  }
0x6a: {  	_ =	shalt  }
0x6b: {  	_ =	shalt  }
0x6c: {  	_ =	shalt  }
0x6d: {  	_ =	shalt  }
0x6e: {  	_ =	shalt  }
0x6f: {  	_ =	shalt  }
0x70: {  	_ =	shalt  }
0x71: {  	_ =	shalt  }
0x72: {  	_ =	shalt  }
0x73: {  	_ =	shalt  }
0x74: {  	_ =	shalt  }
0x75: {  	_ =	shalt  }
0x76: {  	_ =	shalt  }
0x77: {  	_ =	shalt  }
0x78: {  	_ =	shalt  }
0x79: {  	_ =	shalt  }
0x7a: {  	_ =	shalt  }
0x7b: {  	_ =	shalt  }
0x7c: {  	_ =	shalt  }
0x7d: {  	_ =	shalt  }
0x7e: {  	_ =	shalt  }
0x7f: {  	_ =	shalt  }
0x80: {  	_ =	shalt  }
0x81: {  	_ =	shalt  }
0x82: {  	_ =	shalt  }
0x83: {  	_ =	shalt  }
0x84: {  	_ =	shalt  }
0x85: {  	_ =	shalt  }
0x86: {  	_ =	shalt  }
0x87: {  	_ =	shalt  }
.Lfunc_end0:
.L_simem_size_0:
called_computation.1_lowered:
.L_overlay_start_0:
0x88: {  	s2 =	sld [smem:$0x3FD9]  }
0x89: {  	s3 =	sld [smem:$0x3FFE];
	_ =	sdelay $0x1  }
0x8a: {  	s1 =	srdreg.scid  }
0x8b: {  	s0 =	sand.u32 $0x1, s1  }
0x8c: {  	s17 =	sshll.u32 s0, $0xA;
	s2 =	sadd.s32 s3, s2  }
0x8d: {  	s2 =	sadd.s32 s2, s17  }
0x8e: {  	[smem:$0x3FC1] =	sst s2  }
0x8f: {  	_ = 	snop  }
0x90: {  	s2 =	sld [smem:$0x3FD0];
	(tm) =	ssettm $0x1  }
0x91: {  	s18 =	sld [smem:$0x3FFB];
	_ =	sdelay $0x3  }
0x92: {  	_ =	strace s18  }
0x93: {  	s3 =	sld [smem:$0x3FFC];
	_ =	sdelay $0x3  }
0x94: {  	_ =	strace s3  }
0x95: {  	s3 =	sld [smem:$0x3FFD];
	_ =	sdelay $0x3  }
0x96: {  	_ =	strace s3  }
0x97: {  	_ =	strace $0x8FFFFFFF  }
0x98: {  	s19 =	sld [smem:$0x3FDB];
	_ =	sdelay $0x1  }
0x99: {  	s4 =	simm.s32 $_scs_section_size  }
0x9a: {  	s5 =	simm.s32 $_size__tile_overlayer_lowered;
	s6 =	simm.s32 $_tile_overlayer_lowered  }
0x9b: {  	s22 =	simm.s32 $0x1BFF;
	s21 =	sshll.u32 s6, $0x1;
	s3 =	sadd.s32 s4, s19  }
0x9c: {  	s7 =	simm.s32 $0x0;
	s20 =	sshll.u32 s5, $0x1;
	s5 =	sadd.s32 s21, s3  }
0x9d: {  	[timem:s7], [sflag:s22] =	dma.local [hbm:s5], s20  }
0x9e: {  	_ =	swait.ge [sflag:s22], s20  }
0x9f: {  	s4 =	ssub.s32 $0x0, s20;
	[sflag:s22] =	ssyncset.done $0x0  }
0xa0: {  	[sflag:s22] =	ssyncadd.s32 s4;
	_ =	sdelay $0x1  }
0xa1: {  	s23 =	simm.s32 $0x1B8B  }
0xa2: {  	_ =	swait.ge [sflag:s23], $0x1  }
0xa3: {  	[sflag:s23] =	ssyncset.done $0x0  }
0xa4: {  	s25 =	simm.s32 $0x1B8E;
	s24 =	sld [smem:$0x3FFE];
	[sflag:s23] =	ssyncadd.s32 $0xFFFFFFFF  }
0xa5: {  	s26 =	simm.s32 $execute0_lowered;
	[smem:$0x3FD2] =	sst s25  }
0xa6: {  	s5 =	sshll.u32 s26, $0x1;
	_ =	strace $0x80000049;
	[dreg:$0x1] =	wrdreg $0xFFFFFFFF  }
0xa7: {  	s28 =	simm.s32 $_size_execute0_lowered;
	s3 =	sadd.s32 s3, s5;
	[dreg:$0x0] =	wrdreg $0x0  }
0xa8: {  	s5 =	sshll.u32 s28, $0x1;
	[dreg:$0x2] =	wrdreg s3  }
0xa9: {  	[dreg:$0x3] =	wrdreg s5  }
0xaa: {  	[dreg:$0x4] =	wrdreg $0xC0  }
0xab: {  	_ =	task [dreg:s7], $0x5FFFF  }
0xac: {  	[dreg:$0x1] =	wrdreg $0xFFFFFFFF  }
0xad: {  	[dreg:$0x0] =	wrdreg $0x60  }
0xae: {  	[dreg:$0x2] =	wrdreg s24  }
0xaf: {  	[dreg:$0x3] =	wrdreg s2  }
0xb0: {  	[dreg:$0x4] =	wrdreg $0xBC000  }
0xb1: {  	[dreg:$0x5] =	wrdreg $0x9  }
0xb2: {  	_ =	task.clear_ibuf [dreg:s7], $0x6FFFF;
	_ =	strace $0x90000049  }
0xb3: {  	s29 =	simm.s32 $0x9;
	_ =	strace $0x8000004B  }
0xb4: {  	_ =	swait.ge [sflag:s29], $0x1  }
0xb5: {  	[sflag:s29] =	ssyncadd.s32 $0xFFFFFFFF  }
0xb6: {  	_ =	strace $0x9000004B  }
0xb7: {  	_ =	sfence  }
0xb8: {  	s30 =	sld [smem:$0x0];
	_ =	sdelay $0x2  }
0xb9: {  	s31 =	sshll.u32 s1, $0xD;
	s1 =	sshrl.u32 s1, $0x2  }
0xba: {  	s3 =	sand.u32 $0x4000, s31;
	s1 =	sadd.s32 s1, s30  }
0xbb: {  	s0 =	sor.u32 s3, s0;
	s1 =	sshll.u32 s1, $0x11  }
0xbc: {  	s0 =	sor.u32 s1, s0  }
0xbd: {  	s0 =	sadd.s32 $0x8F2B, s0  }
0xbe: {  	[sflag:s0] =	ssyncadd.remote.s32 $0x1  }
0xbf: {  	_ =	sfence.sel $0xFFFF  }
0xc0: {  	[dreg:$0x0] =	wrdreg $0xFFFFFFFF;
	(pc) =	sbr.abs _section_cstart, $3  }
0xc1: {  	[dreg:$0x1] =	wrdreg $0xFFFFFFFF  }
0xc2: {  	_ =	task.clear_ibuf [dreg:s7], $0x2FFFF;
	_ =	strace $0x9FFFFFFF  }
0xc3: {  	(tm) =	ssettm $0x7FFFFFFF  }
tec
execute0_lowered:
.L_overlay_start_1:
0x0: {  	(tag) =	ssettag $0x1  }
0x1: {  	s0 =	rddreg [dreg:$0x0]  }
0x2: {  	s2 =	rddreg [dreg:$0x1]  }
0x3: {  	s1 =	rddreg [dreg:$0x2];
	s4 =	simm.s32 $0x0  }
0x4: {  	s3 =	srdreg.scid;
	s11 =	stileid.u32;
	s15 =	simm.s32 $0x9  }
0x5: {  	s17 =	simm.s32 $0x1;
	s18 =	simm.s32 $0x40;
	s6 =	smul.u32 $0x14000, s11  }
0x6: {  	s28 =	simm.s32 $0x6;
	s29 =	simm.s32 $0x7;
	s7 =	smul.u32 $0x50000, s11  }
0x7: {  	s30 =	simm.s32 $0x8;
	s31 =	simm.s32 $0x0;
	s9 =	smul.u32 $0x2800, s11  }
0x8: {  	[smem:$0x7FF] =	sst s4;
	s3 =	sand.u32 $0x1, s3;
	s21 =	smul.u32 $0x5000, s11  }
0x9: {  	s4 =	sadd.s32 $0x10E00, s0;
	s10 =	sadd.s32 $0x6E00, s0;
	s23 =	smul.u32 $0xA00, s11  }
0xa: {  	s5 =	smul.u32 $0x140000, s3;
	_ =	strace $0x8000004A;
	s19 =	ssub.s32 $0x2, s3  }
0xb: {  	s3 =	smul.u32 $0x28000, s3;
	s8 =	sshrl.u32 s19, $0x1;
	s20 =	sshrl.u32 s7, $0x2  }
0xc: {  	s25 =	sshrl.u32 s21, $0x3;
	s7 =	simm.s32 $0x1400;
	s21 =	simm.s32 $0x7C00  }
0xd: {  	s5 =	sadd.s32 s6, s5;
	s13 =	ssub.s32 s19, s8;
	s14 =	sadd.s32 s20, s1  }
0xe: {  	s3 =	sadd.s32 s9, s3;
	s6 =	sshll.u32 s11, $0x6;
	s9 =	sadd.s32 s10, s23  }
0xf: {  	s26 =	sadd.s32 s10, s25;
	s19 =	simm.s32 $0x3C00;
	s20 =	simm.s32 $0x5C00  }
0x10: {  	s23 =	simm.s32 $0x2;
	s25 =	simm.s32 $0x4;
	s5 =	sshrl.u32 s5, $0x3  }
0x11: {  	s22 =	sadd.s32 s4, s3;
	s24 =	sor.u32 $0x1C01, s6;
	s3 =	sshrl.u32 s3, $0x3  }
0x12: {  	s11 =	sadd.s32 $0x500, s26;
	s13 =	smax.u32 s13, $0x1;
	s14 =	sshrl.u32 s14, $0x3  }
0x13: {  	s26 =	simm.s32 $0x5;
	s0 =	sadd.s32 s5, s0;
	[dreg:$0x4] =	wrdreg s22  }
0x14: {  	[dreg:$0x5] =	wrdreg s24;
	s8 =	sadd.s32 s2, s3;
	s22 =	simm.s32 $0x9C00  }
0x15: {  	s24 =	simm.s32 $0x3;
	s10 =	sadd.s32 $0x280, s8;
	s12 =	sadd.s32 $0x60E00, s0  }
.LBB2_1:
0x16: {  	s0 =	rddreg [dreg:$0x4]  }
0x17: {  	s2 =	rddreg [dreg:$0x5];
	s16 =	simm.s32 $0x0  }
0x18: {  	[spmem:s14], [sflag:s2] =	dma.local [hbm:s0], $0x2800  }
0x19: {  	[tilespmem:s16], [sflag:$0x9] =	stream.linear.gather [hbm4b:s8+s16], $0x1400, $0x38;
	[tilespmem:$0x1FC00] =	vst v63  }
0x1a: {  	_ =	swait.ge [sflag:s15], $0x1400  }
0x1b: {  	[sflag:s15] =	ssyncset.done $0x0  }
0x1c: {  	[sflag:s15] =	ssyncadd.s32 $0xFFFFEC00  }
0x1d: {  	[tilespmem:s7], [sflag:$0x9] =	stream.linear.gather [hbm4b:s9+s16], $0x2800, $0x38;
	[tilespmem:$0x1FC00] =	vst v63  }
0x1e: {  	_ =	swait.ge [sflag:s15], $0x2800  }
0x1f: {  	[sflag:s15] =	ssyncset.done $0x0  }
0x20: {  	[sflag:s15] =	ssyncadd.s32 $0xFFFFD800  }
0x21: {  	_ =	swait.ge [sflag:s17], $0x2800  }
0x22: {  	[sflag:s17] =	ssyncset.done $0x0  }
0x23: {  	[sflag:s17] =	ssyncadd.s32 $0xFFFFD800  }
0x24: {  	s2 =	simm.s32 $0x0;
	[bflag:$0x0] =	sbarrier.arrive $0xFFFF  }
0x25: {  	[tilespmem:s19], [sflag:$0x1] =	stream.indirect.gather [hbm4b:s4+s18], $0x80, s2, s18, $0xb8;
	[tilespmem:$0x1FC00] =	vst v63  }
0x26: {  	s3 =	simm.s32 $0x40  }
0x27: {  	[tilespmem:s20], [sflag:$0x2] =	stream.indirect.gather [hbm4b:s4+s18], $0x80, s3, s18, $0xb8;
	[tilespmem:$0x1FC00] =	vst v63  }
0x28: {  	s5 =	simm.s32 $0x80  }
0x29: {  	[tilespmem:s21], [sflag:$0x3] =	stream.indirect.gather [hbm4b:s4+s18], $0x80, s5, s18, $0xb8;
	[tilespmem:$0x1FC00] =	vst v63  }
0x2a: {  	s16 =	simm.s32 $0xC0  }
0x2b: {  	[tilespmem:s22], [sflag:$0x4] =	stream.indirect.gather [hbm4b:s4+s18], $0x80, s16, s18, $0xb8;
	[tilespmem:$0x1FC00] =	vst v63  }
0x2c: {  	_ =	swait.ge [sflag:s17], $0x2000  }
0x2d: {  	[sflag:s17] =	ssyncset.done $0x0  }
0x2e: {  	s2 =	simm.s32 $0x1400;
	[sflag:s17] =	ssyncadd.s32 $0xFFFFE000  }
0x2f: {  	[spmem:s1] =	stream.indirect.scatter.add.f32 [tilespmem:s19], [sflag:$0x5], $0x80, s2, s18, $0xb8;
	[tilespmem:$0x1FC00] =	vst v63  }
0x30: {  	_ =	swait.ge [sflag:s23], $0x2000  }
0x31: {  	[sflag:s23] =	ssyncset.done $0x0  }
0x32: {  	s3 =	simm.s32 $0x1480;
	[sflag:s23] =	ssyncadd.s32 $0xFFFFE000  }
0x33: {  	[spmem:s1] =	stream.indirect.scatter.add.f32 [tilespmem:s20], [sflag:$0x6], $0x80, s3, s18, $0xb8;
	[tilespmem:$0x1FC00] =	vst v63  }
0x34: {  	_ =	swait.ge [sflag:s24], $0x2000  }
0x35: {  	[sflag:s24] =	ssyncset.done $0x0  }
0x36: {  	s5 =	simm.s32 $0x1500;
	[sflag:s24] =	ssyncadd.s32 $0xFFFFE000  }
0x37: {  	[spmem:s1] =	stream.indirect.scatter.add.f32 [tilespmem:s21], [sflag:$0x7], $0x80, s5, s18, $0xb8;
	[tilespmem:$0x1FC00] =	vst v63  }
0x38: {  	_ =	swait.ge [sflag:s25], $0x2000  }
0x39: {  	[sflag:s25] =	ssyncset.done $0x0  }
0x3a: {  	s16 =	simm.s32 $0x1580;
	[sflag:s25] =	ssyncadd.s32 $0xFFFFE000  }
0x3b: {  	[spmem:s1] =	stream.indirect.scatter.add.f32 [tilespmem:s22], [sflag:$0x8], $0x80, s16, s18, $0xb8;
	[tilespmem:$0x1FC00] =	vst v63  }
0x3c: {  	_ =	swait.ge [sflag:s26], $0x2000  }
0x3d: {  	[sflag:s26] =	ssyncset.done $0x0  }
0x3e: {  	s2 =	simm.s32 $0x100;
	[sflag:s26] =	ssyncadd.s32 $0xFFFFE000  }
0x3f: {  	[tilespmem:s19], [sflag:$0x1] =	stream.indirect.gather [hbm4b:s4+s18], $0x80, s2, s18, $0xb8;
	[tilespmem:$0x1FC00] =	vst v63  }
0x40: {  	_ =	swait.ge [sflag:s28], $0x2000  }
0x41: {  	[sflag:s28] =	ssyncset.done $0x0  }
0x42: {  	s3 =	simm.s32 $0x140;
	[sflag:s28] =	ssyncadd.s32 $0xFFFFE000  }
0x43: {  	[tilespmem:s20], [sflag:$0x2] =	stream.indirect.gather [hbm4b:s4+s18], $0x80, s3, s18, $0xb8;
	[tilespmem:$0x1FC00] =	vst v63  }
0x44: {  	_ =	swait.ge [sflag:s29], $0x2000  }
0x45: {  	[sflag:s29] =	ssyncset.done $0x0  }
0x46: {  	s5 =	simm.s32 $0x180;
	[sflag:s29] =	ssyncadd.s32 $0xFFFFE000  }
0x47: {  	[tilespmem:s21], [sflag:$0x3] =	stream.indirect.gather [hbm4b:s4+s18], $0x80, s5, s18, $0xb8;
	[tilespmem:$0x1FC00] =	vst v63  }
0x48: {  	_ =	swait.ge [sflag:s30], $0x2000  }
0x49: {  	[sflag:s30] =	ssyncset.done $0x0  }
0x4a: {  	s16 =	simm.s32 $0x1C0;
	[sflag:s30] =	ssyncadd.s32 $0xFFFFE000  }
0x4b: {  	[tilespmem:s22], [sflag:$0x4] =	stream.indirect.gather [hbm4b:s4+s18], $0x80, s16, s18, $0xb8;
	[tilespmem:$0x1FC00] =	vst v63  }
0x4c: {  	_ =	swait.ge [sflag:s17], $0x2000  }
0x4d: {  	[sflag:s17] =	ssyncset.done $0x0  }
0x4e: {  	s2 =	simm.s32 $0x1600;
	[sflag:s17] =	ssyncadd.s32 $0xFFFFE000  }
0x4f: {  	[spmem:s1] =	stream.indirect.scatter.add.f32 [tilespmem:s19], [sflag:$0x5], $0x80, s2, s18, $0xb8;
	[tilespmem:$0x1FC00] =	vst v63  }
0x50: {  	_ =	swait.ge [sflag:s23], $0x2000  }
0x51: {  	[sflag:s23] =	ssyncset.done $0x0  }
0x52: {  	s3 =	simm.s32 $0x1680;
	[sflag:s23] =	ssyncadd.s32 $0xFFFFE000  }
0x53: {  	[spmem:s1] =	stream.indirect.scatter.add.f32 [tilespmem:s20], [sflag:$0x6], $0x80, s3, s18, $0xb8;
	[tilespmem:$0x1FC00] =	vst v63  }
0x54: {  	_ =	swait.ge [sflag:s24], $0x2000  }
0x55: {  	[sflag:s24] =	ssyncset.done $0x0  }
0x56: {  	s5 =	simm.s32 $0x1700;
	[sflag:s24] =	ssyncadd.s32 $0xFFFFE000  }
0x57: {  	[spmem:s1] =	stream.indirect.scatter.add.f32 [tilespmem:s21], [sflag:$0x7], $0x80, s5, s18, $0xb8;
	[tilespmem:$0x1FC00] =	vst v63  }
0x58: {  	_ =	swait.ge [sflag:s25], $0x2000  }
0x59: {  	[sflag:s25] =	ssyncset.done $0x0  }
0x5a: {  	s16 =	simm.s32 $0x1780;
	[sflag:s25] =	ssyncadd.s32 $0xFFFFE000  }
0x5b: {  	[spmem:s1] =	stream.indirect.scatter.add.f32 [tilespmem:s22], [sflag:$0x8], $0x80, s16, s18, $0xb8;
	[tilespmem:$0x1FC00] =	vst v63  }
0x5c: {  	_ =	swait.ge [sflag:s26], $0x2000  }
0x5d: {  	[sflag:s26] =	ssyncset.done $0x0  }
0x5e: {  	s2 =	simm.s32 $0x200;
	[sflag:s26] =	ssyncadd.s32 $0xFFFFE000  }
0x5f: {  	[tilespmem:s19], [sflag:$0x1] =	stream.indirect.gather [hbm4b:s4+s18], $0x80, s2, s18, $0xb8;
	[tilespmem:$0x1FC00] =	vst v63  }
0x60: {  	_ =	swait.ge [sflag:s28], $0x2000  }
0x61: {  	[sflag:s28] =	ssyncset.done $0x0  }
0x62: {  	s3 =	simm.s32 $0x240;
	[sflag:s28] =	ssyncadd.s32 $0xFFFFE000  }
0x63: {  	[tilespmem:s20], [sflag:$0x2] =	stream.indirect.gather [hbm4b:s4+s18], $0x80, s3, s18, $0xb8;
	[tilespmem:$0x1FC00] =	vst v63  }
0x64: {  	_ =	swait.ge [sflag:s29], $0x2000  }
0x65: {  	[sflag:s29] =	ssyncset.done $0x0  }
0x66: {  	s5 =	simm.s32 $0x280;
	[sflag:s29] =	ssyncadd.s32 $0xFFFFE000  }
0x67: {  	[tilespmem:s21], [sflag:$0x3] =	stream.indirect.gather [hbm4b:s4+s18], $0x80, s5, s18, $0xb8;
	[tilespmem:$0x1FC00] =	vst v63  }
0x68: {  	_ =	swait.ge [sflag:s30], $0x2000  }
0x69: {  	[sflag:s30] =	ssyncset.done $0x0  }
0x6a: {  	s16 =	simm.s32 $0x2C0;
	[sflag:s30] =	ssyncadd.s32 $0xFFFFE000  }
0x6b: {  	[tilespmem:s22], [sflag:$0x4] =	stream.indirect.gather [hbm4b:s4+s18], $0x80, s16, s18, $0xb8;
	[tilespmem:$0x1FC00] =	vst v63  }
0x6c: {  	_ =	swait.ge [sflag:s17], $0x2000  }
0x6d: {  	[sflag:s17] =	ssyncset.done $0x0  }
0x6e: {  	s2 =	simm.s32 $0x1800;
	[sflag:s17] =	ssyncadd.s32 $0xFFFFE000  }
0x6f: {  	[spmem:s1] =	stream.indirect.scatter.add.f32 [tilespmem:s19], [sflag:$0x5], $0x80, s2, s18, $0xb8;
	[tilespmem:$0x1FC00] =	vst v63  }
0x70: {  	_ =	swait.ge [sflag:s23], $0x2000  }
0x71: {  	[sflag:s23] =	ssyncset.done $0x0  }
0x72: {  	s3 =	simm.s32 $0x1880;
	[sflag:s23] =	ssyncadd.s32 $0xFFFFE000  }
0x73: {  	[spmem:s1] =	stream.indirect.scatter.add.f32 [tilespmem:s20], [sflag:$0x6], $0x80, s3, s18, $0xb8;
	[tilespmem:$0x1FC00] =	vst v63  }
0x74: {  	_ =	swait.ge [sflag:s24], $0x2000  }
0x75: {  	[sflag:s24] =	ssyncset.done $0x0  }
0x76: {  	s5 =	simm.s32 $0x1900;
	[sflag:s24] =	ssyncadd.s32 $0xFFFFE000  }
0x77: {  	[spmem:s1] =	stream.indirect.scatter.add.f32 [tilespmem:s21], [sflag:$0x7], $0x80, s5, s18, $0xb8;
	[tilespmem:$0x1FC00] =	vst v63  }
0x78: {  	_ =	swait.ge [sflag:s25], $0x2000  }
0x79: {  	[sflag:s25] =	ssyncset.done $0x0  }
0x7a: {  	s16 =	simm.s32 $0x1980;
	[sflag:s25] =	ssyncadd.s32 $0xFFFFE000  }
0x7b: {  	[spmem:s1] =	stream.indirect.scatter.add.f32 [tilespmem:s22], [sflag:$0x8], $0x80, s16, s18, $0xb8;
	[tilespmem:$0x1FC00] =	vst v63  }
0x7c: {  	_ =	swait.ge [sflag:s26], $0x2000  }
0x7d: {  	[sflag:s26] =	ssyncset.done $0x0  }
0x7e: {  	s2 =	simm.s32 $0x300;
	[sflag:s26] =	ssyncadd.s32 $0xFFFFE000  }
0x7f: {  	[tilespmem:s19], [sflag:$0x1] =	stream.indirect.gather [hbm4b:s4+s18], $0x80, s2, s18, $0xb8;
	[tilespmem:$0x1FC00] =	vst v63  }
0x80: {  	_ =	swait.ge [sflag:s28], $0x2000  }
0x81: {  	[sflag:s28] =	ssyncset.done $0x0  }
0x82: {  	s3 =	simm.s32 $0x340;
	[sflag:s28] =	ssyncadd.s32 $0xFFFFE000  }
0x83: {  	[tilespmem:s20], [sflag:$0x2] =	stream.indirect.gather [hbm4b:s4+s18], $0x80, s3, s18, $0xb8;
	[tilespmem:$0x1FC00] =	vst v63  }
0x84: {  	_ =	swait.ge [sflag:s29], $0x2000  }
0x85: {  	[sflag:s29] =	ssyncset.done $0x0  }
0x86: {  	s5 =	simm.s32 $0x380;
	[sflag:s29] =	ssyncadd.s32 $0xFFFFE000  }
0x87: {  	[tilespmem:s21], [sflag:$0x3] =	stream.indirect.gather [hbm4b:s4+s18], $0x80, s5, s18, $0xb8;
	[tilespmem:$0x1FC00] =	vst v63  }
0x88: {  	_ =	swait.ge [sflag:s30], $0x2000  }
0x89: {  	[sflag:s30] =	ssyncset.done $0x0  }
0x8a: {  	s16 =	simm.s32 $0x3C0;
	[sflag:s30] =	ssyncadd.s32 $0xFFFFE000  }
0x8b: {  	[tilespmem:s22], [sflag:$0x4] =	stream.indirect.gather [hbm4b:s4+s18], $0x80, s16, s18, $0xb8;
	[tilespmem:$0x1FC00] =	vst v63  }
0x8c: {  	_ =	swait.ge [sflag:s17], $0x2000  }
0x8d: {  	[sflag:s17] =	ssyncset.done $0x0  }
0x8e: {  	s2 =	simm.s32 $0x1A00;
	[sflag:s17] =	ssyncadd.s32 $0xFFFFE000  }
0x8f: {  	[spmem:s1] =	stream.indirect.scatter.add.f32 [tilespmem:s19], [sflag:$0x5], $0x80, s2, s18, $0xb8;
	[tilespmem:$0x1FC00] =	vst v63  }
0x90: {  	_ =	swait.ge [sflag:s23], $0x2000  }
0x91: {  	[sflag:s23] =	ssyncset.done $0x0  }
0x92: {  	s3 =	simm.s32 $0x1A80;
	[sflag:s23] =	ssyncadd.s32 $0xFFFFE000  }
0x93: {  	[spmem:s1] =	stream.indirect.scatter.add.f32 [tilespmem:s20], [sflag:$0x6], $0x80, s3, s18, $0xb8;
	[tilespmem:$0x1FC00] =	vst v63  }
0x94: {  	_ =	swait.ge [sflag:s24], $0x2000  }
0x95: {  	[sflag:s24] =	ssyncset.done $0x0  }
0x96: {  	s5 =	simm.s32 $0x1B00;
	[sflag:s24] =	ssyncadd.s32 $0xFFFFE000  }
0x97: {  	[spmem:s1] =	stream.indirect.scatter.add.f32 [tilespmem:s21], [sflag:$0x7], $0x80, s5, s18, $0xb8;
	[tilespmem:$0x1FC00] =	vst v63  }
0x98: {  	_ =	swait.ge [sflag:s25], $0x2000  }
0x99: {  	[sflag:s25] =	ssyncset.done $0x0  }
0x9a: {  	s16 =	simm.s32 $0x1B80;
	[sflag:s25] =	ssyncadd.s32 $0xFFFFE000  }
0x9b: {  	[spmem:s1] =	stream.indirect.scatter.add.f32 [tilespmem:s22], [sflag:$0x8], $0x80, s16, s18, $0xb8;
	[tilespmem:$0x1FC00] =	vst v63  }
0x9c: {  	_ =	swait.ge [sflag:s26], $0x2000  }
0x9d: {  	[sflag:s26] =	ssyncset.done $0x0  }
0x9e: {  	[sflag:s26] =	ssyncadd.s32 $0xFFFFE000  }
0x9f: {  	_ =	swait.ge [sflag:s28], $0x2000  }
0xa0: {  	[sflag:s28] =	ssyncset.done $0x0  }
0xa1: {  	[sflag:s28] =	ssyncadd.s32 $0xFFFFE000  }
0xa2: {  	_ =	swait.ge [sflag:s29], $0x2000  }
0xa3: {  	[sflag:s29] =	ssyncset.done $0x0  }
0xa4: {  	[sflag:s29] =	ssyncadd.s32 $0xFFFFE000  }
0xa5: {  	s0 =	simm.s32 $0x7C0;
	_ =	swait.ge [sflag:s30], $0x2000  }
0xa6: {  	s2 =	simm.s32 $0x2000;
	s3 =	simm.s32 $0x4000;
	[sflag:s30] =	ssyncset.done $0x0  }
.LBB2_2:
0xa7: {  	p0 =	sne.s32 s3, $0x8000;
	s16 =	sadd.s32 $0xFFFFFC40, s0;
	[sflag:s30] =	ssyncadd.s32 $0xFFFFE000  }
0xa8: {  	[tilespmem:s19], [sflag:$0x1] =	stream.indirect.gather [hbm4b:s4+s18], $0x80, s16, s18, $0xb8;
	[tilespmem:$0x1FC00] =	vst v63  }
0xa9: {  	s5 =	smov.u32 s3;
	s3 =	sadd.s32 $0x2000, s3;
	s16 =	sadd.s32 $0xFFFFFC80, s0  }
0xaa: {  	[tilespmem:s20], [sflag:$0x2] =	stream.indirect.gather [hbm4b:s4+s18], $0x80, s16, s18, $0xb8;
	[tilespmem:$0x1FC00] =	vst v63  }
0xab: {  	s16 =	sadd.s32 $0xFFFFFCC0, s0  }
0xac: {  	[tilespmem:s21], [sflag:$0x3] =	stream.indirect.gather [hbm4b:s4+s18], $0x80, s16, s18, $0xb8;
	[tilespmem:$0x1FC00] =	vst v63  }
0xad: {  	s16 =	sadd.s32 $0xFFFFFD00, s0  }
0xae: {  	[tilespmem:s22], [sflag:$0x4] =	stream.indirect.gather [hbm4b:s4+s18], $0x80, s16, s18, $0xb8;
	[tilespmem:$0x1FC00] =	vst v63  }
0xaf: {  	_ =	swait.ge [sflag:s17], $0x2000  }
0xb0: {  	s16 =	sshra.s32 s2, $0x2;
	s2 =	smov.u32 s5;
	[sflag:s17] =	ssyncset.done $0x0  }
0xb1: {  	s5 =	sadd.s32 $0x1400, s16;
	[sflag:s17] =	ssyncadd.s32 $0xFFFFE000  }
0xb2: {  	[spmem:s1] =	stream.indirect.scatter.add.f32 [tilespmem:s19], [sflag:$0x5], $0x80, s5, s18, $0xb8;
	[tilespmem:$0x1FC00] =	vst v63  }
0xb3: {  	_ =	swait.ge [sflag:s23], $0x2000  }
0xb4: {  	[sflag:s23] =	ssyncset.done $0x0  }
0xb5: {  	s5 =	sadd.s32 $0x1480, s16;
	[sflag:s23] =	ssyncadd.s32 $0xFFFFE000  }
0xb6: {  	[spmem:s1] =	stream.indirect.scatter.add.f32 [tilespmem:s20], [sflag:$0x6], $0x80, s5, s18, $0xb8;
	[tilespmem:$0x1FC00] =	vst v63  }
0xb7: {  	_ =	swait.ge [sflag:s24], $0x2000  }
0xb8: {  	[sflag:s24] =	ssyncset.done $0x0  }
0xb9: {  	s5 =	sadd.s32 $0x1500, s16;
	[sflag:s24] =	ssyncadd.s32 $0xFFFFE000  }
0xba: {  	[spmem:s1] =	stream.indirect.scatter.add.f32 [tilespmem:s21], [sflag:$0x7], $0x80, s5, s18, $0xb8;
	[tilespmem:$0x1FC00] =	vst v63  }
0xbb: {  	_ =	swait.ge [sflag:s25], $0x2000  }
0xbc: {  	[sflag:s25] =	ssyncset.done $0x0  }
0xbd: {  	s5 =	sadd.s32 $0x1580, s16;
	[sflag:s25] =	ssyncadd.s32 $0xFFFFE000  }
0xbe: {  	[spmem:s1] =	stream.indirect.scatter.add.f32 [tilespmem:s22], [sflag:$0x8], $0x80, s5, s18, $0xb8;
	[tilespmem:$0x1FC00] =	vst v63  }
0xbf: {  	_ =	swait.ge [sflag:s26], $0x2000  }
0xc0: {  	[sflag:s26] =	ssyncset.done $0x0  }
0xc1: {  	s5 =	sadd.s32 $0xFFFFFD40, s0;
	[sflag:s26] =	ssyncadd.s32 $0xFFFFE000  }
0xc2: {  	[tilespmem:s19], [sflag:$0x1] =	stream.indirect.gather [hbm4b:s4+s18], $0x80, s5, s18, $0xb8;
	[tilespmem:$0x1FC00] =	vst v63  }
0xc3: {  	_ =	swait.ge [sflag:s28], $0x2000  }
0xc4: {  	[sflag:s28] =	ssyncset.done $0x0  }
0xc5: {  	s5 =	sadd.s32 $0xFFFFFD80, s0;
	[sflag:s28] =	ssyncadd.s32 $0xFFFFE000  }
0xc6: {  	[tilespmem:s20], [sflag:$0x2] =	stream.indirect.gather [hbm4b:s4+s18], $0x80, s5, s18, $0xb8;
	[tilespmem:$0x1FC00] =	vst v63  }
0xc7: {  	_ =	swait.ge [sflag:s29], $0x2000  }
0xc8: {  	[sflag:s29] =	ssyncset.done $0x0  }
0xc9: {  	s5 =	sadd.s32 $0xFFFFFDC0, s0;
	[sflag:s29] =	ssyncadd.s32 $0xFFFFE000  }
0xca: {  	[tilespmem:s21], [sflag:$0x3] =	stream.indirect.gather [hbm4b:s4+s18], $0x80, s5, s18, $0xb8;
	[tilespmem:$0x1FC00] =	vst v63  }
0xcb: {  	_ =	swait.ge [sflag:s30], $0x2000  }
0xcc: {  	[sflag:s30] =	ssyncset.done $0x0  }
0xcd: {  	s5 =	sadd.s32 $0xFFFFFE00, s0;
	[sflag:s30] =	ssyncadd.s32 $0xFFFFE000  }
0xce: {  	[tilespmem:s22], [sflag:$0x4] =	stream.indirect.gather [hbm4b:s4+s18], $0x80, s5, s18, $0xb8;
	[tilespmem:$0x1FC00] =	vst v63  }
0xcf: {  	_ =	swait.ge [sflag:s17], $0x2000  }
0xd0: {  	[sflag:s17] =	ssyncset.done $0x0  }
0xd1: {  	s5 =	sadd.s32 $0x1600, s16;
	[sflag:s17] =	ssyncadd.s32 $0xFFFFE000  }
0xd2: {  	[spmem:s1] =	stream.indirect.scatter.add.f32 [tilespmem:s19], [sflag:$0x5], $0x80, s5, s18, $0xb8;
	[tilespmem:$0x1FC00] =	vst v63  }
0xd3: {  	_ =	swait.ge [sflag:s23], $0x2000  }
0xd4: {  	[sflag:s23] =	ssyncset.done $0x0  }
0xd5: {  	s5 =	sadd.s32 $0x1680, s16;
	[sflag:s23] =	ssyncadd.s32 $0xFFFFE000  }
0xd6: {  	[spmem:s1] =	stream.indirect.scatter.add.f32 [tilespmem:s20], [sflag:$0x6], $0x80, s5, s18, $0xb8;
	[tilespmem:$0x1FC00] =	vst v63  }
0xd7: {  	_ =	swait.ge [sflag:s24], $0x2000  }
0xd8: {  	[sflag:s24] =	ssyncset.done $0x0  }
0xd9: {  	s5 =	sadd.s32 $0x1700, s16;
	[sflag:s24] =	ssyncadd.s32 $0xFFFFE000  }
0xda: {  	[spmem:s1] =	stream.indirect.scatter.add.f32 [tilespmem:s21], [sflag:$0x7], $0x80, s5, s18, $0xb8;
	[tilespmem:$0x1FC00] =	vst v63  }
0xdb: {  	_ =	swait.ge [sflag:s25], $0x2000  }
0xdc: {  	[sflag:s25] =	ssyncset.done $0x0  }
0xdd: {  	s5 =	sadd.s32 $0x1780, s16;
	[sflag:s25] =	ssyncadd.s32 $0xFFFFE000  }
0xde: {  	[spmem:s1] =	stream.indirect.scatter.add.f32 [tilespmem:s22], [sflag:$0x8], $0x80, s5, s18, $0xb8;
	[tilespmem:$0x1FC00] =	vst v63  }
0xdf: {  	_ =	swait.ge [sflag:s26], $0x2000  }
0xe0: {  	[sflag:s26] =	ssyncset.done $0x0  }
0xe1: {  	s5 =	sadd.s32 $0xFFFFFE40, s0;
	[sflag:s26] =	ssyncadd.s32 $0xFFFFE000  }
0xe2: {  	[tilespmem:s19], [sflag:$0x1] =	stream.indirect.gather [hbm4b:s4+s18], $0x80, s5, s18, $0xb8;
	[tilespmem:$0x1FC00] =	vst v63  }
0xe3: {  	_ =	swait.ge [sflag:s28], $0x2000  }
0xe4: {  	[sflag:s28] =	ssyncset.done $0x0  }
0xe5: {  	s5 =	sadd.s32 $0xFFFFFE80, s0;
	[sflag:s28] =	ssyncadd.s32 $0xFFFFE000  }
0xe6: {  	[tilespmem:s20], [sflag:$0x2] =	stream.indirect.gather [hbm4b:s4+s18], $0x80, s5, s18, $0xb8;
	[tilespmem:$0x1FC00] =	vst v63  }
0xe7: {  	_ =	swait.ge [sflag:s29], $0x2000  }
0xe8: {  	[sflag:s29] =	ssyncset.done $0x0  }
0xe9: {  	s5 =	sadd.s32 $0xFFFFFEC0, s0;
	[sflag:s29] =	ssyncadd.s32 $0xFFFFE000  }
0xea: {  	[tilespmem:s21], [sflag:$0x3] =	stream.indirect.gather [hbm4b:s4+s18], $0x80, s5, s18, $0xb8;
	[tilespmem:$0x1FC00] =	vst v63  }
0xeb: {  	_ =	swait.ge [sflag:s30], $0x2000  }
0xec: {  	[sflag:s30] =	ssyncset.done $0x0  }
0xed: {  	s5 =	sadd.s32 $0xFFFFFF00, s0;
	[sflag:s30] =	ssyncadd.s32 $0xFFFFE000  }
0xee: {  	[tilespmem:s22], [sflag:$0x4] =	stream.indirect.gather [hbm4b:s4+s18], $0x80, s5, s18, $0xb8;
	[tilespmem:$0x1FC00] =	vst v63  }
0xef: {  	_ =	swait.ge [sflag:s17], $0x2000  }
0xf0: {  	[sflag:s17] =	ssyncset.done $0x0  }
0xf1: {  	s5 =	sadd.s32 $0x1800, s16;
	[sflag:s17] =	ssyncadd.s32 $0xFFFFE000  }
0xf2: {  	[spmem:s1] =	stream.indirect.scatter.add.f32 [tilespmem:s19], [sflag:$0x5], $0x80, s5, s18, $0xb8;
	[tilespmem:$0x1FC00] =	vst v63  }
0xf3: {  	_ =	swait.ge [sflag:s23], $0x2000  }
0xf4: {  	[sflag:s23] =	ssyncset.done $0x0  }
0xf5: {  	s5 =	sadd.s32 $0x1880, s16;
	[sflag:s23] =	ssyncadd.s32 $0xFFFFE000  }
0xf6: {  	[spmem:s1] =	stream.indirect.scatter.add.f32 [tilespmem:s20], [sflag:$0x6], $0x80, s5, s18, $0xb8;
	[tilespmem:$0x1FC00] =	vst v63  }
0xf7: {  	_ =	swait.ge [sflag:s24], $0x2000  }
0xf8: {  	[sflag:s24] =	ssyncset.done $0x0  }
0xf9: {  	s5 =	sadd.s32 $0x1900, s16;
	[sflag:s24] =	ssyncadd.s32 $0xFFFFE000  }
0xfa: {  	[spmem:s1] =	stream.indirect.scatter.add.f32 [tilespmem:s21], [sflag:$0x7], $0x80, s5, s18, $0xb8;
	[tilespmem:$0x1FC00] =	vst v63  }
0xfb: {  	_ =	swait.ge [sflag:s25], $0x2000  }
0xfc: {  	[sflag:s25] =	ssyncset.done $0x0  }
0xfd: {  	s5 =	sadd.s32 $0x1980, s16;
	[sflag:s25] =	ssyncadd.s32 $0xFFFFE000  }
0xfe: {  	[spmem:s1] =	stream.indirect.scatter.add.f32 [tilespmem:s22], [sflag:$0x8], $0x80, s5, s18, $0xb8;
	[tilespmem:$0x1FC00] =	vst v63  }
0xff: {  	_ =	swait.ge [sflag:s26], $0x2000  }
0x100: {  	[sflag:s26] =	ssyncset.done $0x0  }
0x101: {  	s5 =	sadd.s32 $0xFFFFFF40, s0;
	[sflag:s26] =	ssyncadd.s32 $0xFFFFE000  }
0x102: {  	[tilespmem:s19], [sflag:$0x1] =	stream.indirect.gather [hbm4b:s4+s18], $0x80, s5, s18, $0xb8;
	[tilespmem:$0x1FC00] =	vst v63  }
0x103: {  	_ =	swait.ge [sflag:s28], $0x2000  }
0x104: {  	[sflag:s28] =	ssyncset.done $0x0  }
0x105: {  	s5 =	sadd.s32 $0xFFFFFF80, s0;
	[sflag:s28] =	ssyncadd.s32 $0xFFFFE000  }
0x106: {  	[tilespmem:s20], [sflag:$0x2] =	stream.indirect.gather [hbm4b:s4+s18], $0x80, s5, s18, $0xb8;
	[tilespmem:$0x1FC00] =	vst v63  }
0x107: {  	_ =	swait.ge [sflag:s29], $0x2000  }
0x108: {  	[sflag:s29] =	ssyncset.done $0x0  }
0x109: {  	s5 =	sadd.s32 $0xFFFFFFC0, s0;
	[sflag:s29] =	ssyncadd.s32 $0xFFFFE000  }
0x10a: {  	[tilespmem:s21], [sflag:$0x3] =	stream.indirect.gather [hbm4b:s4+s18], $0x80, s5, s18, $0xb8;
	[tilespmem:$0x1FC00] =	vst v63  }
0x10b: {  	_ =	swait.ge [sflag:s30], $0x2000  }
0x10c: {  	[sflag:s30] =	ssyncset.done $0x0  }
0x10d: {  	[sflag:s30] =	ssyncadd.s32 $0xFFFFE000  }
0x10e: {  	[tilespmem:s22], [sflag:$0x4] =	stream.indirect.gather [hbm4b:s4+s18], $0x80, s0, s18, $0xb8;
	[tilespmem:$0x1FC00] =	vst v63  }
0x10f: {  	_ =	swait.ge [sflag:s17], $0x2000  }
0x110: {  	[sflag:s17] =	ssyncset.done $0x0  }
0x111: {  	s5 =	sadd.s32 $0x1A00, s16;
	[sflag:s17] =	ssyncadd.s32 $0xFFFFE000  }
0x112: {  	[spmem:s1] =	stream.indirect.scatter.add.f32 [tilespmem:s19], [sflag:$0x5], $0x80, s5, s18, $0xb8;
	[tilespmem:$0x1FC00] =	vst v63  }
0x113: {  	_ =	swait.ge [sflag:s23], $0x2000  }
0x114: {  	[sflag:s23] =	ssyncset.done $0x0  }
0x115: {  	s5 =	sadd.s32 $0x1A80, s16;
	[sflag:s23] =	ssyncadd.s32 $0xFFFFE000  }
0x116: {  	[spmem:s1] =	stream.indirect.scatter.add.f32 [tilespmem:s20], [sflag:$0x6], $0x80, s5, s18, $0xb8;
	[tilespmem:$0x1FC00] =	vst v63  }
0x117: {  	_ =	swait.ge [sflag:s24], $0x2000  }
0x118: {  	[sflag:s24] =	ssyncset.done $0x0  }
0x119: {  	s5 =	sadd.s32 $0x1B00, s16;
	[sflag:s24] =	ssyncadd.s32 $0xFFFFE000  }
0x11a: {  	[spmem:s1] =	stream.indirect.scatter.add.f32 [tilespmem:s21], [sflag:$0x7], $0x80, s5, s18, $0xb8;
	[tilespmem:$0x1FC00] =	vst v63  }
0x11b: {  	_ =	swait.ge [sflag:s25], $0x2000  }
0x11c: {  	[sflag:s25] =	ssyncset.done $0x0  }
0x11d: {  	s5 =	sadd.s32 $0x1B80, s16;
	[sflag:s25] =	ssyncadd.s32 $0xFFFFE000  }
0x11e: {  	[spmem:s1] =	stream.indirect.scatter.add.f32 [tilespmem:s22], [sflag:$0x8], $0x80, s5, s18, $0xb8;
	[tilespmem:$0x1FC00] =	vst v63  }
0x11f: {  	_ =	swait.ge [sflag:s26], $0x2000  }
0x120: {  	[sflag:s26] =	ssyncset.done $0x0  }
0x121: {  	[sflag:s26] =	ssyncadd.s32 $0xFFFFE000  }
0x122: {  	_ =	swait.ge [sflag:s28], $0x2000  }
0x123: {  	[sflag:s28] =	ssyncset.done $0x0  }
0x124: {  	[sflag:s28] =	ssyncadd.s32 $0xFFFFE000  }
.Ltmp0:
0x125: {  	_ =	swait.ge [sflag:s29], $0x2000;
	(pc) =	sbr.rel @p0 .LBB2_2-.Ltmp0, $4  }
0x126: {  	[sflag:s29] =	ssyncset.done $0x0  }
0x127: {  	[sflag:s29] =	ssyncadd.s32 $0xFFFFE000  }
0x128: {  	_ =	swait.ge [sflag:s30], $0x2000  }
0x129: {  	s0 =	sadd.s32 $0x400, s0;
	[sflag:s30] =	ssyncset.done $0x0  }
0x12a: {  	s3 =	sadd.s32 $0xFFFFFC40, s0;
	[sflag:s30] =	ssyncadd.s32 $0xFFFFE000  }
0x12b: {  	[tilespmem:s19], [sflag:$0x1] =	stream.indirect.gather [hbm4b:s4+s18], $0x80, s3, s18, $0xb8;
	[tilespmem:$0x1FC00] =	vst v63  }
0x12c: {  	s5 =	sadd.s32 $0xFFFFFC80, s0  }
0x12d: {  	[tilespmem:s20], [sflag:$0x2] =	stream.indirect.gather [hbm4b:s4+s18], $0x80, s5, s18, $0xb8;
	[tilespmem:$0x1FC00] =	vst v63  }
0x12e: {  	s16 =	sadd.s32 $0xFFFFFCC0, s0  }
0x12f: {  	[tilespmem:s21], [sflag:$0x3] =	stream.indirect.gather [hbm4b:s4+s18], $0x80, s16, s18, $0xb8;
	[tilespmem:$0x1FC00] =	vst v63  }
0x130: {  	s5 =	sadd.s32 $0xFFFFFD00, s0  }
0x131: {  	[tilespmem:s22], [sflag:$0x4] =	stream.indirect.gather [hbm4b:s4+s18], $0x80, s5, s18, $0xb8;
	[tilespmem:$0x1FC00] =	vst v63  }
0x132: {  	_ =	swait.ge [sflag:s17], $0x2000  }
0x133: {  	s2 =	sshra.s32 s2, $0x2;
	[sflag:s17] =	ssyncset.done $0x0  }
0x134: {  	s16 =	sadd.s32 $0x1400, s2;
	[sflag:s17] =	ssyncadd.s32 $0xFFFFE000  }
0x135: {  	[spmem:s1] =	stream.indirect.scatter.add.f32 [tilespmem:s19], [sflag:$0x5], $0x80, s16, s18, $0xb8;
	[tilespmem:$0x1FC00] =	vst v63  }
0x136: {  	_ =	swait.ge [sflag:s23], $0x2000  }
0x137: {  	[sflag:s23] =	ssyncset.done $0x0  }
0x138: {  	s5 =	sadd.s32 $0x1480, s2;
	[sflag:s23] =	ssyncadd.s32 $0xFFFFE000  }
0x139: {  	[spmem:s1] =	stream.indirect.scatter.add.f32 [tilespmem:s20], [sflag:$0x6], $0x80, s5, s18, $0xb8;
	[tilespmem:$0x1FC00] =	vst v63  }
0x13a: {  	_ =	swait.ge [sflag:s24], $0x2000  }
0x13b: {  	[sflag:s24] =	ssyncset.done $0x0  }
0x13c: {  	s16 =	sadd.s32 $0x1500, s2;
	[sflag:s24] =	ssyncadd.s32 $0xFFFFE000  }
0x13d: {  	[spmem:s1] =	stream.indirect.scatter.add.f32 [tilespmem:s21], [sflag:$0x7], $0x80, s16, s18, $0xb8;
	[tilespmem:$0x1FC00] =	vst v63  }
0x13e: {  	_ =	swait.ge [sflag:s25], $0x2000  }
0x13f: {  	[sflag:s25] =	ssyncset.done $0x0  }
0x140: {  	s5 =	sadd.s32 $0x1580, s2;
	[sflag:s25] =	ssyncadd.s32 $0xFFFFE000  }
0x141: {  	[spmem:s1] =	stream.indirect.scatter.add.f32 [tilespmem:s22], [sflag:$0x8], $0x80, s5, s18, $0xb8;
	[tilespmem:$0x1FC00] =	vst v63  }
0x142: {  	_ =	swait.ge [sflag:s26], $0x2000  }
0x143: {  	[sflag:s26] =	ssyncset.done $0x0  }
0x144: {  	s16 =	sadd.s32 $0xFFFFFD40, s0;
	[sflag:s26] =	ssyncadd.s32 $0xFFFFE000  }
0x145: {  	[tilespmem:s19], [sflag:$0x1] =	stream.indirect.gather [hbm4b:s4+s18], $0x80, s16, s18, $0xb8;
	[tilespmem:$0x1FC00] =	vst v63  }
0x146: {  	_ =	swait.ge [sflag:s28], $0x2000  }
0x147: {  	[sflag:s28] =	ssyncset.done $0x0  }
0x148: {  	s5 =	sadd.s32 $0xFFFFFD80, s0;
	[sflag:s28] =	ssyncadd.s32 $0xFFFFE000  }
0x149: {  	[tilespmem:s20], [sflag:$0x2] =	stream.indirect.gather [hbm4b:s4+s18], $0x80, s5, s18, $0xb8;
	[tilespmem:$0x1FC00] =	vst v63  }
0x14a: {  	_ =	swait.ge [sflag:s29], $0x2000  }
0x14b: {  	[sflag:s29] =	ssyncset.done $0x0  }
0x14c: {  	s16 =	sadd.s32 $0xFFFFFDC0, s0;
	[sflag:s29] =	ssyncadd.s32 $0xFFFFE000  }
0x14d: {  	[tilespmem:s21], [sflag:$0x3] =	stream.indirect.gather [hbm4b:s4+s18], $0x80, s16, s18, $0xb8;
	[tilespmem:$0x1FC00] =	vst v63  }
0x14e: {  	_ =	swait.ge [sflag:s30], $0x2000  }
0x14f: {  	[sflag:s30] =	ssyncset.done $0x0  }
0x150: {  	s5 =	sadd.s32 $0xFFFFFE00, s0;
	[sflag:s30] =	ssyncadd.s32 $0xFFFFE000  }
0x151: {  	[tilespmem:s22], [sflag:$0x4] =	stream.indirect.gather [hbm4b:s4+s18], $0x80, s5, s18, $0xb8;
	[tilespmem:$0x1FC00] =	vst v63  }
0x152: {  	_ =	swait.ge [sflag:s17], $0x2000  }
0x153: {  	[sflag:s17] =	ssyncset.done $0x0  }
0x154: {  	s16 =	sadd.s32 $0x1600, s2;
	[sflag:s17] =	ssyncadd.s32 $0xFFFFE000  }
0x155: {  	[spmem:s1] =	stream.indirect.scatter.add.f32 [tilespmem:s19], [sflag:$0x5], $0x80, s16, s18, $0xb8;
	[tilespmem:$0x1FC00] =	vst v63  }
0x156: {  	_ =	swait.ge [sflag:s23], $0x2000  }
0x157: {  	[sflag:s23] =	ssyncset.done $0x0  }
0x158: {  	s5 =	sadd.s32 $0x1680, s2;
	[sflag:s23] =	ssyncadd.s32 $0xFFFFE000  }
0x159: {  	[spmem:s1] =	stream.indirect.scatter.add.f32 [tilespmem:s20], [sflag:$0x6], $0x80, s5, s18, $0xb8;
	[tilespmem:$0x1FC00] =	vst v63  }
0x15a: {  	_ =	swait.ge [sflag:s24], $0x2000  }
0x15b: {  	[sflag:s24] =	ssyncset.done $0x0  }
0x15c: {  	s16 =	sadd.s32 $0x1700, s2;
	[sflag:s24] =	ssyncadd.s32 $0xFFFFE000  }
0x15d: {  	[spmem:s1] =	stream.indirect.scatter.add.f32 [tilespmem:s21], [sflag:$0x7], $0x80, s16, s18, $0xb8;
	[tilespmem:$0x1FC00] =	vst v63  }
0x15e: {  	_ =	swait.ge [sflag:s25], $0x2000  }
0x15f: {  	[sflag:s25] =	ssyncset.done $0x0  }
0x160: {  	s5 =	sadd.s32 $0x1780, s2;
	[sflag:s25] =	ssyncadd.s32 $0xFFFFE000  }
0x161: {  	[spmem:s1] =	stream.indirect.scatter.add.f32 [tilespmem:s22], [sflag:$0x8], $0x80, s5, s18, $0xb8;
	[tilespmem:$0x1FC00] =	vst v63  }
0x162: {  	_ =	swait.ge [sflag:s26], $0x2000  }
0x163: {  	[sflag:s26] =	ssyncset.done $0x0  }
0x164: {  	s16 =	sadd.s32 $0xFFFFFE40, s0;
	[sflag:s26] =	ssyncadd.s32 $0xFFFFE000  }
0x165: {  	[tilespmem:s19], [sflag:$0x1] =	stream.indirect.gather [hbm4b:s4+s18], $0x80, s16, s18, $0xb8;
	[tilespmem:$0x1FC00] =	vst v63  }
0x166: {  	_ =	swait.ge [sflag:s28], $0x2000  }
0x167: {  	[sflag:s28] =	ssyncset.done $0x0  }
0x168: {  	s5 =	sadd.s32 $0xFFFFFE80, s0;
	[sflag:s28] =	ssyncadd.s32 $0xFFFFE000  }
0x169: {  	[tilespmem:s20], [sflag:$0x2] =	stream.indirect.gather [hbm4b:s4+s18], $0x80, s5, s18, $0xb8;
	[tilespmem:$0x1FC00] =	vst v63  }
0x16a: {  	_ =	swait.ge [sflag:s29], $0x2000  }
0x16b: {  	[sflag:s29] =	ssyncset.done $0x0  }
0x16c: {  	s16 =	sadd.s32 $0xFFFFFEC0, s0;
	[sflag:s29] =	ssyncadd.s32 $0xFFFFE000  }
0x16d: {  	[tilespmem:s21], [sflag:$0x3] =	stream.indirect.gather [hbm4b:s4+s18], $0x80, s16, s18, $0xb8;
	[tilespmem:$0x1FC00] =	vst v63  }
0x16e: {  	_ =	swait.ge [sflag:s30], $0x2000  }
0x16f: {  	[sflag:s30] =	ssyncset.done $0x0  }
0x170: {  	s5 =	sadd.s32 $0xFFFFFF00, s0;
	[sflag:s30] =	ssyncadd.s32 $0xFFFFE000  }
0x171: {  	[tilespmem:s22], [sflag:$0x4] =	stream.indirect.gather [hbm4b:s4+s18], $0x80, s5, s18, $0xb8;
	[tilespmem:$0x1FC00] =	vst v63  }
0x172: {  	_ =	swait.ge [sflag:s17], $0x2000  }
0x173: {  	[sflag:s17] =	ssyncset.done $0x0  }
0x174: {  	s16 =	sadd.s32 $0x1800, s2;
	[sflag:s17] =	ssyncadd.s32 $0xFFFFE000  }
0x175: {  	[spmem:s1] =	stream.indirect.scatter.add.f32 [tilespmem:s19], [sflag:$0x5], $0x80, s16, s18, $0xb8;
	[tilespmem:$0x1FC00] =	vst v63  }
0x176: {  	_ =	swait.ge [sflag:s23], $0x2000  }
0x177: {  	[sflag:s23] =	ssyncset.done $0x0  }
0x178: {  	s5 =	sadd.s32 $0x1880, s2;
	[sflag:s23] =	ssyncadd.s32 $0xFFFFE000  }
0x179: {  	[spmem:s1] =	stream.indirect.scatter.add.f32 [tilespmem:s20], [sflag:$0x6], $0x80, s5, s18, $0xb8;
	[tilespmem:$0x1FC00] =	vst v63  }
0x17a: {  	_ =	swait.ge [sflag:s24], $0x2000  }
0x17b: {  	[sflag:s24] =	ssyncset.done $0x0  }
0x17c: {  	s16 =	sadd.s32 $0x1900, s2;
	[sflag:s24] =	ssyncadd.s32 $0xFFFFE000  }
0x17d: {  	[spmem:s1] =	stream.indirect.scatter.add.f32 [tilespmem:s21], [sflag:$0x7], $0x80, s16, s18, $0xb8;
	[tilespmem:$0x1FC00] =	vst v63  }
0x17e: {  	_ =	swait.ge [sflag:s25], $0x2000  }
0x17f: {  	[sflag:s25] =	ssyncset.done $0x0  }
0x180: {  	s5 =	sadd.s32 $0x1980, s2;
	[sflag:s25] =	ssyncadd.s32 $0xFFFFE000  }
0x181: {  	[spmem:s1] =	stream.indirect.scatter.add.f32 [tilespmem:s22], [sflag:$0x8], $0x80, s5, s18, $0xb8;
	[tilespmem:$0x1FC00] =	vst v63  }
0x182: {  	_ =	swait.ge [sflag:s26], $0x2000  }
0x183: {  	[sflag:s26] =	ssyncset.done $0x0  }
0x184: {  	s16 =	sadd.s32 $0xFFFFFF40, s0;
	[sflag:s26] =	ssyncadd.s32 $0xFFFFE000  }
0x185: {  	[tilespmem:s19], [sflag:$0x1] =	stream.indirect.gather [hbm4b:s4+s18], $0x80, s16, s18, $0xb8;
	[tilespmem:$0x1FC00] =	vst v63  }
0x186: {  	_ =	swait.ge [sflag:s28], $0x2000  }
0x187: {  	[sflag:s28] =	ssyncset.done $0x0  }
0x188: {  	s5 =	sadd.s32 $0xFFFFFF80, s0;
	[sflag:s28] =	ssyncadd.s32 $0xFFFFE000  }
0x189: {  	[tilespmem:s20], [sflag:$0x2] =	stream.indirect.gather [hbm4b:s4+s18], $0x80, s5, s18, $0xb8;
	[tilespmem:$0x1FC00] =	vst v63  }
0x18a: {  	_ =	swait.ge [sflag:s29], $0x2000  }
0x18b: {  	[sflag:s29] =	ssyncset.done $0x0  }
0x18c: {  	s16 =	sadd.s32 $0xFFFFFFC0, s0;
	[sflag:s29] =	ssyncadd.s32 $0xFFFFE000  }
0x18d: {  	[tilespmem:s21], [sflag:$0x3] =	stream.indirect.gather [hbm4b:s4+s18], $0x80, s16, s18, $0xb8;
	[tilespmem:$0x1FC00] =	vst v63  }
0x18e: {  	_ =	swait.ge [sflag:s30], $0x2000  }
0x18f: {  	[sflag:s30] =	ssyncset.done $0x0  }
0x190: {  	[sflag:s30] =	ssyncadd.s32 $0xFFFFE000  }
0x191: {  	[tilespmem:s22], [sflag:$0x4] =	stream.indirect.gather [hbm4b:s4+s18], $0x80, s0, s18, $0xb8;
	[tilespmem:$0x1FC00] =	vst v63  }
0x192: {  	_ =	swait.ge [sflag:s17], $0x2000  }
0x193: {  	[sflag:s17] =	ssyncset.done $0x0  }
0x194: {  	s3 =	sadd.s32 $0x1A00, s2;
	[sflag:s17] =	ssyncadd.s32 $0xFFFFE000  }
0x195: {  	[spmem:s1] =	stream.indirect.scatter.add.f32 [tilespmem:s19], [sflag:$0x5], $0x80, s3, s18, $0xb8;
	[tilespmem:$0x1FC00] =	vst v63  }
0x196: {  	_ =	swait.ge [sflag:s23], $0x2000  }
0x197: {  	[sflag:s23] =	ssyncset.done $0x0  }
0x198: {  	s5 =	sadd.s32 $0x1A80, s2;
	[sflag:s23] =	ssyncadd.s32 $0xFFFFE000  }
0x199: {  	[spmem:s1] =	stream.indirect.scatter.add.f32 [tilespmem:s20], [sflag:$0x6], $0x80, s5, s18, $0xb8;
	[tilespmem:$0x1FC00] =	vst v63  }
0x19a: {  	_ =	swait.ge [sflag:s24], $0x2000  }
0x19b: {  	[sflag:s24] =	ssyncset.done $0x0  }
0x19c: {  	s16 =	sadd.s32 $0x1B00, s2;
	[sflag:s24] =	ssyncadd.s32 $0xFFFFE000  }
0x19d: {  	[spmem:s1] =	stream.indirect.scatter.add.f32 [tilespmem:s21], [sflag:$0x7], $0x80, s16, s18, $0xb8;
	[tilespmem:$0x1FC00] =	vst v63  }
0x19e: {  	_ =	swait.ge [sflag:s25], $0x2000  }
0x19f: {  	[sflag:s25] =	ssyncset.done $0x0  }
0x1a0: {  	s3 =	sadd.s32 $0x1B80, s2;
	[sflag:s25] =	ssyncadd.s32 $0xFFFFE000  }
0x1a1: {  	[spmem:s1] =	stream.indirect.scatter.add.f32 [tilespmem:s22], [sflag:$0x8], $0x80, s3, s18, $0xb8;
	[tilespmem:$0x1FC00] =	vst v63  }
0x1a2: {  	_ =	swait.ge [sflag:s26], $0x2000  }
0x1a3: {  	[sflag:s26] =	ssyncset.done $0x0  }
0x1a4: {  	[sflag:s26] =	ssyncadd.s32 $0xFFFFE000  }
0x1a5: {  	_ =	swait.ge [sflag:s28], $0x2000  }
0x1a6: {  	[sflag:s28] =	ssyncset.done $0x0  }
0x1a7: {  	[sflag:s28] =	ssyncadd.s32 $0xFFFFE000  }
0x1a8: {  	_ =	swait.ge [sflag:s29], $0x2000  }
0x1a9: {  	[sflag:s29] =	ssyncset.done $0x0  }
0x1aa: {  	[sflag:s29] =	ssyncadd.s32 $0xFFFFE000  }
0x1ab: {  	_ =	swait.ge [sflag:s30], $0x2000  }
0x1ac: {  	[sflag:s30] =	ssyncset.done $0x0  }
0x1ad: {  	s5 =	simm.s32 $0x0;
	[sflag:s30] =	ssyncadd.s32 $0xFFFFE000  }
0x1ae: {  	[tilespmem:s5], [sflag:$0x9] =	stream.linear.gather [hbm4b:s10+s5], $0x1400, $0x38;
	[tilespmem:$0x1FC00] =	vst v63  }
0x1af: {  	_ =	swait.ge [sflag:s15], $0x1400  }
0x1b0: {  	[sflag:s15] =	ssyncset.done $0x0  }
0x1b1: {  	[sflag:s15] =	ssyncadd.s32 $0xFFFFEC00  }
0x1b2: {  	[tilespmem:s7], [sflag:$0x9] =	stream.linear.gather [hbm4b:s11+s5], $0x2800, $0x38;
	[tilespmem:$0x1FC00] =	vst v63  }
0x1b3: {  	_ =	swait.ge [sflag:s15], $0x2800  }
0x1b4: {  	[sflag:s15] =	ssyncset.done $0x0  }
0x1b5: {  	s7 =	simm.s32 $0x0;
	[sflag:s15] =	ssyncadd.s32 $0xFFFFD800  }
0x1b6: {  	[tilespmem:s19], [sflag:$0x1] =	stream.indirect.gather [hbm4b:s4+s18], $0x80, s7, s18, $0xb8;
	[tilespmem:$0x1FC00] =	vst v63  }
0x1b7: {  	s16 =	simm.s32 $0x40  }
0x1b8: {  	[tilespmem:s20], [sflag:$0x2] =	stream.indirect.gather [hbm4b:s4+s18], $0x80, s16, s18, $0xb8;
	[tilespmem:$0x1FC00] =	vst v63  }
0x1b9: {  	s2 =	simm.s32 $0x80  }
0x1ba: {  	[tilespmem:s21], [sflag:$0x3] =	stream.indirect.gather [hbm4b:s4+s18], $0x80, s2, s18, $0xb8;
	[tilespmem:$0x1FC00] =	vst v63  }
0x1bb: {  	s3 =	simm.s32 $0xC0  }
0x1bc: {  	[tilespmem:s22], [sflag:$0x4] =	stream.indirect.gather [hbm4b:s4+s18], $0x80, s3, s18, $0xb8;
	[tilespmem:$0x1FC00] =	vst v63  }
0x1bd: {  	_ =	swait.ge [sflag:s17], $0x2000  }
0x1be: {  	[sflag:s17] =	ssyncset.done $0x0  }
0x1bf: {  	s5 =	simm.s32 $0x1400;
	[sflag:s17] =	ssyncadd.s32 $0xFFFFE000  }
0x1c0: {  	[spmem:s1] =	stream.indirect.scatter.add.f32 [tilespmem:s19], [sflag:$0x5], $0x80, s5, s18, $0xb8;
	[tilespmem:$0x1FC00] =	vst v63  }
0x1c1: {  	_ =	swait.ge [sflag:s23], $0x2000  }
0x1c2: {  	[sflag:s23] =	ssyncset.done $0x0  }
0x1c3: {  	s7 =	simm.s32 $0x1480;
	[sflag:s23] =	ssyncadd.s32 $0xFFFFE000  }
0x1c4: {  	[spmem:s1] =	stream.indirect.scatter.add.f32 [tilespmem:s20], [sflag:$0x6], $0x80, s7, s18, $0xb8;
	[tilespmem:$0x1FC00] =	vst v63  }
0x1c5: {  	_ =	swait.ge [sflag:s24], $0x2000  }
0x1c6: {  	[sflag:s24] =	ssyncset.done $0x0  }
0x1c7: {  	s16 =	simm.s32 $0x1500;
	[sflag:s24] =	ssyncadd.s32 $0xFFFFE000  }
0x1c8: {  	[spmem:s1] =	stream.indirect.scatter.add.f32 [tilespmem:s21], [sflag:$0x7], $0x80, s16, s18, $0xb8;
	[tilespmem:$0x1FC00] =	vst v63  }
0x1c9: {  	_ =	swait.ge [sflag:s25], $0x2000  }
0x1ca: {  	[sflag:s25] =	ssyncset.done $0x0  }
0x1cb: {  	s2 =	simm.s32 $0x1580;
	[sflag:s25] =	ssyncadd.s32 $0xFFFFE000  }
0x1cc: {  	[spmem:s1] =	stream.indirect.scatter.add.f32 [tilespmem:s22], [sflag:$0x8], $0x80, s2, s18, $0xb8;
	[tilespmem:$0x1FC00] =	vst v63  }
0x1cd: {  	_ =	swait.ge [sflag:s26], $0x2000  }
0x1ce: {  	[sflag:s26] =	ssyncset.done $0x0  }
0x1cf: {  	s3 =	simm.s32 $0x100;
	[sflag:s26] =	ssyncadd.s32 $0xFFFFE000  }
0x1d0: {  	[tilespmem:s19], [sflag:$0x1] =	stream.indirect.gather [hbm4b:s4+s18], $0x80, s3, s18, $0xb8;
	[tilespmem:$0x1FC00] =	vst v63  }
0x1d1: {  	_ =	swait.ge [sflag:s28], $0x2000  }
0x1d2: {  	[sflag:s28] =	ssyncset.done $0x0  }
0x1d3: {  	s5 =	simm.s32 $0x140;
	[sflag:s28] =	ssyncadd.s32 $0xFFFFE000  }
0x1d4: {  	[tilespmem:s20], [sflag:$0x2] =	stream.indirect.gather [hbm4b:s4+s18], $0x80, s5, s18, $0xb8;
	[tilespmem:$0x1FC00] =	vst v63  }
0x1d5: {  	_ =	swait.ge [sflag:s29], $0x2000  }
0x1d6: {  	[sflag:s29] =	ssyncset.done $0x0  }
0x1d7: {  	s7 =	simm.s32 $0x180;
	[sflag:s29] =	ssyncadd.s32 $0xFFFFE000  }
0x1d8: {  	[tilespmem:s21], [sflag:$0x3] =	stream.indirect.gather [hbm4b:s4+s18], $0x80, s7, s18, $0xb8;
	[tilespmem:$0x1FC00] =	vst v63  }
0x1d9: {  	_ =	swait.ge [sflag:s30], $0x2000  }
0x1da: {  	[sflag:s30] =	ssyncset.done $0x0  }
0x1db: {  	s16 =	simm.s32 $0x1C0;
	[sflag:s30] =	ssyncadd.s32 $0xFFFFE000  }
0x1dc: {  	[tilespmem:s22], [sflag:$0x4] =	stream.indirect.gather [hbm4b:s4+s18], $0x80, s16, s18, $0xb8;
	[tilespmem:$0x1FC00] =	vst v63  }
0x1dd: {  	_ =	swait.ge [sflag:s17], $0x2000  }
0x1de: {  	[sflag:s17] =	ssyncset.done $0x0  }
0x1df: {  	s2 =	simm.s32 $0x1600;
	[sflag:s17] =	ssyncadd.s32 $0xFFFFE000  }
0x1e0: {  	[spmem:s1] =	stream.indirect.scatter.add.f32 [tilespmem:s19], [sflag:$0x5], $0x80, s2, s18, $0xb8;
	[tilespmem:$0x1FC00] =	vst v63  }
0x1e1: {  	_ =	swait.ge [sflag:s23], $0x2000  }
0x1e2: {  	[sflag:s23] =	ssyncset.done $0x0  }
0x1e3: {  	s3 =	simm.s32 $0x1680;
	[sflag:s23] =	ssyncadd.s32 $0xFFFFE000  }
0x1e4: {  	[spmem:s1] =	stream.indirect.scatter.add.f32 [tilespmem:s20], [sflag:$0x6], $0x80, s3, s18, $0xb8;
	[tilespmem:$0x1FC00] =	vst v63  }
0x1e5: {  	_ =	swait.ge [sflag:s24], $0x2000  }
0x1e6: {  	[sflag:s24] =	ssyncset.done $0x0  }
0x1e7: {  	s5 =	simm.s32 $0x1700;
	[sflag:s24] =	ssyncadd.s32 $0xFFFFE000  }
0x1e8: {  	[spmem:s1] =	stream.indirect.scatter.add.f32 [tilespmem:s21], [sflag:$0x7], $0x80, s5, s18, $0xb8;
	[tilespmem:$0x1FC00] =	vst v63  }
0x1e9: {  	_ =	swait.ge [sflag:s25], $0x2000  }
0x1ea: {  	[sflag:s25] =	ssyncset.done $0x0  }
0x1eb: {  	s7 =	simm.s32 $0x1780;
	[sflag:s25] =	ssyncadd.s32 $0xFFFFE000  }
0x1ec: {  	[spmem:s1] =	stream.indirect.scatter.add.f32 [tilespmem:s22], [sflag:$0x8], $0x80, s7, s18, $0xb8;
	[tilespmem:$0x1FC00] =	vst v63  }
0x1ed: {  	_ =	swait.ge [sflag:s26], $0x2000  }
0x1ee: {  	[sflag:s26] =	ssyncset.done $0x0  }
0x1ef: {  	s16 =	simm.s32 $0x200;
	[sflag:s26] =	ssyncadd.s32 $0xFFFFE000  }
0x1f0: {  	[tilespmem:s19], [sflag:$0x1] =	stream.indirect.gather [hbm4b:s4+s18], $0x80, s16, s18, $0xb8;
	[tilespmem:$0x1FC00] =	vst v63  }
0x1f1: {  	_ =	swait.ge [sflag:s28], $0x2000  }
0x1f2: {  	[sflag:s28] =	ssyncset.done $0x0  }
0x1f3: {  	s2 =	simm.s32 $0x240;
	[sflag:s28] =	ssyncadd.s32 $0xFFFFE000  }
0x1f4: {  	[tilespmem:s20], [sflag:$0x2] =	stream.indirect.gather [hbm4b:s4+s18], $0x80, s2, s18, $0xb8;
	[tilespmem:$0x1FC00] =	vst v63  }
0x1f5: {  	_ =	swait.ge [sflag:s29], $0x2000  }
0x1f6: {  	[sflag:s29] =	ssyncset.done $0x0  }
0x1f7: {  	s3 =	simm.s32 $0x280;
	[sflag:s29] =	ssyncadd.s32 $0xFFFFE000  }
0x1f8: {  	[tilespmem:s21], [sflag:$0x3] =	stream.indirect.gather [hbm4b:s4+s18], $0x80, s3, s18, $0xb8;
	[tilespmem:$0x1FC00] =	vst v63  }
0x1f9: {  	_ =	swait.ge [sflag:s30], $0x2000  }
0x1fa: {  	[sflag:s30] =	ssyncset.done $0x0  }
0x1fb: {  	s5 =	simm.s32 $0x2C0;
	[sflag:s30] =	ssyncadd.s32 $0xFFFFE000  }
0x1fc: {  	[tilespmem:s22], [sflag:$0x4] =	stream.indirect.gather [hbm4b:s4+s18], $0x80, s5, s18, $0xb8;
	[tilespmem:$0x1FC00] =	vst v63  }
0x1fd: {  	_ =	swait.ge [sflag:s17], $0x2000  }
0x1fe: {  	[sflag:s17] =	ssyncset.done $0x0  }
0x1ff: {  	s7 =	simm.s32 $0x1800;
	[sflag:s17] =	ssyncadd.s32 $0xFFFFE000  }
0x200: {  	[spmem:s1] =	stream.indirect.scatter.add.f32 [tilespmem:s19], [sflag:$0x5], $0x80, s7, s18, $0xb8;
	[tilespmem:$0x1FC00] =	vst v63  }
0x201: {  	_ =	swait.ge [sflag:s23], $0x2000  }
0x202: {  	[sflag:s23] =	ssyncset.done $0x0  }
0x203: {  	s16 =	simm.s32 $0x1880;
	[sflag:s23] =	ssyncadd.s32 $0xFFFFE000  }
0x204: {  	[spmem:s1] =	stream.indirect.scatter.add.f32 [tilespmem:s20], [sflag:$0x6], $0x80, s16, s18, $0xb8;
	[tilespmem:$0x1FC00] =	vst v63  }
0x205: {  	_ =	swait.ge [sflag:s24], $0x2000  }
0x206: {  	[sflag:s24] =	ssyncset.done $0x0  }
0x207: {  	s2 =	simm.s32 $0x1900;
	[sflag:s24] =	ssyncadd.s32 $0xFFFFE000  }
0x208: {  	[spmem:s1] =	stream.indirect.scatter.add.f32 [tilespmem:s21], [sflag:$0x7], $0x80, s2, s18, $0xb8;
	[tilespmem:$0x1FC00] =	vst v63  }
0x209: {  	_ =	swait.ge [sflag:s25], $0x2000  }
0x20a: {  	[sflag:s25] =	ssyncset.done $0x0  }
0x20b: {  	s3 =	simm.s32 $0x1980;
	[sflag:s25] =	ssyncadd.s32 $0xFFFFE000  }
0x20c: {  	[spmem:s1] =	stream.indirect.scatter.add.f32 [tilespmem:s22], [sflag:$0x8], $0x80, s3, s18, $0xb8;
	[tilespmem:$0x1FC00] =	vst v63  }
0x20d: {  	_ =	swait.ge [sflag:s26], $0x2000  }
0x20e: {  	[sflag:s26] =	ssyncset.done $0x0  }
0x20f: {  	s5 =	simm.s32 $0x300;
	[sflag:s26] =	ssyncadd.s32 $0xFFFFE000  }
0x210: {  	[tilespmem:s19], [sflag:$0x1] =	stream.indirect.gather [hbm4b:s4+s18], $0x80, s5, s18, $0xb8;
	[tilespmem:$0x1FC00] =	vst v63  }
0x211: {  	_ =	swait.ge [sflag:s28], $0x2000  }
0x212: {  	[sflag:s28] =	ssyncset.done $0x0  }
0x213: {  	s7 =	simm.s32 $0x340;
	[sflag:s28] =	ssyncadd.s32 $0xFFFFE000  }
0x214: {  	[tilespmem:s20], [sflag:$0x2] =	stream.indirect.gather [hbm4b:s4+s18], $0x80, s7, s18, $0xb8;
	[tilespmem:$0x1FC00] =	vst v63  }
0x215: {  	_ =	swait.ge [sflag:s29], $0x2000  }
0x216: {  	[sflag:s29] =	ssyncset.done $0x0  }
0x217: {  	s16 =	simm.s32 $0x380;
	[sflag:s29] =	ssyncadd.s32 $0xFFFFE000  }
0x218: {  	[tilespmem:s21], [sflag:$0x3] =	stream.indirect.gather [hbm4b:s4+s18], $0x80, s16, s18, $0xb8;
	[tilespmem:$0x1FC00] =	vst v63  }
0x219: {  	_ =	swait.ge [sflag:s30], $0x2000  }
0x21a: {  	[sflag:s30] =	ssyncset.done $0x0  }
0x21b: {  	s2 =	simm.s32 $0x3C0;
	[sflag:s30] =	ssyncadd.s32 $0xFFFFE000  }
0x21c: {  	[tilespmem:s22], [sflag:$0x4] =	stream.indirect.gather [hbm4b:s4+s18], $0x80, s2, s18, $0xb8;
	[tilespmem:$0x1FC00] =	vst v63  }
0x21d: {  	_ =	swait.ge [sflag:s17], $0x2000  }
0x21e: {  	[sflag:s17] =	ssyncset.done $0x0  }
0x21f: {  	s3 =	simm.s32 $0x1A00;
	[sflag:s17] =	ssyncadd.s32 $0xFFFFE000  }
0x220: {  	[spmem:s1] =	stream.indirect.scatter.add.f32 [tilespmem:s19], [sflag:$0x5], $0x80, s3, s18, $0xb8;
	[tilespmem:$0x1FC00] =	vst v63  }
0x221: {  	_ =	swait.ge [sflag:s23], $0x2000  }
0x222: {  	[sflag:s23] =	ssyncset.done $0x0  }
0x223: {  	s5 =	simm.s32 $0x1A80;
	[sflag:s23] =	ssyncadd.s32 $0xFFFFE000  }
0x224: {  	[spmem:s1] =	stream.indirect.scatter.add.f32 [tilespmem:s20], [sflag:$0x6], $0x80, s5, s18, $0xb8;
	[tilespmem:$0x1FC00] =	vst v63  }
0x225: {  	_ =	swait.ge [sflag:s24], $0x2000  }
0x226: {  	[sflag:s24] =	ssyncset.done $0x0  }
0x227: {  	s7 =	simm.s32 $0x1B00;
	[sflag:s24] =	ssyncadd.s32 $0xFFFFE000  }
0x228: {  	[spmem:s1] =	stream.indirect.scatter.add.f32 [tilespmem:s21], [sflag:$0x7], $0x80, s7, s18, $0xb8;
	[tilespmem:$0x1FC00] =	vst v63  }
0x229: {  	_ =	swait.ge [sflag:s25], $0x2000  }
0x22a: {  	[sflag:s25] =	ssyncset.done $0x0  }
0x22b: {  	s16 =	simm.s32 $0x1B80;
	[sflag:s25] =	ssyncadd.s32 $0xFFFFE000  }
0x22c: {  	[spmem:s1] =	stream.indirect.scatter.add.f32 [tilespmem:s22], [sflag:$0x8], $0x80, s16, s18, $0xb8;
	[tilespmem:$0x1FC00] =	vst v63  }
0x22d: {  	_ =	swait.ge [sflag:s26], $0x2000  }
0x22e: {  	[sflag:s26] =	ssyncset.done $0x0  }
0x22f: {  	[sflag:s26] =	ssyncadd.s32 $0xFFFFE000  }
0x230: {  	_ =	swait.ge [sflag:s28], $0x2000  }
0x231: {  	[sflag:s28] =	ssyncset.done $0x0  }
0x232: {  	[sflag:s28] =	ssyncadd.s32 $0xFFFFE000  }
0x233: {  	_ =	swait.ge [sflag:s29], $0x2000  }
0x234: {  	[sflag:s29] =	ssyncset.done $0x0  }
0x235: {  	[sflag:s29] =	ssyncadd.s32 $0xFFFFE000  }
0x236: {  	s0 =	simm.s32 $0x7C0;
	_ =	swait.ge [sflag:s30], $0x2000  }
0x237: {  	s2 =	simm.s32 $0x2000;
	s3 =	simm.s32 $0x4000;
	[sflag:s30] =	ssyncset.done $0x0  }
.LBB2_4:
0x238: {  	p0 =	sne.s32 s3, $0x8000;
	s5 =	sadd.s32 $0xFFFFFC40, s0;
	[sflag:s30] =	ssyncadd.s32 $0xFFFFE000  }
0x239: {  	[tilespmem:s19], [sflag:$0x1] =	stream.indirect.gather [hbm4b:s4+s18], $0x80, s5, s18, $0xb8;
	[tilespmem:$0x1FC00] =	vst v63  }
0x23a: {  	s7 =	smov.u32 s3;
	s3 =	sadd.s32 $0x2000, s3;
	s5 =	sadd.s32 $0xFFFFFC80, s0  }
0x23b: {  	[tilespmem:s20], [sflag:$0x2] =	stream.indirect.gather [hbm4b:s4+s18], $0x80, s5, s18, $0xb8;
	[tilespmem:$0x1FC00] =	vst v63  }
0x23c: {  	s5 =	sadd.s32 $0xFFFFFCC0, s0  }
0x23d: {  	[tilespmem:s21], [sflag:$0x3] =	stream.indirect.gather [hbm4b:s4+s18], $0x80, s5, s18, $0xb8;
	[tilespmem:$0x1FC00] =	vst v63  }
0x23e: {  	s5 =	sadd.s32 $0xFFFFFD00, s0  }
0x23f: {  	[tilespmem:s22], [sflag:$0x4] =	stream.indirect.gather [hbm4b:s4+s18], $0x80, s5, s18, $0xb8;
	[tilespmem:$0x1FC00] =	vst v63  }
0x240: {  	_ =	swait.ge [sflag:s17], $0x2000  }
0x241: {  	s16 =	sshra.s32 s2, $0x2;
	s2 =	smov.u32 s7;
	[sflag:s17] =	ssyncset.done $0x0  }
0x242: {  	s5 =	sadd.s32 $0x1400, s16;
	[sflag:s17] =	ssyncadd.s32 $0xFFFFE000  }
0x243: {  	[spmem:s1] =	stream.indirect.scatter.add.f32 [tilespmem:s19], [sflag:$0x5], $0x80, s5, s18, $0xb8;
	[tilespmem:$0x1FC00] =	vst v63  }
0x244: {  	_ =	swait.ge [sflag:s23], $0x2000  }
0x245: {  	[sflag:s23] =	ssyncset.done $0x0  }
0x246: {  	s5 =	sadd.s32 $0x1480, s16;
	[sflag:s23] =	ssyncadd.s32 $0xFFFFE000  }
0x247: {  	[spmem:s1] =	stream.indirect.scatter.add.f32 [tilespmem:s20], [sflag:$0x6], $0x80, s5, s18, $0xb8;
	[tilespmem:$0x1FC00] =	vst v63  }
0x248: {  	_ =	swait.ge [sflag:s24], $0x2000  }
0x249: {  	[sflag:s24] =	ssyncset.done $0x0  }
0x24a: {  	s5 =	sadd.s32 $0x1500, s16;
	[sflag:s24] =	ssyncadd.s32 $0xFFFFE000  }
0x24b: {  	[spmem:s1] =	stream.indirect.scatter.add.f32 [tilespmem:s21], [sflag:$0x7], $0x80, s5, s18, $0xb8;
	[tilespmem:$0x1FC00] =	vst v63  }
0x24c: {  	_ =	swait.ge [sflag:s25], $0x2000  }
0x24d: {  	[sflag:s25] =	ssyncset.done $0x0  }
0x24e: {  	s5 =	sadd.s32 $0x1580, s16;
	[sflag:s25] =	ssyncadd.s32 $0xFFFFE000  }
0x24f: {  	[spmem:s1] =	stream.indirect.scatter.add.f32 [tilespmem:s22], [sflag:$0x8], $0x80, s5, s18, $0xb8;
	[tilespmem:$0x1FC00] =	vst v63  }
0x250: {  	_ =	swait.ge [sflag:s26], $0x2000  }
0x251: {  	[sflag:s26] =	ssyncset.done $0x0  }
0x252: {  	s5 =	sadd.s32 $0xFFFFFD40, s0;
	[sflag:s26] =	ssyncadd.s32 $0xFFFFE000  }
0x253: {  	[tilespmem:s19], [sflag:$0x1] =	stream.indirect.gather [hbm4b:s4+s18], $0x80, s5, s18, $0xb8;
	[tilespmem:$0x1FC00] =	vst v63  }
0x254: {  	_ =	swait.ge [sflag:s28], $0x2000  }
0x255: {  	[sflag:s28] =	ssyncset.done $0x0  }
0x256: {  	s5 =	sadd.s32 $0xFFFFFD80, s0;
	[sflag:s28] =	ssyncadd.s32 $0xFFFFE000  }
0x257: {  	[tilespmem:s20], [sflag:$0x2] =	stream.indirect.gather [hbm4b:s4+s18], $0x80, s5, s18, $0xb8;
	[tilespmem:$0x1FC00] =	vst v63  }
0x258: {  	_ =	swait.ge [sflag:s29], $0x2000  }
0x259: {  	[sflag:s29] =	ssyncset.done $0x0  }
0x25a: {  	s5 =	sadd.s32 $0xFFFFFDC0, s0;
	[sflag:s29] =	ssyncadd.s32 $0xFFFFE000  }
0x25b: {  	[tilespmem:s21], [sflag:$0x3] =	stream.indirect.gather [hbm4b:s4+s18], $0x80, s5, s18, $0xb8;
	[tilespmem:$0x1FC00] =	vst v63  }
0x25c: {  	_ =	swait.ge [sflag:s30], $0x2000  }
0x25d: {  	[sflag:s30] =	ssyncset.done $0x0  }
0x25e: {  	s5 =	sadd.s32 $0xFFFFFE00, s0;
	[sflag:s30] =	ssyncadd.s32 $0xFFFFE000  }
0x25f: {  	[tilespmem:s22], [sflag:$0x4] =	stream.indirect.gather [hbm4b:s4+s18], $0x80, s5, s18, $0xb8;
	[tilespmem:$0x1FC00] =	vst v63  }
0x260: {  	_ =	swait.ge [sflag:s17], $0x2000  }
0x261: {  	[sflag:s17] =	ssyncset.done $0x0  }
0x262: {  	s5 =	sadd.s32 $0x1600, s16;
	[sflag:s17] =	ssyncadd.s32 $0xFFFFE000  }
0x263: {  	[spmem:s1] =	stream.indirect.scatter.add.f32 [tilespmem:s19], [sflag:$0x5], $0x80, s5, s18, $0xb8;
	[tilespmem:$0x1FC00] =	vst v63  }
0x264: {  	_ =	swait.ge [sflag:s23], $0x2000  }
0x265: {  	[sflag:s23] =	ssyncset.done $0x0  }
0x266: {  	s5 =	sadd.s32 $0x1680, s16;
	[sflag:s23] =	ssyncadd.s32 $0xFFFFE000  }
0x267: {  	[spmem:s1] =	stream.indirect.scatter.add.f32 [tilespmem:s20], [sflag:$0x6], $0x80, s5, s18, $0xb8;
	[tilespmem:$0x1FC00] =	vst v63  }
0x268: {  	_ =	swait.ge [sflag:s24], $0x2000  }
0x269: {  	[sflag:s24] =	ssyncset.done $0x0  }
0x26a: {  	s5 =	sadd.s32 $0x1700, s16;
	[sflag:s24] =	ssyncadd.s32 $0xFFFFE000  }
0x26b: {  	[spmem:s1] =	stream.indirect.scatter.add.f32 [tilespmem:s21], [sflag:$0x7], $0x80, s5, s18, $0xb8;
	[tilespmem:$0x1FC00] =	vst v63  }
0x26c: {  	_ =	swait.ge [sflag:s25], $0x2000  }
0x26d: {  	[sflag:s25] =	ssyncset.done $0x0  }
0x26e: {  	s5 =	sadd.s32 $0x1780, s16;
	[sflag:s25] =	ssyncadd.s32 $0xFFFFE000  }
0x26f: {  	[spmem:s1] =	stream.indirect.scatter.add.f32 [tilespmem:s22], [sflag:$0x8], $0x80, s5, s18, $0xb8;
	[tilespmem:$0x1FC00] =	vst v63  }
0x270: {  	_ =	swait.ge [sflag:s26], $0x2000  }
0x271: {  	[sflag:s26] =	ssyncset.done $0x0  }
0x272: {  	s5 =	sadd.s32 $0xFFFFFE40, s0;
	[sflag:s26] =	ssyncadd.s32 $0xFFFFE000  }
0x273: {  	[tilespmem:s19], [sflag:$0x1] =	stream.indirect.gather [hbm4b:s4+s18], $0x80, s5, s18, $0xb8;
	[tilespmem:$0x1FC00] =	vst v63  }
0x274: {  	_ =	swait.ge [sflag:s28], $0x2000  }
0x275: {  	[sflag:s28] =	ssyncset.done $0x0  }
0x276: {  	s5 =	sadd.s32 $0xFFFFFE80, s0;
	[sflag:s28] =	ssyncadd.s32 $0xFFFFE000  }
0x277: {  	[tilespmem:s20], [sflag:$0x2] =	stream.indirect.gather [hbm4b:s4+s18], $0x80, s5, s18, $0xb8;
	[tilespmem:$0x1FC00] =	vst v63  }
0x278: {  	_ =	swait.ge [sflag:s29], $0x2000  }
0x279: {  	[sflag:s29] =	ssyncset.done $0x0  }
0x27a: {  	s5 =	sadd.s32 $0xFFFFFEC0, s0;
	[sflag:s29] =	ssyncadd.s32 $0xFFFFE000  }
0x27b: {  	[tilespmem:s21], [sflag:$0x3] =	stream.indirect.gather [hbm4b:s4+s18], $0x80, s5, s18, $0xb8;
	[tilespmem:$0x1FC00] =	vst v63  }
0x27c: {  	_ =	swait.ge [sflag:s30], $0x2000  }
0x27d: {  	[sflag:s30] =	ssyncset.done $0x0  }
0x27e: {  	s5 =	sadd.s32 $0xFFFFFF00, s0;
	[sflag:s30] =	ssyncadd.s32 $0xFFFFE000  }
0x27f: {  	[tilespmem:s22], [sflag:$0x4] =	stream.indirect.gather [hbm4b:s4+s18], $0x80, s5, s18, $0xb8;
	[tilespmem:$0x1FC00] =	vst v63  }
0x280: {  	_ =	swait.ge [sflag:s17], $0x2000  }
0x281: {  	[sflag:s17] =	ssyncset.done $0x0  }
0x282: {  	s5 =	sadd.s32 $0x1800, s16;
	[sflag:s17] =	ssyncadd.s32 $0xFFFFE000  }
0x283: {  	[spmem:s1] =	stream.indirect.scatter.add.f32 [tilespmem:s19], [sflag:$0x5], $0x80, s5, s18, $0xb8;
	[tilespmem:$0x1FC00] =	vst v63  }
0x284: {  	_ =	swait.ge [sflag:s23], $0x2000  }
0x285: {  	[sflag:s23] =	ssyncset.done $0x0  }
0x286: {  	s5 =	sadd.s32 $0x1880, s16;
	[sflag:s23] =	ssyncadd.s32 $0xFFFFE000  }
0x287: {  	[spmem:s1] =	stream.indirect.scatter.add.f32 [tilespmem:s20], [sflag:$0x6], $0x80, s5, s18, $0xb8;
	[tilespmem:$0x1FC00] =	vst v63  }
0x288: {  	_ =	swait.ge [sflag:s24], $0x2000  }
0x289: {  	[sflag:s24] =	ssyncset.done $0x0  }
0x28a: {  	s5 =	sadd.s32 $0x1900, s16;
	[sflag:s24] =	ssyncadd.s32 $0xFFFFE000  }
0x28b: {  	[spmem:s1] =	stream.indirect.scatter.add.f32 [tilespmem:s21], [sflag:$0x7], $0x80, s5, s18, $0xb8;
	[tilespmem:$0x1FC00] =	vst v63  }
0x28c: {  	_ =	swait.ge [sflag:s25], $0x2000  }
0x28d: {  	[sflag:s25] =	ssyncset.done $0x0  }
0x28e: {  	s5 =	sadd.s32 $0x1980, s16;
	[sflag:s25] =	ssyncadd.s32 $0xFFFFE000  }
0x28f: {  	[spmem:s1] =	stream.indirect.scatter.add.f32 [tilespmem:s22], [sflag:$0x8], $0x80, s5, s18, $0xb8;
	[tilespmem:$0x1FC00] =	vst v63  }
0x290: {  	_ =	swait.ge [sflag:s26], $0x2000  }
0x291: {  	[sflag:s26] =	ssyncset.done $0x0  }
0x292: {  	s5 =	sadd.s32 $0xFFFFFF40, s0;
	[sflag:s26] =	ssyncadd.s32 $0xFFFFE000  }
0x293: {  	[tilespmem:s19], [sflag:$0x1] =	stream.indirect.gather [hbm4b:s4+s18], $0x80, s5, s18, $0xb8;
	[tilespmem:$0x1FC00] =	vst v63  }
0x294: {  	_ =	swait.ge [sflag:s28], $0x2000  }
0x295: {  	[sflag:s28] =	ssyncset.done $0x0  }
0x296: {  	s5 =	sadd.s32 $0xFFFFFF80, s0;
	[sflag:s28] =	ssyncadd.s32 $0xFFFFE000  }
0x297: {  	[tilespmem:s20], [sflag:$0x2] =	stream.indirect.gather [hbm4b:s4+s18], $0x80, s5, s18, $0xb8;
	[tilespmem:$0x1FC00] =	vst v63  }
0x298: {  	_ =	swait.ge [sflag:s29], $0x2000  }
0x299: {  	[sflag:s29] =	ssyncset.done $0x0  }
0x29a: {  	s5 =	sadd.s32 $0xFFFFFFC0, s0;
	[sflag:s29] =	ssyncadd.s32 $0xFFFFE000  }
0x29b: {  	[tilespmem:s21], [sflag:$0x3] =	stream.indirect.gather [hbm4b:s4+s18], $0x80, s5, s18, $0xb8;
	[tilespmem:$0x1FC00] =	vst v63  }
0x29c: {  	_ =	swait.ge [sflag:s30], $0x2000  }
0x29d: {  	[sflag:s30] =	ssyncset.done $0x0  }
0x29e: {  	[sflag:s30] =	ssyncadd.s32 $0xFFFFE000  }
0x29f: {  	[tilespmem:s22], [sflag:$0x4] =	stream.indirect.gather [hbm4b:s4+s18], $0x80, s0, s18, $0xb8;
	[tilespmem:$0x1FC00] =	vst v63  }
0x2a0: {  	_ =	swait.ge [sflag:s17], $0x2000  }
0x2a1: {  	[sflag:s17] =	ssyncset.done $0x0  }
0x2a2: {  	s5 =	sadd.s32 $0x1A00, s16;
	[sflag:s17] =	ssyncadd.s32 $0xFFFFE000  }
0x2a3: {  	[spmem:s1] =	stream.indirect.scatter.add.f32 [tilespmem:s19], [sflag:$0x5], $0x80, s5, s18, $0xb8;
	[tilespmem:$0x1FC00] =	vst v63  }
0x2a4: {  	_ =	swait.ge [sflag:s23], $0x2000  }
0x2a5: {  	[sflag:s23] =	ssyncset.done $0x0  }
0x2a6: {  	s5 =	sadd.s32 $0x1A80, s16;
	[sflag:s23] =	ssyncadd.s32 $0xFFFFE000  }
0x2a7: {  	[spmem:s1] =	stream.indirect.scatter.add.f32 [tilespmem:s20], [sflag:$0x6], $0x80, s5, s18, $0xb8;
	[tilespmem:$0x1FC00] =	vst v63  }
0x2a8: {  	_ =	swait.ge [sflag:s24], $0x2000  }
0x2a9: {  	[sflag:s24] =	ssyncset.done $0x0  }
0x2aa: {  	s5 =	sadd.s32 $0x1B00, s16;
	[sflag:s24] =	ssyncadd.s32 $0xFFFFE000  }
0x2ab: {  	[spmem:s1] =	stream.indirect.scatter.add.f32 [tilespmem:s21], [sflag:$0x7], $0x80, s5, s18, $0xb8;
	[tilespmem:$0x1FC00] =	vst v63  }
0x2ac: {  	_ =	swait.ge [sflag:s25], $0x2000  }
0x2ad: {  	[sflag:s25] =	ssyncset.done $0x0  }
0x2ae: {  	s5 =	sadd.s32 $0x1B80, s16;
	[sflag:s25] =	ssyncadd.s32 $0xFFFFE000  }
0x2af: {  	[spmem:s1] =	stream.indirect.scatter.add.f32 [tilespmem:s22], [sflag:$0x8], $0x80, s5, s18, $0xb8;
	[tilespmem:$0x1FC00] =	vst v63  }
0x2b0: {  	_ =	swait.ge [sflag:s26], $0x2000  }
0x2b1: {  	[sflag:s26] =	ssyncset.done $0x0  }
0x2b2: {  	[sflag:s26] =	ssyncadd.s32 $0xFFFFE000  }
0x2b3: {  	_ =	swait.ge [sflag:s28], $0x2000  }
0x2b4: {  	[sflag:s28] =	ssyncset.done $0x0  }
0x2b5: {  	[sflag:s28] =	ssyncadd.s32 $0xFFFFE000  }
.Ltmp1:
0x2b6: {  	_ =	swait.ge [sflag:s29], $0x2000;
	(pc) =	sbr.rel @p0 .LBB2_4-.Ltmp1, $4  }
0x2b7: {  	[sflag:s29] =	ssyncset.done $0x0  }
0x2b8: {  	[sflag:s29] =	ssyncadd.s32 $0xFFFFE000  }
0x2b9: {  	_ =	swait.ge [sflag:s30], $0x2000  }
0x2ba: {  	s0 =	sadd.s32 $0x400, s0;
	[sflag:s30] =	ssyncset.done $0x0  }
0x2bb: {  	s3 =	sadd.s32 $0xFFFFFC40, s0;
	[sflag:s30] =	ssyncadd.s32 $0xFFFFE000  }
0x2bc: {  	[tilespmem:s19], [sflag:$0x1] =	stream.indirect.gather [hbm4b:s4+s18], $0x80, s3, s18, $0xb8;
	[tilespmem:$0x1FC00] =	vst v63  }
0x2bd: {  	s5 =	sadd.s32 $0xFFFFFC80, s0  }
0x2be: {  	[tilespmem:s20], [sflag:$0x2] =	stream.indirect.gather [hbm4b:s4+s18], $0x80, s5, s18, $0xb8;
	[tilespmem:$0x1FC00] =	vst v63  }
0x2bf: {  	s7 =	sadd.s32 $0xFFFFFCC0, s0  }
0x2c0: {  	[tilespmem:s21], [sflag:$0x3] =	stream.indirect.gather [hbm4b:s4+s18], $0x80, s7, s18, $0xb8;
	[tilespmem:$0x1FC00] =	vst v63  }
0x2c1: {  	s16 =	sadd.s32 $0xFFFFFD00, s0  }
0x2c2: {  	[tilespmem:s22], [sflag:$0x4] =	stream.indirect.gather [hbm4b:s4+s18], $0x80, s16, s18, $0xb8;
	[tilespmem:$0x1FC00] =	vst v63  }
0x2c3: {  	_ =	swait.ge [sflag:s17], $0x2000  }
0x2c4: {  	s2 =	sshra.s32 s2, $0x2;
	[sflag:s17] =	ssyncset.done $0x0  }
0x2c5: {  	s5 =	sadd.s32 $0x1400, s2;
	[sflag:s17] =	ssyncadd.s32 $0xFFFFE000  }
0x2c6: {  	[spmem:s1] =	stream.indirect.scatter.add.f32 [tilespmem:s19], [sflag:$0x5], $0x80, s5, s18, $0xb8;
	[tilespmem:$0x1FC00] =	vst v63  }
0x2c7: {  	_ =	swait.ge [sflag:s23], $0x2000  }
0x2c8: {  	[sflag:s23] =	ssyncset.done $0x0  }
0x2c9: {  	s7 =	sadd.s32 $0x1480, s2;
	[sflag:s23] =	ssyncadd.s32 $0xFFFFE000  }
0x2ca: {  	[spmem:s1] =	stream.indirect.scatter.add.f32 [tilespmem:s20], [sflag:$0x6], $0x80, s7, s18, $0xb8;
	[tilespmem:$0x1FC00] =	vst v63  }
0x2cb: {  	_ =	swait.ge [sflag:s24], $0x2000  }
0x2cc: {  	[sflag:s24] =	ssyncset.done $0x0  }
0x2cd: {  	s16 =	sadd.s32 $0x1500, s2;
	[sflag:s24] =	ssyncadd.s32 $0xFFFFE000  }
0x2ce: {  	[spmem:s1] =	stream.indirect.scatter.add.f32 [tilespmem:s21], [sflag:$0x7], $0x80, s16, s18, $0xb8;
	[tilespmem:$0x1FC00] =	vst v63  }
0x2cf: {  	_ =	swait.ge [sflag:s25], $0x2000  }
0x2d0: {  	[sflag:s25] =	ssyncset.done $0x0  }
0x2d1: {  	s5 =	sadd.s32 $0x1580, s2;
	[sflag:s25] =	ssyncadd.s32 $0xFFFFE000  }
0x2d2: {  	[spmem:s1] =	stream.indirect.scatter.add.f32 [tilespmem:s22], [sflag:$0x8], $0x80, s5, s18, $0xb8;
	[tilespmem:$0x1FC00] =	vst v63  }
0x2d3: {  	_ =	swait.ge [sflag:s26], $0x2000  }
0x2d4: {  	[sflag:s26] =	ssyncset.done $0x0  }
0x2d5: {  	s7 =	sadd.s32 $0xFFFFFD40, s0;
	[sflag:s26] =	ssyncadd.s32 $0xFFFFE000  }
0x2d6: {  	[tilespmem:s19], [sflag:$0x1] =	stream.indirect.gather [hbm4b:s4+s18], $0x80, s7, s18, $0xb8;
	[tilespmem:$0x1FC00] =	vst v63  }
0x2d7: {  	_ =	swait.ge [sflag:s28], $0x2000  }
0x2d8: {  	[sflag:s28] =	ssyncset.done $0x0  }
0x2d9: {  	s16 =	sadd.s32 $0xFFFFFD80, s0;
	[sflag:s28] =	ssyncadd.s32 $0xFFFFE000  }
0x2da: {  	[tilespmem:s20], [sflag:$0x2] =	stream.indirect.gather [hbm4b:s4+s18], $0x80, s16, s18, $0xb8;
	[tilespmem:$0x1FC00] =	vst v63  }
0x2db: {  	_ =	swait.ge [sflag:s29], $0x2000  }
0x2dc: {  	[sflag:s29] =	ssyncset.done $0x0  }
0x2dd: {  	s5 =	sadd.s32 $0xFFFFFDC0, s0;
	[sflag:s29] =	ssyncadd.s32 $0xFFFFE000  }
0x2de: {  	[tilespmem:s21], [sflag:$0x3] =	stream.indirect.gather [hbm4b:s4+s18], $0x80, s5, s18, $0xb8;
	[tilespmem:$0x1FC00] =	vst v63  }
0x2df: {  	_ =	swait.ge [sflag:s30], $0x2000  }
0x2e0: {  	[sflag:s30] =	ssyncset.done $0x0  }
0x2e1: {  	s7 =	sadd.s32 $0xFFFFFE00, s0;
	[sflag:s30] =	ssyncadd.s32 $0xFFFFE000  }
0x2e2: {  	[tilespmem:s22], [sflag:$0x4] =	stream.indirect.gather [hbm4b:s4+s18], $0x80, s7, s18, $0xb8;
	[tilespmem:$0x1FC00] =	vst v63  }
0x2e3: {  	_ =	swait.ge [sflag:s17], $0x2000  }
0x2e4: {  	[sflag:s17] =	ssyncset.done $0x0  }
0x2e5: {  	s16 =	sadd.s32 $0x1600, s2;
	[sflag:s17] =	ssyncadd.s32 $0xFFFFE000  }
0x2e6: {  	[spmem:s1] =	stream.indirect.scatter.add.f32 [tilespmem:s19], [sflag:$0x5], $0x80, s16, s18, $0xb8;
	[tilespmem:$0x1FC00] =	vst v63  }
0x2e7: {  	_ =	swait.ge [sflag:s23], $0x2000  }
0x2e8: {  	[sflag:s23] =	ssyncset.done $0x0  }
0x2e9: {  	s5 =	sadd.s32 $0x1680, s2;
	[sflag:s23] =	ssyncadd.s32 $0xFFFFE000  }
0x2ea: {  	[spmem:s1] =	stream.indirect.scatter.add.f32 [tilespmem:s20], [sflag:$0x6], $0x80, s5, s18, $0xb8;
	[tilespmem:$0x1FC00] =	vst v63  }
0x2eb: {  	_ =	swait.ge [sflag:s24], $0x2000  }
0x2ec: {  	[sflag:s24] =	ssyncset.done $0x0  }
0x2ed: {  	s7 =	sadd.s32 $0x1700, s2;
	[sflag:s24] =	ssyncadd.s32 $0xFFFFE000  }
0x2ee: {  	[spmem:s1] =	stream.indirect.scatter.add.f32 [tilespmem:s21], [sflag:$0x7], $0x80, s7, s18, $0xb8;
	[tilespmem:$0x1FC00] =	vst v63  }
0x2ef: {  	_ =	swait.ge [sflag:s25], $0x2000  }
0x2f0: {  	[sflag:s25] =	ssyncset.done $0x0  }
0x2f1: {  	s16 =	sadd.s32 $0x1780, s2;
	[sflag:s25] =	ssyncadd.s32 $0xFFFFE000  }
0x2f2: {  	[spmem:s1] =	stream.indirect.scatter.add.f32 [tilespmem:s22], [sflag:$0x8], $0x80, s16, s18, $0xb8;
	[tilespmem:$0x1FC00] =	vst v63  }
0x2f3: {  	_ =	swait.ge [sflag:s26], $0x2000  }
0x2f4: {  	[sflag:s26] =	ssyncset.done $0x0  }
0x2f5: {  	s5 =	sadd.s32 $0xFFFFFE40, s0;
	[sflag:s26] =	ssyncadd.s32 $0xFFFFE000  }
0x2f6: {  	[tilespmem:s19], [sflag:$0x1] =	stream.indirect.gather [hbm4b:s4+s18], $0x80, s5, s18, $0xb8;
	[tilespmem:$0x1FC00] =	vst v63  }
0x2f7: {  	_ =	swait.ge [sflag:s28], $0x2000  }
0x2f8: {  	[sflag:s28] =	ssyncset.done $0x0  }
0x2f9: {  	s7 =	sadd.s32 $0xFFFFFE80, s0;
	[sflag:s28] =	ssyncadd.s32 $0xFFFFE000  }
0x2fa: {  	[tilespmem:s20], [sflag:$0x2] =	stream.indirect.gather [hbm4b:s4+s18], $0x80, s7, s18, $0xb8;
	[tilespmem:$0x1FC00] =	vst v63  }
0x2fb: {  	_ =	swait.ge [sflag:s29], $0x2000  }
0x2fc: {  	[sflag:s29] =	ssyncset.done $0x0  }
0x2fd: {  	s16 =	sadd.s32 $0xFFFFFEC0, s0;
	[sflag:s29] =	ssyncadd.s32 $0xFFFFE000  }
0x2fe: {  	[tilespmem:s21], [sflag:$0x3] =	stream.indirect.gather [hbm4b:s4+s18], $0x80, s16, s18, $0xb8;
	[tilespmem:$0x1FC00] =	vst v63  }
0x2ff: {  	_ =	swait.ge [sflag:s30], $0x2000  }
0x300: {  	[sflag:s30] =	ssyncset.done $0x0  }
0x301: {  	s5 =	sadd.s32 $0xFFFFFF00, s0;
	[sflag:s30] =	ssyncadd.s32 $0xFFFFE000  }
0x302: {  	[tilespmem:s22], [sflag:$0x4] =	stream.indirect.gather [hbm4b:s4+s18], $0x80, s5, s18, $0xb8;
	[tilespmem:$0x1FC00] =	vst v63  }
0x303: {  	_ =	swait.ge [sflag:s17], $0x2000  }
0x304: {  	[sflag:s17] =	ssyncset.done $0x0  }
0x305: {  	s7 =	sadd.s32 $0x1800, s2;
	[sflag:s17] =	ssyncadd.s32 $0xFFFFE000  }
0x306: {  	[spmem:s1] =	stream.indirect.scatter.add.f32 [tilespmem:s19], [sflag:$0x5], $0x80, s7, s18, $0xb8;
	[tilespmem:$0x1FC00] =	vst v63  }
0x307: {  	_ =	swait.ge [sflag:s23], $0x2000  }
0x308: {  	[sflag:s23] =	ssyncset.done $0x0  }
0x309: {  	s16 =	sadd.s32 $0x1880, s2;
	[sflag:s23] =	ssyncadd.s32 $0xFFFFE000  }
0x30a: {  	[spmem:s1] =	stream.indirect.scatter.add.f32 [tilespmem:s20], [sflag:$0x6], $0x80, s16, s18, $0xb8;
	[tilespmem:$0x1FC00] =	vst v63  }
0x30b: {  	_ =	swait.ge [sflag:s24], $0x2000  }
0x30c: {  	[sflag:s24] =	ssyncset.done $0x0  }
0x30d: {  	s5 =	sadd.s32 $0x1900, s2;
	[sflag:s24] =	ssyncadd.s32 $0xFFFFE000  }
0x30e: {  	[spmem:s1] =	stream.indirect.scatter.add.f32 [tilespmem:s21], [sflag:$0x7], $0x80, s5, s18, $0xb8;
	[tilespmem:$0x1FC00] =	vst v63  }
0x30f: {  	_ =	swait.ge [sflag:s25], $0x2000  }
0x310: {  	[sflag:s25] =	ssyncset.done $0x0  }
0x311: {  	s7 =	sadd.s32 $0x1980, s2;
	[sflag:s25] =	ssyncadd.s32 $0xFFFFE000  }
0x312: {  	[spmem:s1] =	stream.indirect.scatter.add.f32 [tilespmem:s22], [sflag:$0x8], $0x80, s7, s18, $0xb8;
	[tilespmem:$0x1FC00] =	vst v63  }
0x313: {  	_ =	swait.ge [sflag:s26], $0x2000  }
0x314: {  	[sflag:s26] =	ssyncset.done $0x0  }
0x315: {  	s16 =	sadd.s32 $0xFFFFFF40, s0;
	[sflag:s26] =	ssyncadd.s32 $0xFFFFE000  }
0x316: {  	[tilespmem:s19], [sflag:$0x1] =	stream.indirect.gather [hbm4b:s4+s18], $0x80, s16, s18, $0xb8;
	[tilespmem:$0x1FC00] =	vst v63  }
0x317: {  	_ =	swait.ge [sflag:s28], $0x2000  }
0x318: {  	[sflag:s28] =	ssyncset.done $0x0  }
0x319: {  	s5 =	sadd.s32 $0xFFFFFF80, s0;
	[sflag:s28] =	ssyncadd.s32 $0xFFFFE000  }
0x31a: {  	[tilespmem:s20], [sflag:$0x2] =	stream.indirect.gather [hbm4b:s4+s18], $0x80, s5, s18, $0xb8;
	[tilespmem:$0x1FC00] =	vst v63  }
0x31b: {  	_ =	swait.ge [sflag:s29], $0x2000  }
0x31c: {  	[sflag:s29] =	ssyncset.done $0x0  }
0x31d: {  	s7 =	sadd.s32 $0xFFFFFFC0, s0;
	[sflag:s29] =	ssyncadd.s32 $0xFFFFE000  }
0x31e: {  	[tilespmem:s21], [sflag:$0x3] =	stream.indirect.gather [hbm4b:s4+s18], $0x80, s7, s18, $0xb8;
	[tilespmem:$0x1FC00] =	vst v63  }
0x31f: {  	_ =	swait.ge [sflag:s30], $0x2000  }
0x320: {  	[sflag:s30] =	ssyncset.done $0x0  }
0x321: {  	[sflag:s30] =	ssyncadd.s32 $0xFFFFE000  }
0x322: {  	[tilespmem:s22], [sflag:$0x4] =	stream.indirect.gather [hbm4b:s4+s18], $0x80, s0, s18, $0xb8;
	[tilespmem:$0x1FC00] =	vst v63  }
0x323: {  	_ =	swait.ge [sflag:s17], $0x2000  }
0x324: {  	[sflag:s17] =	ssyncset.done $0x0  }
0x325: {  	s16 =	sadd.s32 $0x1A00, s2;
	[sflag:s17] =	ssyncadd.s32 $0xFFFFE000  }
0x326: {  	[spmem:s1] =	stream.indirect.scatter.add.f32 [tilespmem:s19], [sflag:$0x5], $0x80, s16, s18, $0xb8;
	[tilespmem:$0x1FC00] =	vst v63  }
0x327: {  	_ =	swait.ge [sflag:s23], $0x2000  }
0x328: {  	[sflag:s23] =	ssyncset.done $0x0  }
0x329: {  	s3 =	sadd.s32 $0x1A80, s2;
	[sflag:s23] =	ssyncadd.s32 $0xFFFFE000  }
0x32a: {  	[spmem:s1] =	stream.indirect.scatter.add.f32 [tilespmem:s20], [sflag:$0x6], $0x80, s3, s18, $0xb8;
	[tilespmem:$0x1FC00] =	vst v63  }
0x32b: {  	_ =	swait.ge [sflag:s24], $0x2000  }
0x32c: {  	[sflag:s24] =	ssyncset.done $0x0  }
0x32d: {  	s5 =	sadd.s32 $0x1B00, s2;
	[sflag:s24] =	ssyncadd.s32 $0xFFFFE000  }
0x32e: {  	[spmem:s1] =	stream.indirect.scatter.add.f32 [tilespmem:s21], [sflag:$0x7], $0x80, s5, s18, $0xb8;
	[tilespmem:$0x1FC00] =	vst v63  }
0x32f: {  	_ =	swait.ge [sflag:s25], $0x2000  }
0x330: {  	[sflag:s25] =	ssyncset.done $0x0  }
0x331: {  	s7 =	sadd.s32 $0x1B80, s2;
	[sflag:s25] =	ssyncadd.s32 $0xFFFFE000  }
0x332: {  	[spmem:s1] =	stream.indirect.scatter.add.f32 [tilespmem:s22], [sflag:$0x8], $0x80, s7, s18, $0xb8;
	[tilespmem:$0x1FC00] =	vst v63  }
0x333: {  	_ =	swait.ge [sflag:s26], $0x2000  }
0x334: {  	[sflag:s26] =	ssyncset.done $0x0  }
0x335: {  	[sflag:s26] =	ssyncadd.s32 $0xFFFFE000  }
0x336: {  	_ =	swait.ge [sflag:s28], $0x2000  }
0x337: {  	[sflag:s28] =	ssyncset.done $0x0  }
0x338: {  	[sflag:s28] =	ssyncadd.s32 $0xFFFFE000  }
0x339: {  	_ =	swait.ge [sflag:s29], $0x2000  }
0x33a: {  	[sflag:s29] =	ssyncset.done $0x0  }
0x33b: {  	[sflag:s29] =	ssyncadd.s32 $0xFFFFE000  }
0x33c: {  	_ =	swait.ge [sflag:s30], $0x2000  }
0x33d: {  	s31 =	sadd.s32 $0x1, s31;
	[sflag:s30] =	ssyncset.done $0x0  }
0x33e: {  	p0 =	sne.s32 s31, s13;
	[sflag:s30] =	ssyncadd.s32 $0xFFFFE000  }
.Ltmp2:
0x33f: {  	s16 =	sor.u32 $0x1C09, s6;
	[bflag:$0x0] =	sbarrier.arrive $0xFFFF;
	(pc) =	sbr.rel @p0 .LBB2_1-.Ltmp2, $4  }
0x340: {  	[hbm:s12], [sflag:s16] =	dma.local [spmem:s14], $0x2800  }
0x341: {  	_ =	swait.ge [sflag:s15], $0x2800  }
0x342: {  	[sflag:s15] =	ssyncset.done $0x0  }
0x343: {  	s7 =	simm.s32 $0x1400;
	[sflag:s15] =	ssyncadd.s32 $0xFFFFD800  }
0x344: {  	_ =	sfence.sel $0x180000  }
0x345: {  	[bflag:$0x0] =	sbarrier.arrive $0xFFFF  }
0x346: {  	_ =	strace $0x9000004A  }
0x347: {  	s0 =	stileid.u32;
	[bflag:$0x2] =	sbarrier.arrive $0xFFFF  }
0x348: {  	p0 =	sne.s32 s0, $0x0;
	s0 =	rddreg [dreg:$0x3]  }
0x349: {  	s0 =	sadd.s32 @!p0 $0x100000, s0  }
0x34a: {  	[sflag:s0] =	ssyncadd.tile.s32 @!p0 $0x1;
	_ =	shalt  }
.Lfunc_end2:
_tile_overlayer_lowered:
.L_overlay_start_2:
0x34b: {  	(tag) =	ssettag $0x2  }
0x34c: {  	s0 =	rddreg [dreg:$0x0];
	s2 =	stileid.u32  }
0x34d: {  	s1 =	rddreg [dreg:$0x1];
	p0 =	sne.s32 s2, $0x0  }
0x34e: {  	s3 =	rddreg [dreg:$0x2];
	[bflag:$0x3] =	sbarrier.arrive $0xFFFF;
	s2 =	simm.s32 @!p0 $0x1C09  }
0x34f: {  	[timem:s3], [sflag:s2] =	dma.local @!p0 [hbm:s0], s1  }
0x350: {  	s0 =	simm.s32 @!p0 $0x9  }
0x351: {  	_ =	swait.ge @!p0 [sflag:s0], s1  }
0x352: {  	s1 =	ssub.s32 @!p0 $0x0, s1;
	[sflag:s0] =	ssyncset.done @!p0 $0x0  }
0x353: {  	[sflag:s0] =	ssyncadd.s32 @!p0 s1  }
0x354: {  	[bflag:$0x3] =	sbarrier.arrive $0xFFFF  }
0x355: {  	_ =	shalt  }

// kernel: kernel.7.cloned.1.call-start
scs
__scs_entry_jumppad:
0x0: {  	(pc) =	sbr.rel $0x88, $3  }
0x1: {  	(tag) =	ssettag $0x0;
	lr =	simm.s32 $0x1  }
0x2: {  	[smem:$0x3F9A] =	sst lr;
	_ =	strace $0xD0000000  }
0x3: {  	_ = 	snop  }
0x4: {  	_ = 	snop  }
0x5: {  	_ = 	snop  }
0x6: {  	_ = 	snop  }
0x7: {  	_ = 	snop  }
__scs_overlays_trampoline_lowered:
0x8: {  	[smem:$0x3FA9] =	sst s0  }
0x9: {  	[smem:$0x3FAA] =	sst s1  }
0xa: {  	[smem:$0x3FAB] =	sst s2  }
0xb: {  	[smem:$0x3FAC] =	sst s3  }
0xc: {  	[smem:$0x3FAD] =	sst s4  }
0xd: {  	[smem:$0x3FAE] =	sst s5  }
0xe: {  	[smem:$0x3FAF] =	sst s6  }
0xf: {  	[smem:$0x3FB0] =	sst s7  }
0x10: {  	[smem:$0x3FB1] =	sst s8  }
0x11: {  	[smem:$0x3FB2] =	sst s9;
	s0 =	simm.s32 @!p0 $0x0  }
0x12: {  	s1 =	sld [smem:$0x3F98];
	s0 =	simm.s32 @p0 $0x1  }
0x13: {  	[smem:$0x3FB3] =	sst s0;
	s0 =	simm.s32 @!p1 $0x0  }
0x14: {  	s2 =	sld [smem:$0x3F97];
	s0 =	simm.s32 @p1 $0x1  }
0x15: {  	[smem:$0x3FB4] =	sst s0;
	s0 =	simm.s32 @!p2 $0x0  }
0x16: {  	s3 =	sld [smem:$0x3FDB];
	s0 =	simm.s32 @p2 $0x1  }
0x17: {  	s4 =	simm.s32 $0x1BF5;
	[smem:$0x3FB6] =	sst s0  }
0x18: {  	s0 =	sld [smem:$0x3F99];
	_ =	swait.ge [sflag:s4], $0x0  }
0x19: {  	s7 =	sld [smem:$0x3F9A]  }
0x1a: {  	s8 =	sadd.s32 $0xFFFFE003, lr  }
0x1b: {  	s9 =	sadd.s32 $0xFFFFFEF7, lr;
	s5 =	simm.s32 $0xFFFFFFFF;
	p2 =	slt.u32 s8, $0xFFFFF086  }
0x1c: {  	p1 =	slt.u32 s9, $0xF7A;
	s5 =	simm.s32 @!p2 $0x0  }
0x1d: {  	s5 =	simm.s32 @p1 $0x1;
	p0 =	seq.s32 s7, s2  }
0x1e: {  	s7 =	smul.u32 @!p0 $0xF7A, s2;
	p2 =	seq.s32 @!p0 s5, $0x0  }
0x1f: {  	s9 =	smul.u32 $0xF7A, s1;
	s8 =	simm.s32 @!p0 $0x1BF5;
	p2 =	por !p2, p0  }
0x20: {  	[sflag:s8] =	ssyncset.s32 @!p0 $0xFFFFF086;
	s6 =	sadd.s32 @!p0 s3, s7;
	s7 =	simm.s32 @!p0 $0x108  }
0x21: {  	s3 =	sadd.s32 s3, s9;
	s6 =	sadd.s32 @!p0 $0x88, s6;
	s7 =	simm.s32 @p2 $0x1082  }
0x22: {  	[simem:s7], [sflag:s8] =	dma.local @!p0 [hbm:s6], $0xF7A  }
0x23: {  	s9 =	sor.u32 $0xD0000000, s2;
	s6 =	simm.s32 $0x108;
	_ =	swait.ge @!p0 [sflag:s8], $0x0  }
0x24: {  	s3 =	sadd.s32 $0x88, s3;
	s6 =	simm.s32 @!p1 $0x1082;
	[sflag:s4] =	ssyncset.s32 $0xFFFFF086  }
0x25: {  	[simem:s6], [sflag:s4] =	dma.local [hbm:s3], $0xF7A  }
0x26: {  	[smem:$0x3F9A] =	sst s1;
	(tag) =	ssettag s2;
	_ =	strace s9  }
0x27: {  	s1 =	sld [smem:$0x3FAA]  }
0x28: {  	s2 =	sld [smem:$0x3FAB]  }
0x29: {  	s4 =	sld [smem:$0x3FAD]  }
0x2a: {  	p0 =	seq.s32 s5, $0x0;
	s5 =	sld [smem:$0x3FAE]  }
0x2b: {  	s6 =	sld [smem:$0x3FAF]  }
0x2c: {  	s7 =	sld [smem:$0x3FB0]  }
0x2d: {  	s3 =	simm.s32 $0x108;
	s8 =	sld [smem:$0x3FB1]  }
0x2e: {  	s3 =	simm.s32 @!p0 $0x1082;
	s9 =	sld [smem:$0x3FB2]  }
0x2f: {  	lr =	sadd.s32 s0, s3;
	s0 =	sld [smem:$0x3FA9]  }
0x30: {  	s3 =	sld [smem:$0x3FAC]  }
0x31: {  	[smem:$0x3FB5] =	sst s10  }
0x32: {  	s10 =	sld [smem:$0x3FB3];
	_ =	sdelay $0x3  }
0x33: {  	p0 =	seq.s32 s10, $0x1;
	s10 =	sld [smem:$0x3FB5];
	_ =	sdelay $0x3  }
0x34: {  	[smem:$0x3FB5] =	sst s10  }
0x35: {  	s10 =	sld [smem:$0x3FB4];
	_ =	sdelay $0x3  }
0x36: {  	p1 =	seq.s32 s10, $0x1;
	s10 =	sld [smem:$0x3FB5];
	_ =	sdelay $0x3  }
0x37: {  	[smem:$0x3FB5] =	sst s10  }
0x38: {  	s10 =	sld [smem:$0x3FB6]  }
0x39: {  	_ = 	snop;
	(pc) =	sbr.ind lr, $3  }
0x3a: {  	_ = 	snop  }
0x3b: {  	_ = 	snop  }
0x3c: {  	p2 =	seq.s32 s10, $0x1;
	s10 =	sld [smem:$0x3FB5]  }
0x3d: {  	_ =	shalt  }
0x3e: {  	_ =	shalt  }
0x3f: {  	_ =	shalt  }
0x40: {  	_ =	shalt  }
0x41: {  	_ =	shalt  }
0x42: {  	_ =	shalt  }
0x43: {  	_ =	shalt  }
0x44: {  	_ =	shalt  }
0x45: {  	_ =	shalt  }
0x46: {  	_ =	shalt  }
0x47: {  	_ =	shalt  }
0x48: {  	_ =	shalt  }
0x49: {  	_ =	shalt  }
0x4a: {  	_ =	shalt  }
0x4b: {  	_ =	shalt  }
0x4c: {  	_ =	shalt  }
0x4d: {  	_ =	shalt  }
0x4e: {  	_ =	shalt  }
0x4f: {  	_ =	shalt  }
0x50: {  	_ =	shalt  }
0x51: {  	_ =	shalt  }
0x52: {  	_ =	shalt  }
0x53: {  	_ =	shalt  }
0x54: {  	_ =	shalt  }
0x55: {  	_ =	shalt  }
0x56: {  	_ =	shalt  }
0x57: {  	_ =	shalt  }
0x58: {  	_ =	shalt  }
0x59: {  	_ =	shalt  }
0x5a: {  	_ =	shalt  }
0x5b: {  	_ =	shalt  }
0x5c: {  	_ =	shalt  }
0x5d: {  	_ =	shalt  }
0x5e: {  	_ =	shalt  }
0x5f: {  	_ =	shalt  }
0x60: {  	_ =	shalt  }
0x61: {  	_ =	shalt  }
0x62: {  	_ =	shalt  }
0x63: {  	_ =	shalt  }
0x64: {  	_ =	shalt  }
0x65: {  	_ =	shalt  }
0x66: {  	_ =	shalt  }
0x67: {  	_ =	shalt  }
0x68: {  	_ =	shalt  }
0x69: {  	_ =	shalt  }
0x6a: {  	_ =	shalt  }
0x6b: {  	_ =	shalt  }
0x6c: {  	_ =	shalt  }
0x6d: {  	_ =	shalt  }
0x6e: {  	_ =	shalt  }
0x6f: {  	_ =	shalt  }
0x70: {  	_ =	shalt  }
0x71: {  	_ =	shalt  }
0x72: {  	_ =	shalt  }
0x73: {  	_ =	shalt  }
0x74: {  	_ =	shalt  }
0x75: {  	_ =	shalt  }
0x76: {  	_ =	shalt  }
0x77: {  	_ =	shalt  }
0x78: {  	_ =	shalt  }
0x79: {  	_ =	shalt  }
0x7a: {  	_ =	shalt  }
0x7b: {  	_ =	shalt  }
0x7c: {  	_ =	shalt  }
0x7d: {  	_ =	shalt  }
0x7e: {  	_ =	shalt  }
0x7f: {  	_ =	shalt  }
0x80: {  	_ =	shalt  }
0x81: {  	_ =	shalt  }
0x82: {  	_ =	shalt  }
0x83: {  	_ =	shalt  }
0x84: {  	_ =	shalt  }
0x85: {  	_ =	shalt  }
0x86: {  	_ =	shalt  }
0x87: {  	_ =	shalt  }
.Lfunc_end0:
.L_simem_size_0:
called_computation_lowered:
.L_overlay_start_0:
0x88: {  	s2 =	sld [smem:$0x3FD9]  }
0x89: {  	s3 =	sld [smem:$0x3FFE];
	_ =	sdelay $0x1  }
0x8a: {  	s1 =	srdreg.scid  }
0x8b: {  	s0 =	sand.u32 $0x1, s1  }
0x8c: {  	s16 =	sshll.u32 s0, $0xA;
	s2 =	sadd.s32 s3, s2  }
0x8d: {  	s2 =	sadd.s32 s2, s16  }
0x8e: {  	[smem:$0x3FC1] =	sst s2  }
0x8f: {  	_ = 	snop  }
0x90: {  	(tm) =	ssettm $0x1  }
0x91: {  	s17 =	sld [smem:$0x3FFB];
	_ =	sdelay $0x3  }
0x92: {  	_ =	strace s17  }
0x93: {  	s2 =	sld [smem:$0x3FFC];
	_ =	sdelay $0x3  }
0x94: {  	_ =	strace s2  }
0x95: {  	s2 =	sld [smem:$0x3FFD];
	_ =	sdelay $0x3  }
0x96: {  	_ =	strace s2  }
0x97: {  	_ =	strace $0x8FFFFFFF  }
0x98: {  	s18 =	sld [smem:$0x3FDB];
	_ =	sdelay $0x1  }
0x99: {  	s19 =	simm.s32 $_scs_section_size  }
0x9a: {  	s4 =	simm.s32 $_size__tile_overlayer_lowered;
	s5 =	simm.s32 $_tile_overlayer_lowered  }
0x9b: {  	s22 =	simm.s32 $0x1BFF;
	s21 =	sshll.u32 s5, $0x1;
	s2 =	sadd.s32 s19, s18  }
0x9c: {  	s6 =	simm.s32 $0x0;
	s20 =	sshll.u32 s4, $0x1;
	s4 =	sadd.s32 s21, s2  }
0x9d: {  	[timem:s6], [sflag:s22] =	dma.local [hbm:s4], s20  }
0x9e: {  	_ =	swait.ge [sflag:s22], s20  }
0x9f: {  	s3 =	ssub.s32 $0x0, s20;
	[sflag:s22] =	ssyncset.done $0x0  }
0xa0: {  	[sflag:s22] =	ssyncadd.s32 s3;
	_ =	sdelay $0x1  }
0xa1: {  	s23 =	simm.s32 $0x1B8B  }
0xa2: {  	_ =	swait.ge [sflag:s23], $0x1  }
0xa3: {  	[sflag:s23] =	ssyncset.done $0x0  }
0xa4: {  	s25 =	simm.s32 $0x1B8E;
	s24 =	sld [smem:$0x3FFE];
	[sflag:s23] =	ssyncadd.s32 $0xFFFFFFFF  }
0xa5: {  	s26 =	simm.s32 $execute0_lowered;
	[smem:$0x3FD2] =	sst s25  }
0xa6: {  	s4 =	sshll.u32 s26, $0x1;
	_ =	strace $0x80000046;
	[dreg:$0x1] =	wrdreg $0xFFFFFFFF  }
0xa7: {  	s28 =	simm.s32 $_size_execute0_lowered;
	s2 =	sadd.s32 s2, s4;
	[dreg:$0x0] =	wrdreg $0x0  }
0xa8: {  	s4 =	sshll.u32 s28, $0x1;
	[dreg:$0x2] =	wrdreg s2  }
0xa9: {  	[dreg:$0x3] =	wrdreg s4  }
0xaa: {  	[dreg:$0x4] =	wrdreg $0xC0  }
0xab: {  	_ =	task [dreg:s6], $0x5FFFF  }
0xac: {  	[dreg:$0x1] =	wrdreg $0xFFFFFFFF  }
0xad: {  	[dreg:$0x0] =	wrdreg $0x60  }
0xae: {  	[dreg:$0x2] =	wrdreg s24  }
0xaf: {  	[dreg:$0x3] =	wrdreg $0x66800  }
0xb0: {  	[dreg:$0x4] =	wrdreg $0x9  }
0xb1: {  	_ =	task.clear_ibuf [dreg:s6], $0x5FFFF;
	_ =	strace $0x90000046  }
0xb2: {  	s29 =	simm.s32 $0x9;
	_ =	strace $0x80000048  }
0xb3: {  	_ =	swait.ge [sflag:s29], $0x1  }
0xb4: {  	[sflag:s29] =	ssyncadd.s32 $0xFFFFFFFF  }
0xb5: {  	_ =	strace $0x90000048  }
0xb6: {  	_ =	sfence  }
0xb7: {  	s30 =	sld [smem:$0x0];
	_ =	sdelay $0x2  }
0xb8: {  	s31 =	sshll.u32 s1, $0xD;
	s1 =	sshrl.u32 s1, $0x2  }
0xb9: {  	s3 =	sand.u32 $0x4000, s31;
	s1 =	sadd.s32 s1, s30  }
0xba: {  	s0 =	sor.u32 s3, s0;
	s1 =	sshll.u32 s1, $0x11  }
0xbb: {  	s0 =	sor.u32 s1, s0  }
0xbc: {  	s0 =	sadd.s32 $0x8F2B, s0  }
0xbd: {  	[sflag:s0] =	ssyncadd.remote.s32 $0x1  }
0xbe: {  	_ =	sfence.sel $0xFFFF  }
0xbf: {  	[dreg:$0x0] =	wrdreg $0xFFFFFFFF;
	(pc) =	sbr.abs _section_cstart, $3  }
0xc0: {  	[dreg:$0x1] =	wrdreg $0xFFFFFFFF  }
0xc1: {  	_ =	task.clear_ibuf [dreg:s6], $0x2FFFF;
	_ =	strace $0x9FFFFFFF  }
0xc2: {  	(tm) =	ssettm $0x7FFFFFFF  }
0xc3: {  	_ =	shalt  }
tec
execute0_lowered:
.L_overlay_start_1:
0x0: {  	(tag) =	ssettag $0x1  }
0x1: {  	s0 =	rddreg [dreg:$0x0];
	s1 =	srdreg.scid  }
0x2: {  	s2 =	rddreg [dreg:$0x1];
	s7 =	stileid.u32  }
0x3: {  	s5 =	simm.s32 $0x0;
	s1 =	sand.u32 $0x1, s1;
	s4 =	smul.u32 $0x1400, s7  }
0x4: {  	[smem:$0x7FF] =	sst s5;
	s12 =	smul.u32 $0x500, s7;
	s13 =	sshrl.u32 s7, $0x3  }
0x5: {  	s8 =	sadd.s32 $0x5E00, s0;
	s7 =	sshll.u32 s7, $0x7;
	s3 =	smul.u32 $0x14000, s1  }
0x6: {  	_ =	strace $0x80000047;
	s6 =	sshll.u32 s1, $0x7;
	[dreg:$0x3] =	wrdreg s8  }
0x7: {  	s1 =	ssub.s32 $0x2, s1;
	s15 =	sand.u32 $0x380, s7;
	s5 =	sor.u32 s6, s12  }
0x8: {  	s6 =	smul.u32 $0x50000, s13;
	s14 =	sshrl.u32 s1, $0x1;
	s3 =	sadd.s32 s4, s3  }
0x9: {  	s5 =	sshrl.u32 s5, $0x3;
	s1 =	ssub.s32 s1, s14;
	s3 =	sshrl.u32 s3, $0x3  }
0xa: {  	s6 =	sshrl.u32 s6, $0x2;
	s8 =	smax.u32 s1, $0x1;
	s3 =	sadd.s32 s3, s0  }
0xb: {  	s6 =	sadd.s32 s6, s2;
	[dreg:$0x16] =	wrdreg s8;
	s3 =	sadd.s32 $0xE00, s3  }
0xc: {  	s0 =	sadd.s32 s5, s0;
	s16 =	sadd.s32 s15, s6;
	[dreg:$0x4] =	wrdreg s3  }
0xd: {  	s6 =	sadd.s32 s4, s2;
	s0 =	sadd.s32 $0x6400, s0;
	[dreg:$0x5] =	wrdreg s16  }
0xe: {  	s2 =	sadd.s32 $0x80, s6;
	[dreg:$0x15] =	wrdreg s0  }
0xf: {  	s17 =	sadd.s32 $0x100, s6;
	[dreg:$0x6] =	wrdreg s2  }
0x10: {  	s18 =	sadd.s32 $0x180, s6;
	[dreg:$0x7] =	wrdreg s17  }
0x11: {  	s19 =	sadd.s32 $0x200, s6;
	[dreg:$0x8] =	wrdreg s18  }
0x12: {  	s20 =	sadd.s32 $0x280, s6;
	[dreg:$0x9] =	wrdreg s19  }
0x13: {  	s21 =	sadd.s32 $0x300, s6;
	[dreg:$0xa] =	wrdreg s20  }
0x14: {  	s22 =	sadd.s32 $0x380, s6;
	[dreg:$0xb] =	wrdreg s21  }
0x15: {  	s23 =	sadd.s32 $0x14000, s6;
	[dreg:$0xc] =	wrdreg s22  }
0x16: {  	s24 =	sadd.s32 $0x14080, s6;
	[dreg:$0xd] =	wrdreg s23  }
0x17: {  	s25 =	sadd.s32 $0x14100, s6;
	[dreg:$0xe] =	wrdreg s24  }
0x18: {  	s26 =	sadd.s32 $0x14180, s6;
	[dreg:$0xf] =	wrdreg s25  }
0x19: {  	s3 =	sadd.s32 $0x14200, s6;
	[dreg:$0x10] =	wrdreg s26  }
0x1a: {  	s4 =	sadd.s32 $0x14280, s6;
	[dreg:$0x11] =	wrdreg s3  }
0x1b: {  	s5 =	sadd.s32 $0x14300, s6;
	[dreg:$0x12] =	wrdreg s4  }
0x1c: {  	s7 =	sadd.s32 $0x14380, s6;
	[dreg:$0x13] =	wrdreg s5  }
0x1d: {  	s9 =	sadd.s32 $0x400, s6;
	[dreg:$0x14] =	wrdreg s7  }
0x1e: {  	s10 =	sadd.s32 $0x800, s6;
	[dreg:$0x17] =	wrdreg s9  }
0x1f: {  	s11 =	sadd.s32 $0xC00, s6;
	[dreg:$0x18] =	wrdreg s10  }
0x20: {  	s12 =	sadd.s32 $0x1000, s6;
	[dreg:$0x19] =	wrdreg s11  }
0x21: {  	s13 =	sadd.s32 $0x480, s6;
	[dreg:$0x1a] =	wrdreg s12  }
0x22: {  	s14 =	sadd.s32 $0x880, s6;
	[dreg:$0x1b] =	wrdreg s13  }
0x23: {  	s15 =	sadd.s32 $0xC80, s6;
	[dreg:$0x1c] =	wrdreg s14  }
0x24: {  	s16 =	sadd.s32 $0x1080, s6;
	[dreg:$0x1d] =	wrdreg s15  }
0x25: {  	s1 =	sadd.s32 $0xE00, s6;
	[dreg:$0x1e] =	wrdreg s16  }
0x26: {  	s8 =	sadd.s32 $0x700, s6;
	[smem:$0x7E5] =	sst s1  }
0x27: {  	s17 =	sadd.s32 $0x500, s6;
	[smem:$0x7EB] =	sst s8  }
0x28: {  	s18 =	sadd.s32 $0x900, s6;
	[dreg:$0x1f] =	wrdreg s17  }
0x29: {  	s19 =	sadd.s32 $0xD00, s6;
	[smem:$0x7DC] =	sst s18  }
0x2a: {  	s20 =	sadd.s32 $0x1100, s6;
	[smem:$0x7DD] =	sst s19  }
0x2b: {  	s21 =	sadd.s32 $0x580, s6;
	[smem:$0x7DE] =	sst s20  }
0x2c: {  	s22 =	sadd.s32 $0x980, s6;
	[smem:$0x7DF] =	sst s21  }
0x2d: {  	s23 =	sadd.s32 $0xD80, s6;
	[smem:$0x7E0] =	sst s22  }
0x2e: {  	s24 =	sadd.s32 $0x1180, s6;
	[smem:$0x7E1] =	sst s23  }
0x2f: {  	s25 =	sadd.s32 $0x600, s6;
	[smem:$0x7E2] =	sst s24  }
0x30: {  	s26 =	sadd.s32 $0xA00, s6;
	[smem:$0x7E3] =	sst s25  }
0x31: {  	s2 =	sadd.s32 $0x1200, s6;
	[smem:$0x7E4] =	sst s26  }
0x32: {  	s3 =	sadd.s32 $0x680, s6;
	[smem:$0x7E6] =	sst s2  }
0x33: {  	s4 =	sadd.s32 $0xA80, s6;
	[smem:$0x7E7] =	sst s3  }
0x34: {  	s5 =	sadd.s32 $0xE80, s6;
	[smem:$0x7E8] =	sst s4  }
0x35: {  	s7 =	sadd.s32 $0x1280, s6;
	[smem:$0x7E9] =	sst s5  }
0x36: {  	s9 =	sadd.s32 $0xB00, s6;
	[smem:$0x7EA] =	sst s7  }
0x37: {  	s10 =	sadd.s32 $0xF00, s6;
	[smem:$0x7EC] =	sst s9  }
0x38: {  	s11 =	sadd.s32 $0x1300, s6;
	[smem:$0x7ED] =	sst s10  }
0x39: {  	s12 =	sadd.s32 $0x780, s6;
	[smem:$0x7EE] =	sst s11  }
0x3a: {  	s29 =	simm.s32 $0x1;
	s13 =	sadd.s32 $0xB80, s6;
	[smem:$0x7EF] =	sst s12  }
0x3b: {  	s30 =	simm.s32 $0x1400;
	s14 =	sadd.s32 $0xF80, s6;
	[smem:$0x7F0] =	sst s13  }
0x3c: {  	s31 =	simm.s32 $0x80;
	s15 =	sadd.s32 $0x1380, s6;
	[smem:$0x7F1] =	sst s14  }
0x3d: {  	s28 =	sadd.s32 $0x15380, s6;
	s16 =	sadd.s32 $0x14400, s6;
	[smem:$0x7F2] =	sst s15  }
0x3e: {  	s0 =	simm.s32 $0x0;
	[smem:$0x7F3] =	sst s16;
	s17 =	sadd.s32 $0x14800, s6  }
0x3f: {  	s8 =	sadd.s32 $0x14580, s6;
	s18 =	sadd.s32 $0x14C00, s6;
	[smem:$0x7F4] =	sst s17  }
0x40: {  	s19 =	sadd.s32 $0x15000, s6;
	s20 =	sadd.s32 $0x14480, s6;
	[smem:$0x7F5] =	sst s18  }
0x41: {  	s21 =	sadd.s32 $0x14880, s6;
	s22 =	sadd.s32 $0x14C80, s6;
	[smem:$0x7F6] =	sst s19  }
0x42: {  	s23 =	sadd.s32 $0x15080, s6;
	s24 =	sadd.s32 $0x14500, s6;
	[smem:$0x7F7] =	sst s20  }
0x43: {  	s25 =	sadd.s32 $0x14900, s6;
	s26 =	sadd.s32 $0x14D00, s6;
	[smem:$0x7F8] =	sst s21  }
0x44: {  	s7 =	sadd.s32 $0x15100, s6;
	s9 =	sadd.s32 $0x14980, s6;
	[smem:$0x7F9] =	sst s22  }
0x45: {  	s10 =	sadd.s32 $0x14D80, s6;
	s11 =	sadd.s32 $0x15180, s6;
	[smem:$0x7FA] =	sst s23  }
0x46: {  	s12 =	sadd.s32 $0x14600, s6;
	s13 =	sadd.s32 $0x14A00, s6;
	[smem:$0x7FB] =	sst s24  }
0x47: {  	s14 =	sadd.s32 $0x14E00, s6;
	s15 =	sadd.s32 $0x15200, s6;
	[smem:$0x7FC] =	sst s25  }
0x48: {  	s16 =	sadd.s32 $0x14680, s6;
	[smem:$0x7FD] =	sst s26;
	s17 =	sadd.s32 $0x14A80, s6  }
0x49: {  	s18 =	sadd.s32 $0x14E80, s6;
	s19 =	sadd.s32 $0x15280, s6;
	s20 =	sadd.s32 $0x14700, s6  }
0x4a: {  	s21 =	sadd.s32 $0x14B00, s6;
	s22 =	sadd.s32 $0x14F00, s6;
	s23 =	sadd.s32 $0x15300, s6  }
0x4b: {  	v0 =	vimm.f32 $1.000000000e+00;
	s24 =	sadd.s32 $0x14780, s6;
	s25 =	sadd.s32 $0x14B80, s6;
	s26 =	sadd.s32 $0x14F80, s6  }
.LBB2_1:
0x4c: {  	s1 =	simm.s32 $0x0;
	s2 =	rddreg [dreg:$0x4]  }
0x4d: {  	[tilespmem:s1], [sflag:$0x1] =	stream.linear.gather [hbm4b:s2+s1], $0x1400, $0x38;
	[tilespmem:$0x8E80] =	vst v63  }
0x4e: {  	_ =	swait.ge [sflag:s29], $0x1400  }
0x4f: {  	[sflag:s29] =	ssyncset.done $0x0  }
0x50: {  	s5 =	rddreg [dreg:$0x3];
	[sflag:s29] =	ssyncadd.s32 $0xFFFFEC00  }
0x51: {  	[tilespmem:s30], [sflag:$0x1] =	stream.linear.gather [hbm4b:s5+s1], $0x2800, $0x38;
	[tilespmem:$0x8E80] =	vst v63  }
0x52: {  	_ =	swait.ge [sflag:s29], $0x2800  }
0x53: {  	[sflag:s29] =	ssyncset.done $0x0  }
0x54: {  	s1 =	simm.s32 $0x0;
	[sflag:s29] =	ssyncadd.s32 $0xFFFFD800  }
.LBB2_2:
0x55: {  	s2 =	sshra.s32 s1, $0x2  }
0x56: {  	v1 =	vld [tilespmem:s2+$0x0];
	_ =	sdelay $0x7  }
0x57: {  	[tilespmem:v1+s30+$0x0] =	vst.idx.add.f32.msk $0xffff, v0  }
0x58: {  	v1 =	vld [tilespmem:s2+$0x10];
	_ =	sdelay $0x7  }
0x59: {  	[tilespmem:v1+s30+$0x0] =	vst.idx.add.f32.msk $0xffff, v0  }
0x5a: {  	v1 =	vld [tilespmem:s2+$0x20];
	_ =	sdelay $0x7  }
0x5b: {  	[tilespmem:v1+s30+$0x0] =	vst.idx.add.f32.msk $0xffff, v0  }
0x5c: {  	v1 =	vld [tilespmem:s2+$0x30];
	_ =	sdelay $0x7  }
0x5d: {  	[tilespmem:v1+s30+$0x0] =	vst.idx.add.f32.msk $0xffff, v0  }
0x5e: {  	v1 =	vld [tilespmem:s2+$0x40];
	_ =	sdelay $0x7  }
0x5f: {  	[tilespmem:v1+s30+$0x0] =	vst.idx.add.f32.msk $0xffff, v0  }
0x60: {  	v1 =	vld [tilespmem:s2+$0x50];
	_ =	sdelay $0x7  }
0x61: {  	[tilespmem:v1+s30+$0x0] =	vst.idx.add.f32.msk $0xffff, v0  }
0x62: {  	v1 =	vld [tilespmem:s2+$0x60];
	_ =	sdelay $0x7  }
0x63: {  	[tilespmem:v1+s30+$0x0] =	vst.idx.add.f32.msk $0xffff, v0  }
0x64: {  	v1 =	vld [tilespmem:s2+$0x70];
	_ =	sdelay $0x2  }
0x65: {  	p0 =	sne.s32 s1, $0x4E00  }
.Ltmp0:
0x66: {  	_ = 	snop;
	(pc) =	sbr.rel @p0 .LBB2_2-.Ltmp0, $2  }
0x67: {  	_ =	sdelay $0x2  }
0x68: {  	s1 =	sadd.s32 $0x200, s1;
	[tilespmem:v1+s30+$0x0] =	vst.idx.add.f32.msk $0xffff, v0  }
0x69: {  	s1 =	rddreg [dreg:$0x5];
	s2 =	simm.s32 $0x400  }
0x6a: {  	[spmem:s1] =	stream.strided.scatter [tilespmem:s30], [sflag:$0x1], $0x2800, s2, s31, $0x38;
	[tilespmem:$0x8E80] =	vst v63  }
0x6b: {  	_ =	swait.ge [sflag:s29], $0x2800  }
0x6c: {  	[sflag:s29] =	ssyncset.done $0x0  }
0x6d: {  	[sflag:s29] =	ssyncadd.s32 $0xFFFFD800  }
0x6e: {  	s3 =	simm.s32 $0x3C00;
	[bflag:$0x0] =	sbarrier.arrive $0xFFFF  }
0x6f: {  	[tilespmem:s3], [sflag:$0x1] =	stream.linear.gather [spmem:s6], $0x80, $0x38;
	[tilespmem:$0x8E80] =	vst v63  }
0x70: {  	s5 =	simm.s32 $0x4000;
	s4 =	rddreg [dreg:$0x17]  }
0x71: {  	[tilespmem:s5], [sflag:$0x1] =	stream.linear.gather [spmem:s4], $0x80, $0x38;
	[tilespmem:$0x8E80] =	vst v63  }
0x72: {  	s2 =	rddreg [dreg:$0x18];
	s3 =	simm.s32 $0x4400  }
0x73: {  	[tilespmem:s3], [sflag:$0x1] =	stream.linear.gather [spmem:s2], $0x80, $0x38;
	[tilespmem:$0x8E80] =	vst v63  }
0x74: {  	s4 =	rddreg [dreg:$0x19];
	s5 =	simm.s32 $0x4800  }
0x75: {  	[tilespmem:s5], [sflag:$0x1] =	stream.linear.gather [spmem:s4], $0x80, $0x38;
	[tilespmem:$0x8E80] =	vst v63  }
0x76: {  	s2 =	rddreg [dreg:$0x1a];
	s3 =	simm.s32 $0x4C00  }
0x77: {  	[tilespmem:s3], [sflag:$0x1] =	stream.linear.gather [spmem:s2], $0x80, $0x38;
	[tilespmem:$0x8E80] =	vst v63  }
0x78: {  	_ =	swait.ge [sflag:s29], $0x280  }
0x79: {  	[sflag:s29] =	ssyncset.done $0x0  }
0x7a: {  	s5 =	simm.s32 $0x3C80;
	s4 =	rddreg [dreg:$0x6];
	[sflag:s29] =	ssyncadd.s32 $0xFFFFFD80  }
0x7b: {  	[tilespmem:s5], [sflag:$0x1] =	stream.linear.gather [spmem:s4], $0x80, $0x38;
	[tilespmem:$0x8E80] =	vst v63  }
0x7c: {  	s3 =	simm.s32 $0x4080;
	s2 =	rddreg [dreg:$0x1b]  }
0x7d: {  	[tilespmem:s3], [sflag:$0x1] =	stream.linear.gather [spmem:s2], $0x80, $0x38;
	[tilespmem:$0x8E80] =	vst v63  }
0x7e: {  	s4 =	rddreg [dreg:$0x1c];
	s5 =	simm.s32 $0x4480  }
0x7f: {  	[tilespmem:s5], [sflag:$0x1] =	stream.linear.gather [spmem:s4], $0x80, $0x38;
	[tilespmem:$0x8E80] =	vst v63  }
0x80: {  	s2 =	rddreg [dreg:$0x1d];
	s3 =	simm.s32 $0x4880  }
0x81: {  	[tilespmem:s3], [sflag:$0x1] =	stream.linear.gather [spmem:s2], $0x80, $0x38;
	[tilespmem:$0x8E80] =	vst v63  }
0x82: {  	s4 =	rddreg [dreg:$0x1e];
	s5 =	simm.s32 $0x4C80  }
0x83: {  	[tilespmem:s5], [sflag:$0x1] =	stream.linear.gather [spmem:s4], $0x80, $0x38;
	[tilespmem:$0x8E80] =	vst v63  }
0x84: {  	_ =	swait.ge [sflag:s29], $0x280  }
0x85: {  	[sflag:s29] =	ssyncset.done $0x0;
	s2 =	rddreg [dreg:$0x7]  }
0x86: {  	s3 =	simm.s32 $0x3D00;
	s4 =	rddreg [dreg:$0x1f];
	[sflag:s29] =	ssyncadd.s32 $0xFFFFFD80  }
0x87: {  	[tilespmem:s3], [sflag:$0x1] =	stream.linear.gather [spmem:s2], $0x80, $0x38;
	[tilespmem:$0x8E80] =	vst v63  }
0x88: {  	s5 =	simm.s32 $0x4100;
	s2 =	sld [smem:$0x7DC]  }
0x89: {  	[tilespmem:s5], [sflag:$0x1] =	stream.linear.gather [spmem:s4], $0x80, $0x38;
	[tilespmem:$0x8E80] =	vst v63  }
0x8a: {  	s3 =	simm.s32 $0x4500;
	s4 =	sld [smem:$0x7DD]  }
0x8b: {  	[tilespmem:s3], [sflag:$0x1] =	stream.linear.gather [spmem:s2], $0x80, $0x38;
	[tilespmem:$0x8E80] =	vst v63  }
0x8c: {  	s5 =	simm.s32 $0x4900;
	s2 =	sld [smem:$0x7DE]  }
0x8d: {  	[tilespmem:s5], [sflag:$0x1] =	stream.linear.gather [spmem:s4], $0x80, $0x38;
	[tilespmem:$0x8E80] =	vst v63  }
0x8e: {  	s3 =	simm.s32 $0x4D00  }
0x8f: {  	[tilespmem:s3], [sflag:$0x1] =	stream.linear.gather [spmem:s2], $0x80, $0x38;
	[tilespmem:$0x8E80] =	vst v63  }
0x90: {  	_ =	swait.ge [sflag:s29], $0x280  }
0x91: {  	[sflag:s29] =	ssyncset.done $0x0;
	s4 =	rddreg [dreg:$0x8]  }
0x92: {  	s5 =	simm.s32 $0x3D80;
	s2 =	sld [smem:$0x7DF];
	[sflag:s29] =	ssyncadd.s32 $0xFFFFFD80  }
0x93: {  	[tilespmem:s5], [sflag:$0x1] =	stream.linear.gather [spmem:s4], $0x80, $0x38;
	[tilespmem:$0x8E80] =	vst v63  }
0x94: {  	s3 =	simm.s32 $0x4180;
	s4 =	sld [smem:$0x7E0]  }
0x95: {  	[tilespmem:s3], [sflag:$0x1] =	stream.linear.gather [spmem:s2], $0x80, $0x38;
	[tilespmem:$0x8E80] =	vst v63  }
0x96: {  	s5 =	simm.s32 $0x4580;
	s2 =	sld [smem:$0x7E1]  }
0x97: {  	[tilespmem:s5], [sflag:$0x1] =	stream.linear.gather [spmem:s4], $0x80, $0x38;
	[tilespmem:$0x8E80] =	vst v63  }
0x98: {  	s3 =	simm.s32 $0x4980;
	s4 =	sld [smem:$0x7E2]  }
0x99: {  	[tilespmem:s3], [sflag:$0x1] =	stream.linear.gather [spmem:s2], $0x80, $0x38;
	[tilespmem:$0x8E80] =	vst v63  }
0x9a: {  	s5 =	simm.s32 $0x4D80  }
0x9b: {  	[tilespmem:s5], [sflag:$0x1] =	stream.linear.gather [spmem:s4], $0x80, $0x38;
	[tilespmem:$0x8E80] =	vst v63  }
0x9c: {  	_ =	swait.ge [sflag:s29], $0x280  }
0x9d: {  	[sflag:s29] =	ssyncset.done $0x0;
	s2 =	rddreg [dreg:$0x9]  }
0x9e: {  	s3 =	simm.s32 $0x3E00;
	s4 =	sld [smem:$0x7E3];
	[sflag:s29] =	ssyncadd.s32 $0xFFFFFD80  }
0x9f: {  	[tilespmem:s3], [sflag:$0x1] =	stream.linear.gather [spmem:s2], $0x80, $0x38;
	[tilespmem:$0x8E80] =	vst v63  }
0xa0: {  	s5 =	simm.s32 $0x4200;
	s2 =	sld [smem:$0x7E4]  }
0xa1: {  	[tilespmem:s5], [sflag:$0x1] =	stream.linear.gather [spmem:s4], $0x80, $0x38;
	[tilespmem:$0x8E80] =	vst v63  }
0xa2: {  	s3 =	simm.s32 $0x4600;
	s4 =	sld [smem:$0x7E5]  }
0xa3: {  	[tilespmem:s3], [sflag:$0x1] =	stream.linear.gather [spmem:s2], $0x80, $0x38;
	[tilespmem:$0x8E80] =	vst v63  }
0xa4: {  	s5 =	simm.s32 $0x4A00;
	s2 =	sld [smem:$0x7E6]  }
0xa5: {  	[tilespmem:s5], [sflag:$0x1] =	stream.linear.gather [spmem:s4], $0x80, $0x38;
	[tilespmem:$0x8E80] =	vst v63  }
0xa6: {  	s3 =	simm.s32 $0x4E00  }
0xa7: {  	[tilespmem:s3], [sflag:$0x1] =	stream.linear.gather [spmem:s2], $0x80, $0x38;
	[tilespmem:$0x8E80] =	vst v63  }
0xa8: {  	_ =	swait.ge [sflag:s29], $0x280  }
0xa9: {  	[sflag:s29] =	ssyncset.done $0x0;
	s4 =	rddreg [dreg:$0xa]  }
0xaa: {  	s5 =	simm.s32 $0x3E80;
	s2 =	sld [smem:$0x7E7];
	[sflag:s29] =	ssyncadd.s32 $0xFFFFFD80  }
0xab: {  	[tilespmem:s5], [sflag:$0x1] =	stream.linear.gather [spmem:s4], $0x80, $0x38;
	[tilespmem:$0x8E80] =	vst v63  }
0xac: {  	s3 =	simm.s32 $0x4280;
	s4 =	sld [smem:$0x7E8]  }
0xad: {  	[tilespmem:s3], [sflag:$0x1] =	stream.linear.gather [spmem:s2], $0x80, $0x38;
	[tilespmem:$0x8E80] =	vst v63  }
0xae: {  	s5 =	simm.s32 $0x4680;
	s2 =	sld [smem:$0x7E9]  }
0xaf: {  	[tilespmem:s5], [sflag:$0x1] =	stream.linear.gather [spmem:s4], $0x80, $0x38;
	[tilespmem:$0x8E80] =	vst v63  }
0xb0: {  	s3 =	simm.s32 $0x4A80;
	s4 =	sld [smem:$0x7EA]  }
0xb1: {  	[tilespmem:s3], [sflag:$0x1] =	stream.linear.gather [spmem:s2], $0x80, $0x38;
	[tilespmem:$0x8E80] =	vst v63  }
0xb2: {  	s5 =	simm.s32 $0x4E80  }
0xb3: {  	[tilespmem:s5], [sflag:$0x1] =	stream.linear.gather [spmem:s4], $0x80, $0x38;
	[tilespmem:$0x8E80] =	vst v63  }
0xb4: {  	_ =	swait.ge [sflag:s29], $0x280  }
0xb5: {  	[sflag:s29] =	ssyncset.done $0x0;
	s2 =	rddreg [dreg:$0xb]  }
0xb6: {  	s3 =	simm.s32 $0x3F00;
	s4 =	sld [smem:$0x7EB];
	[sflag:s29] =	ssyncadd.s32 $0xFFFFFD80  }
0xb7: {  	[tilespmem:s3], [sflag:$0x1] =	stream.linear.gather [spmem:s2], $0x80, $0x38;
	[tilespmem:$0x8E80] =	vst v63  }
0xb8: {  	s5 =	simm.s32 $0x4300;
	s2 =	sld [smem:$0x7EC]  }
0xb9: {  	[tilespmem:s5], [sflag:$0x1] =	stream.linear.gather [spmem:s4], $0x80, $0x38;
	[tilespmem:$0x8E80] =	vst v63  }
0xba: {  	s3 =	simm.s32 $0x4700;
	s4 =	sld [smem:$0x7ED]  }
0xbb: {  	[tilespmem:s3], [sflag:$0x1] =	stream.linear.gather [spmem:s2], $0x80, $0x38;
	[tilespmem:$0x8E80] =	vst v63  }
0xbc: {  	s5 =	simm.s32 $0x4B00;
	s2 =	sld [smem:$0x7EE]  }
0xbd: {  	[tilespmem:s5], [sflag:$0x1] =	stream.linear.gather [spmem:s4], $0x80, $0x38;
	[tilespmem:$0x8E80] =	vst v63  }
0xbe: {  	s3 =	simm.s32 $0x4F00  }
0xbf: {  	[tilespmem:s3], [sflag:$0x1] =	stream.linear.gather [spmem:s2], $0x80, $0x38;
	[tilespmem:$0x8E80] =	vst v63  }
0xc0: {  	_ =	swait.ge [sflag:s29], $0x280  }
0xc1: {  	[sflag:s29] =	ssyncset.done $0x0;
	s4 =	rddreg [dreg:$0xc]  }
0xc2: {  	s5 =	simm.s32 $0x3F80;
	s2 =	sld [smem:$0x7EF];
	[sflag:s29] =	ssyncadd.s32 $0xFFFFFD80  }
0xc3: {  	[tilespmem:s5], [sflag:$0x1] =	stream.linear.gather [spmem:s4], $0x80, $0x38;
	[tilespmem:$0x8E80] =	vst v63  }
0xc4: {  	s3 =	simm.s32 $0x4380;
	s4 =	sld [smem:$0x7F0]  }
0xc5: {  	[tilespmem:s3], [sflag:$0x1] =	stream.linear.gather [spmem:s2], $0x80, $0x38;
	[tilespmem:$0x8E80] =	vst v63  }
0xc6: {  	s5 =	simm.s32 $0x4780;
	s2 =	sld [smem:$0x7F1]  }
0xc7: {  	[tilespmem:s5], [sflag:$0x1] =	stream.linear.gather [spmem:s4], $0x80, $0x38;
	[tilespmem:$0x8E80] =	vst v63  }
0xc8: {  	s3 =	simm.s32 $0x4B80;
	s4 =	sld [smem:$0x7F2]  }
0xc9: {  	[tilespmem:s3], [sflag:$0x1] =	stream.linear.gather [spmem:s2], $0x80, $0x38;
	[tilespmem:$0x8E80] =	vst v63  }
0xca: {  	s5 =	simm.s32 $0x4F80  }
0xcb: {  	[tilespmem:s5], [sflag:$0x1] =	stream.linear.gather [spmem:s4], $0x80, $0x38;
	[tilespmem:$0x8E80] =	vst v63  }
0xcc: {  	_ =	swait.ge [sflag:s29], $0x280  }
0xcd: {  	[sflag:s29] =	ssyncset.done $0x0;
	s2 =	rddreg [dreg:$0xd]  }
0xce: {  	s3 =	simm.s32 $0x5000;
	s4 =	sld [smem:$0x7F3];
	[sflag:s29] =	ssyncadd.s32 $0xFFFFFD80  }
0xcf: {  	[tilespmem:s3], [sflag:$0x1] =	stream.linear.gather [spmem:s2], $0x80, $0x38;
	[tilespmem:$0x8E80] =	vst v63  }
0xd0: {  	s5 =	simm.s32 $0x5400;
	s2 =	sld [smem:$0x7F4]  }
0xd1: {  	[tilespmem:s5], [sflag:$0x1] =	stream.linear.gather [spmem:s4], $0x80, $0x38;
	[tilespmem:$0x8E80] =	vst v63  }
0xd2: {  	s3 =	simm.s32 $0x5800;
	s4 =	sld [smem:$0x7F5]  }
0xd3: {  	[tilespmem:s3], [sflag:$0x1] =	stream.linear.gather [spmem:s2], $0x80, $0x38;
	[tilespmem:$0x8E80] =	vst v63  }
0xd4: {  	s5 =	simm.s32 $0x5C00;
	s2 =	sld [smem:$0x7F6]  }
0xd5: {  	[tilespmem:s5], [sflag:$0x1] =	stream.linear.gather [spmem:s4], $0x80, $0x38;
	[tilespmem:$0x8E80] =	vst v63  }
0xd6: {  	s3 =	simm.s32 $0x6000  }
0xd7: {  	[tilespmem:s3], [sflag:$0x1] =	stream.linear.gather [spmem:s2], $0x80, $0x38;
	[tilespmem:$0x8E80] =	vst v63  }
0xd8: {  	_ =	swait.ge [sflag:s29], $0x280  }
0xd9: {  	[sflag:s29] =	ssyncset.done $0x0;
	s4 =	rddreg [dreg:$0xe]  }
0xda: {  	s5 =	simm.s32 $0x5080;
	s2 =	sld [smem:$0x7F7];
	[sflag:s29] =	ssyncadd.s32 $0xFFFFFD80  }
0xdb: {  	[tilespmem:s5], [sflag:$0x1] =	stream.linear.gather [spmem:s4], $0x80, $0x38;
	[tilespmem:$0x8E80] =	vst v63  }
0xdc: {  	s3 =	simm.s32 $0x5480;
	s4 =	sld [smem:$0x7F8]  }
0xdd: {  	[tilespmem:s3], [sflag:$0x1] =	stream.linear.gather [spmem:s2], $0x80, $0x38;
	[tilespmem:$0x8E80] =	vst v63  }
0xde: {  	s5 =	simm.s32 $0x5880;
	s2 =	sld [smem:$0x7F9]  }
0xdf: {  	[tilespmem:s5], [sflag:$0x1] =	stream.linear.gather [spmem:s4], $0x80, $0x38;
	[tilespmem:$0x8E80] =	vst v63  }
0xe0: {  	s3 =	simm.s32 $0x5C80;
	s4 =	sld [smem:$0x7FA]  }
0xe1: {  	[tilespmem:s3], [sflag:$0x1] =	stream.linear.gather [spmem:s2], $0x80, $0x38;
	[tilespmem:$0x8E80] =	vst v63  }
0xe2: {  	s5 =	simm.s32 $0x6080  }
0xe3: {  	[tilespmem:s5], [sflag:$0x1] =	stream.linear.gather [spmem:s4], $0x80, $0x38;
	[tilespmem:$0x8E80] =	vst v63  }
0xe4: {  	_ =	swait.ge [sflag:s29], $0x280  }
0xe5: {  	[sflag:s29] =	ssyncset.done $0x0;
	s2 =	rddreg [dreg:$0xf]  }
0xe6: {  	s3 =	simm.s32 $0x5100;
	s4 =	sld [smem:$0x7FB];
	[sflag:s29] =	ssyncadd.s32 $0xFFFFFD80  }
0xe7: {  	[tilespmem:s3], [sflag:$0x1] =	stream.linear.gather [spmem:s2], $0x80, $0x38;
	[tilespmem:$0x8E80] =	vst v63  }
0xe8: {  	s5 =	simm.s32 $0x5500;
	s2 =	sld [smem:$0x7FC]  }
0xe9: {  	[tilespmem:s5], [sflag:$0x1] =	stream.linear.gather [spmem:s4], $0x80, $0x38;
	[tilespmem:$0x8E80] =	vst v63  }
0xea: {  	s3 =	simm.s32 $0x5900;
	s4 =	sld [smem:$0x7FD]  }
0xeb: {  	[tilespmem:s3], [sflag:$0x1] =	stream.linear.gather [spmem:s2], $0x80, $0x38;
	[tilespmem:$0x8E80] =	vst v63  }
0xec: {  	s5 =	simm.s32 $0x5D00  }
0xed: {  	[tilespmem:s5], [sflag:$0x1] =	stream.linear.gather [spmem:s4], $0x80, $0x38;
	[tilespmem:$0x8E80] =	vst v63  }
0xee: {  	s3 =	simm.s32 $0x6100  }
0xef: {  	[tilespmem:s3], [sflag:$0x1] =	stream.linear.gather [spmem:s7], $0x80, $0x38;
	[tilespmem:$0x8E80] =	vst v63  }
0xf0: {  	_ =	swait.ge [sflag:s29], $0x280  }
0xf1: {  	[sflag:s29] =	ssyncset.done $0x0  }
0xf2: {  	s5 =	simm.s32 $0x5180;
	s4 =	rddreg [dreg:$0x10];
	[sflag:s29] =	ssyncadd.s32 $0xFFFFFD80  }
0xf3: {  	[tilespmem:s5], [sflag:$0x1] =	stream.linear.gather [spmem:s4], $0x80, $0x38;
	[tilespmem:$0x8E80] =	vst v63  }
0xf4: {  	s2 =	simm.s32 $0x5580  }
0xf5: {  	[tilespmem:s2], [sflag:$0x1] =	stream.linear.gather [spmem:s8], $0x80, $0x38;
	[tilespmem:$0x8E80] =	vst v63  }
0xf6: {  	s3 =	simm.s32 $0x5980  }
0xf7: {  	[tilespmem:s3], [sflag:$0x1] =	stream.linear.gather [spmem:s9], $0x80, $0x38;
	[tilespmem:$0x8E80] =	vst v63  }
0xf8: {  	s4 =	simm.s32 $0x5D80  }
0xf9: {  	[tilespmem:s4], [sflag:$0x1] =	stream.linear.gather [spmem:s10], $0x80, $0x38;
	[tilespmem:$0x8E80] =	vst v63  }
0xfa: {  	s5 =	simm.s32 $0x6180  }
0xfb: {  	[tilespmem:s5], [sflag:$0x1] =	stream.linear.gather [spmem:s11], $0x80, $0x38;
	[tilespmem:$0x8E80] =	vst v63  }
0xfc: {  	_ =	swait.ge [sflag:s29], $0x280  }
0xfd: {  	[sflag:s29] =	ssyncset.done $0x0  }
0xfe: {  	s3 =	simm.s32 $0x5200;
	s2 =	rddreg [dreg:$0x11];
	[sflag:s29] =	ssyncadd.s32 $0xFFFFFD80  }
0xff: {  	[tilespmem:s3], [sflag:$0x1] =	stream.linear.gather [spmem:s2], $0x80, $0x38;
	[tilespmem:$0x8E80] =	vst v63  }
0x100: {  	s4 =	simm.s32 $0x5600  }
0x101: {  	[tilespmem:s4], [sflag:$0x1] =	stream.linear.gather [spmem:s12], $0x80, $0x38;
	[tilespmem:$0x8E80] =	vst v63  }
0x102: {  	s5 =	simm.s32 $0x5A00  }
0x103: {  	[tilespmem:s5], [sflag:$0x1] =	stream.linear.gather [spmem:s13], $0x80, $0x38;
	[tilespmem:$0x8E80] =	vst v63  }
0x104: {  	s2 =	simm.s32 $0x5E00  }
0x105: {  	[tilespmem:s2], [sflag:$0x1] =	stream.linear.gather [spmem:s14], $0x80, $0x38;
	[tilespmem:$0x8E80] =	vst v63  }
0x106: {  	s3 =	simm.s32 $0x6200  }
0x107: {  	[tilespmem:s3], [sflag:$0x1] =	stream.linear.gather [spmem:s15], $0x80, $0x38;
	[tilespmem:$0x8E80] =	vst v63  }
0x108: {  	_ =	swait.ge [sflag:s29], $0x280  }
0x109: {  	[sflag:s29] =	ssyncset.done $0x0  }
0x10a: {  	s5 =	simm.s32 $0x5280;
	s4 =	rddreg [dreg:$0x12];
	[sflag:s29] =	ssyncadd.s32 $0xFFFFFD80  }
0x10b: {  	[tilespmem:s5], [sflag:$0x1] =	stream.linear.gather [spmem:s4], $0x80, $0x38;
	[tilespmem:$0x8E80] =	vst v63  }
0x10c: {  	s2 =	simm.s32 $0x5680  }
0x10d: {  	[tilespmem:s2], [sflag:$0x1] =	stream.linear.gather [spmem:s16], $0x80, $0x38;
	[tilespmem:$0x8E80] =	vst v63  }
0x10e: {  	s3 =	simm.s32 $0x5A80  }
0x10f: {  	[tilespmem:s3], [sflag:$0x1] =	stream.linear.gather [spmem:s17], $0x80, $0x38;
	[tilespmem:$0x8E80] =	vst v63  }
0x110: {  	s4 =	simm.s32 $0x5E80  }
0x111: {  	[tilespmem:s4], [sflag:$0x1] =	stream.linear.gather [spmem:s18], $0x80, $0x38;
	[tilespmem:$0x8E80] =	vst v63  }
0x112: {  	s5 =	simm.s32 $0x6280  }
0x113: {  	[tilespmem:s5], [sflag:$0x1] =	stream.linear.gather [spmem:s19], $0x80, $0x38;
	[tilespmem:$0x8E80] =	vst v63  }
0x114: {  	_ =	swait.ge [sflag:s29], $0x280  }
0x115: {  	[sflag:s29] =	ssyncset.done $0x0  }
0x116: {  	s3 =	simm.s32 $0x5300;
	s2 =	rddreg [dreg:$0x13];
	[sflag:s29] =	ssyncadd.s32 $0xFFFFFD80  }
0x117: {  	[tilespmem:s3], [sflag:$0x1] =	stream.linear.gather [spmem:s2], $0x80, $0x38;
	[tilespmem:$0x8E80] =	vst v63  }
0x118: {  	s4 =	simm.s32 $0x5700  }
0x119: {  	[tilespmem:s4], [sflag:$0x1] =	stream.linear.gather [spmem:s20], $0x80, $0x38;
	[tilespmem:$0x8E80] =	vst v63  }
0x11a: {  	s5 =	simm.s32 $0x5B00  }
0x11b: {  	[tilespmem:s5], [sflag:$0x1] =	stream.linear.gather [spmem:s21], $0x80, $0x38;
	[tilespmem:$0x8E80] =	vst v63  }
0x11c: {  	s2 =	simm.s32 $0x5F00  }
0x11d: {  	[tilespmem:s2], [sflag:$0x1] =	stream.linear.gather [spmem:s22], $0x80, $0x38;
	[tilespmem:$0x8E80] =	vst v63  }
0x11e: {  	s3 =	simm.s32 $0x6300  }
0x11f: {  	[tilespmem:s3], [sflag:$0x1] =	stream.linear.gather [spmem:s23], $0x80, $0x38;
	[tilespmem:$0x8E80] =	vst v63  }
0x120: {  	_ =	swait.ge [sflag:s29], $0x280  }
0x121: {  	[sflag:s29] =	ssyncset.done $0x0  }
0x122: {  	s5 =	simm.s32 $0x5380;
	s4 =	rddreg [dreg:$0x14];
	[sflag:s29] =	ssyncadd.s32 $0xFFFFFD80  }
0x123: {  	[tilespmem:s5], [sflag:$0x1] =	stream.linear.gather [spmem:s4], $0x80, $0x38;
	[tilespmem:$0x8E80] =	vst v63  }
0x124: {  	s3 =	simm.s32 $0x5780  }
0x125: {  	[tilespmem:s3], [sflag:$0x1] =	stream.linear.gather [spmem:s24], $0x80, $0x38;
	[tilespmem:$0x8E80] =	vst v63  }
0x126: {  	s4 =	simm.s32 $0x5B80  }
0x127: {  	[tilespmem:s4], [sflag:$0x1] =	stream.linear.gather [spmem:s25], $0x80, $0x38;
	[tilespmem:$0x8E80] =	vst v63  }
0x128: {  	s5 =	simm.s32 $0x5F80  }
0x129: {  	[tilespmem:s5], [sflag:$0x1] =	stream.linear.gather [spmem:s26], $0x80, $0x38;
	[tilespmem:$0x8E80] =	vst v63  }
0x12a: {  	s2 =	simm.s32 $0x6380  }
0x12b: {  	[tilespmem:s2], [sflag:$0x1] =	stream.linear.gather [spmem:s28], $0x80, $0x38;
	[tilespmem:$0x8E80] =	vst v63  }
0x12c: {  	s3 =	simm.s32 $0x0;
	_ =	swait.ge [sflag:s29], $0x280  }
0x12d: {  	s1 =	sand.u32 $0x1C00, s3;
	s4 =	sand.u32 $0x70, s3;
	[sflag:s29] =	ssyncset.done $0x0  }
0x12e: {  	s1 =	sor.u32 s4, s1;
	[sflag:s29] =	ssyncadd.s32 $0xFFFFFD80  }
0x12f: {  	v1 =	vld [tilespmem:s1+$0x3C80]  }
0x130: {  	v2 =	vld [tilespmem:s1+$0x3C00];
	_ =	sdelay $0x1  }
0x131: {  	v3 =	vld [tilespmem:s1+$0x3D00];
	_ =	sdelay $0x1  }
0x132: {  	v4 =	vld [tilespmem:s1+$0x3D80]  }
0x133: {  	v1 =	vadd.f32 v1, v2  }
0x134: {  	v2 =	vld [tilespmem:s1+$0x3E00]  }
0x135: {  	v1 =	vadd.f32 v3, v1  }
0x136: {  	v3 =	vld [tilespmem:s1+$0x3E80]  }
0x137: {  	v1 =	vadd.f32 v4, v1  }
0x138: {  	v60 =	vld [tilespmem:s1+$0x3F00]  }
0x139: {  	v1 =	vadd.f32 v2, v1  }
0x13a: {  	v2 =	vld [tilespmem:s1+$0x3F80]  }
0x13b: {  	v1 =	vadd.f32 v3, v1  }
0x13c: {  	v3 =	vld [tilespmem:s1+$0x5000]  }
0x13d: {  	v1 =	vadd.f32 v60, v1  }
0x13e: {  	v61 =	vld [tilespmem:s1+$0x5080]  }
0x13f: {  	v1 =	vadd.f32 v2, v1  }
0x140: {  	v2 =	vld [tilespmem:s1+$0x5100]  }
0x141: {  	v1 =	vadd.f32 v3, v1  }
0x142: {  	v3 =	vld [tilespmem:s1+$0x5180]  }
0x143: {  	v1 =	vadd.f32 v61, v1  }
0x144: {  	v62 =	vld [tilespmem:s1+$0x5200]  }
0x145: {  	v1 =	vadd.f32 v2, v1  }
0x146: {  	v2 =	vld [tilespmem:s1+$0x5280]  }
0x147: {  	v1 =	vadd.f32 v3, v1  }
0x148: {  	v3 =	vld [tilespmem:s1+$0x5300]  }
0x149: {  	v1 =	vadd.f32 v62, v1  }
0x14a: {  	v63 =	vld [tilespmem:s1+$0x5380]  }
0x14b: {  	v1 =	vadd.f32 v2, v1;
	_ =	sdelay $0x1  }
0x14c: {  	v1 =	vadd.f32 v3, v1;
	_ =	sdelay $0x1  }
0x14d: {  	s3 =	simm.s32 $0x80;
	s5 =	simm.s32 $0x10;
	v1 =	vadd.f32 v63, v1  }
0x14e: {  	s4 =	sand.u32 $0x1C00, s3;
	s2 =	sand.u32 $0x70, s5;
	s1 =	simm.s32 $0x6400  }
0x14f: {  	s2 =	sor.u32 s2, s4;
	s4 =	simm.s32 $0x20;
	[tilespmem:s1+$0x0] =	vst v1  }
.LBB2_4:
0x150: {  	p0 =	sne.s32 s4, $0x270;
	v1 =	vld [tilespmem:s2+$0x3C80]  }
0x151: {  	v2 =	vld [tilespmem:s2+$0x3C00];
	_ =	sdelay $0x1  }
0x152: {  	v3 =	vld [tilespmem:s2+$0x3D00];
	_ =	sdelay $0x1  }
0x153: {  	v4 =	vld [tilespmem:s2+$0x3D80]  }
0x154: {  	v1 =	vadd.f32 v1, v2  }
0x155: {  	v2 =	vld [tilespmem:s2+$0x3E00]  }
0x156: {  	v1 =	vadd.f32 v3, v1  }
0x157: {  	v3 =	vld [tilespmem:s2+$0x3E80]  }
0x158: {  	v1 =	vadd.f32 v4, v1  }
0x159: {  	v4 =	vld [tilespmem:s2+$0x3F00]  }
0x15a: {  	v1 =	vadd.f32 v2, v1  }
0x15b: {  	v2 =	vld [tilespmem:s2+$0x3F80]  }
0x15c: {  	v1 =	vadd.f32 v3, v1  }
0x15d: {  	v3 =	vld [tilespmem:s2+$0x5000]  }
0x15e: {  	v1 =	vadd.f32 v4, v1  }
0x15f: {  	v4 =	vld [tilespmem:s2+$0x5080]  }
0x160: {  	v1 =	vadd.f32 v2, v1  }
0x161: {  	v2 =	vld [tilespmem:s2+$0x5100]  }
0x162: {  	v1 =	vadd.f32 v3, v1  }
0x163: {  	v3 =	vld [tilespmem:s2+$0x5180]  }
0x164: {  	v1 =	vadd.f32 v4, v1  }
0x165: {  	v4 =	vld [tilespmem:s2+$0x5200]  }
0x166: {  	v1 =	vadd.f32 v2, v1  }
0x167: {  	v2 =	vld [tilespmem:s2+$0x5280]  }
0x168: {  	v1 =	vadd.f32 v3, v1  }
0x169: {  	v3 =	vld [tilespmem:s2+$0x5300]  }
0x16a: {  	v1 =	vadd.f32 v4, v1  }
0x16b: {  	v4 =	vld [tilespmem:s2+$0x5380]  }
0x16c: {  	v1 =	vadd.f32 v2, v1;
	_ =	sdelay $0x1  }
.Ltmp1:
0x16d: {  	v1 =	vadd.f32 v3, v1;
	(pc) =	sbr.rel @p0 .LBB2_4-.Ltmp1, $4  }
0x16e: {  	_ = 	snop  }
0x16f: {  	s3 =	sadd.s32 $0x80, s3;
	v1 =	vadd.f32 v4, v1  }
0x170: {  	s1 =	sadd.s32 $0x10, s1;
	s5 =	sand.u32 $0x1C00, s3;
	s2 =	sand.u32 $0x70, s4  }
0x171: {  	s4 =	sadd.s32 $0x10, s4;
	s2 =	sor.u32 s2, s5;
	[tilespmem:s1+$0x0] =	vst v1  }
0x172: {  	v1 =	vld [tilespmem:s2+$0x3C80]  }
0x173: {  	v2 =	vld [tilespmem:s2+$0x3C00];
	_ =	sdelay $0x1  }
0x174: {  	v3 =	vld [tilespmem:s2+$0x3D00];
	_ =	sdelay $0x1  }
0x175: {  	v4 =	vld [tilespmem:s2+$0x3D80]  }
0x176: {  	v1 =	vadd.f32 v1, v2  }
0x177: {  	v2 =	vld [tilespmem:s2+$0x3E00]  }
0x178: {  	v1 =	vadd.f32 v3, v1  }
0x179: {  	v3 =	vld [tilespmem:s2+$0x3E80]  }
0x17a: {  	v1 =	vadd.f32 v4, v1  }
0x17b: {  	v60 =	vld [tilespmem:s2+$0x3F00]  }
0x17c: {  	v1 =	vadd.f32 v2, v1  }
0x17d: {  	v2 =	vld [tilespmem:s2+$0x3F80]  }
0x17e: {  	v1 =	vadd.f32 v3, v1  }
0x17f: {  	v3 =	vld [tilespmem:s2+$0x5000]  }
0x180: {  	v1 =	vadd.f32 v60, v1  }
0x181: {  	v61 =	vld [tilespmem:s2+$0x5080]  }
0x182: {  	v1 =	vadd.f32 v2, v1  }
0x183: {  	v2 =	vld [tilespmem:s2+$0x5100]  }
0x184: {  	v1 =	vadd.f32 v3, v1  }
0x185: {  	v3 =	vld [tilespmem:s2+$0x5180]  }
0x186: {  	v1 =	vadd.f32 v61, v1  }
0x187: {  	v62 =	vld [tilespmem:s2+$0x5200]  }
0x188: {  	v1 =	vadd.f32 v2, v1  }
0x189: {  	v2 =	vld [tilespmem:s2+$0x5280]  }
0x18a: {  	v1 =	vadd.f32 v3, v1  }
0x18b: {  	v3 =	vld [tilespmem:s2+$0x5300]  }
0x18c: {  	v1 =	vadd.f32 v62, v1  }
0x18d: {  	v63 =	vld [tilespmem:s2+$0x5380]  }
0x18e: {  	v1 =	vadd.f32 v2, v1;
	_ =	sdelay $0x1  }
0x18f: {  	v1 =	vadd.f32 v3, v1;
	_ =	sdelay $0x1  }
0x190: {  	v1 =	vadd.f32 v63, v1  }
0x191: {  	s1 =	sadd.s32 $0x10, s1  }
0x192: {  	s4 =	simm.s32 $0x100;
	s3 =	simm.s32 $0x6400;
	s2 =	rddreg [dreg:$0x15];
	[tilespmem:s1+$0x0] =	vst v1  }
0x193: {  	[hbm4b:s2+s31] =	stream.strided.scatter [tilespmem:s3], [sflag:$0x1], $0x280, s4, s31, $0x38;
	[tilespmem:$0x8E80] =	vst v63  }
0x194: {  	_ =	swait.ge [sflag:s29], $0x280  }
0x195: {  	s0 =	sadd.s32 $0x1, s0;
	s5 =	rddreg [dreg:$0x16]  }
0x196: {  	p0 =	sne.s32 s0, s5  }
.Ltmp2:
0x197: {  	_ = 	snop;
	(pc) =	sbr.rel @p0 .LBB2_1-.Ltmp2, $3  }
0x198: {  	_ =	sdelay $0x1  }
0x199: {  	[sflag:s29] =	ssyncset.done $0x0  }
0x19a: {  	[sflag:s29] =	ssyncadd.s32 $0xFFFFFD80  }
0x19b: {  	_ =	sfence.sel $0x180000  }
0x19c: {  	[bflag:$0x0] =	sbarrier.arrive $0xFFFF  }
0x19d: {  	_ =	strace $0x90000047  }
0x19e: {  	s0 =	stileid.u32;
	[bflag:$0x2] =	sbarrier.arrive $0xFFFF  }
0x19f: {  	p0 =	sne.s32 s0, $0x0;
	s0 =	rddreg [dreg:$0x2]  }
0x1a0: {  	s0 =	sadd.s32 @!p0 $0x100000, s0  }
0x1a1: {  	[sflag:s0] =	ssyncadd.tile.s32 @!p0 $0x1;
	_ =	shalt  }
.Lfunc_end2:
_tile_overlayer_lowered:
.L_overlay_start_2:
0x1a2: {  	(tag) =	ssettag $0x2  }
0x1a3: {  	s0 =	rddreg [dreg:$0x0];
	s2 =	stileid.u32  }
0x1a4: {  	s1 =	rddreg [dreg:$0x1];
	p0 =	sne.s32 s2, $0x0  }
0x1a5: {  	s3 =	rddreg [dreg:$0x2];
	[bflag:$0x3] =	sbarrier.arrive $0xFFFF;
	s2 =	simm.s32 @!p0 $0x1C01  }
0x1a6: {  	[timem:s3], [sflag:s2] =	dma.local @!p0 [hbm:s0], s1  }
0x1a7: {  	s0 =	simm.s32 @!p0 $0x1  }
0x1a8: {  	_ =	swait.ge @!p0 [sflag:s0], s1  }
0x1a9: {  	s1 =	ssub.s32 @!p0 $0x0, s1;
	[sflag:s0] =	ssyncset.done @!p0 $0x0  }
0x1aa: {  	[sflag:s0] =	ssyncadd.s32 @!p0 s1  }
0x1ab: {  	[bflag:$0x3] =	sbarrier.arrive $0xFFFF  }
0x1ac: {  	_ =	shalt  }

</sc_bundles>
